<compile_context>
chip_gen: v7x
topology: tpu7x:2x2x1
jax: 0.10.2.dev20260603
libtpu: 0.0.44.dev20260713+nightly
codegen_flags: <defaults>
</compile_context>

<pallas_src>
import functools

import jax
import jax.numpy as jnp
from jax import lax
from jax.experimental import pallas as pl
from jax.experimental.pallas import tpu as pltpu
from jax.experimental.pallas import tpu_sc as plsc

H = 128
H2 = 256
H3 = 384

NC = 2
NS = 16
NW = NC * NS

CH = 128

_DN = (((1,), (1,)), ((), ()))



def _node_pre_body(x_ref, w1_ref, b1_ref, s1_ref, s2_ref):
    xb = x_ref[...]
    w1 = w1_ref[...]
    s1_ref[...] = lax.dot_general(xb, w1[:, 0:H], _DN,
                                  preferred_element_type=jnp.float32) + b1_ref[...]
    s2_ref[...] = lax.dot_general(xb, w1[:, H:H2], _DN,
                                  preferred_element_type=jnp.float32)


def _edge_mlp_body(g_ref, ea_ref, w1c_ref, w2_ref, b2_ref, out_ref):
    t = g_ref[...] + lax.dot_general(
        ea_ref[...], w1c_ref[...], _DN, preferred_element_type=jnp.float32)
    h = jnp.maximum(t, 0.0)
    out_ref[...] = lax.dot_general(
        h, w2_ref[...], _DN, preferred_element_type=jnp.float32) + b2_ref[...]


def _make_gru_body(n_agg):
    def _gru_body(*refs):
        agg_refs = refs[:n_agg]
        x_ref, wih_ref, whh_ref, bih_ref, bhh_ref, out_ref = refs[n_agg:]
        agg = functools.reduce(lambda a, r: a + r[...], agg_refs[1:],
                               agg_refs[0][...])
        xb = x_ref[...]
        gi = lax.dot_general(agg, wih_ref[...], _DN,
                             preferred_element_type=jnp.float32) + bih_ref[...]
        gh = lax.dot_general(xb, whh_ref[...], _DN,
                             preferred_element_type=jnp.float32) + bhh_ref[...]
        r = jax.nn.sigmoid(gi[:, 0:H] + gh[:, 0:H])
        z = jax.nn.sigmoid(gi[:, H:H2] + gh[:, H:H2])
        n = jnp.tanh(gi[:, H2:H3] + r * gh[:, H2:H3])
        out_ref[...] = (1.0 - z) * n + z * xb

    return _gru_body



def _chunk_deal(wid, nchunks):
    base_ct = nchunks // NW
    rem = nchunks % NW
    extra = (wid < rem).astype(jnp.int32)
    start = base_ct * wid + jnp.minimum(wid, rem)
    return start, base_ct + extra


def _make_gather(n_nodes, n_edges, chunk_off=0):
    nchunks = n_edges // CH
    assert n_edges % CH == 0
    mesh = plsc.VectorSubcoreMesh(core_axis_name="c", subcore_axis_name="s")

    @functools.partial(
        pl.kernel, mesh=mesh,
        out_type=jax.ShapeDtypeStruct((n_edges, H), jnp.float32),
        scratch_types=[pltpu.VMEM((CH,), jnp.int32),
                       pltpu.VMEM((CH,), jnp.int32),
                       pltpu.VMEM((CH,), jnp.int32),
                       pltpu.VMEM((CH,), jnp.int32),
                       pltpu.VMEM((CH,), jnp.int32),
                       pltpu.VMEM((CH,), jnp.int32),
                       pltpu.VMEM((CH, H), jnp.float32),
                       pltpu.VMEM((CH, H), jnp.float32),
                       pltpu.VMEM((CH, H), jnp.float32),
                       pltpu.VMEM((CH, H), jnp.float32),
                       pltpu.VMEM_SHARED((NS * 2 * CH, H), jnp.float32),
                       pltpu.SemaphoreType.DMA,
                       pltpu.SemaphoreType.DMA,
                       pltpu.SemaphoreType.DMA,
                       pltpu.SemaphoreType.DMA,
                       pltpu.SemaphoreType.DMA,
                       pltpu.SemaphoreType.DMA,
                       pltpu.SemaphoreType.DMA,
                       pltpu.SemaphoreType.DMA,
                       pltpu.SemaphoreType.DMA,
                       pltpu.SemaphoreType.DMA],
    )
    def gather_k(s1_hbm, s2_hbm, src_hbm, dst_hbm, o_hbm,
                 ident_a, ident_b, ia1, ia2, ib1, ib2, ba1, ba2, bb1, bb2,
                 stage, jsem, gsa1, gsa2, gsb1, gsb2, csa, csb, asa, asb,
                 wsem):
        cid = lax.axis_index("c")
        sid = lax.axis_index("s")
        wid = sid * NC + cid
        start, my_ct = _chunk_deal(wid, nchunks)

        row_a = sid * 2 * CH
        for j in range(CH // 16):
            ids = lax.iota(jnp.int32, 16) + (16 * j + row_a)
            ident_a[pl.ds(16 * j, 16)] = ids
            ident_b[pl.ds(16 * j, 16)] = ids + CH

        def load_idx(base, idx1, idx2):
            gbase = base + chunk_off * CH
            j1 = pltpu.async_copy(src_hbm.at[pl.ds(gbase, CH)], idx1, jsem)
            j2 = pltpu.async_copy(dst_hbm.at[pl.ds(gbase, CH)], idx2, jsem)
            return j1, j2

        def fire_gathers(idx1, idx2, buf1, buf2, sem1, sem2):
            g1 = pltpu.async_copy(s1_hbm.at[idx1], buf1, sem1)
            g2 = pltpu.async_copy(s2_hbm.at[idx2], buf2, sem2)
            return g1, g2

        def fire_copy(buf1, set_off, sem):
            return pltpu.async_copy(
                buf1, stage.at[pl.ds(row_a + set_off, CH)], sem)

        def fire_add(buf2, idref, sem):
            return pltpu.async_copy(buf2, stage.at[idref], sem, add=True)

        def put_chunk(base, set_off):
            return pltpu.async_copy(stage.at[pl.ds(row_a + set_off, CH)],
                                    o_hbm.at[pl.ds(base, CH)], wsem)

        def pair(p, carry):
            c0 = (start + 2 * p) * CH
            c1 = c0 + CH
            ja1, ja2 = load_idx(c0, ia1, ia2)
            jb1, jb2 = load_idx(c1, ib1, ib2)
            ja1.wait()
            ja2.wait()
            jb1.wait()
            jb2.wait()
            ga1, ga2 = fire_gathers(ia1, ia2, ba1, ba2, gsa1, gsa2)
            gb1, gb2 = fire_gathers(ib1, ib2, bb1, bb2, gsb1, gsb2)
            ga1.wait()
            ca = fire_copy(ba1, 0, csa)
            gb1.wait()
            cb = fire_copy(bb1, CH, csb)
            ca.wait()
            ga2.wait()
            aa = fire_add(ba2, ident_a, asa)
            cb.wait()
            gb2.wait()
            ab = fire_add(bb2, ident_b, asb)
            aa.wait()
            wa = put_chunk(c0, 0)
            ab.wait()
            wb = put_chunk(c1, CH)
            wa.wait()
            wb.wait()
            return carry

        lax.fori_loop(0, my_ct // 2, pair, 0)

        @pl.when(my_ct % 2 == 1)
        def _():
            c0 = (start + my_ct - 1) * CH
            j1, j2 = load_idx(c0, ia1, ia2)
            j1.wait()
            j2.wait()
            g1, g2 = fire_gathers(ia1, ia2, ba1, ba2, gsa1, gsa2)
            g1.wait()
            g2.wait()
            fire_copy(ba1, 0, csa).wait()
            fire_add(ba2, ident_a, asa).wait()
            put_chunk(c0, 0).wait()

    return gather_k


def _make_scatter(n_pad, n_edges, chunk_off=0):
    nchunks = n_edges // CH
    rpt = n_pad // NS
    assert n_edges % CH == 0 and n_pad % NS == 0 and rpt % 8 == 0
    mesh = plsc.VectorSubcoreMesh(core_axis_name="c", subcore_axis_name="s")

    @functools.partial(
        pl.kernel, mesh=mesh,
        out_type=[jax.ShapeDtypeStruct((n_pad, H), jnp.float32),
                  jax.ShapeDtypeStruct((n_pad, H), jnp.float32)],
        scratch_types=[pltpu.VMEM((CH,), jnp.int32),
                       pltpu.VMEM((CH,), jnp.int32),
                       pltpu.VMEM((CH,), jnp.int32),
                       pltpu.VMEM((CH, H), jnp.float32),
                       pltpu.VMEM((CH, H), jnp.float32),
                       pltpu.VMEM((CH, H), jnp.float32),
                       pltpu.SemaphoreType.DMA,
                       pltpu.SemaphoreType.DMA,
                       pltpu.SemaphoreType.DMA,
                       pltpu.SemaphoreType.DMA,
                       pltpu.SemaphoreType.DMA,
                       pltpu.SemaphoreType.DMA,
                       pltpu.VMEM_SHARED((n_pad, H), jnp.float32)],
    )
    def scatter_k(msg_hbm, dst_hbm, zeros_hbm, agg0_hbm, agg1_hbm,
                  ia, ib, ic, ma, mb, mc, lsa, lsb, lsc, asa, asb, asc,
                  acc_spmem):
        cid = lax.axis_index("c")
        sid = lax.axis_index("s")
        wid = sid * NC + cid
        start, my_ct = _chunk_deal(wid, nchunks)

        pltpu.sync_copy(zeros_hbm, acc_spmem.at[pl.ds(sid * rpt, rpt)])
        plsc.subcore_barrier()

        def load_chunk(base, idx, mbuf, sem):
            j = pltpu.async_copy(
                dst_hbm.at[pl.ds(base + chunk_off * CH, CH)], idx, sem)
            l = pltpu.async_copy(msg_hbm.at[pl.ds(base, CH)], mbuf, sem)
            return j, l

        def fire_add(idx, mbuf, sem):
            return pltpu.async_copy(mbuf, acc_spmem.at[idx], sem, add=True)

        def drain_add(idx, mbuf, sem):
            pltpu.make_async_copy(mbuf, acc_spmem.at[idx], sem).wait()

        def trip(t, carry):
            c0 = (start + 3 * t) * CH

            @pl.when(t > 0)
            def _():
                drain_add(ia, ma, asa)
            ja, la = load_chunk(c0, ia, ma, lsa)

            @pl.when(t > 0)
            def _():
                drain_add(ib, mb, asb)
            jb, lb = load_chunk(c0 + CH, ib, mb, lsb)

            @pl.when(t > 0)
            def _():
                drain_add(ic, mc, asc)
            jc, lc = load_chunk(c0 + 2 * CH, ic, mc, lsc)

            ja.wait()
            la.wait()
            fire_add(ia, ma, asa)
            jb.wait()
            lb.wait()
            fire_add(ib, mb, asb)
            jc.wait()
            lc.wait()
            fire_add(ic, mc, asc)
            return carry

        ntrip = my_ct // 3
        lax.fori_loop(0, ntrip, trip, 0)

        @pl.when(ntrip > 0)
        def _():
            drain_add(ia, ma, asa)
            drain_add(ib, mb, asb)
            drain_add(ic, mc, asc)

        tail = my_ct - ntrip * 3

        @pl.when(tail >= 1)
        def _():
            c0 = (start + my_ct - tail) * CH
            ja, la = load_chunk(c0, ia, ma, lsa)
            ja.wait()
            la.wait()
            fire_add(ia, ma, asa)
            drain_add(ia, ma, asa)

        @pl.when(tail == 2)
        def _():
            c0 = (start + my_ct - 1) * CH
            jb, lb = load_chunk(c0, ib, mb, lsb)
            jb.wait()
            lb.wait()
            fire_add(ib, mb, asb)
            drain_add(ib, mb, asb)

        plsc.subcore_barrier()

        @pl.when(cid == 0)
        def _():
            pltpu.sync_copy(acc_spmem.at[pl.ds(sid * rpt, rpt)],
                            agg0_hbm.at[pl.ds(sid * rpt, rpt)])

        @pl.when(cid == 1)
        def _():
            pltpu.sync_copy(acc_spmem.at[pl.ds(sid * rpt, rpt)],
                            agg1_hbm.at[pl.ds(sid * rpt, rpt)])

    return scatter_k



def kernel(x, edge_index, edge_attr, W1, b1, W2, b2, Wih, Whh, bih, bhh):
    n_nodes, h = x.shape
    n_edges = edge_attr.shape[0]
    assert h == H

    src = edge_index[0].astype(jnp.int32)
    dst = edge_index[1].astype(jnp.int32)

    bn = 2000
    be = 2000
    assert n_nodes % bn == 0 and n_edges % be == 0

    f32 = jnp.float32

    s1t, s2t = pl.pallas_call(
        _node_pre_body,
        grid=(n_nodes // bn,),
        in_specs=[pl.BlockSpec((bn, H), lambda i: (i, 0)),
                  pl.BlockSpec((H, H3), lambda i: (0, 0)),
                  pl.BlockSpec((1, H), lambda i: (0, 0))],
        out_specs=[pl.BlockSpec((bn, H), lambda i: (i, 0)),
                   pl.BlockSpec((bn, H), lambda i: (i, 0))],
        out_shape=[jax.ShapeDtypeStruct((n_nodes, H), f32),
                   jax.ShapeDtypeStruct((n_nodes, H), f32)],
    )(x, W1, b1.reshape(1, H))

    nshard = 2
    n_pad = ((n_nodes + NS * 8 - 1) // (NS * 8)) * (NS * 8)
    zeros = jnp.zeros((n_pad // NS, H), f32)
    n_sh = n_edges // nshard
    assert n_sh % CH == 0 and n_sh % be == 0
    sh_blocks = n_sh // be

    aggs = []
    for s in range(nshard):
        off = s * (n_sh // CH)
        g = _make_gather(n_nodes, n_sh, off)(s1t, s2t, src, dst)
        msg = pl.pallas_call(
            _edge_mlp_body,
            grid=(sh_blocks,),
            in_specs=[pl.BlockSpec((be, H), lambda i: (i, 0)),
                      pl.BlockSpec((be, H),
                                   lambda i, o=s * sh_blocks: (i + o, 0)),
                      pl.BlockSpec((H, H), lambda i: (0, 0)),
                      pl.BlockSpec((H, H), lambda i: (0, 0)),
                      pl.BlockSpec((1, H), lambda i: (0, 0))],
            out_specs=pl.BlockSpec((be, H), lambda i: (i, 0)),
            out_shape=jax.ShapeDtypeStruct((n_sh, H), f32),
        )(g, edge_attr, W1[:, H2:H3], W2, b2.reshape(1, H))
        a0, a1 = _make_scatter(n_pad, n_sh, off)(msg, dst, zeros)
        aggs += [a0, a1]

    out = pl.pallas_call(
        _make_gru_body(len(aggs)),
        grid=(n_nodes // bn,),
        in_specs=([pl.BlockSpec((bn, H), lambda i: (i, 0))] * (len(aggs) + 1)
                  + [pl.BlockSpec((H3, H), lambda i: (0, 0)),
                     pl.BlockSpec((H3, H), lambda i: (0, 0)),
                     pl.BlockSpec((1, H3), lambda i: (0, 0)),
                     pl.BlockSpec((1, H3), lambda i: (0, 0))]),
        out_specs=pl.BlockSpec((bn, H), lambda i: (i, 0)),
        out_shape=jax.ShapeDtypeStruct((n_nodes, H), f32),
    )(*aggs, x, Wih, Whh, bih.reshape(1, H3), bhh.reshape(1, H3))

    return out

# --- scband reference (transcript-rebuilt; emitter-appended) ---
"""Pipeline reference for scband-onnx-mpnnlayer-16415365005578 (READ-ONLY COPY).

The authoritative reference and input builder live on the scoring server;
editing this copy changes nothing except your own understanding.
"""

import jax, jax.numpy as jnp
import numpy as np

N = 10000
E = 320000
H = 128


def setup_inputs(seed: int = 0) -> dict:
    key = jax.random.key(seed)
    ks = jax.random.split(key, 12)
    x = jax.random.normal(ks[0], (N, H), dtype=jnp.float32)
    edge_index = jax.random.randint(ks[1], (2, E), 0, N, dtype=jnp.int64)
    edge_attr = jax.random.normal(ks[2], (E, H), dtype=jnp.float32)
    s1 = 1.0 / np.sqrt(3 * H)
    W1 = jax.random.uniform(ks[3], (H, 3 * H), jnp.float32, -s1, s1)
    b1 = jax.random.uniform(ks[4], (H,), jnp.float32, -s1, s1)
    s2 = 1.0 / np.sqrt(H)
    W2 = jax.random.uniform(ks[5], (H, H), jnp.float32, -s2, s2)
    b2 = jax.random.uniform(ks[6], (H,), jnp.float32, -s2, s2)
    sg = 1.0 / np.sqrt(H)
    Wih = jax.random.uniform(ks[7], (3 * H, H), jnp.float32, -sg, sg)
    Whh = jax.random.uniform(ks[8], (3 * H, H), jnp.float32, -sg, sg)
    bih = jax.random.uniform(ks[9], (3 * H,), jnp.float32, -sg, sg)
    bhh = jax.random.uniform(ks[10], (3 * H,), jnp.float32, -sg, sg)
    return {"x": x, "edge_index": edge_index, "edge_attr": edge_attr,
            "W1": W1, "b1": b1, "W2": W2, "b2": b2,
            "Wih": Wih, "Whh": Whh, "bih": bih, "bhh": bhh}


def reference(x, edge_index, edge_attr, W1, b1, W2, b2, Wih, Whh, bih, bhh):
    src_idx = edge_index[0]
    dst_idx = edge_index[1]
    src_feats = jnp.take(x, src_idx, axis=0)
    dst_feats = jnp.take(x, dst_idx, axis=0)
    msg_input = jnp.concatenate([src_feats, dst_feats, edge_attr], axis=-1)
    hdn = jnp.maximum(msg_input @ W1.T + b1, 0.0)
    messages = hdn @ W2.T + b2
    num_nodes = x.shape[0]
    aggregated = jnp.zeros((num_nodes, messages.shape[1]), dtype=x.dtype).at[dst_idx].add(messages)
    # GRUCell(input=aggregated, hidden=x), PyTorch gate order [r, z, n]
    gi = aggregated @ Wih.T + bih
    gh = x @ Whh.T + bhh
    i_r, i_z, i_n = jnp.split(gi, 3, axis=-1)
    h_r, h_z, h_n = jnp.split(gh, 3, axis=-1)
    r = jax.nn.sigmoid(i_r + h_r)
    z = jax.nn.sigmoid(i_z + h_z)
    n = jnp.tanh(i_n + r * h_n)
    return (1.0 - z) * n + z * x

if __name__ == "__main__":
    import jax
    _d = setup_inputs()
    print(jax.jit(kernel)(*tuple(_d.values())))

</pallas_src>

<mosaic_0001>
#map = affine_map<(d0, d1) -> (0, 0)>
#map1 = affine_map<(d0, d1) -> (0)>
module attributes {stable_mosaic.version = 14 : i64} {
  func.func @scatter_k(%arg0: i32, %arg1: i32, %arg2: memref<160000x128xf32, #tpu.memory_space<hbm>>, %arg3: memref<320000xi32, #tpu.memory_space<hbm>>, %arg4: memref<632x128xf32, #tpu.memory_space<hbm>>, %arg5: memref<10112x128xf32, #tpu.memory_space<hbm>>, %arg6: memref<10112x128xf32, #tpu.memory_space<hbm>>, %arg7: memref<128xi32, #tpu.memory_space<vmem>>, %arg8: memref<128xi32, #tpu.memory_space<vmem>>, %arg9: memref<128xi32, #tpu.memory_space<vmem>>, %arg10: memref<128x128xf32, #tpu.memory_space<vmem>>, %arg11: memref<128x128xf32, #tpu.memory_space<vmem>>, %arg12: memref<128x128xf32, #tpu.memory_space<vmem>>, %arg13: memref<!tpu.dma_semaphore, #tpu.memory_space<semaphore_mem>>, %arg14: memref<!tpu.dma_semaphore, #tpu.memory_space<semaphore_mem>>, %arg15: memref<!tpu.dma_semaphore, #tpu.memory_space<semaphore_mem>>, %arg16: memref<!tpu.dma_semaphore, #tpu.memory_space<semaphore_mem>>, %arg17: memref<!tpu.dma_semaphore, #tpu.memory_space<semaphore_mem>>, %arg18: memref<!tpu.dma_semaphore, #tpu.memory_space<semaphore_mem>>, %arg19: memref<10112x128xf32, #tpu.memory_space<vmem_shared>>) attributes {dimension_semantics = [#tpu.dimension_semantics<core_parallel>, #tpu.dimension_semantics<subcore_parallel>], iteration_bounds = array<i64: 2, 16>, scalar_prefetch = 0 : i64, scratch_operands = 13 : i64, tpu.core_type = #tpu.core_type<sc_vector_subcore>, window_params = [{transform_indices = #map}, {transform_indices = #map1}, {transform_indices = #map}, {transform_indices = #map}, {transform_indices = #map}]} {
    %mul3A = arith.constant 2 : i32
    %mul3A_0 = arith.muli %arg1, %mul3A : i32
    %add3A = arith.addi %mul3A_0, %arg0 : i32
    %lt3A = arith.constant 2 : i32
    %lt3A_1 = arith.cmpi slt, %add3A, %lt3A : i32
    %convert_element_type3A = arith.extui %lt3A_1 : i1 to i32
    %mul3A_2 = arith.constant 39 : i32
    %mul3A_3 = arith.muli %mul3A_2, %add3A : i32
    %min3A = arith.constant 2 : i32
    %min3A_4 = arith.minsi %add3A, %min3A : i32
    %add3A_5 = arith.addi %mul3A_3, %min3A_4 : i32
    %add3A_6 = arith.constant 39 : i32
    %add3A_7 = arith.addi %add3A_6, %convert_element_type3A : i32
    %mul3A_8 = arith.constant 632 : i32
    %mul3A_9 = arith.muli %arg1, %mul3A_8 : i32
    "tpu.region"() ({
      %run_scoped3A = tpu.sem_alloc : memref<!tpu.dma_semaphore, #tpu.memory_space<semaphore_mem>>
      %dma_start3A = arith.constant 0 : i32
      %dma_start3A_60 = tpu.memref_slice %arg19[%mul3A_9, %dma_start3A] : memref<10112x128xf32, #tpu.memory_space<vmem_shared>> -> memref<632x128xf32, #tpu.memory_space<vmem_shared>>
      tpu.enqueue_dma source(%arg4 : memref<632x128xf32, #tpu.memory_space<hbm>>) target(%dma_start3A_60 : memref<632x128xf32, #tpu.memory_space<vmem_shared>>) target_semaphore(%run_scoped3A : memref<!tpu.dma_semaphore, #tpu.memory_space<semaphore_mem>>)
      %dma_wait3A = arith.constant 0 : i32
      %dma_wait3A_61 = tpu.memref_slice %arg19[%mul3A_9, %dma_wait3A] : memref<10112x128xf32, #tpu.memory_space<vmem_shared>> -> memref<632x128xf32, #tpu.memory_space<vmem_shared>>
      tpu.wait_dma2 semaphore(%run_scoped3A : memref<!tpu.dma_semaphore, #tpu.memory_space<semaphore_mem>>) src(%arg4 : memref<632x128xf32, #tpu.memory_space<hbm>>) dst(%dma_wait3A_61 : memref<632x128xf32, #tpu.memory_space<vmem_shared>>)
      tpu.yield
    }) : () -> ()
    %barrier3A = arith.constant 0 : index
    tpu.barrier barrier_id(%barrier3A)
    %jit3A = arith.constant 3 : i32
    %div3A = arith.divsi %add3A_7, %jit3A : i32
    %sign3A = arith.constant 0 : i32
    %sign3A_10 = arith.cmpi sgt, %add3A_7, %sign3A : i32
    %sign3A_11 = arith.extui %sign3A_10 : i1 to i32
    %sign3A_12 = arith.constant 0 : i32
    %sign3A_13 = arith.cmpi slt, %add3A_7, %sign3A_12 : i32
    %sign3A_14 = arith.extui %sign3A_13 : i1 to i32
    %sign3A_15 = arith.subi %sign3A_11, %sign3A_14 : i32
    %sign3A_16 = arith.constant 0 : i32
    %sign3A_17 = arith.cmpi sgt, %jit3A, %sign3A_16 : i32
    %sign3A_18 = arith.extui %sign3A_17 : i1 to i32
    %sign3A_19 = arith.constant 0 : i32
    %sign3A_20 = arith.cmpi slt, %jit3A, %sign3A_19 : i32
    %sign3A_21 = arith.extui %sign3A_20 : i1 to i32
    %sign3A_22 = arith.subi %sign3A_18, %sign3A_21 : i32
    %ne3A = arith.cmpi ne, %sign3A_15, %sign3A_22 : i32
    %rem3A = arith.remsi %add3A_7, %jit3A : i32
    %ne3A_23 = arith.constant 0 : i32
    %ne3A_24 = arith.cmpi ne, %rem3A, %ne3A_23 : i32
    %and3A = arith.andi %ne3A, %ne3A_24 : i1
    %sub3A = arith.constant 1 : i32
    %sub3A_25 = arith.subi %div3A, %sub3A : i32
    %select_n3A = arith.select %and3A, %sub3A_25, %div3A : i32
    %while3A = arith.constant 0 : i32
    %while3A_26 = arith.constant 0 : i32
    %while3A_27 = arith.subi %select_n3A, %while3A_26 : i32
    %while3A_28 = arith.addi %while3A_26, %while3A_27 : i32
    %while3A_29 = arith.constant 1 : i32
    %while3A_30 = arith.divsi %while3A_27, %while3A_29 : i32
    %while3A_31 = arith.muli %while3A_30, %while3A_29 : i32
    %while3A_32 = arith.addi %while3A_26, %while3A_31 : i32
    %while3A_33 = arith.constant 1 : i32
    scf.for %while3A_60 = %while3A_26 to %while3A_32 step %while3A_33  : i32 {
      %mul3A_61 = arith.constant 3 : i32
      %mul3A_62 = arith.muli %mul3A_61, %while3A_60 : i32
      %add3A_63 = arith.addi %add3A_5, %mul3A_62 : i32
      %mul3A_64 = arith.constant 128 : i32
      %mul3A_65 = arith.muli %add3A_63, %mul3A_64 : i32
      %gt3A_66 = arith.constant 0 : i32
      %gt3A_67 = arith.cmpi sgt, %while3A_60, %gt3A_66 : i32
      %convert_element_type3A_68 = arith.extui %gt3A_67 : i1 to i32
      %cond3A_69 = arith.constant 0 : i32
      %cond3A_70 = arith.cmpi ne, %convert_element_type3A_68, %cond3A_69 : i32
      scf.if %cond3A_70 {
        %dma_wait3A_134 = arith.constant 0 : i32
        %dma_wait3A_135 = arith.constant 0 : i32
        %dma_wait3A_136 = tpu.memref_slice %arg19[%dma_wait3A_134, %dma_wait3A_135] : memref<10112x128xf32, #tpu.memory_space<vmem_shared>> -> memref<10112x128xf32, #tpu.memory_space<vmem_shared>>
        tpu.wait_indirect_dma semaphore(%arg16 : memref<!tpu.dma_semaphore, #tpu.memory_space<semaphore_mem>>) src(%arg10 : memref<128x128xf32, #tpu.memory_space<vmem>>) dst(%dma_wait3A_136 : memref<10112x128xf32, #tpu.memory_space<vmem_shared>>)
      } else {
      }
      %add3A_71 = arith.constant 160000 : i32
      %add3A_72 = arith.addi %mul3A_65, %add3A_71 : i32
      %dma_start3A = tpu.memref_slice %arg3[%add3A_72] : memref<320000xi32, #tpu.memory_space<hbm>> -> memref<128xi32, #tpu.memory_space<hbm>>
      %dma_start3A_73 = tpu.memref_slice %arg3[%add3A_72] : memref<320000xi32, #tpu.memory_space<hbm>> -> memref<128xi32, #tpu.memory_space<hbm>>
      tpu.enqueue_dma source(%dma_start3A_73 : memref<128xi32, #tpu.memory_space<hbm>>) target(%arg7 : memref<128xi32, #tpu.memory_space<vmem>>) target_semaphore(%arg13 : memref<!tpu.dma_semaphore, #tpu.memory_space<semaphore_mem>>)
      %dma_start3A_74 = arith.constant 0 : i32
      %dma_start3A_75 = tpu.memref_slice %arg2[%mul3A_65, %dma_start3A_74] : memref<160000x128xf32, #tpu.memory_space<hbm>> -> memref<128x128xf32, #tpu.memory_space<hbm>>
      %dma_start3A_76 = arith.constant 0 : i32
      %dma_start3A_77 = tpu.memref_slice %arg2[%mul3A_65, %dma_start3A_76] : memref<160000x128xf32, #tpu.memory_space<hbm>> -> memref<128x128xf32, #tpu.memory_space<hbm>>
      tpu.enqueue_dma source(%dma_start3A_77 : memref<128x128xf32, #tpu.memory_space<hbm>>) target(%arg10 : memref<128x128xf32, #tpu.memory_space<vmem>>) target_semaphore(%arg13 : memref<!tpu.dma_semaphore, #tpu.memory_space<semaphore_mem>>)
      %gt3A_78 = arith.constant 0 : i32
      %gt3A_79 = arith.cmpi sgt, %while3A_60, %gt3A_78 : i32
      %convert_element_type3A_80 = arith.extui %gt3A_79 : i1 to i32
      %cond3A_81 = arith.constant 0 : i32
      %cond3A_82 = arith.cmpi ne, %convert_element_type3A_80, %cond3A_81 : i32
      scf.if %cond3A_82 {
        %dma_wait3A_134 = arith.constant 0 : i32
        %dma_wait3A_135 = arith.constant 0 : i32
        %dma_wait3A_136 = tpu.memref_slice %arg19[%dma_wait3A_134, %dma_wait3A_135] : memref<10112x128xf32, #tpu.memory_space<vmem_shared>> -> memref<10112x128xf32, #tpu.memory_space<vmem_shared>>
        tpu.wait_indirect_dma semaphore(%arg17 : memref<!tpu.dma_semaphore, #tpu.memory_space<semaphore_mem>>) src(%arg11 : memref<128x128xf32, #tpu.memory_space<vmem>>) dst(%dma_wait3A_136 : memref<10112x128xf32, #tpu.memory_space<vmem_shared>>)
      } else {
      }
      %add3A_83 = arith.constant 128 : i32
      %add3A_84 = arith.addi %mul3A_65, %add3A_83 : i32
      %add3A_85 = arith.constant 160000 : i32
      %add3A_86 = arith.addi %add3A_84, %add3A_85 : i32
      %dma_start3A_87 = tpu.memref_slice %arg3[%add3A_86] : memref<320000xi32, #tpu.memory_space<hbm>> -> memref<128xi32, #tpu.memory_space<hbm>>
      %dma_start3A_88 = tpu.memref_slice %arg3[%add3A_86] : memref<320000xi32, #tpu.memory_space<hbm>> -> memref<128xi32, #tpu.memory_space<hbm>>
      tpu.enqueue_dma source(%dma_start3A_88 : memref<128xi32, #tpu.memory_space<hbm>>) target(%arg8 : memref<128xi32, #tpu.memory_space<vmem>>) target_semaphore(%arg14 : memref<!tpu.dma_semaphore, #tpu.memory_space<semaphore_mem>>)
      %dma_start3A_89 = arith.constant 0 : i32
      %dma_start3A_90 = tpu.memref_slice %arg2[%add3A_84, %dma_start3A_89] : memref<160000x128xf32, #tpu.memory_space<hbm>> -> memref<128x128xf32, #tpu.memory_space<hbm>>
      %dma_start3A_91 = arith.constant 0 : i32
      %dma_start3A_92 = tpu.memref_slice %arg2[%add3A_84, %dma_start3A_91] : memref<160000x128xf32, #tpu.memory_space<hbm>> -> memref<128x128xf32, #tpu.memory_space<hbm>>
      tpu.enqueue_dma source(%dma_start3A_92 : memref<128x128xf32, #tpu.memory_space<hbm>>) target(%arg11 : memref<128x128xf32, #tpu.memory_space<vmem>>) target_semaphore(%arg14 : memref<!tpu.dma_semaphore, #tpu.memory_space<semaphore_mem>>)
      %gt3A_93 = arith.constant 0 : i32
      %gt3A_94 = arith.cmpi sgt, %while3A_60, %gt3A_93 : i32
      %convert_element_type3A_95 = arith.extui %gt3A_94 : i1 to i32
      %cond3A_96 = arith.constant 0 : i32
      %cond3A_97 = arith.cmpi ne, %convert_element_type3A_95, %cond3A_96 : i32
      scf.if %cond3A_97 {
        %dma_wait3A_134 = arith.constant 0 : i32
        %dma_wait3A_135 = arith.constant 0 : i32
        %dma_wait3A_136 = tpu.memref_slice %arg19[%dma_wait3A_134, %dma_wait3A_135] : memref<10112x128xf32, #tpu.memory_space<vmem_shared>> -> memref<10112x128xf32, #tpu.memory_space<vmem_shared>>
        tpu.wait_indirect_dma semaphore(%arg18 : memref<!tpu.dma_semaphore, #tpu.memory_space<semaphore_mem>>) src(%arg12 : memref<128x128xf32, #tpu.memory_space<vmem>>) dst(%dma_wait3A_136 : memref<10112x128xf32, #tpu.memory_space<vmem_shared>>)
      } else {
      }
      %add3A_98 = arith.constant 256 : i32
      %add3A_99 = arith.addi %mul3A_65, %add3A_98 : i32
      %add3A_100 = arith.constant 160000 : i32
      %add3A_101 = arith.addi %add3A_99, %add3A_100 : i32
      %dma_start3A_102 = tpu.memref_slice %arg3[%add3A_101] : memref<320000xi32, #tpu.memory_space<hbm>> -> memref<128xi32, #tpu.memory_space<hbm>>
      %dma_start3A_103 = tpu.memref_slice %arg3[%add3A_101] : memref<320000xi32, #tpu.memory_space<hbm>> -> memref<128xi32, #tpu.memory_space<hbm>>
      tpu.enqueue_dma source(%dma_start3A_103 : memref<128xi32, #tpu.memory_space<hbm>>) target(%arg9 : memref<128xi32, #tpu.memory_space<vmem>>) target_semaphore(%arg15 : memref<!tpu.dma_semaphore, #tpu.memory_space<semaphore_mem>>)
      %dma_start3A_104 = arith.constant 0 : i32
      %dma_start3A_105 = tpu.memref_slice %arg2[%add3A_99, %dma_start3A_104] : memref<160000x128xf32, #tpu.memory_space<hbm>> -> memref<128x128xf32, #tpu.memory_space<hbm>>
      %dma_start3A_106 = arith.constant 0 : i32
      %dma_start3A_107 = tpu.memref_slice %arg2[%add3A_99, %dma_start3A_106] : memref<160000x128xf32, #tpu.memory_space<hbm>> -> memref<128x128xf32, #tpu.memory_space<hbm>>
      tpu.enqueue_dma source(%dma_start3A_107 : memref<128x128xf32, #tpu.memory_space<hbm>>) target(%arg12 : memref<128x128xf32, #tpu.memory_space<vmem>>) target_semaphore(%arg15 : memref<!tpu.dma_semaphore, #tpu.memory_space<semaphore_mem>>)
      %dma_wait3A = tpu.memref_slice %arg3[%add3A_72] : memref<320000xi32, #tpu.memory_space<hbm>> -> memref<128xi32, #tpu.memory_space<hbm>>
      %dma_wait3A_108 = tpu.memref_slice %arg3[%add3A_72] : memref<320000xi32, #tpu.memory_space<hbm>> -> memref<128xi32, #tpu.memory_space<hbm>>
      tpu.wait_dma2 semaphore(%arg13 : memref<!tpu.dma_semaphore, #tpu.memory_space<semaphore_mem>>) src(%dma_wait3A_108 : memref<128xi32, #tpu.memory_space<hbm>>) dst(%arg7 : memref<128xi32, #tpu.memory_space<vmem>>)
      %dma_wait3A_109 = arith.constant 0 : i32
      %dma_wait3A_110 = tpu.memref_slice %arg2[%mul3A_65, %dma_wait3A_109] : memref<160000x128xf32, #tpu.memory_space<hbm>> -> memref<128x128xf32, #tpu.memory_space<hbm>>
      %dma_wait3A_111 = arith.constant 0 : i32
      %dma_wait3A_112 = tpu.memref_slice %arg2[%mul3A_65, %dma_wait3A_111] : memref<160000x128xf32, #tpu.memory_space<hbm>> -> memref<128x128xf32, #tpu.memory_space<hbm>>
      tpu.wait_dma2 semaphore(%arg13 : memref<!tpu.dma_semaphore, #tpu.memory_space<semaphore_mem>>) src(%dma_wait3A_112 : memref<128x128xf32, #tpu.memory_space<hbm>>) dst(%arg10 : memref<128x128xf32, #tpu.memory_space<vmem>>)
      %dma_start3A_113 = arith.constant 0 : i32
      %dma_start3A_114 = arith.constant 0 : i32
      %dma_start3A_115 = tpu.memref_slice %arg19[%dma_start3A_113, %dma_start3A_114] : memref<10112x128xf32, #tpu.memory_space<vmem_shared>> -> memref<10112x128xf32, #tpu.memory_space<vmem_shared>>
      tpu.enqueue_indirect_dma source(%arg10 : memref<128x128xf32, #tpu.memory_space<vmem>>) target(%dma_start3A_115 : memref<10112x128xf32, #tpu.memory_space<vmem_shared>>) offsets(%arg7 : memref<128xi32, #tpu.memory_space<vmem>>) semaphore(%arg16 : memref<!tpu.dma_semaphore, #tpu.memory_space<semaphore_mem>>) {add = true}
      %dma_wait3A_116 = tpu.memref_slice %arg3[%add3A_86] : memref<320000xi32, #tpu.memory_space<hbm>> -> memref<128xi32, #tpu.memory_space<hbm>>
      %dma_wait3A_117 = tpu.memref_slice %arg3[%add3A_86] : memref<320000xi32, #tpu.memory_space<hbm>> -> memref<128xi32, #tpu.memory_space<hbm>>
      tpu.wait_dma2 semaphore(%arg14 : memref<!tpu.dma_semaphore, #tpu.memory_space<semaphore_mem>>) src(%dma_wait3A_117 : memref<128xi32, #tpu.memory_space<hbm>>) dst(%arg8 : memref<128xi32, #tpu.memory_space<vmem>>)
      %dma_wait3A_118 = arith.constant 0 : i32
      %dma_wait3A_119 = tpu.memref_slice %arg2[%add3A_84, %dma_wait3A_118] : memref<160000x128xf32, #tpu.memory_space<hbm>> -> memref<128x128xf32, #tpu.memory_space<hbm>>
      %dma_wait3A_120 = arith.constant 0 : i32
      %dma_wait3A_121 = tpu.memref_slice %arg2[%add3A_84, %dma_wait3A_120] : memref<160000x128xf32, #tpu.memory_space<hbm>> -> memref<128x128xf32, #tpu.memory_space<hbm>>
      tpu.wait_dma2 semaphore(%arg14 : memref<!tpu.dma_semaphore, #tpu.memory_space<semaphore_mem>>) src(%dma_wait3A_121 : memref<128x128xf32, #tpu.memory_space<hbm>>) dst(%arg11 : memref<128x128xf32, #tpu.memory_space<vmem>>)
      %dma_start3A_122 = arith.constant 0 : i32
      %dma_start3A_123 = arith.constant 0 : i32
      %dma_start3A_124 = tpu.memref_slice %arg19[%dma_start3A_122, %dma_start3A_123] : memref<10112x128xf32, #tpu.memory_space<vmem_shared>> -> memref<10112x128xf32, #tpu.memory_space<vmem_shared>>
      tpu.enqueue_indirect_dma source(%arg11 : memref<128x128xf32, #tpu.memory_space<vmem>>) target(%dma_start3A_124 : memref<10112x128xf32, #tpu.memory_space<vmem_shared>>) offsets(%arg8 : memref<128xi32, #tpu.memory_space<vmem>>) semaphore(%arg17 : memref<!tpu.dma_semaphore, #tpu.memory_space<semaphore_mem>>) {add = true}
      %dma_wait3A_125 = tpu.memref_slice %arg3[%add3A_101] : memref<320000xi32, #tpu.memory_space<hbm>> -> memref<128xi32, #tpu.memory_space<hbm>>
      %dma_wait3A_126 = tpu.memref_slice %arg3[%add3A_101] : memref<320000xi32, #tpu.memory_space<hbm>> -> memref<128xi32, #tpu.memory_space<hbm>>
      tpu.wait_dma2 semaphore(%arg15 : memref<!tpu.dma_semaphore, #tpu.memory_space<semaphore_mem>>) src(%dma_wait3A_126 : memref<128xi32, #tpu.memory_space<hbm>>) dst(%arg9 : memref<128xi32, #tpu.memory_space<vmem>>)
      %dma_wait3A_127 = arith.constant 0 : i32
      %dma_wait3A_128 = tpu.memref_slice %arg2[%add3A_99, %dma_wait3A_127] : memref<160000x128xf32, #tpu.memory_space<hbm>> -> memref<128x128xf32, #tpu.memory_space<hbm>>
      %dma_wait3A_129 = arith.constant 0 : i32
      %dma_wait3A_130 = tpu.memref_slice %arg2[%add3A_99, %dma_wait3A_129] : memref<160000x128xf32, #tpu.memory_space<hbm>> -> memref<128x128xf32, #tpu.memory_space<hbm>>
      tpu.wait_dma2 semaphore(%arg15 : memref<!tpu.dma_semaphore, #tpu.memory_space<semaphore_mem>>) src(%dma_wait3A_130 : memref<128x128xf32, #tpu.memory_space<hbm>>) dst(%arg12 : memref<128x128xf32, #tpu.memory_space<vmem>>)
      %dma_start3A_131 = arith.constant 0 : i32
      %dma_start3A_132 = arith.constant 0 : i32
      %dma_start3A_133 = tpu.memref_slice %arg19[%dma_start3A_131, %dma_start3A_132] : memref<10112x128xf32, #tpu.memory_space<vmem_shared>> -> memref<10112x128xf32, #tpu.memory_space<vmem_shared>>
      tpu.enqueue_indirect_dma source(%arg12 : memref<128x128xf32, #tpu.memory_space<vmem>>) target(%dma_start3A_133 : memref<10112x128xf32, #tpu.memory_space<vmem_shared>>) offsets(%arg9 : memref<128xi32, #tpu.memory_space<vmem>>) semaphore(%arg18 : memref<!tpu.dma_semaphore, #tpu.memory_space<semaphore_mem>>) {add = true}
    }
    %while3A_34 = arith.constant 1 : i32
    scf.for %while3A_60 = %while3A_32 to %while3A_28 step %while3A_34  : i32 {
      %mul3A_61 = arith.constant 3 : i32
      %mul3A_62 = arith.muli %mul3A_61, %while3A_60 : i32
      %add3A_63 = arith.addi %add3A_5, %mul3A_62 : i32
      %mul3A_64 = arith.constant 128 : i32
      %mul3A_65 = arith.muli %add3A_63, %mul3A_64 : i32
      %gt3A_66 = arith.constant 0 : i32
      %gt3A_67 = arith.cmpi sgt, %while3A_60, %gt3A_66 : i32
      %convert_element_type3A_68 = arith.extui %gt3A_67 : i1 to i32
      %cond3A_69 = arith.constant 0 : i32
      %cond3A_70 = arith.cmpi ne, %convert_element_type3A_68, %cond3A_69 : i32
      scf.if %cond3A_70 {
        %dma_wait3A_134 = arith.constant 0 : i32
        %dma_wait3A_135 = arith.constant 0 : i32
        %dma_wait3A_136 = tpu.memref_slice %arg19[%dma_wait3A_134, %dma_wait3A_135] : memref<10112x128xf32, #tpu.memory_space<vmem_shared>> -> memref<10112x128xf32, #tpu.memory_space<vmem_shared>>
        tpu.wait_indirect_dma semaphore(%arg16 : memref<!tpu.dma_semaphore, #tpu.memory_space<semaphore_mem>>) src(%arg10 : memref<128x128xf32, #tpu.memory_space<vmem>>) dst(%dma_wait3A_136 : memref<10112x128xf32, #tpu.memory_space<vmem_shared>>)
      } else {
      }
      %add3A_71 = arith.constant 160000 : i32
      %add3A_72 = arith.addi %mul3A_65, %add3A_71 : i32
      %dma_start3A = tpu.memref_slice %arg3[%add3A_72] : memref<320000xi32, #tpu.memory_space<hbm>> -> memref<128xi32, #tpu.memory_space<hbm>>
      %dma_start3A_73 = tpu.memref_slice %arg3[%add3A_72] : memref<320000xi32, #tpu.memory_space<hbm>> -> memref<128xi32, #tpu.memory_space<hbm>>
      tpu.enqueue_dma source(%dma_start3A_73 : memref<128xi32, #tpu.memory_space<hbm>>) target(%arg7 : memref<128xi32, #tpu.memory_space<vmem>>) target_semaphore(%arg13 : memref<!tpu.dma_semaphore, #tpu.memory_space<semaphore_mem>>)
      %dma_start3A_74 = arith.constant 0 : i32
      %dma_start3A_75 = tpu.memref_slice %arg2[%mul3A_65, %dma_start3A_74] : memref<160000x128xf32, #tpu.memory_space<hbm>> -> memref<128x128xf32, #tpu.memory_space<hbm>>
      %dma_start3A_76 = arith.constant 0 : i32
      %dma_start3A_77 = tpu.memref_slice %arg2[%mul3A_65, %dma_start3A_76] : memref<160000x128xf32, #tpu.memory_space<hbm>> -> memref<128x128xf32, #tpu.memory_space<hbm>>
      tpu.enqueue_dma source(%dma_start3A_77 : memref<128x128xf32, #tpu.memory_space<hbm>>) target(%arg10 : memref<128x128xf32, #tpu.memory_space<vmem>>) target_semaphore(%arg13 : memref<!tpu.dma_semaphore, #tpu.memory_space<semaphore_mem>>)
      %gt3A_78 = arith.constant 0 : i32
      %gt3A_79 = arith.cmpi sgt, %while3A_60, %gt3A_78 : i32
      %convert_element_type3A_80 = arith.extui %gt3A_79 : i1 to i32
      %cond3A_81 = arith.constant 0 : i32
      %cond3A_82 = arith.cmpi ne, %convert_element_type3A_80, %cond3A_81 : i32
      scf.if %cond3A_82 {
        %dma_wait3A_134 = arith.constant 0 : i32
        %dma_wait3A_135 = arith.constant 0 : i32
        %dma_wait3A_136 = tpu.memref_slice %arg19[%dma_wait3A_134, %dma_wait3A_135] : memref<10112x128xf32, #tpu.memory_space<vmem_shared>> -> memref<10112x128xf32, #tpu.memory_space<vmem_shared>>
        tpu.wait_indirect_dma semaphore(%arg17 : memref<!tpu.dma_semaphore, #tpu.memory_space<semaphore_mem>>) src(%arg11 : memref<128x128xf32, #tpu.memory_space<vmem>>) dst(%dma_wait3A_136 : memref<10112x128xf32, #tpu.memory_space<vmem_shared>>)
      } else {
      }
      %add3A_83 = arith.constant 128 : i32
      %add3A_84 = arith.addi %mul3A_65, %add3A_83 : i32
      %add3A_85 = arith.constant 160000 : i32
      %add3A_86 = arith.addi %add3A_84, %add3A_85 : i32
      %dma_start3A_87 = tpu.memref_slice %arg3[%add3A_86] : memref<320000xi32, #tpu.memory_space<hbm>> -> memref<128xi32, #tpu.memory_space<hbm>>
      %dma_start3A_88 = tpu.memref_slice %arg3[%add3A_86] : memref<320000xi32, #tpu.memory_space<hbm>> -> memref<128xi32, #tpu.memory_space<hbm>>
      tpu.enqueue_dma source(%dma_start3A_88 : memref<128xi32, #tpu.memory_space<hbm>>) target(%arg8 : memref<128xi32, #tpu.memory_space<vmem>>) target_semaphore(%arg14 : memref<!tpu.dma_semaphore, #tpu.memory_space<semaphore_mem>>)
      %dma_start3A_89 = arith.constant 0 : i32
      %dma_start3A_90 = tpu.memref_slice %arg2[%add3A_84, %dma_start3A_89] : memref<160000x128xf32, #tpu.memory_space<hbm>> -> memref<128x128xf32, #tpu.memory_space<hbm>>
      %dma_start3A_91 = arith.constant 0 : i32
      %dma_start3A_92 = tpu.memref_slice %arg2[%add3A_84, %dma_start3A_91] : memref<160000x128xf32, #tpu.memory_space<hbm>> -> memref<128x128xf32, #tpu.memory_space<hbm>>
      tpu.enqueue_dma source(%dma_start3A_92 : memref<128x128xf32, #tpu.memory_space<hbm>>) target(%arg11 : memref<128x128xf32, #tpu.memory_space<vmem>>) target_semaphore(%arg14 : memref<!tpu.dma_semaphore, #tpu.memory_space<semaphore_mem>>)
      %gt3A_93 = arith.constant 0 : i32
      %gt3A_94 = arith.cmpi sgt, %while3A_60, %gt3A_93 : i32
      %convert_element_type3A_95 = arith.extui %gt3A_94 : i1 to i32
      %cond3A_96 = arith.constant 0 : i32
      %cond3A_97 = arith.cmpi ne, %convert_element_type3A_95, %cond3A_96 : i32
      scf.if %cond3A_97 {
        %dma_wait3A_134 = arith.constant 0 : i32
        %dma_wait3A_135 = arith.constant 0 : i32
        %dma_wait3A_136 = tpu.memref_slice %arg19[%dma_wait3A_134, %dma_wait3A_135] : memref<10112x128xf32, #tpu.memory_space<vmem_shared>> -> memref<10112x128xf32, #tpu.memory_space<vmem_shared>>
        tpu.wait_indirect_dma semaphore(%arg18 : memref<!tpu.dma_semaphore, #tpu.memory_space<semaphore_mem>>) src(%arg12 : memref<128x128xf32, #tpu.memory_space<vmem>>) dst(%dma_wait3A_136 : memref<10112x128xf32, #tpu.memory_space<vmem_shared>>)
      } else {
      }
      %add3A_98 = arith.constant 256 : i32
      %add3A_99 = arith.addi %mul3A_65, %add3A_98 : i32
      %add3A_100 = arith.constant 160000 : i32
      %add3A_101 = arith.addi %add3A_99, %add3A_100 : i32
      %dma_start3A_102 = tpu.memref_slice %arg3[%add3A_101] : memref<320000xi32, #tpu.memory_space<hbm>> -> memref<128xi32, #tpu.memory_space<hbm>>
      %dma_start3A_103 = tpu.memref_slice %arg3[%add3A_101] : memref<320000xi32, #tpu.memory_space<hbm>> -> memref<128xi32, #tpu.memory_space<hbm>>
      tpu.enqueue_dma source(%dma_start3A_103 : memref<128xi32, #tpu.memory_space<hbm>>) target(%arg9 : memref<128xi32, #tpu.memory_space<vmem>>) target_semaphore(%arg15 : memref<!tpu.dma_semaphore, #tpu.memory_space<semaphore_mem>>)
      %dma_start3A_104 = arith.constant 0 : i32
      %dma_start3A_105 = tpu.memref_slice %arg2[%add3A_99, %dma_start3A_104] : memref<160000x128xf32, #tpu.memory_space<hbm>> -> memref<128x128xf32, #tpu.memory_space<hbm>>
      %dma_start3A_106 = arith.constant 0 : i32
      %dma_start3A_107 = tpu.memref_slice %arg2[%add3A_99, %dma_start3A_106] : memref<160000x128xf32, #tpu.memory_space<hbm>> -> memref<128x128xf32, #tpu.memory_space<hbm>>
      tpu.enqueue_dma source(%dma_start3A_107 : memref<128x128xf32, #tpu.memory_space<hbm>>) target(%arg12 : memref<128x128xf32, #tpu.memory_space<vmem>>) target_semaphore(%arg15 : memref<!tpu.dma_semaphore, #tpu.memory_space<semaphore_mem>>)
      %dma_wait3A = tpu.memref_slice %arg3[%add3A_72] : memref<320000xi32, #tpu.memory_space<hbm>> -> memref<128xi32, #tpu.memory_space<hbm>>
      %dma_wait3A_108 = tpu.memref_slice %arg3[%add3A_72] : memref<320000xi32, #tpu.memory_space<hbm>> -> memref<128xi32, #tpu.memory_space<hbm>>
      tpu.wait_dma2 semaphore(%arg13 : memref<!tpu.dma_semaphore, #tpu.memory_space<semaphore_mem>>) src(%dma_wait3A_108 : memref<128xi32, #tpu.memory_space<hbm>>) dst(%arg7 : memref<128xi32, #tpu.memory_space<vmem>>)
      %dma_wait3A_109 = arith.constant 0 : i32
      %dma_wait3A_110 = tpu.memref_slice %arg2[%mul3A_65, %dma_wait3A_109] : memref<160000x128xf32, #tpu.memory_space<hbm>> -> memref<128x128xf32, #tpu.memory_space<hbm>>
      %dma_wait3A_111 = arith.constant 0 : i32
      %dma_wait3A_112 = tpu.memref_slice %arg2[%mul3A_65, %dma_wait3A_111] : memref<160000x128xf32, #tpu.memory_space<hbm>> -> memref<128x128xf32, #tpu.memory_space<hbm>>
      tpu.wait_dma2 semaphore(%arg13 : memref<!tpu.dma_semaphore, #tpu.memory_space<semaphore_mem>>) src(%dma_wait3A_112 : memref<128x128xf32, #tpu.memory_space<hbm>>) dst(%arg10 : memref<128x128xf32, #tpu.memory_space<vmem>>)
      %dma_start3A_113 = arith.constant 0 : i32
      %dma_start3A_114 = arith.constant 0 : i32
      %dma_start3A_115 = tpu.memref_slice %arg19[%dma_start3A_113, %dma_start3A_114] : memref<10112x128xf32, #tpu.memory_space<vmem_shared>> -> memref<10112x128xf32, #tpu.memory_space<vmem_shared>>
      tpu.enqueue_indirect_dma source(%arg10 : memref<128x128xf32, #tpu.memory_space<vmem>>) target(%dma_start3A_115 : memref<10112x128xf32, #tpu.memory_space<vmem_shared>>) offsets(%arg7 : memref<128xi32, #tpu.memory_space<vmem>>) semaphore(%arg16 : memref<!tpu.dma_semaphore, #tpu.memory_space<semaphore_mem>>) {add = true}
      %dma_wait3A_116 = tpu.memref_slice %arg3[%add3A_86] : memref<320000xi32, #tpu.memory_space<hbm>> -> memref<128xi32, #tpu.memory_space<hbm>>
      %dma_wait3A_117 = tpu.memref_slice %arg3[%add3A_86] : memref<320000xi32, #tpu.memory_space<hbm>> -> memref<128xi32, #tpu.memory_space<hbm>>
      tpu.wait_dma2 semaphore(%arg14 : memref<!tpu.dma_semaphore, #tpu.memory_space<semaphore_mem>>) src(%dma_wait3A_117 : memref<128xi32, #tpu.memory_space<hbm>>) dst(%arg8 : memref<128xi32, #tpu.memory_space<vmem>>)
      %dma_wait3A_118 = arith.constant 0 : i32
      %dma_wait3A_119 = tpu.memref_slice %arg2[%add3A_84, %dma_wait3A_118] : memref<160000x128xf32, #tpu.memory_space<hbm>> -> memref<128x128xf32, #tpu.memory_space<hbm>>
      %dma_wait3A_120 = arith.constant 0 : i32
      %dma_wait3A_121 = tpu.memref_slice %arg2[%add3A_84, %dma_wait3A_120] : memref<160000x128xf32, #tpu.memory_space<hbm>> -> memref<128x128xf32, #tpu.memory_space<hbm>>
      tpu.wait_dma2 semaphore(%arg14 : memref<!tpu.dma_semaphore, #tpu.memory_space<semaphore_mem>>) src(%dma_wait3A_121 : memref<128x128xf32, #tpu.memory_space<hbm>>) dst(%arg11 : memref<128x128xf32, #tpu.memory_space<vmem>>)
      %dma_start3A_122 = arith.constant 0 : i32
      %dma_start3A_123 = arith.constant 0 : i32
      %dma_start3A_124 = tpu.memref_slice %arg19[%dma_start3A_122, %dma_start3A_123] : memref<10112x128xf32, #tpu.memory_space<vmem_shared>> -> memref<10112x128xf32, #tpu.memory_space<vmem_shared>>
      tpu.enqueue_indirect_dma source(%arg11 : memref<128x128xf32, #tpu.memory_space<vmem>>) target(%dma_start3A_124 : memref<10112x128xf32, #tpu.memory_space<vmem_shared>>) offsets(%arg8 : memref<128xi32, #tpu.memory_space<vmem>>) semaphore(%arg17 : memref<!tpu.dma_semaphore, #tpu.memory_space<semaphore_mem>>) {add = true}
      %dma_wait3A_125 = tpu.memref_slice %arg3[%add3A_101] : memref<320000xi32, #tpu.memory_space<hbm>> -> memref<128xi32, #tpu.memory_space<hbm>>
      %dma_wait3A_126 = tpu.memref_slice %arg3[%add3A_101] : memref<320000xi32, #tpu.memory_space<hbm>> -> memref<128xi32, #tpu.memory_space<hbm>>
      tpu.wait_dma2 semaphore(%arg15 : memref<!tpu.dma_semaphore, #tpu.memory_space<semaphore_mem>>) src(%dma_wait3A_126 : memref<128xi32, #tpu.memory_space<hbm>>) dst(%arg9 : memref<128xi32, #tpu.memory_space<vmem>>)
      %dma_wait3A_127 = arith.constant 0 : i32
      %dma_wait3A_128 = tpu.memref_slice %arg2[%add3A_99, %dma_wait3A_127] : memref<160000x128xf32, #tpu.memory_space<hbm>> -> memref<128x128xf32, #tpu.memory_space<hbm>>
      %dma_wait3A_129 = arith.constant 0 : i32
      %dma_wait3A_130 = tpu.memref_slice %arg2[%add3A_99, %dma_wait3A_129] : memref<160000x128xf32, #tpu.memory_space<hbm>> -> memref<128x128xf32, #tpu.memory_space<hbm>>
      tpu.wait_dma2 semaphore(%arg15 : memref<!tpu.dma_semaphore, #tpu.memory_space<semaphore_mem>>) src(%dma_wait3A_130 : memref<128x128xf32, #tpu.memory_space<hbm>>) dst(%arg12 : memref<128x128xf32, #tpu.memory_space<vmem>>)
      %dma_start3A_131 = arith.constant 0 : i32
      %dma_start3A_132 = arith.constant 0 : i32
      %dma_start3A_133 = tpu.memref_slice %arg19[%dma_start3A_131, %dma_start3A_132] : memref<10112x128xf32, #tpu.memory_space<vmem_shared>> -> memref<10112x128xf32, #tpu.memory_space<vmem_shared>>
      tpu.enqueue_indirect_dma source(%arg12 : memref<128x128xf32, #tpu.memory_space<vmem>>) target(%dma_start3A_133 : memref<10112x128xf32, #tpu.memory_space<vmem_shared>>) offsets(%arg9 : memref<128xi32, #tpu.memory_space<vmem>>) semaphore(%arg18 : memref<!tpu.dma_semaphore, #tpu.memory_space<semaphore_mem>>) {add = true}
    }
    %gt3A = arith.constant 0 : i32
    %gt3A_35 = arith.cmpi sgt, %select_n3A, %gt3A : i32
    %convert_element_type3A_36 = arith.extui %gt3A_35 : i1 to i32
    %cond3A = arith.constant 0 : i32
    %cond3A_37 = arith.cmpi ne, %convert_element_type3A_36, %cond3A : i32
    scf.if %cond3A_37 {
      %dma_wait3A = arith.constant 0 : i32
      %dma_wait3A_60 = arith.constant 0 : i32
      %dma_wait3A_61 = tpu.memref_slice %arg19[%dma_wait3A, %dma_wait3A_60] : memref<10112x128xf32, #tpu.memory_space<vmem_shared>> -> memref<10112x128xf32, #tpu.memory_space<vmem_shared>>
      tpu.wait_indirect_dma semaphore(%arg16 : memref<!tpu.dma_semaphore, #tpu.memory_space<semaphore_mem>>) src(%arg10 : memref<128x128xf32, #tpu.memory_space<vmem>>) dst(%dma_wait3A_61 : memref<10112x128xf32, #tpu.memory_space<vmem_shared>>)
      %dma_wait3A_62 = arith.constant 0 : i32
      %dma_wait3A_63 = arith.constant 0 : i32
      %dma_wait3A_64 = tpu.memref_slice %arg19[%dma_wait3A_62, %dma_wait3A_63] : memref<10112x128xf32, #tpu.memory_space<vmem_shared>> -> memref<10112x128xf32, #tpu.memory_space<vmem_shared>>
      tpu.wait_indirect_dma semaphore(%arg17 : memref<!tpu.dma_semaphore, #tpu.memory_space<semaphore_mem>>) src(%arg11 : memref<128x128xf32, #tpu.memory_space<vmem>>) dst(%dma_wait3A_64 : memref<10112x128xf32, #tpu.memory_space<vmem_shared>>)
      %dma_wait3A_65 = arith.constant 0 : i32
      %dma_wait3A_66 = arith.constant 0 : i32
      %dma_wait3A_67 = tpu.memref_slice %arg19[%dma_wait3A_65, %dma_wait3A_66] : memref<10112x128xf32, #tpu.memory_space<vmem_shared>> -> memref<10112x128xf32, #tpu.memory_space<vmem_shared>>
      tpu.wait_indirect_dma semaphore(%arg18 : memref<!tpu.dma_semaphore, #tpu.memory_space<semaphore_mem>>) src(%arg12 : memref<128x128xf32, #tpu.memory_space<vmem>>) dst(%dma_wait3A_67 : memref<10112x128xf32, #tpu.memory_space<vmem_shared>>)
    } else {
    }
    %mul3A_38 = arith.constant 3 : i32
    %mul3A_39 = arith.muli %select_n3A, %mul3A_38 : i32
    %sub3A_40 = arith.subi %add3A_7, %mul3A_39 : i32
    %ge3A = arith.constant 1 : i32
    %ge3A_41 = arith.cmpi sge, %sub3A_40, %ge3A : i32
    %convert_element_type3A_42 = arith.extui %ge3A_41 : i1 to i32
    %cond3A_43 = arith.constant 0 : i32
    %cond3A_44 = arith.cmpi ne, %convert_element_type3A_42, %cond3A_43 : i32
    scf.if %cond3A_44 {
      %add3A_60 = arith.addi %add3A_5, %add3A_7 : i32
      %sub3A_61 = arith.subi %add3A_60, %sub3A_40 : i32
      %mul3A_62 = arith.constant 128 : i32
      %mul3A_63 = arith.muli %sub3A_61, %mul3A_62 : i32
      %add3A_64 = arith.constant 160000 : i32
      %add3A_65 = arith.addi %mul3A_63, %add3A_64 : i32
      %dma_start3A = tpu.memref_slice %arg3[%add3A_65] : memref<320000xi32, #tpu.memory_space<hbm>> -> memref<128xi32, #tpu.memory_space<hbm>>
      %dma_start3A_66 = tpu.memref_slice %arg3[%add3A_65] : memref<320000xi32, #tpu.memory_space<hbm>> -> memref<128xi32, #tpu.memory_space<hbm>>
      tpu.enqueue_dma source(%dma_start3A_66 : memref<128xi32, #tpu.memory_space<hbm>>) target(%arg7 : memref<128xi32, #tpu.memory_space<vmem>>) target_semaphore(%arg13 : memref<!tpu.dma_semaphore, #tpu.memory_space<semaphore_mem>>)
      %dma_start3A_67 = arith.constant 0 : i32
      %dma_start3A_68 = tpu.memref_slice %arg2[%mul3A_63, %dma_start3A_67] : memref<160000x128xf32, #tpu.memory_space<hbm>> -> memref<128x128xf32, #tpu.memory_space<hbm>>
      %dma_start3A_69 = arith.constant 0 : i32
      %dma_start3A_70 = tpu.memref_slice %arg2[%mul3A_63, %dma_start3A_69] : memref<160000x128xf32, #tpu.memory_space<hbm>> -> memref<128x128xf32, #tpu.memory_space<hbm>>
      tpu.enqueue_dma source(%dma_start3A_70 : memref<128x128xf32, #tpu.memory_space<hbm>>) target(%arg10 : memref<128x128xf32, #tpu.memory_space<vmem>>) target_semaphore(%arg13 : memref<!tpu.dma_semaphore, #tpu.memory_space<semaphore_mem>>)
      %dma_wait3A = tpu.memref_slice %arg3[%add3A_65] : memref<320000xi32, #tpu.memory_space<hbm>> -> memref<128xi32, #tpu.memory_space<hbm>>
      %dma_wait3A_71 = tpu.memref_slice %arg3[%add3A_65] : memref<320000xi32, #tpu.memory_space<hbm>> -> memref<128xi32, #tpu.memory_space<hbm>>
      tpu.wait_dma2 semaphore(%arg13 : memref<!tpu.dma_semaphore, #tpu.memory_space<semaphore_mem>>) src(%dma_wait3A_71 : memref<128xi32, #tpu.memory_space<hbm>>) dst(%arg7 : memref<128xi32, #tpu.memory_space<vmem>>)
      %dma_wait3A_72 = arith.constant 0 : i32
      %dma_wait3A_73 = tpu.memref_slice %arg2[%mul3A_63, %dma_wait3A_72] : memref<160000x128xf32, #tpu.memory_space<hbm>> -> memref<128x128xf32, #tpu.memory_space<hbm>>
      %dma_wait3A_74 = arith.constant 0 : i32
      %dma_wait3A_75 = tpu.memref_slice %arg2[%mul3A_63, %dma_wait3A_74] : memref<160000x128xf32, #tpu.memory_space<hbm>> -> memref<128x128xf32, #tpu.memory_space<hbm>>
      tpu.wait_dma2 semaphore(%arg13 : memref<!tpu.dma_semaphore, #tpu.memory_space<semaphore_mem>>) src(%dma_wait3A_75 : memref<128x128xf32, #tpu.memory_space<hbm>>) dst(%arg10 : memref<128x128xf32, #tpu.memory_space<vmem>>)
      %dma_start3A_76 = arith.constant 0 : i32
      %dma_start3A_77 = arith.constant 0 : i32
      %dma_start3A_78 = tpu.memref_slice %arg19[%dma_start3A_76, %dma_start3A_77] : memref<10112x128xf32, #tpu.memory_space<vmem_shared>> -> memref<10112x128xf32, #tpu.memory_space<vmem_shared>>
      tpu.enqueue_indirect_dma source(%arg10 : memref<128x128xf32, #tpu.memory_space<vmem>>) target(%dma_start3A_78 : memref<10112x128xf32, #tpu.memory_space<vmem_shared>>) offsets(%arg7 : memref<128xi32, #tpu.memory_space<vmem>>) semaphore(%arg16 : memref<!tpu.dma_semaphore, #tpu.memory_space<semaphore_mem>>) {add = true}
      %dma_wait3A_79 = arith.constant 0 : i32
      %dma_wait3A_80 = arith.constant 0 : i32
      %dma_wait3A_81 = tpu.memref_slice %arg19[%dma_wait3A_79, %dma_wait3A_80] : memref<10112x128xf32, #tpu.memory_space<vmem_shared>> -> memref<10112x128xf32, #tpu.memory_space<vmem_shared>>
      tpu.wait_indirect_dma semaphore(%arg16 : memref<!tpu.dma_semaphore, #tpu.memory_space<semaphore_mem>>) src(%arg10 : memref<128x128xf32, #tpu.memory_space<vmem>>) dst(%dma_wait3A_81 : memref<10112x128xf32, #tpu.memory_space<vmem_shared>>)
    } else {
    }
    %eq3A = arith.constant 2 : i32
    %eq3A_45 = arith.cmpi eq, %sub3A_40, %eq3A : i32
    %convert_element_type3A_46 = arith.extui %eq3A_45 : i1 to i32
    %cond3A_47 = arith.constant 0 : i32
    %cond3A_48 = arith.cmpi ne, %convert_element_type3A_46, %cond3A_47 : i32
    scf.if %cond3A_48 {
      %add3A_60 = arith.addi %add3A_5, %add3A_7 : i32
      %sub3A_61 = arith.constant 1 : i32
      %sub3A_62 = arith.subi %add3A_60, %sub3A_61 : i32
      %mul3A_63 = arith.constant 128 : i32
      %mul3A_64 = arith.muli %sub3A_62, %mul3A_63 : i32
      %add3A_65 = arith.constant 160000 : i32
      %add3A_66 = arith.addi %mul3A_64, %add3A_65 : i32
      %dma_start3A = tpu.memref_slice %arg3[%add3A_66] : memref<320000xi32, #tpu.memory_space<hbm>> -> memref<128xi32, #tpu.memory_space<hbm>>
      %dma_start3A_67 = tpu.memref_slice %arg3[%add3A_66] : memref<320000xi32, #tpu.memory_space<hbm>> -> memref<128xi32, #tpu.memory_space<hbm>>
      tpu.enqueue_dma source(%dma_start3A_67 : memref<128xi32, #tpu.memory_space<hbm>>) target(%arg8 : memref<128xi32, #tpu.memory_space<vmem>>) target_semaphore(%arg14 : memref<!tpu.dma_semaphore, #tpu.memory_space<semaphore_mem>>)
      %dma_start3A_68 = arith.constant 0 : i32
      %dma_start3A_69 = tpu.memref_slice %arg2[%mul3A_64, %dma_start3A_68] : memref<160000x128xf32, #tpu.memory_space<hbm>> -> memref<128x128xf32, #tpu.memory_space<hbm>>
      %dma_start3A_70 = arith.constant 0 : i32
      %dma_start3A_71 = tpu.memref_slice %arg2[%mul3A_64, %dma_start3A_70] : memref<160000x128xf32, #tpu.memory_space<hbm>> -> memref<128x128xf32, #tpu.memory_space<hbm>>
      tpu.enqueue_dma source(%dma_start3A_71 : memref<128x128xf32, #tpu.memory_space<hbm>>) target(%arg11 : memref<128x128xf32, #tpu.memory_space<vmem>>) target_semaphore(%arg14 : memref<!tpu.dma_semaphore, #tpu.memory_space<semaphore_mem>>)
      %dma_wait3A = tpu.memref_slice %arg3[%add3A_66] : memref<320000xi32, #tpu.memory_space<hbm>> -> memref<128xi32, #tpu.memory_space<hbm>>
      %dma_wait3A_72 = tpu.memref_slice %arg3[%add3A_66] : memref<320000xi32, #tpu.memory_space<hbm>> -> memref<128xi32, #tpu.memory_space<hbm>>
      tpu.wait_dma2 semaphore(%arg14 : memref<!tpu.dma_semaphore, #tpu.memory_space<semaphore_mem>>) src(%dma_wait3A_72 : memref<128xi32, #tpu.memory_space<hbm>>) dst(%arg8 : memref<128xi32, #tpu.memory_space<vmem>>)
      %dma_wait3A_73 = arith.constant 0 : i32
      %dma_wait3A_74 = tpu.memref_slice %arg2[%mul3A_64, %dma_wait3A_73] : memref<160000x128xf32, #tpu.memory_space<hbm>> -> memref<128x128xf32, #tpu.memory_space<hbm>>
      %dma_wait3A_75 = arith.constant 0 : i32
      %dma_wait3A_76 = tpu.memref_slice %arg2[%mul3A_64, %dma_wait3A_75] : memref<160000x128xf32, #tpu.memory_space<hbm>> -> memref<128x128xf32, #tpu.memory_space<hbm>>
      tpu.wait_dma2 semaphore(%arg14 : memref<!tpu.dma_semaphore, #tpu.memory_space<semaphore_mem>>) src(%dma_wait3A_76 : memref<128x128xf32, #tpu.memory_space<hbm>>) dst(%arg11 : memref<128x128xf32, #tpu.memory_space<vmem>>)
      %dma_start3A_77 = arith.constant 0 : i32
      %dma_start3A_78 = arith.constant 0 : i32
      %dma_start3A_79 = tpu.memref_slice %arg19[%dma_start3A_77, %dma_start3A_78] : memref<10112x128xf32, #tpu.memory_space<vmem_shared>> -> memref<10112x128xf32, #tpu.memory_space<vmem_shared>>
      tpu.enqueue_indirect_dma source(%arg11 : memref<128x128xf32, #tpu.memory_space<vmem>>) target(%dma_start3A_79 : memref<10112x128xf32, #tpu.memory_space<vmem_shared>>) offsets(%arg8 : memref<128xi32, #tpu.memory_space<vmem>>) semaphore(%arg17 : memref<!tpu.dma_semaphore, #tpu.memory_space<semaphore_mem>>) {add = true}
      %dma_wait3A_80 = arith.constant 0 : i32
      %dma_wait3A_81 = arith.constant 0 : i32
      %dma_wait3A_82 = tpu.memref_slice %arg19[%dma_wait3A_80, %dma_wait3A_81] : memref<10112x128xf32, #tpu.memory_space<vmem_shared>> -> memref<10112x128xf32, #tpu.memory_space<vmem_shared>>
      tpu.wait_indirect_dma semaphore(%arg17 : memref<!tpu.dma_semaphore, #tpu.memory_space<semaphore_mem>>) src(%arg11 : memref<128x128xf32, #tpu.memory_space<vmem>>) dst(%dma_wait3A_82 : memref<10112x128xf32, #tpu.memory_space<vmem_shared>>)
    } else {
    }
    %barrier3A_49 = arith.constant 0 : index
    tpu.barrier barrier_id(%barrier3A_49)
    %eq3A_50 = arith.constant 0 : i32
    %eq3A_51 = arith.cmpi eq, %arg0, %eq3A_50 : i32
    %convert_element_type3A_52 = arith.extui %eq3A_51 : i1 to i32
    %cond3A_53 = arith.constant 0 : i32
    %cond3A_54 = arith.cmpi ne, %convert_element_type3A_52, %cond3A_53 : i32
    scf.if %cond3A_54 {
      %mul3A_60 = arith.constant 632 : i32
      %mul3A_61 = arith.muli %arg1, %mul3A_60 : i32
      %mul3A_62 = arith.constant 632 : i32
      %mul3A_63 = arith.muli %arg1, %mul3A_62 : i32
      "tpu.region"() ({
        %run_scoped3A = tpu.sem_alloc : memref<!tpu.dma_semaphore, #tpu.memory_space<semaphore_mem>>
        %dma_start3A = arith.constant 0 : i32
        %dma_start3A_64 = tpu.memref_slice %arg5[%mul3A_63, %dma_start3A] : memref<10112x128xf32, #tpu.memory_space<hbm>> -> memref<632x128xf32, #tpu.memory_space<hbm>>
        %dma_start3A_65 = arith.constant 0 : i32
        %dma_start3A_66 = tpu.memref_slice %arg19[%mul3A_61, %dma_start3A_65] : memref<10112x128xf32, #tpu.memory_space<vmem_shared>> -> memref<632x128xf32, #tpu.memory_space<vmem_shared>>
        tpu.enqueue_dma source(%dma_start3A_66 : memref<632x128xf32, #tpu.memory_space<vmem_shared>>) target(%dma_start3A_64 : memref<632x128xf32, #tpu.memory_space<hbm>>) target_semaphore(%run_scoped3A : memref<!tpu.dma_semaphore, #tpu.memory_space<semaphore_mem>>)
        %dma_wait3A = arith.constant 0 : i32
        %dma_wait3A_67 = tpu.memref_slice %arg5[%mul3A_63, %dma_wait3A] : memref<10112x128xf32, #tpu.memory_space<hbm>> -> memref<632x128xf32, #tpu.memory_space<hbm>>
        %dma_wait3A_68 = arith.constant 0 : i32
        %dma_wait3A_69 = tpu.memref_slice %arg19[%mul3A_61, %dma_wait3A_68] : memref<10112x128xf32, #tpu.memory_space<vmem_shared>> -> memref<632x128xf32, #tpu.memory_space<vmem_shared>>
        tpu.wait_dma2 semaphore(%run_scoped3A : memref<!tpu.dma_semaphore, #tpu.memory_space<semaphore_mem>>) src(%dma_wait3A_69 : memref<632x128xf32, #tpu.memory_space<vmem_shared>>) dst(%dma_wait3A_67 : memref<632x128xf32, #tpu.memory_space<hbm>>)
        tpu.yield
      }) : () -> ()
    } else {
    }
    %eq3A_55 = arith.constant 1 : i32
    %eq3A_56 = arith.cmpi eq, %arg0, %eq3A_55 : i32
    %convert_element_type3A_57 = arith.extui %eq3A_56 : i1 to i32
    %cond3A_58 = arith.constant 0 : i32
    %cond3A_59 = arith.cmpi ne, %convert_element_type3A_57, %cond3A_58 : i32
    scf.if %cond3A_59 {
      %mul3A_60 = arith.constant 632 : i32
      %mul3A_61 = arith.muli %arg1, %mul3A_60 : i32
      %mul3A_62 = arith.constant 632 : i32
      %mul3A_63 = arith.muli %arg1, %mul3A_62 : i32
      "tpu.region"() ({
        %run_scoped3A = tpu.sem_alloc : memref<!tpu.dma_semaphore, #tpu.memory_space<semaphore_mem>>
        %dma_start3A = arith.constant 0 : i32
        %dma_start3A_64 = tpu.memref_slice %arg6[%mul3A_63, %dma_start3A] : memref<10112x128xf32, #tpu.memory_space<hbm>> -> memref<632x128xf32, #tpu.memory_space<hbm>>
        %dma_start3A_65 = arith.constant 0 : i32
        %dma_start3A_66 = tpu.memref_slice %arg19[%mul3A_61, %dma_start3A_65] : memref<10112x128xf32, #tpu.memory_space<vmem_shared>> -> memref<632x128xf32, #tpu.memory_space<vmem_shared>>
        tpu.enqueue_dma source(%dma_start3A_66 : memref<632x128xf32, #tpu.memory_space<vmem_shared>>) target(%dma_start3A_64 : memref<632x128xf32, #tpu.memory_space<hbm>>) target_semaphore(%run_scoped3A : memref<!tpu.dma_semaphore, #tpu.memory_space<semaphore_mem>>)
        %dma_wait3A = arith.constant 0 : i32
        %dma_wait3A_67 = tpu.memref_slice %arg6[%mul3A_63, %dma_wait3A] : memref<10112x128xf32, #tpu.memory_space<hbm>> -> memref<632x128xf32, #tpu.memory_space<hbm>>
        %dma_wait3A_68 = arith.constant 0 : i32
        %dma_wait3A_69 = tpu.memref_slice %arg19[%mul3A_61, %dma_wait3A_68] : memref<10112x128xf32, #tpu.memory_space<vmem_shared>> -> memref<632x128xf32, #tpu.memory_space<vmem_shared>>
        tpu.wait_dma2 semaphore(%run_scoped3A : memref<!tpu.dma_semaphore, #tpu.memory_space<semaphore_mem>>) src(%dma_wait3A_69 : memref<632x128xf32, #tpu.memory_space<vmem_shared>>) dst(%dma_wait3A_67 : memref<632x128xf32, #tpu.memory_space<hbm>>)
        tpu.yield
      }) : () -> ()
    } else {
    }
    return
  }
}

#map = affine_map<(d0, d1) -> (0, 0)>
#map1 = affine_map<(d0, d1) -> (0)>
module attributes {stable_mosaic.version = 14 : i64} {
  func.func @gather_k(%arg0: i32, %arg1: i32, %arg2: memref<10000x128xf32, #tpu.memory_space<hbm>>, %arg3: memref<10000x128xf32, #tpu.memory_space<hbm>>, %arg4: memref<320000xi32, #tpu.memory_space<hbm>>, %arg5: memref<320000xi32, #tpu.memory_space<hbm>>, %arg6: memref<160000x128xf32, #tpu.memory_space<hbm>>, %arg7: memref<128xi32, #tpu.memory_space<vmem>>, %arg8: memref<128xi32, #tpu.memory_space<vmem>>, %arg9: memref<128xi32, #tpu.memory_space<vmem>>, %arg10: memref<128xi32, #tpu.memory_space<vmem>>, %arg11: memref<128xi32, #tpu.memory_space<vmem>>, %arg12: memref<128xi32, #tpu.memory_space<vmem>>, %arg13: memref<128x128xf32, #tpu.memory_space<vmem>>, %arg14: memref<128x128xf32, #tpu.memory_space<vmem>>, %arg15: memref<128x128xf32, #tpu.memory_space<vmem>>, %arg16: memref<128x128xf32, #tpu.memory_space<vmem>>, %arg17: memref<4096x128xf32, #tpu.memory_space<vmem_shared>>, %arg18: memref<!tpu.dma_semaphore, #tpu.memory_space<semaphore_mem>>, %arg19: memref<!tpu.dma_semaphore, #tpu.memory_space<semaphore_mem>>, %arg20: memref<!tpu.dma_semaphore, #tpu.memory_space<semaphore_mem>>, %arg21: memref<!tpu.dma_semaphore, #tpu.memory_space<semaphore_mem>>, %arg22: memref<!tpu.dma_semaphore, #tpu.memory_space<semaphore_mem>>, %arg23: memref<!tpu.dma_semaphore, #tpu.memory_space<semaphore_mem>>, %arg24: memref<!tpu.dma_semaphore, #tpu.memory_space<semaphore_mem>>, %arg25: memref<!tpu.dma_semaphore, #tpu.memory_space<semaphore_mem>>, %arg26: memref<!tpu.dma_semaphore, #tpu.memory_space<semaphore_mem>>, %arg27: memref<!tpu.dma_semaphore, #tpu.memory_space<semaphore_mem>>) attributes {dimension_semantics = [#tpu.dimension_semantics<core_parallel>, #tpu.dimension_semantics<subcore_parallel>], iteration_bounds = array<i64: 2, 16>, scalar_prefetch = 0 : i64, scratch_operands = 21 : i64, tpu.core_type = #tpu.core_type<sc_vector_subcore>, window_params = [{transform_indices = #map}, {transform_indices = #map}, {transform_indices = #map1}, {transform_indices = #map1}, {transform_indices = #map}]} {
    %mul3A = arith.constant 2 : i32
    %mul3A_0 = arith.muli %arg1, %mul3A : i32
    %add3A = arith.addi %mul3A_0, %arg0 : i32
    %lt3A = arith.constant 2 : i32
    %lt3A_1 = arith.cmpi slt, %add3A, %lt3A : i32
    %convert_element_type3A = arith.extui %lt3A_1 : i1 to i32
    %mul3A_2 = arith.constant 39 : i32
    %mul3A_3 = arith.muli %mul3A_2, %add3A : i32
    %min3A = arith.constant 2 : i32
    %min3A_4 = arith.minsi %add3A, %min3A : i32
    %add3A_5 = arith.addi %mul3A_3, %min3A_4 : i32
    %add3A_6 = arith.constant 39 : i32
    %add3A_7 = arith.addi %add3A_6, %convert_element_type3A : i32
    %mul3A_8 = arith.constant 2 : i32
    %mul3A_9 = arith.muli %arg1, %mul3A_8 : i32
    %mul3A_10 = arith.constant 128 : i32
    %mul3A_11 = arith.muli %mul3A_9, %mul3A_10 : i32
    %iota3A = tpu.iota {dimensions = array<i32: 0>} : vector<16xi32>
    %add3A_12 = arith.constant 0 : i32
    %add3A_13 = arith.addi %add3A_12, %mul3A_11 : i32
    %add3A_14 = vector.broadcast %add3A_13 : i32 to vector<16xi32>
    %add3A_15 = arith.addi %iota3A, %add3A_14 : vector<16xi32>
    %swap3A = arith.constant 0 : index
    %swap3A_16 = tpu.vector_load %arg7[%swap3A] {strides = array<i32>} : memref<128xi32, #tpu.memory_space<vmem>>, vector<16xi32>,
    %swap3A_17 = vector.shape_cast %swap3A_16 : vector<16xi32> to vector<16xi32>
    %swap3A_18 = vector.shape_cast %add3A_15 : vector<16xi32> to vector<16xi32>
    tpu.vector_store %arg7[%swap3A], %swap3A_18 {strides = array<i32>} : memref<128xi32, #tpu.memory_space<vmem>>, vector<16xi32>,
    %add3A_19 = arith.constant 128 : i32
    %add3A_20 = vector.broadcast %add3A_19 : i32 to vector<16xi32>
    %add3A_21 = arith.addi %add3A_15, %add3A_20 : vector<16xi32>
    %swap3A_22 = arith.constant 0 : index
    %swap3A_23 = tpu.vector_load %arg8[%swap3A_22] {strides = array<i32>} : memref<128xi32, #tpu.memory_space<vmem>>, vector<16xi32>,
    %swap3A_24 = vector.shape_cast %swap3A_23 : vector<16xi32> to vector<16xi32>
    %swap3A_25 = vector.shape_cast %add3A_21 : vector<16xi32> to vector<16xi32>
    tpu.vector_store %arg8[%swap3A_22], %swap3A_25 {strides = array<i32>} : memref<128xi32, #tpu.memory_space<vmem>>, vector<16xi32>,
    %iota3A_26 = tpu.iota {dimensions = array<i32: 0>} : vector<16xi32>
    %add3A_27 = arith.constant 16 : i32
    %add3A_28 = arith.addi %add3A_27, %mul3A_11 : i32
    %add3A_29 = vector.broadcast %add3A_28 : i32 to vector<16xi32>
    %add3A_30 = arith.addi %iota3A_26, %add3A_29 : vector<16xi32>
    %swap3A_31 = arith.constant 16 : index
    %swap3A_32 = tpu.vector_load %arg7[%swap3A_31] {strides = array<i32>} : memref<128xi32, #tpu.memory_space<vmem>>, vector<16xi32>,
    %swap3A_33 = vector.shape_cast %swap3A_32 : vector<16xi32> to vector<16xi32>
    %swap3A_34 = vector.shape_cast %add3A_30 : vector<16xi32> to vector<16xi32>
    tpu.vector_store %arg7[%swap3A_31], %swap3A_34 {strides = array<i32>} : memref<128xi32, #tpu.memory_space<vmem>>, vector<16xi32>,
    %add3A_35 = arith.constant 128 : i32
    %add3A_36 = vector.broadcast %add3A_35 : i32 to vector<16xi32>
    %add3A_37 = arith.addi %add3A_30, %add3A_36 : vector<16xi32>
    %swap3A_38 = arith.constant 16 : index
    %swap3A_39 = tpu.vector_load %arg8[%swap3A_38] {strides = array<i32>} : memref<128xi32, #tpu.memory_space<vmem>>, vector<16xi32>,
    %swap3A_40 = vector.shape_cast %swap3A_39 : vector<16xi32> to vector<16xi32>
    %swap3A_41 = vector.shape_cast %add3A_37 : vector<16xi32> to vector<16xi32>
    tpu.vector_store %arg8[%swap3A_38], %swap3A_41 {strides = array<i32>} : memref<128xi32, #tpu.memory_space<vmem>>, vector<16xi32>,
    %iota3A_42 = tpu.iota {dimensions = array<i32: 0>} : vector<16xi32>
    %add3A_43 = arith.constant 32 : i32
    %add3A_44 = arith.addi %add3A_43, %mul3A_11 : i32
    %add3A_45 = vector.broadcast %add3A_44 : i32 to vector<16xi32>
    %add3A_46 = arith.addi %iota3A_42, %add3A_45 : vector<16xi32>
    %swap3A_47 = arith.constant 32 : index
    %swap3A_48 = tpu.vector_load %arg7[%swap3A_47] {strides = array<i32>} : memref<128xi32, #tpu.memory_space<vmem>>, vector<16xi32>,
    %swap3A_49 = vector.shape_cast %swap3A_48 : vector<16xi32> to vector<16xi32>
    %swap3A_50 = vector.shape_cast %add3A_46 : vector<16xi32> to vector<16xi32>
    tpu.vector_store %arg7[%swap3A_47], %swap3A_50 {strides = array<i32>} : memref<128xi32, #tpu.memory_space<vmem>>, vector<16xi32>,
    %add3A_51 = arith.constant 128 : i32
    %add3A_52 = vector.broadcast %add3A_51 : i32 to vector<16xi32>
    %add3A_53 = arith.addi %add3A_46, %add3A_52 : vector<16xi32>
    %swap3A_54 = arith.constant 32 : index
    %swap3A_55 = tpu.vector_load %arg8[%swap3A_54] {strides = array<i32>} : memref<128xi32, #tpu.memory_space<vmem>>, vector<16xi32>,
    %swap3A_56 = vector.shape_cast %swap3A_55 : vector<16xi32> to vector<16xi32>
    %swap3A_57 = vector.shape_cast %add3A_53 : vector<16xi32> to vector<16xi32>
    tpu.vector_store %arg8[%swap3A_54], %swap3A_57 {strides = array<i32>} : memref<128xi32, #tpu.memory_space<vmem>>, vector<16xi32>,
    %iota3A_58 = tpu.iota {dimensions = array<i32: 0>} : vector<16xi32>
    %add3A_59 = arith.constant 48 : i32
    %add3A_60 = arith.addi %add3A_59, %mul3A_11 : i32
    %add3A_61 = vector.broadcast %add3A_60 : i32 to vector<16xi32>
    %add3A_62 = arith.addi %iota3A_58, %add3A_61 : vector<16xi32>
    %swap3A_63 = arith.constant 48 : index
    %swap3A_64 = tpu.vector_load %arg7[%swap3A_63] {strides = array<i32>} : memref<128xi32, #tpu.memory_space<vmem>>, vector<16xi32>,
    %swap3A_65 = vector.shape_cast %swap3A_64 : vector<16xi32> to vector<16xi32>
    %swap3A_66 = vector.shape_cast %add3A_62 : vector<16xi32> to vector<16xi32>
    tpu.vector_store %arg7[%swap3A_63], %swap3A_66 {strides = array<i32>} : memref<128xi32, #tpu.memory_space<vmem>>, vector<16xi32>,
    %add3A_67 = arith.constant 128 : i32
    %add3A_68 = vector.broadcast %add3A_67 : i32 to vector<16xi32>
    %add3A_69 = arith.addi %add3A_62, %add3A_68 : vector<16xi32>
    %swap3A_70 = arith.constant 48 : index
    %swap3A_71 = tpu.vector_load %arg8[%swap3A_70] {strides = array<i32>} : memref<128xi32, #tpu.memory_space<vmem>>, vector<16xi32>,
    %swap3A_72 = vector.shape_cast %swap3A_71 : vector<16xi32> to vector<16xi32>
    %swap3A_73 = vector.shape_cast %add3A_69 : vector<16xi32> to vector<16xi32>
    tpu.vector_store %arg8[%swap3A_70], %swap3A_73 {strides = array<i32>} : memref<128xi32, #tpu.memory_space<vmem>>, vector<16xi32>,
    %iota3A_74 = tpu.iota {dimensions = array<i32: 0>} : vector<16xi32>
    %add3A_75 = arith.constant 64 : i32
    %add3A_76 = arith.addi %add3A_75, %mul3A_11 : i32
    %add3A_77 = vector.broadcast %add3A_76 : i32 to vector<16xi32>
    %add3A_78 = arith.addi %iota3A_74, %add3A_77 : vector<16xi32>
    %swap3A_79 = arith.constant 64 : index
    %swap3A_80 = tpu.vector_load %arg7[%swap3A_79] {strides = array<i32>} : memref<128xi32, #tpu.memory_space<vmem>>, vector<16xi32>,
    %swap3A_81 = vector.shape_cast %swap3A_80 : vector<16xi32> to vector<16xi32>
    %swap3A_82 = vector.shape_cast %add3A_78 : vector<16xi32> to vector<16xi32>
    tpu.vector_store %arg7[%swap3A_79], %swap3A_82 {strides = array<i32>} : memref<128xi32, #tpu.memory_space<vmem>>, vector<16xi32>,
    %add3A_83 = arith.constant 128 : i32
    %add3A_84 = vector.broadcast %add3A_83 : i32 to vector<16xi32>
    %add3A_85 = arith.addi %add3A_78, %add3A_84 : vector<16xi32>
    %swap3A_86 = arith.constant 64 : index
    %swap3A_87 = tpu.vector_load %arg8[%swap3A_86] {strides = array<i32>} : memref<128xi32, #tpu.memory_space<vmem>>, vector<16xi32>,
    %swap3A_88 = vector.shape_cast %swap3A_87 : vector<16xi32> to vector<16xi32>
    %swap3A_89 = vector.shape_cast %add3A_85 : vector<16xi32> to vector<16xi32>
    tpu.vector_store %arg8[%swap3A_86], %swap3A_89 {strides = array<i32>} : memref<128xi32, #tpu.memory_space<vmem>>, vector<16xi32>,
    %iota3A_90 = tpu.iota {dimensions = array<i32: 0>} : vector<16xi32>
    %add3A_91 = arith.constant 80 : i32
    %add3A_92 = arith.addi %add3A_91, %mul3A_11 : i32
    %add3A_93 = vector.broadcast %add3A_92 : i32 to vector<16xi32>
    %add3A_94 = arith.addi %iota3A_90, %add3A_93 : vector<16xi32>
    %swap3A_95 = arith.constant 80 : index
    %swap3A_96 = tpu.vector_load %arg7[%swap3A_95] {strides = array<i32>} : memref<128xi32, #tpu.memory_space<vmem>>, vector<16xi32>,
    %swap3A_97 = vector.shape_cast %swap3A_96 : vector<16xi32> to vector<16xi32>
    %swap3A_98 = vector.shape_cast %add3A_94 : vector<16xi32> to vector<16xi32>
    tpu.vector_store %arg7[%swap3A_95], %swap3A_98 {strides = array<i32>} : memref<128xi32, #tpu.memory_space<vmem>>, vector<16xi32>,
    %add3A_99 = arith.constant 128 : i32
    %add3A_100 = vector.broadcast %add3A_99 : i32 to vector<16xi32>
    %add3A_101 = arith.addi %add3A_94, %add3A_100 : vector<16xi32>
    %swap3A_102 = arith.constant 80 : index
    %swap3A_103 = tpu.vector_load %arg8[%swap3A_102] {strides = array<i32>} : memref<128xi32, #tpu.memory_space<vmem>>, vector<16xi32>,
    %swap3A_104 = vector.shape_cast %swap3A_103 : vector<16xi32> to vector<16xi32>
    %swap3A_105 = vector.shape_cast %add3A_101 : vector<16xi32> to vector<16xi32>
    tpu.vector_store %arg8[%swap3A_102], %swap3A_105 {strides = array<i32>} : memref<128xi32, #tpu.memory_space<vmem>>, vector<16xi32>,
    %iota3A_106 = tpu.iota {dimensions = array<i32: 0>} : vector<16xi32>
    %add3A_107 = arith.constant 96 : i32
    %add3A_108 = arith.addi %add3A_107, %mul3A_11 : i32
    %add3A_109 = vector.broadcast %add3A_108 : i32 to vector<16xi32>
    %add3A_110 = arith.addi %iota3A_106, %add3A_109 : vector<16xi32>
    %swap3A_111 = arith.constant 96 : index
    %swap3A_112 = tpu.vector_load %arg7[%swap3A_111] {strides = array<i32>} : memref<128xi32, #tpu.memory_space<vmem>>, vector<16xi32>,
    %swap3A_113 = vector.shape_cast %swap3A_112 : vector<16xi32> to vector<16xi32>
    %swap3A_114 = vector.shape_cast %add3A_110 : vector<16xi32> to vector<16xi32>
    tpu.vector_store %arg7[%swap3A_111], %swap3A_114 {strides = array<i32>} : memref<128xi32, #tpu.memory_space<vmem>>, vector<16xi32>,
    %add3A_115 = arith.constant 128 : i32
    %add3A_116 = vector.broadcast %add3A_115 : i32 to vector<16xi32>
    %add3A_117 = arith.addi %add3A_110, %add3A_116 : vector<16xi32>
    %swap3A_118 = arith.constant 96 : index
    %swap3A_119 = tpu.vector_load %arg8[%swap3A_118] {strides = array<i32>} : memref<128xi32, #tpu.memory_space<vmem>>, vector<16xi32>,
    %swap3A_120 = vector.shape_cast %swap3A_119 : vector<16xi32> to vector<16xi32>
    %swap3A_121 = vector.shape_cast %add3A_117 : vector<16xi32> to vector<16xi32>
    tpu.vector_store %arg8[%swap3A_118], %swap3A_121 {strides = array<i32>} : memref<128xi32, #tpu.memory_space<vmem>>, vector<16xi32>,
    %iota3A_122 = tpu.iota {dimensions = array<i32: 0>} : vector<16xi32>
    %add3A_123 = arith.constant 112 : i32
    %add3A_124 = arith.addi %add3A_123, %mul3A_11 : i32
    %add3A_125 = vector.broadcast %add3A_124 : i32 to vector<16xi32>
    %add3A_126 = arith.addi %iota3A_122, %add3A_125 : vector<16xi32>
    %swap3A_127 = arith.constant 112 : index
    %swap3A_128 = tpu.vector_load %arg7[%swap3A_127] {strides = array<i32>} : memref<128xi32, #tpu.memory_space<vmem>>, vector<16xi32>,
    %swap3A_129 = vector.shape_cast %swap3A_128 : vector<16xi32> to vector<16xi32>
    %swap3A_130 = vector.shape_cast %add3A_126 : vector<16xi32> to vector<16xi32>
    tpu.vector_store %arg7[%swap3A_127], %swap3A_130 {strides = array<i32>} : memref<128xi32, #tpu.memory_space<vmem>>, vector<16xi32>,
    %add3A_131 = arith.constant 128 : i32
    %add3A_132 = vector.broadcast %add3A_131 : i32 to vector<16xi32>
    %add3A_133 = arith.addi %add3A_126, %add3A_132 : vector<16xi32>
    %swap3A_134 = arith.constant 112 : index
    %swap3A_135 = tpu.vector_load %arg8[%swap3A_134] {strides = array<i32>} : memref<128xi32, #tpu.memory_space<vmem>>, vector<16xi32>,
    %swap3A_136 = vector.shape_cast %swap3A_135 : vector<16xi32> to vector<16xi32>
    %swap3A_137 = vector.shape_cast %add3A_133 : vector<16xi32> to vector<16xi32>
    tpu.vector_store %arg8[%swap3A_134], %swap3A_137 {strides = array<i32>} : memref<128xi32, #tpu.memory_space<vmem>>, vector<16xi32>,
    %jit3A = arith.constant 2 : i32
    %div3A = arith.divsi %add3A_7, %jit3A : i32
    %sign3A = arith.constant 0 : i32
    %sign3A_138 = arith.cmpi sgt, %add3A_7, %sign3A : i32
    %sign3A_139 = arith.extui %sign3A_138 : i1 to i32
    %sign3A_140 = arith.constant 0 : i32
    %sign3A_141 = arith.cmpi slt, %add3A_7, %sign3A_140 : i32
    %sign3A_142 = arith.extui %sign3A_141 : i1 to i32
    %sign3A_143 = arith.subi %sign3A_139, %sign3A_142 : i32
    %sign3A_144 = arith.constant 0 : i32
    %sign3A_145 = arith.cmpi sgt, %jit3A, %sign3A_144 : i32
    %sign3A_146 = arith.extui %sign3A_145 : i1 to i32
    %sign3A_147 = arith.constant 0 : i32
    %sign3A_148 = arith.cmpi slt, %jit3A, %sign3A_147 : i32
    %sign3A_149 = arith.extui %sign3A_148 : i1 to i32
    %sign3A_150 = arith.subi %sign3A_146, %sign3A_149 : i32
    %ne3A = arith.cmpi ne, %sign3A_143, %sign3A_150 : i32
    %rem3A = arith.remsi %add3A_7, %jit3A : i32
    %ne3A_151 = arith.constant 0 : i32
    %ne3A_152 = arith.cmpi ne, %rem3A, %ne3A_151 : i32
    %and3A = arith.andi %ne3A, %ne3A_152 : i1
    %sub3A = arith.constant 1 : i32
    %sub3A_153 = arith.subi %div3A, %sub3A : i32
    %select_n3A = arith.select %and3A, %sub3A_153, %div3A : i32
    %while3A = arith.constant 0 : i32
    %while3A_154 = arith.constant 0 : i32
    %while3A_155 = arith.subi %select_n3A, %while3A_154 : i32
    %while3A_156 = arith.addi %while3A_154, %while3A_155 : i32
    %while3A_157 = arith.constant 1 : i32
    %while3A_158 = arith.divsi %while3A_155, %while3A_157 : i32
    %while3A_159 = arith.muli %while3A_158, %while3A_157 : i32
    %while3A_160 = arith.addi %while3A_154, %while3A_159 : i32
    %while3A_161 = arith.constant 1 : i32
    scf.for %while3A_182 = %while3A_154 to %while3A_160 step %while3A_161  : i32 {
      %mul3A_183 = arith.constant 2 : i32
      %mul3A_184 = arith.muli %mul3A_183, %while3A_182 : i32
      %add3A_185 = arith.addi %add3A_5, %mul3A_184 : i32
      %mul3A_186 = arith.constant 128 : i32
      %mul3A_187 = arith.muli %add3A_185, %mul3A_186 : i32
      %add3A_188 = arith.constant 128 : i32
      %add3A_189 = arith.addi %mul3A_187, %add3A_188 : i32
      %add3A_190 = arith.constant 160000 : i32
      %add3A_191 = arith.addi %mul3A_187, %add3A_190 : i32
      %dma_start3A = tpu.memref_slice %arg4[%add3A_191] : memref<320000xi32, #tpu.memory_space<hbm>> -> memref<128xi32, #tpu.memory_space<hbm>>
      %dma_start3A_192 = tpu.memref_slice %arg4[%add3A_191] : memref<320000xi32, #tpu.memory_space<hbm>> -> memref<128xi32, #tpu.memory_space<hbm>>
      tpu.enqueue_dma source(%dma_start3A_192 : memref<128xi32, #tpu.memory_space<hbm>>) target(%arg9 : memref<128xi32, #tpu.memory_space<vmem>>) target_semaphore(%arg18 : memref<!tpu.dma_semaphore, #tpu.memory_space<semaphore_mem>>)
      %dma_start3A_193 = tpu.memref_slice %arg5[%add3A_191] : memref<320000xi32, #tpu.memory_space<hbm>> -> memref<128xi32, #tpu.memory_space<hbm>>
      %dma_start3A_194 = tpu.memref_slice %arg5[%add3A_191] : memref<320000xi32, #tpu.memory_space<hbm>> -> memref<128xi32, #tpu.memory_space<hbm>>
      tpu.enqueue_dma source(%dma_start3A_194 : memref<128xi32, #tpu.memory_space<hbm>>) target(%arg10 : memref<128xi32, #tpu.memory_space<vmem>>) target_semaphore(%arg18 : memref<!tpu.dma_semaphore, #tpu.memory_space<semaphore_mem>>)
      %add3A_195 = arith.constant 160000 : i32
      %add3A_196 = arith.addi %add3A_189, %add3A_195 : i32
      %dma_start3A_197 = tpu.memref_slice %arg4[%add3A_196] : memref<320000xi32, #tpu.memory_space<hbm>> -> memref<128xi32, #tpu.memory_space<hbm>>
      %dma_start3A_198 = tpu.memref_slice %arg4[%add3A_196] : memref<320000xi32, #tpu.memory_space<hbm>> -> memref<128xi32, #tpu.memory_space<hbm>>
      tpu.enqueue_dma source(%dma_start3A_198 : memref<128xi32, #tpu.memory_space<hbm>>) target(%arg11 : memref<128xi32, #tpu.memory_space<vmem>>) target_semaphore(%arg18 : memref<!tpu.dma_semaphore, #tpu.memory_space<semaphore_mem>>)
      %dma_start3A_199 = tpu.memref_slice %arg5[%add3A_196] : memref<320000xi32, #tpu.memory_space<hbm>> -> memref<128xi32, #tpu.memory_space<hbm>>
      %dma_start3A_200 = tpu.memref_slice %arg5[%add3A_196] : memref<320000xi32, #tpu.memory_space<hbm>> -> memref<128xi32, #tpu.memory_space<hbm>>
      tpu.enqueue_dma source(%dma_start3A_200 : memref<128xi32, #tpu.memory_space<hbm>>) target(%arg12 : memref<128xi32, #tpu.memory_space<vmem>>) target_semaphore(%arg18 : memref<!tpu.dma_semaphore, #tpu.memory_space<semaphore_mem>>)
      %dma_wait3A = tpu.memref_slice %arg4[%add3A_191] : memref<320000xi32, #tpu.memory_space<hbm>> -> memref<128xi32, #tpu.memory_space<hbm>>
      %dma_wait3A_201 = tpu.memref_slice %arg4[%add3A_191] : memref<320000xi32, #tpu.memory_space<hbm>> -> memref<128xi32, #tpu.memory_space<hbm>>
      tpu.wait_dma2 semaphore(%arg18 : memref<!tpu.dma_semaphore, #tpu.memory_space<semaphore_mem>>) src(%dma_wait3A_201 : memref<128xi32, #tpu.memory_space<hbm>>) dst(%arg9 : memref<128xi32, #tpu.memory_space<vmem>>)
      %dma_wait3A_202 = tpu.memref_slice %arg5[%add3A_191] : memref<320000xi32, #tpu.memory_space<hbm>> -> memref<128xi32, #tpu.memory_space<hbm>>
      %dma_wait3A_203 = tpu.memref_slice %arg5[%add3A_191] : memref<320000xi32, #tpu.memory_space<hbm>> -> memref<128xi32, #tpu.memory_space<hbm>>
      tpu.wait_dma2 semaphore(%arg18 : memref<!tpu.dma_semaphore, #tpu.memory_space<semaphore_mem>>) src(%dma_wait3A_203 : memref<128xi32, #tpu.memory_space<hbm>>) dst(%arg10 : memref<128xi32, #tpu.memory_space<vmem>>)
      %dma_wait3A_204 = tpu.memref_slice %arg4[%add3A_196] : memref<320000xi32, #tpu.memory_space<hbm>> -> memref<128xi32, #tpu.memory_space<hbm>>
      %dma_wait3A_205 = tpu.memref_slice %arg4[%add3A_196] : memref<320000xi32, #tpu.memory_space<hbm>> -> memref<128xi32, #tpu.memory_space<hbm>>
      tpu.wait_dma2 semaphore(%arg18 : memref<!tpu.dma_semaphore, #tpu.memory_space<semaphore_mem>>) src(%dma_wait3A_205 : memref<128xi32, #tpu.memory_space<hbm>>) dst(%arg11 : memref<128xi32, #tpu.memory_space<vmem>>)
      %dma_wait3A_206 = tpu.memref_slice %arg5[%add3A_196] : memref<320000xi32, #tpu.memory_space<hbm>> -> memref<128xi32, #tpu.memory_space<hbm>>
      %dma_wait3A_207 = tpu.memref_slice %arg5[%add3A_196] : memref<320000xi32, #tpu.memory_space<hbm>> -> memref<128xi32, #tpu.memory_space<hbm>>
      tpu.wait_dma2 semaphore(%arg18 : memref<!tpu.dma_semaphore, #tpu.memory_space<semaphore_mem>>) src(%dma_wait3A_207 : memref<128xi32, #tpu.memory_space<hbm>>) dst(%arg12 : memref<128xi32, #tpu.memory_space<vmem>>)
      %dma_start3A_208 = arith.constant 0 : i32
      %dma_start3A_209 = arith.constant 0 : i32
      %dma_start3A_210 = tpu.memref_slice %arg2[%dma_start3A_208, %dma_start3A_209] : memref<10000x128xf32, #tpu.memory_space<hbm>> -> memref<10000x128xf32, #tpu.memory_space<hbm>>
      tpu.enqueue_indirect_dma source(%dma_start3A_210 : memref<10000x128xf32, #tpu.memory_space<hbm>>) target(%arg13 : memref<128x128xf32, #tpu.memory_space<vmem>>) offsets(%arg9 : memref<128xi32, #tpu.memory_space<vmem>>) semaphore(%arg19 : memref<!tpu.dma_semaphore, #tpu.memory_space<semaphore_mem>>)
      %dma_start3A_211 = arith.constant 0 : i32
      %dma_start3A_212 = arith.constant 0 : i32
      %dma_start3A_213 = tpu.memref_slice %arg3[%dma_start3A_211, %dma_start3A_212] : memref<10000x128xf32, #tpu.memory_space<hbm>> -> memref<10000x128xf32, #tpu.memory_space<hbm>>
      tpu.enqueue_indirect_dma source(%dma_start3A_213 : memref<10000x128xf32, #tpu.memory_space<hbm>>) target(%arg14 : memref<128x128xf32, #tpu.memory_space<vmem>>) offsets(%arg10 : memref<128xi32, #tpu.memory_space<vmem>>) semaphore(%arg20 : memref<!tpu.dma_semaphore, #tpu.memory_space<semaphore_mem>>)
      %dma_start3A_214 = arith.constant 0 : i32
      %dma_start3A_215 = arith.constant 0 : i32
      %dma_start3A_216 = tpu.memref_slice %arg2[%dma_start3A_214, %dma_start3A_215] : memref<10000x128xf32, #tpu.memory_space<hbm>> -> memref<10000x128xf32, #tpu.memory_space<hbm>>
      tpu.enqueue_indirect_dma source(%dma_start3A_216 : memref<10000x128xf32, #tpu.memory_space<hbm>>) target(%arg15 : memref<128x128xf32, #tpu.memory_space<vmem>>) offsets(%arg11 : memref<128xi32, #tpu.memory_space<vmem>>) semaphore(%arg21 : memref<!tpu.dma_semaphore, #tpu.memory_space<semaphore_mem>>)
      %dma_start3A_217 = arith.constant 0 : i32
      %dma_start3A_218 = arith.constant 0 : i32
      %dma_start3A_219 = tpu.memref_slice %arg3[%dma_start3A_217, %dma_start3A_218] : memref<10000x128xf32, #tpu.memory_space<hbm>> -> memref<10000x128xf32, #tpu.memory_space<hbm>>
      tpu.enqueue_indirect_dma source(%dma_start3A_219 : memref<10000x128xf32, #tpu.memory_space<hbm>>) target(%arg16 : memref<128x128xf32, #tpu.memory_space<vmem>>) offsets(%arg12 : memref<128xi32, #tpu.memory_space<vmem>>) semaphore(%arg22 : memref<!tpu.dma_semaphore, #tpu.memory_space<semaphore_mem>>)
      %dma_wait3A_220 = arith.constant 0 : i32
      %dma_wait3A_221 = arith.constant 0 : i32
      %dma_wait3A_222 = tpu.memref_slice %arg2[%dma_wait3A_220, %dma_wait3A_221] : memref<10000x128xf32, #tpu.memory_space<hbm>> -> memref<10000x128xf32, #tpu.memory_space<hbm>>
      tpu.wait_indirect_dma semaphore(%arg19 : memref<!tpu.dma_semaphore, #tpu.memory_space<semaphore_mem>>) src(%dma_wait3A_222 : memref<10000x128xf32, #tpu.memory_space<hbm>>) dst(%arg13 : memref<128x128xf32, #tpu.memory_space<vmem>>)
      %add3A_223 = arith.constant 0 : i32
      %add3A_224 = arith.addi %mul3A_11, %add3A_223 : i32
      %dma_start3A_225 = arith.constant 0 : i32
      %dma_start3A_226 = tpu.memref_slice %arg17[%add3A_224, %dma_start3A_225] : memref<4096x128xf32, #tpu.memory_space<vmem_shared>> -> memref<128x128xf32, #tpu.memory_space<vmem_shared>>
      %dma_start3A_227 = arith.constant 0 : i32
      %dma_start3A_228 = tpu.memref_slice %arg17[%add3A_224, %dma_start3A_227] : memref<4096x128xf32, #tpu.memory_space<vmem_shared>> -> memref<128x128xf32, #tpu.memory_space<vmem_shared>>
      tpu.enqueue_dma source(%arg13 : memref<128x128xf32, #tpu.memory_space<vmem>>) target(%dma_start3A_228 : memref<128x128xf32, #tpu.memory_space<vmem_shared>>) target_semaphore(%arg23 : memref<!tpu.dma_semaphore, #tpu.memory_space<semaphore_mem>>)
      %dma_wait3A_229 = arith.constant 0 : i32
      %dma_wait3A_230 = arith.constant 0 : i32
      %dma_wait3A_231 = tpu.memref_slice %arg2[%dma_wait3A_229, %dma_wait3A_230] : memref<10000x128xf32, #tpu.memory_space<hbm>> -> memref<10000x128xf32, #tpu.memory_space<hbm>>
      tpu.wait_indirect_dma semaphore(%arg21 : memref<!tpu.dma_semaphore, #tpu.memory_space<semaphore_mem>>) src(%dma_wait3A_231 : memref<10000x128xf32, #tpu.memory_space<hbm>>) dst(%arg15 : memref<128x128xf32, #tpu.memory_space<vmem>>)
      %add3A_232 = arith.constant 128 : i32
      %add3A_233 = arith.addi %mul3A_11, %add3A_232 : i32
      %dma_start3A_234 = arith.constant 0 : i32
      %dma_start3A_235 = tpu.memref_slice %arg17[%add3A_233, %dma_start3A_234] : memref<4096x128xf32, #tpu.memory_space<vmem_shared>> -> memref<128x128xf32, #tpu.memory_space<vmem_shared>>
      %dma_start3A_236 = arith.constant 0 : i32
      %dma_start3A_237 = tpu.memref_slice %arg17[%add3A_233, %dma_start3A_236] : memref<4096x128xf32, #tpu.memory_space<vmem_shared>> -> memref<128x128xf32, #tpu.memory_space<vmem_shared>>
      tpu.enqueue_dma source(%arg15 : memref<128x128xf32, #tpu.memory_space<vmem>>) target(%dma_start3A_237 : memref<128x128xf32, #tpu.memory_space<vmem_shared>>) target_semaphore(%arg24 : memref<!tpu.dma_semaphore, #tpu.memory_space<semaphore_mem>>)
      %dma_wait3A_238 = arith.constant 0 : i32
      %dma_wait3A_239 = tpu.memref_slice %arg17[%add3A_224, %dma_wait3A_238] : memref<4096x128xf32, #tpu.memory_space<vmem_shared>> -> memref<128x128xf32, #tpu.memory_space<vmem_shared>>
      %dma_wait3A_240 = arith.constant 0 : i32
      %dma_wait3A_241 = tpu.memref_slice %arg17[%add3A_224, %dma_wait3A_240] : memref<4096x128xf32, #tpu.memory_space<vmem_shared>> -> memref<128x128xf32, #tpu.memory_space<vmem_shared>>
      tpu.wait_dma2 semaphore(%arg23 : memref<!tpu.dma_semaphore, #tpu.memory_space<semaphore_mem>>) src(%arg13 : memref<128x128xf32, #tpu.memory_space<vmem>>) dst(%dma_wait3A_241 : memref<128x128xf32, #tpu.memory_space<vmem_shared>>)
      %dma_wait3A_242 = arith.constant 0 : i32
      %dma_wait3A_243 = arith.constant 0 : i32
      %dma_wait3A_244 = tpu.memref_slice %arg3[%dma_wait3A_242, %dma_wait3A_243] : memref<10000x128xf32, #tpu.memory_space<hbm>> -> memref<10000x128xf32, #tpu.memory_space<hbm>>
      tpu.wait_indirect_dma semaphore(%arg20 : memref<!tpu.dma_semaphore, #tpu.memory_space<semaphore_mem>>) src(%dma_wait3A_244 : memref<10000x128xf32, #tpu.memory_space<hbm>>) dst(%arg14 : memref<128x128xf32, #tpu.memory_space<vmem>>)
      %dma_start3A_245 = arith.constant 0 : i32
      %dma_start3A_246 = arith.constant 0 : i32
      %dma_start3A_247 = tpu.memref_slice %arg17[%dma_start3A_245, %dma_start3A_246] : memref<4096x128xf32, #tpu.memory_space<vmem_shared>> -> memref<4096x128xf32, #tpu.memory_space<vmem_shared>>
      tpu.enqueue_indirect_dma source(%arg14 : memref<128x128xf32, #tpu.memory_space<vmem>>) target(%dma_start3A_247 : memref<4096x128xf32, #tpu.memory_space<vmem_shared>>) offsets(%arg7 : memref<128xi32, #tpu.memory_space<vmem>>) semaphore(%arg25 : memref<!tpu.dma_semaphore, #tpu.memory_space<semaphore_mem>>) {add = true}
      %dma_wait3A_248 = arith.constant 0 : i32
      %dma_wait3A_249 = tpu.memref_slice %arg17[%add3A_233, %dma_wait3A_248] : memref<4096x128xf32, #tpu.memory_space<vmem_shared>> -> memref<128x128xf32, #tpu.memory_space<vmem_shared>>
      %dma_wait3A_250 = arith.constant 0 : i32
      %dma_wait3A_251 = tpu.memref_slice %arg17[%add3A_233, %dma_wait3A_250] : memref<4096x128xf32, #tpu.memory_space<vmem_shared>> -> memref<128x128xf32, #tpu.memory_space<vmem_shared>>
      tpu.wait_dma2 semaphore(%arg24 : memref<!tpu.dma_semaphore, #tpu.memory_space<semaphore_mem>>) src(%arg15 : memref<128x128xf32, #tpu.memory_space<vmem>>) dst(%dma_wait3A_251 : memref<128x128xf32, #tpu.memory_space<vmem_shared>>)
      %dma_wait3A_252 = arith.constant 0 : i32
      %dma_wait3A_253 = arith.constant 0 : i32
      %dma_wait3A_254 = tpu.memref_slice %arg3[%dma_wait3A_252, %dma_wait3A_253] : memref<10000x128xf32, #tpu.memory_space<hbm>> -> memref<10000x128xf32, #tpu.memory_space<hbm>>
      tpu.wait_indirect_dma semaphore(%arg22 : memref<!tpu.dma_semaphore, #tpu.memory_space<semaphore_mem>>) src(%dma_wait3A_254 : memref<10000x128xf32, #tpu.memory_space<hbm>>) dst(%arg16 : memref<128x128xf32, #tpu.memory_space<vmem>>)
      %dma_start3A_255 = arith.constant 0 : i32
      %dma_start3A_256 = arith.constant 0 : i32
      %dma_start3A_257 = tpu.memref_slice %arg17[%dma_start3A_255, %dma_start3A_256] : memref<4096x128xf32, #tpu.memory_space<vmem_shared>> -> memref<4096x128xf32, #tpu.memory_space<vmem_shared>>
      tpu.enqueue_indirect_dma source(%arg16 : memref<128x128xf32, #tpu.memory_space<vmem>>) target(%dma_start3A_257 : memref<4096x128xf32, #tpu.memory_space<vmem_shared>>) offsets(%arg8 : memref<128xi32, #tpu.memory_space<vmem>>) semaphore(%arg26 : memref<!tpu.dma_semaphore, #tpu.memory_space<semaphore_mem>>) {add = true}
      %dma_wait3A_258 = arith.constant 0 : i32
      %dma_wait3A_259 = arith.constant 0 : i32
      %dma_wait3A_260 = tpu.memref_slice %arg17[%dma_wait3A_258, %dma_wait3A_259] : memref<4096x128xf32, #tpu.memory_space<vmem_shared>> -> memref<4096x128xf32, #tpu.memory_space<vmem_shared>>
      tpu.wait_indirect_dma semaphore(%arg25 : memref<!tpu.dma_semaphore, #tpu.memory_space<semaphore_mem>>) src(%arg14 : memref<128x128xf32, #tpu.memory_space<vmem>>) dst(%dma_wait3A_260 : memref<4096x128xf32, #tpu.memory_space<vmem_shared>>)
      %add3A_261 = arith.constant 0 : i32
      %add3A_262 = arith.addi %mul3A_11, %add3A_261 : i32
      %dma_start3A_263 = arith.constant 0 : i32
      %dma_start3A_264 = tpu.memref_slice %arg6[%mul3A_187, %dma_start3A_263] : memref<160000x128xf32, #tpu.memory_space<hbm>> -> memref<128x128xf32, #tpu.memory_space<hbm>>
      %dma_start3A_265 = arith.constant 0 : i32
      %dma_start3A_266 = tpu.memref_slice %arg17[%add3A_262, %dma_start3A_265] : memref<4096x128xf32, #tpu.memory_space<vmem_shared>> -> memref<128x128xf32, #tpu.memory_space<vmem_shared>>
      tpu.enqueue_dma source(%dma_start3A_266 : memref<128x128xf32, #tpu.memory_space<vmem_shared>>) target(%dma_start3A_264 : memref<128x128xf32, #tpu.memory_space<hbm>>) target_semaphore(%arg27 : memref<!tpu.dma_semaphore, #tpu.memory_space<semaphore_mem>>)
      %dma_wait3A_267 = arith.constant 0 : i32
      %dma_wait3A_268 = arith.constant 0 : i32
      %dma_wait3A_269 = tpu.memref_slice %arg17[%dma_wait3A_267, %dma_wait3A_268] : memref<4096x128xf32, #tpu.memory_space<vmem_shared>> -> memref<4096x128xf32, #tpu.memory_space<vmem_shared>>
      tpu.wait_indirect_dma semaphore(%arg26 : memref<!tpu.dma_semaphore, #tpu.memory_space<semaphore_mem>>) src(%arg16 : memref<128x128xf32, #tpu.memory_space<vmem>>) dst(%dma_wait3A_269 : memref<4096x128xf32, #tpu.memory_space<vmem_shared>>)
      %add3A_270 = arith.constant 128 : i32
      %add3A_271 = arith.addi %mul3A_11, %add3A_270 : i32
      %dma_start3A_272 = arith.constant 0 : i32
      %dma_start3A_273 = tpu.memref_slice %arg6[%add3A_189, %dma_start3A_272] : memref<160000x128xf32, #tpu.memory_space<hbm>> -> memref<128x128xf32, #tpu.memory_space<hbm>>
      %dma_start3A_274 = arith.constant 0 : i32
      %dma_start3A_275 = tpu.memref_slice %arg17[%add3A_271, %dma_start3A_274] : memref<4096x128xf32, #tpu.memory_space<vmem_shared>> -> memref<128x128xf32, #tpu.memory_space<vmem_shared>>
      tpu.enqueue_dma source(%dma_start3A_275 : memref<128x128xf32, #tpu.memory_space<vmem_shared>>) target(%dma_start3A_273 : memref<128x128xf32, #tpu.memory_space<hbm>>) target_semaphore(%arg27 : memref<!tpu.dma_semaphore, #tpu.memory_space<semaphore_mem>>)
      %dma_wait3A_276 = arith.constant 0 : i32
      %dma_wait3A_277 = tpu.memref_slice %arg6[%mul3A_187, %dma_wait3A_276] : memref<160000x128xf32, #tpu.memory_space<hbm>> -> memref<128x128xf32, #tpu.memory_space<hbm>>
      %dma_wait3A_278 = arith.constant 0 : i32
      %dma_wait3A_279 = tpu.memref_slice %arg17[%add3A_262, %dma_wait3A_278] : memref<4096x128xf32, #tpu.memory_space<vmem_shared>> -> memref<128x128xf32, #tpu.memory_space<vmem_shared>>
      tpu.wait_dma2 semaphore(%arg27 : memref<!tpu.dma_semaphore, #tpu.memory_space<semaphore_mem>>) src(%dma_wait3A_279 : memref<128x128xf32, #tpu.memory_space<vmem_shared>>) dst(%dma_wait3A_277 : memref<128x128xf32, #tpu.memory_space<hbm>>)
      %dma_wait3A_280 = arith.constant 0 : i32
      %dma_wait3A_281 = tpu.memref_slice %arg6[%add3A_189, %dma_wait3A_280] : memref<160000x128xf32, #tpu.memory_space<hbm>> -> memref<128x128xf32, #tpu.memory_space<hbm>>
      %dma_wait3A_282 = arith.constant 0 : i32
      %dma_wait3A_283 = tpu.memref_slice %arg17[%add3A_271, %dma_wait3A_282] : memref<4096x128xf32, #tpu.memory_space<vmem_shared>> -> memref<128x128xf32, #tpu.memory_space<vmem_shared>>
      tpu.wait_dma2 semaphore(%arg27 : memref<!tpu.dma_semaphore, #tpu.memory_space<semaphore_mem>>) src(%dma_wait3A_283 : memref<128x128xf32, #tpu.memory_space<vmem_shared>>) dst(%dma_wait3A_281 : memref<128x128xf32, #tpu.memory_space<hbm>>)
    }
    %while3A_162 = arith.constant 1 : i32
    scf.for %while3A_182 = %while3A_160 to %while3A_156 step %while3A_162  : i32 {
      %mul3A_183 = arith.constant 2 : i32
      %mul3A_184 = arith.muli %mul3A_183, %while3A_182 : i32
      %add3A_185 = arith.addi %add3A_5, %mul3A_184 : i32
      %mul3A_186 = arith.constant 128 : i32
      %mul3A_187 = arith.muli %add3A_185, %mul3A_186 : i32
      %add3A_188 = arith.constant 128 : i32
      %add3A_189 = arith.addi %mul3A_187, %add3A_188 : i32
      %add3A_190 = arith.constant 160000 : i32
      %add3A_191 = arith.addi %mul3A_187, %add3A_190 : i32
      %dma_start3A = tpu.memref_slice %arg4[%add3A_191] : memref<320000xi32, #tpu.memory_space<hbm>> -> memref<128xi32, #tpu.memory_space<hbm>>
      %dma_start3A_192 = tpu.memref_slice %arg4[%add3A_191] : memref<320000xi32, #tpu.memory_space<hbm>> -> memref<128xi32, #tpu.memory_space<hbm>>
      tpu.enqueue_dma source(%dma_start3A_192 : memref<128xi32, #tpu.memory_space<hbm>>) target(%arg9 : memref<128xi32, #tpu.memory_space<vmem>>) target_semaphore(%arg18 : memref<!tpu.dma_semaphore, #tpu.memory_space<semaphore_mem>>)
      %dma_start3A_193 = tpu.memref_slice %arg5[%add3A_191] : memref<320000xi32, #tpu.memory_space<hbm>> -> memref<128xi32, #tpu.memory_space<hbm>>
      %dma_start3A_194 = tpu.memref_slice %arg5[%add3A_191] : memref<320000xi32, #tpu.memory_space<hbm>> -> memref<128xi32, #tpu.memory_space<hbm>>
      tpu.enqueue_dma source(%dma_start3A_194 : memref<128xi32, #tpu.memory_space<hbm>>) target(%arg10 : memref<128xi32, #tpu.memory_space<vmem>>) target_semaphore(%arg18 : memref<!tpu.dma_semaphore, #tpu.memory_space<semaphore_mem>>)
      %add3A_195 = arith.constant 160000 : i32
      %add3A_196 = arith.addi %add3A_189, %add3A_195 : i32
      %dma_start3A_197 = tpu.memref_slice %arg4[%add3A_196] : memref<320000xi32, #tpu.memory_space<hbm>> -> memref<128xi32, #tpu.memory_space<hbm>>
      %dma_start3A_198 = tpu.memref_slice %arg4[%add3A_196] : memref<320000xi32, #tpu.memory_space<hbm>> -> memref<128xi32, #tpu.memory_space<hbm>>
      tpu.enqueue_dma source(%dma_start3A_198 : memref<128xi32, #tpu.memory_space<hbm>>) target(%arg11 : memref<128xi32, #tpu.memory_space<vmem>>) target_semaphore(%arg18 : memref<!tpu.dma_semaphore, #tpu.memory_space<semaphore_mem>>)
      %dma_start3A_199 = tpu.memref_slice %arg5[%add3A_196] : memref<320000xi32, #tpu.memory_space<hbm>> -> memref<128xi32, #tpu.memory_space<hbm>>
      %dma_start3A_200 = tpu.memref_slice %arg5[%add3A_196] : memref<320000xi32, #tpu.memory_space<hbm>> -> memref<128xi32, #tpu.memory_space<hbm>>
      tpu.enqueue_dma source(%dma_start3A_200 : memref<128xi32, #tpu.memory_space<hbm>>) target(%arg12 : memref<128xi32, #tpu.memory_space<vmem>>) target_semaphore(%arg18 : memref<!tpu.dma_semaphore, #tpu.memory_space<semaphore_mem>>)
      %dma_wait3A = tpu.memref_slice %arg4[%add3A_191] : memref<320000xi32, #tpu.memory_space<hbm>> -> memref<128xi32, #tpu.memory_space<hbm>>
      %dma_wait3A_201 = tpu.memref_slice %arg4[%add3A_191] : memref<320000xi32, #tpu.memory_space<hbm>> -> memref<128xi32, #tpu.memory_space<hbm>>
      tpu.wait_dma2 semaphore(%arg18 : memref<!tpu.dma_semaphore, #tpu.memory_space<semaphore_mem>>) src(%dma_wait3A_201 : memref<128xi32, #tpu.memory_space<hbm>>) dst(%arg9 : memref<128xi32, #tpu.memory_space<vmem>>)
      %dma_wait3A_202 = tpu.memref_slice %arg5[%add3A_191] : memref<320000xi32, #tpu.memory_space<hbm>> -> memref<128xi32, #tpu.memory_space<hbm>>
      %dma_wait3A_203 = tpu.memref_slice %arg5[%add3A_191] : memref<320000xi32, #tpu.memory_space<hbm>> -> memref<128xi32, #tpu.memory_space<hbm>>
      tpu.wait_dma2 semaphore(%arg18 : memref<!tpu.dma_semaphore, #tpu.memory_space<semaphore_mem>>) src(%dma_wait3A_203 : memref<128xi32, #tpu.memory_space<hbm>>) dst(%arg10 : memref<128xi32, #tpu.memory_space<vmem>>)
      %dma_wait3A_204 = tpu.memref_slice %arg4[%add3A_196] : memref<320000xi32, #tpu.memory_space<hbm>> -> memref<128xi32, #tpu.memory_space<hbm>>
      %dma_wait3A_205 = tpu.memref_slice %arg4[%add3A_196] : memref<320000xi32, #tpu.memory_space<hbm>> -> memref<128xi32, #tpu.memory_space<hbm>>
      tpu.wait_dma2 semaphore(%arg18 : memref<!tpu.dma_semaphore, #tpu.memory_space<semaphore_mem>>) src(%dma_wait3A_205 : memref<128xi32, #tpu.memory_space<hbm>>) dst(%arg11 : memref<128xi32, #tpu.memory_space<vmem>>)
      %dma_wait3A_206 = tpu.memref_slice %arg5[%add3A_196] : memref<320000xi32, #tpu.memory_space<hbm>> -> memref<128xi32, #tpu.memory_space<hbm>>
      %dma_wait3A_207 = tpu.memref_slice %arg5[%add3A_196] : memref<320000xi32, #tpu.memory_space<hbm>> -> memref<128xi32, #tpu.memory_space<hbm>>
      tpu.wait_dma2 semaphore(%arg18 : memref<!tpu.dma_semaphore, #tpu.memory_space<semaphore_mem>>) src(%dma_wait3A_207 : memref<128xi32, #tpu.memory_space<hbm>>) dst(%arg12 : memref<128xi32, #tpu.memory_space<vmem>>)
      %dma_start3A_208 = arith.constant 0 : i32
      %dma_start3A_209 = arith.constant 0 : i32
      %dma_start3A_210 = tpu.memref_slice %arg2[%dma_start3A_208, %dma_start3A_209] : memref<10000x128xf32, #tpu.memory_space<hbm>> -> memref<10000x128xf32, #tpu.memory_space<hbm>>
      tpu.enqueue_indirect_dma source(%dma_start3A_210 : memref<10000x128xf32, #tpu.memory_space<hbm>>) target(%arg13 : memref<128x128xf32, #tpu.memory_space<vmem>>) offsets(%arg9 : memref<128xi32, #tpu.memory_space<vmem>>) semaphore(%arg19 : memref<!tpu.dma_semaphore, #tpu.memory_space<semaphore_mem>>)
      %dma_start3A_211 = arith.constant 0 : i32
      %dma_start3A_212 = arith.constant 0 : i32
      %dma_start3A_213 = tpu.memref_slice %arg3[%dma_start3A_211, %dma_start3A_212] : memref<10000x128xf32, #tpu.memory_space<hbm>> -> memref<10000x128xf32, #tpu.memory_space<hbm>>
      tpu.enqueue_indirect_dma source(%dma_start3A_213 : memref<10000x128xf32, #tpu.memory_space<hbm>>) target(%arg14 : memref<128x128xf32, #tpu.memory_space<vmem>>) offsets(%arg10 : memref<128xi32, #tpu.memory_space<vmem>>) semaphore(%arg20 : memref<!tpu.dma_semaphore, #tpu.memory_space<semaphore_mem>>)
      %dma_start3A_214 = arith.constant 0 : i32
      %dma_start3A_215 = arith.constant 0 : i32
      %dma_start3A_216 = tpu.memref_slice %arg2[%dma_start3A_214, %dma_start3A_215] : memref<10000x128xf32, #tpu.memory_space<hbm>> -> memref<10000x128xf32, #tpu.memory_space<hbm>>
      tpu.enqueue_indirect_dma source(%dma_start3A_216 : memref<10000x128xf32, #tpu.memory_space<hbm>>) target(%arg15 : memref<128x128xf32, #tpu.memory_space<vmem>>) offsets(%arg11 : memref<128xi32, #tpu.memory_space<vmem>>) semaphore(%arg21 : memref<!tpu.dma_semaphore, #tpu.memory_space<semaphore_mem>>)
      %dma_start3A_217 = arith.constant 0 : i32
      %dma_start3A_218 = arith.constant 0 : i32
      %dma_start3A_219 = tpu.memref_slice %arg3[%dma_start3A_217, %dma_start3A_218] : memref<10000x128xf32, #tpu.memory_space<hbm>> -> memref<10000x128xf32, #tpu.memory_space<hbm>>
      tpu.enqueue_indirect_dma source(%dma_start3A_219 : memref<10000x128xf32, #tpu.memory_space<hbm>>) target(%arg16 : memref<128x128xf32, #tpu.memory_space<vmem>>) offsets(%arg12 : memref<128xi32, #tpu.memory_space<vmem>>) semaphore(%arg22 : memref<!tpu.dma_semaphore, #tpu.memory_space<semaphore_mem>>)
      %dma_wait3A_220 = arith.constant 0 : i32
      %dma_wait3A_221 = arith.constant 0 : i32
      %dma_wait3A_222 = tpu.memref_slice %arg2[%dma_wait3A_220, %dma_wait3A_221] : memref<10000x128xf32, #tpu.memory_space<hbm>> -> memref<10000x128xf32, #tpu.memory_space<hbm>>
      tpu.wait_indirect_dma semaphore(%arg19 : memref<!tpu.dma_semaphore, #tpu.memory_space<semaphore_mem>>) src(%dma_wait3A_222 : memref<10000x128xf32, #tpu.memory_space<hbm>>) dst(%arg13 : memref<128x128xf32, #tpu.memory_space<vmem>>)
      %add3A_223 = arith.constant 0 : i32
      %add3A_224 = arith.addi %mul3A_11, %add3A_223 : i32
      %dma_start3A_225 = arith.constant 0 : i32
      %dma_start3A_226 = tpu.memref_slice %arg17[%add3A_224, %dma_start3A_225] : memref<4096x128xf32, #tpu.memory_space<vmem_shared>> -> memref<128x128xf32, #tpu.memory_space<vmem_shared>>
      %dma_start3A_227 = arith.constant 0 : i32
      %dma_start3A_228 = tpu.memref_slice %arg17[%add3A_224, %dma_start3A_227] : memref<4096x128xf32, #tpu.memory_space<vmem_shared>> -> memref<128x128xf32, #tpu.memory_space<vmem_shared>>
      tpu.enqueue_dma source(%arg13 : memref<128x128xf32, #tpu.memory_space<vmem>>) target(%dma_start3A_228 : memref<128x128xf32, #tpu.memory_space<vmem_shared>>) target_semaphore(%arg23 : memref<!tpu.dma_semaphore, #tpu.memory_space<semaphore_mem>>)
      %dma_wait3A_229 = arith.constant 0 : i32
      %dma_wait3A_230 = arith.constant 0 : i32
      %dma_wait3A_231 = tpu.memref_slice %arg2[%dma_wait3A_229, %dma_wait3A_230] : memref<10000x128xf32, #tpu.memory_space<hbm>> -> memref<10000x128xf32, #tpu.memory_space<hbm>>
      tpu.wait_indirect_dma semaphore(%arg21 : memref<!tpu.dma_semaphore, #tpu.memory_space<semaphore_mem>>) src(%dma_wait3A_231 : memref<10000x128xf32, #tpu.memory_space<hbm>>) dst(%arg15 : memref<128x128xf32, #tpu.memory_space<vmem>>)
      %add3A_232 = arith.constant 128 : i32
      %add3A_233 = arith.addi %mul3A_11, %add3A_232 : i32
      %dma_start3A_234 = arith.constant 0 : i32
      %dma_start3A_235 = tpu.memref_slice %arg17[%add3A_233, %dma_start3A_234] : memref<4096x128xf32, #tpu.memory_space<vmem_shared>> -> memref<128x128xf32, #tpu.memory_space<vmem_shared>>
      %dma_start3A_236 = arith.constant 0 : i32
      %dma_start3A_237 = tpu.memref_slice %arg17[%add3A_233, %dma_start3A_236] : memref<4096x128xf32, #tpu.memory_space<vmem_shared>> -> memref<128x128xf32, #tpu.memory_space<vmem_shared>>
      tpu.enqueue_dma source(%arg15 : memref<128x128xf32, #tpu.memory_space<vmem>>) target(%dma_start3A_237 : memref<128x128xf32, #tpu.memory_space<vmem_shared>>) target_semaphore(%arg24 : memref<!tpu.dma_semaphore, #tpu.memory_space<semaphore_mem>>)
      %dma_wait3A_238 = arith.constant 0 : i32
      %dma_wait3A_239 = tpu.memref_slice %arg17[%add3A_224, %dma_wait3A_238] : memref<4096x128xf32, #tpu.memory_space<vmem_shared>> -> memref<128x128xf32, #tpu.memory_space<vmem_shared>>
      %dma_wait3A_240 = arith.constant 0 : i32
      %dma_wait3A_241 = tpu.memref_slice %arg17[%add3A_224, %dma_wait3A_240] : memref<4096x128xf32, #tpu.memory_space<vmem_shared>> -> memref<128x128xf32, #tpu.memory_space<vmem_shared>>
      tpu.wait_dma2 semaphore(%arg23 : memref<!tpu.dma_semaphore, #tpu.memory_space<semaphore_mem>>) src(%arg13 : memref<128x128xf32, #tpu.memory_space<vmem>>) dst(%dma_wait3A_241 : memref<128x128xf32, #tpu.memory_space<vmem_shared>>)
      %dma_wait3A_242 = arith.constant 0 : i32
      %dma_wait3A_243 = arith.constant 0 : i32
      %dma_wait3A_244 = tpu.memref_slice %arg3[%dma_wait3A_242, %dma_wait3A_243] : memref<10000x128xf32, #tpu.memory_space<hbm>> -> memref<10000x128xf32, #tpu.memory_space<hbm>>
      tpu.wait_indirect_dma semaphore(%arg20 : memref<!tpu.dma_semaphore, #tpu.memory_space<semaphore_mem>>) src(%dma_wait3A_244 : memref<10000x128xf32, #tpu.memory_space<hbm>>) dst(%arg14 : memref<128x128xf32, #tpu.memory_space<vmem>>)
      %dma_start3A_245 = arith.constant 0 : i32
      %dma_start3A_246 = arith.constant 0 : i32
      %dma_start3A_247 = tpu.memref_slice %arg17[%dma_start3A_245, %dma_start3A_246] : memref<4096x128xf32, #tpu.memory_space<vmem_shared>> -> memref<4096x128xf32, #tpu.memory_space<vmem_shared>>
      tpu.enqueue_indirect_dma source(%arg14 : memref<128x128xf32, #tpu.memory_space<vmem>>) target(%dma_start3A_247 : memref<4096x128xf32, #tpu.memory_space<vmem_shared>>) offsets(%arg7 : memref<128xi32, #tpu.memory_space<vmem>>) semaphore(%arg25 : memref<!tpu.dma_semaphore, #tpu.memory_space<semaphore_mem>>) {add = true}
      %dma_wait3A_248 = arith.constant 0 : i32
      %dma_wait3A_249 = tpu.memref_slice %arg17[%add3A_233, %dma_wait3A_248] : memref<4096x128xf32, #tpu.memory_space<vmem_shared>> -> memref<128x128xf32, #tpu.memory_space<vmem_shared>>
      %dma_wait3A_250 = arith.constant 0 : i32
      %dma_wait3A_251 = tpu.memref_slice %arg17[%add3A_233, %dma_wait3A_250] : memref<4096x128xf32, #tpu.memory_space<vmem_shared>> -> memref<128x128xf32, #tpu.memory_space<vmem_shared>>
      tpu.wait_dma2 semaphore(%arg24 : memref<!tpu.dma_semaphore, #tpu.memory_space<semaphore_mem>>) src(%arg15 : memref<128x128xf32, #tpu.memory_space<vmem>>) dst(%dma_wait3A_251 : memref<128x128xf32, #tpu.memory_space<vmem_shared>>)
      %dma_wait3A_252 = arith.constant 0 : i32
      %dma_wait3A_253 = arith.constant 0 : i32
      %dma_wait3A_254 = tpu.memref_slice %arg3[%dma_wait3A_252, %dma_wait3A_253] : memref<10000x128xf32, #tpu.memory_space<hbm>> -> memref<10000x128xf32, #tpu.memory_space<hbm>>
      tpu.wait_indirect_dma semaphore(%arg22 : memref<!tpu.dma_semaphore, #tpu.memory_space<semaphore_mem>>) src(%dma_wait3A_254 : memref<10000x128xf32, #tpu.memory_space<hbm>>) dst(%arg16 : memref<128x128xf32, #tpu.memory_space<vmem>>)
      %dma_start3A_255 = arith.constant 0 : i32
      %dma_start3A_256 = arith.constant 0 : i32
      %dma_start3A_257 = tpu.memref_slice %arg17[%dma_start3A_255, %dma_start3A_256] : memref<4096x128xf32, #tpu.memory_space<vmem_shared>> -> memref<4096x128xf32, #tpu.memory_space<vmem_shared>>
      tpu.enqueue_indirect_dma source(%arg16 : memref<128x128xf32, #tpu.memory_space<vmem>>) target(%dma_start3A_257 : memref<4096x128xf32, #tpu.memory_space<vmem_shared>>) offsets(%arg8 : memref<128xi32, #tpu.memory_space<vmem>>) semaphore(%arg26 : memref<!tpu.dma_semaphore, #tpu.memory_space<semaphore_mem>>) {add = true}
      %dma_wait3A_258 = arith.constant 0 : i32
      %dma_wait3A_259 = arith.constant 0 : i32
      %dma_wait3A_260 = tpu.memref_slice %arg17[%dma_wait3A_258, %dma_wait3A_259] : memref<4096x128xf32, #tpu.memory_space<vmem_shared>> -> memref<4096x128xf32, #tpu.memory_space<vmem_shared>>
      tpu.wait_indirect_dma semaphore(%arg25 : memref<!tpu.dma_semaphore, #tpu.memory_space<semaphore_mem>>) src(%arg14 : memref<128x128xf32, #tpu.memory_space<vmem>>) dst(%dma_wait3A_260 : memref<4096x128xf32, #tpu.memory_space<vmem_shared>>)
      %add3A_261 = arith.constant 0 : i32
      %add3A_262 = arith.addi %mul3A_11, %add3A_261 : i32
      %dma_start3A_263 = arith.constant 0 : i32
      %dma_start3A_264 = tpu.memref_slice %arg6[%mul3A_187, %dma_start3A_263] : memref<160000x128xf32, #tpu.memory_space<hbm>> -> memref<128x128xf32, #tpu.memory_space<hbm>>
      %dma_start3A_265 = arith.constant 0 : i32
      %dma_start3A_266 = tpu.memref_slice %arg17[%add3A_262, %dma_start3A_265] : memref<4096x128xf32, #tpu.memory_space<vmem_shared>> -> memref<128x128xf32, #tpu.memory_space<vmem_shared>>
      tpu.enqueue_dma source(%dma_start3A_266 : memref<128x128xf32, #tpu.memory_space<vmem_shared>>) target(%dma_start3A_264 : memref<128x128xf32, #tpu.memory_space<hbm>>) target_semaphore(%arg27 : memref<!tpu.dma_semaphore, #tpu.memory_space<semaphore_mem>>)
      %dma_wait3A_267 = arith.constant 0 : i32
      %dma_wait3A_268 = arith.constant 0 : i32
      %dma_wait3A_269 = tpu.memref_slice %arg17[%dma_wait3A_267, %dma_wait3A_268] : memref<4096x128xf32, #tpu.memory_space<vmem_shared>> -> memref<4096x128xf32, #tpu.memory_space<vmem_shared>>
      tpu.wait_indirect_dma semaphore(%arg26 : memref<!tpu.dma_semaphore, #tpu.memory_space<semaphore_mem>>) src(%arg16 : memref<128x128xf32, #tpu.memory_space<vmem>>) dst(%dma_wait3A_269 : memref<4096x128xf32, #tpu.memory_space<vmem_shared>>)
      %add3A_270 = arith.constant 128 : i32
      %add3A_271 = arith.addi %mul3A_11, %add3A_270 : i32
      %dma_start3A_272 = arith.constant 0 : i32
      %dma_start3A_273 = tpu.memref_slice %arg6[%add3A_189, %dma_start3A_272] : memref<160000x128xf32, #tpu.memory_space<hbm>> -> memref<128x128xf32, #tpu.memory_space<hbm>>
      %dma_start3A_274 = arith.constant 0 : i32
      %dma_start3A_275 = tpu.memref_slice %arg17[%add3A_271, %dma_start3A_274] : memref<4096x128xf32, #tpu.memory_space<vmem_shared>> -> memref<128x128xf32, #tpu.memory_space<vmem_shared>>
      tpu.enqueue_dma source(%dma_start3A_275 : memref<128x128xf32, #tpu.memory_space<vmem_shared>>) target(%dma_start3A_273 : memref<128x128xf32, #tpu.memory_space<hbm>>) target_semaphore(%arg27 : memref<!tpu.dma_semaphore, #tpu.memory_space<semaphore_mem>>)
      %dma_wait3A_276 = arith.constant 0 : i32
      %dma_wait3A_277 = tpu.memref_slice %arg6[%mul3A_187, %dma_wait3A_276] : memref<160000x128xf32, #tpu.memory_space<hbm>> -> memref<128x128xf32, #tpu.memory_space<hbm>>
      %dma_wait3A_278 = arith.constant 0 : i32
      %dma_wait3A_279 = tpu.memref_slice %arg17[%add3A_262, %dma_wait3A_278] : memref<4096x128xf32, #tpu.memory_space<vmem_shared>> -> memref<128x128xf32, #tpu.memory_space<vmem_shared>>
      tpu.wait_dma2 semaphore(%arg27 : memref<!tpu.dma_semaphore, #tpu.memory_space<semaphore_mem>>) src(%dma_wait3A_279 : memref<128x128xf32, #tpu.memory_space<vmem_shared>>) dst(%dma_wait3A_277 : memref<128x128xf32, #tpu.memory_space<hbm>>)
      %dma_wait3A_280 = arith.constant 0 : i32
      %dma_wait3A_281 = tpu.memref_slice %arg6[%add3A_189, %dma_wait3A_280] : memref<160000x128xf32, #tpu.memory_space<hbm>> -> memref<128x128xf32, #tpu.memory_space<hbm>>
      %dma_wait3A_282 = arith.constant 0 : i32
      %dma_wait3A_283 = tpu.memref_slice %arg17[%add3A_271, %dma_wait3A_282] : memref<4096x128xf32, #tpu.memory_space<vmem_shared>> -> memref<128x128xf32, #tpu.memory_space<vmem_shared>>
      tpu.wait_dma2 semaphore(%arg27 : memref<!tpu.dma_semaphore, #tpu.memory_space<semaphore_mem>>) src(%dma_wait3A_283 : memref<128x128xf32, #tpu.memory_space<vmem_shared>>) dst(%dma_wait3A_281 : memref<128x128xf32, #tpu.memory_space<hbm>>)
    }
    %jit3A_163 = arith.constant 2 : i32
    %eq3A = arith.constant 0 : i32
    %eq3A_164 = arith.cmpi eq, %jit3A_163, %eq3A : i32
    %jit3A_165 = arith.constant 1 : i32
    %select_n3A_166 = arith.select %eq3A_164, %jit3A_165, %jit3A_163 : i32
    %rem3A_167 = arith.remsi %add3A_7, %select_n3A_166 : i32
    %ne3A_168 = arith.constant 0 : i32
    %ne3A_169 = arith.cmpi ne, %rem3A_167, %ne3A_168 : i32
    %lt3A_170 = arith.constant 0 : i32
    %lt3A_171 = arith.cmpi slt, %rem3A_167, %lt3A_170 : i32
    %lt3A_172 = arith.constant 0 : i32
    %lt3A_173 = arith.cmpi slt, %select_n3A_166, %lt3A_172 : i32
    %ne3A_174 = arith.xori %lt3A_171, %lt3A_173 : i1
    %and3A_175 = arith.andi %ne3A_174, %ne3A_169 : i1
    %add3A_176 = arith.addi %rem3A_167, %select_n3A_166 : i32
    %select_n3A_177 = arith.select %and3A_175, %add3A_176, %rem3A_167 : i32
    %eq3A_178 = arith.constant 1 : i32
    %eq3A_179 = arith.cmpi eq, %select_n3A_177, %eq3A_178 : i32
    %convert_element_type3A_180 = arith.extui %eq3A_179 : i1 to i32
    %cond3A = arith.constant 0 : i32
    %cond3A_181 = arith.cmpi ne, %convert_element_type3A_180, %cond3A : i32
    scf.if %cond3A_181 {
      %add3A_182 = arith.addi %add3A_5, %add3A_7 : i32
      %sub3A_183 = arith.constant 1 : i32
      %sub3A_184 = arith.subi %add3A_182, %sub3A_183 : i32
      %mul3A_185 = arith.constant 128 : i32
      %mul3A_186 = arith.muli %sub3A_184, %mul3A_185 : i32
      %add3A_187 = arith.constant 160000 : i32
      %add3A_188 = arith.addi %mul3A_186, %add3A_187 : i32
      %dma_start3A = tpu.memref_slice %arg4[%add3A_188] : memref<320000xi32, #tpu.memory_space<hbm>> -> memref<128xi32, #tpu.memory_space<hbm>>
      %dma_start3A_189 = tpu.memref_slice %arg4[%add3A_188] : memref<320000xi32, #tpu.memory_space<hbm>> -> memref<128xi32, #tpu.memory_space<hbm>>
      tpu.enqueue_dma source(%dma_start3A_189 : memref<128xi32, #tpu.memory_space<hbm>>) target(%arg9 : memref<128xi32, #tpu.memory_space<vmem>>) target_semaphore(%arg18 : memref<!tpu.dma_semaphore, #tpu.memory_space<semaphore_mem>>)
      %dma_start3A_190 = tpu.memref_slice %arg5[%add3A_188] : memref<320000xi32, #tpu.memory_space<hbm>> -> memref<128xi32, #tpu.memory_space<hbm>>
      %dma_start3A_191 = tpu.memref_slice %arg5[%add3A_188] : memref<320000xi32, #tpu.memory_space<hbm>> -> memref<128xi32, #tpu.memory_space<hbm>>
      tpu.enqueue_dma source(%dma_start3A_191 : memref<128xi32, #tpu.memory_space<hbm>>) target(%arg10 : memref<128xi32, #tpu.memory_space<vmem>>) target_semaphore(%arg18 : memref<!tpu.dma_semaphore, #tpu.memory_space<semaphore_mem>>)
      %dma_wait3A = tpu.memref_slice %arg4[%add3A_188] : memref<320000xi32, #tpu.memory_space<hbm>> -> memref<128xi32, #tpu.memory_space<hbm>>
      %dma_wait3A_192 = tpu.memref_slice %arg4[%add3A_188] : memref<320000xi32, #tpu.memory_space<hbm>> -> memref<128xi32, #tpu.memory_space<hbm>>
      tpu.wait_dma2 semaphore(%arg18 : memref<!tpu.dma_semaphore, #tpu.memory_space<semaphore_mem>>) src(%dma_wait3A_192 : memref<128xi32, #tpu.memory_space<hbm>>) dst(%arg9 : memref<128xi32, #tpu.memory_space<vmem>>)
      %dma_wait3A_193 = tpu.memref_slice %arg5[%add3A_188] : memref<320000xi32, #tpu.memory_space<hbm>> -> memref<128xi32, #tpu.memory_space<hbm>>
      %dma_wait3A_194 = tpu.memref_slice %arg5[%add3A_188] : memref<320000xi32, #tpu.memory_space<hbm>> -> memref<128xi32, #tpu.memory_space<hbm>>
      tpu.wait_dma2 semaphore(%arg18 : memref<!tpu.dma_semaphore, #tpu.memory_space<semaphore_mem>>) src(%dma_wait3A_194 : memref<128xi32, #tpu.memory_space<hbm>>) dst(%arg10 : memref<128xi32, #tpu.memory_space<vmem>>)
      %dma_start3A_195 = arith.constant 0 : i32
      %dma_start3A_196 = arith.constant 0 : i32
      %dma_start3A_197 = tpu.memref_slice %arg2[%dma_start3A_195, %dma_start3A_196] : memref<10000x128xf32, #tpu.memory_space<hbm>> -> memref<10000x128xf32, #tpu.memory_space<hbm>>
      tpu.enqueue_indirect_dma source(%dma_start3A_197 : memref<10000x128xf32, #tpu.memory_space<hbm>>) target(%arg13 : memref<128x128xf32, #tpu.memory_space<vmem>>) offsets(%arg9 : memref<128xi32, #tpu.memory_space<vmem>>) semaphore(%arg19 : memref<!tpu.dma_semaphore, #tpu.memory_space<semaphore_mem>>)
      %dma_start3A_198 = arith.constant 0 : i32
      %dma_start3A_199 = arith.constant 0 : i32
      %dma_start3A_200 = tpu.memref_slice %arg3[%dma_start3A_198, %dma_start3A_199] : memref<10000x128xf32, #tpu.memory_space<hbm>> -> memref<10000x128xf32, #tpu.memory_space<hbm>>
      tpu.enqueue_indirect_dma source(%dma_start3A_200 : memref<10000x128xf32, #tpu.memory_space<hbm>>) target(%arg14 : memref<128x128xf32, #tpu.memory_space<vmem>>) offsets(%arg10 : memref<128xi32, #tpu.memory_space<vmem>>) semaphore(%arg20 : memref<!tpu.dma_semaphore, #tpu.memory_space<semaphore_mem>>)
      %dma_wait3A_201 = arith.constant 0 : i32
      %dma_wait3A_202 = arith.constant 0 : i32
      %dma_wait3A_203 = tpu.memref_slice %arg2[%dma_wait3A_201, %dma_wait3A_202] : memref<10000x128xf32, #tpu.memory_space<hbm>> -> memref<10000x128xf32, #tpu.memory_space<hbm>>
      tpu.wait_indirect_dma semaphore(%arg19 : memref<!tpu.dma_semaphore, #tpu.memory_space<semaphore_mem>>) src(%dma_wait3A_203 : memref<10000x128xf32, #tpu.memory_space<hbm>>) dst(%arg13 : memref<128x128xf32, #tpu.memory_space<vmem>>)
      %dma_wait3A_204 = arith.constant 0 : i32
      %dma_wait3A_205 = arith.constant 0 : i32
      %dma_wait3A_206 = tpu.memref_slice %arg3[%dma_wait3A_204, %dma_wait3A_205] : memref<10000x128xf32, #tpu.memory_space<hbm>> -> memref<10000x128xf32, #tpu.memory_space<hbm>>
      tpu.wait_indirect_dma semaphore(%arg20 : memref<!tpu.dma_semaphore, #tpu.memory_space<semaphore_mem>>) src(%dma_wait3A_206 : memref<10000x128xf32, #tpu.memory_space<hbm>>) dst(%arg14 : memref<128x128xf32, #tpu.memory_space<vmem>>)
      %add3A_207 = arith.constant 0 : i32
      %add3A_208 = arith.addi %mul3A_11, %add3A_207 : i32
      %dma_start3A_209 = arith.constant 0 : i32
      %dma_start3A_210 = tpu.memref_slice %arg17[%add3A_208, %dma_start3A_209] : memref<4096x128xf32, #tpu.memory_space<vmem_shared>> -> memref<128x128xf32, #tpu.memory_space<vmem_shared>>
      %dma_start3A_211 = arith.constant 0 : i32
      %dma_start3A_212 = tpu.memref_slice %arg17[%add3A_208, %dma_start3A_211] : memref<4096x128xf32, #tpu.memory_space<vmem_shared>> -> memref<128x128xf32, #tpu.memory_space<vmem_shared>>
      tpu.enqueue_dma source(%arg13 : memref<128x128xf32, #tpu.memory_space<vmem>>) target(%dma_start3A_212 : memref<128x128xf32, #tpu.memory_space<vmem_shared>>) target_semaphore(%arg23 : memref<!tpu.dma_semaphore, #tpu.memory_space<semaphore_mem>>)
      %dma_wait3A_213 = arith.constant 0 : i32
      %dma_wait3A_214 = tpu.memref_slice %arg17[%add3A_208, %dma_wait3A_213] : memref<4096x128xf32, #tpu.memory_space<vmem_shared>> -> memref<128x128xf32, #tpu.memory_space<vmem_shared>>
      %dma_wait3A_215 = arith.constant 0 : i32
      %dma_wait3A_216 = tpu.memref_slice %arg17[%add3A_208, %dma_wait3A_215] : memref<4096x128xf32, #tpu.memory_space<vmem_shared>> -> memref<128x128xf32, #tpu.memory_space<vmem_shared>>
      tpu.wait_dma2 semaphore(%arg23 : memref<!tpu.dma_semaphore, #tpu.memory_space<semaphore_mem>>) src(%arg13 : memref<128x128xf32, #tpu.memory_space<vmem>>) dst(%dma_wait3A_216 : memref<128x128xf32, #tpu.memory_space<vmem_shared>>)
      %dma_start3A_217 = arith.constant 0 : i32
      %dma_start3A_218 = arith.constant 0 : i32
      %dma_start3A_219 = tpu.memref_slice %arg17[%dma_start3A_217, %dma_start3A_218] : memref<4096x128xf32, #tpu.memory_space<vmem_shared>> -> memref<4096x128xf32, #tpu.memory_space<vmem_shared>>
      tpu.enqueue_indirect_dma source(%arg14 : memref<128x128xf32, #tpu.memory_space<vmem>>) target(%dma_start3A_219 : memref<4096x128xf32, #tpu.memory_space<vmem_shared>>) offsets(%arg7 : memref<128xi32, #tpu.memory_space<vmem>>) semaphore(%arg25 : memref<!tpu.dma_semaphore, #tpu.memory_space<semaphore_mem>>) {add = true}
      %dma_wait3A_220 = arith.constant 0 : i32
      %dma_wait3A_221 = arith.constant 0 : i32
      %dma_wait3A_222 = tpu.memref_slice %arg17[%dma_wait3A_220, %dma_wait3A_221] : memref<4096x128xf32, #tpu.memory_space<vmem_shared>> -> memref<4096x128xf32, #tpu.memory_space<vmem_shared>>
      tpu.wait_indirect_dma semaphore(%arg25 : memref<!tpu.dma_semaphore, #tpu.memory_space<semaphore_mem>>) src(%arg14 : memref<128x128xf32, #tpu.memory_space<vmem>>) dst(%dma_wait3A_222 : memref<4096x128xf32, #tpu.memory_space<vmem_shared>>)
      %add3A_223 = arith.constant 0 : i32
      %add3A_224 = arith.addi %mul3A_11, %add3A_223 : i32
      %dma_start3A_225 = arith.constant 0 : i32
      %dma_start3A_226 = tpu.memref_slice %arg6[%mul3A_186, %dma_start3A_225] : memref<160000x128xf32, #tpu.memory_space<hbm>> -> memref<128x128xf32, #tpu.memory_space<hbm>>
      %dma_start3A_227 = arith.constant 0 : i32
      %dma_start3A_228 = tpu.memref_slice %arg17[%add3A_224, %dma_start3A_227] : memref<4096x128xf32, #tpu.memory_space<vmem_shared>> -> memref<128x128xf32, #tpu.memory_space<vmem_shared>>
      tpu.enqueue_dma source(%dma_start3A_228 : memref<128x128xf32, #tpu.memory_space<vmem_shared>>) target(%dma_start3A_226 : memref<128x128xf32, #tpu.memory_space<hbm>>) target_semaphore(%arg27 : memref<!tpu.dma_semaphore, #tpu.memory_space<semaphore_mem>>)
      %dma_wait3A_229 = arith.constant 0 : i32
      %dma_wait3A_230 = tpu.memref_slice %arg6[%mul3A_186, %dma_wait3A_229] : memref<160000x128xf32, #tpu.memory_space<hbm>> -> memref<128x128xf32, #tpu.memory_space<hbm>>
      %dma_wait3A_231 = arith.constant 0 : i32
      %dma_wait3A_232 = tpu.memref_slice %arg17[%add3A_224, %dma_wait3A_231] : memref<4096x128xf32, #tpu.memory_space<vmem_shared>> -> memref<128x128xf32, #tpu.memory_space<vmem_shared>>
      tpu.wait_dma2 semaphore(%arg27 : memref<!tpu.dma_semaphore, #tpu.memory_space<semaphore_mem>>) src(%dma_wait3A_232 : memref<128x128xf32, #tpu.memory_space<vmem_shared>>) dst(%dma_wait3A_230 : memref<128x128xf32, #tpu.memory_space<hbm>>)
    } else {
    }
    return
  }
}

#map = affine_map<(d0, d1) -> (0, 0)>
#map1 = affine_map<(d0, d1) -> (0)>
module attributes {stable_mosaic.version = 14 : i64} {
  func.func @scatter_k(%arg0: i32, %arg1: i32, %arg2: memref<160000x128xf32, #tpu.memory_space<hbm>>, %arg3: memref<320000xi32, #tpu.memory_space<hbm>>, %arg4: memref<632x128xf32, #tpu.memory_space<hbm>>, %arg5: memref<10112x128xf32, #tpu.memory_space<hbm>>, %arg6: memref<10112x128xf32, #tpu.memory_space<hbm>>, %arg7: memref<128xi32, #tpu.memory_space<vmem>>, %arg8: memref<128xi32, #tpu.memory_space<vmem>>, %arg9: memref<128xi32, #tpu.memory_space<vmem>>, %arg10: memref<128x128xf32, #tpu.memory_space<vmem>>, %arg11: memref<128x128xf32, #tpu.memory_space<vmem>>, %arg12: memref<128x128xf32, #tpu.memory_space<vmem>>, %arg13: memref<!tpu.dma_semaphore, #tpu.memory_space<semaphore_mem>>, %arg14: memref<!tpu.dma_semaphore, #tpu.memory_space<semaphore_mem>>, %arg15: memref<!tpu.dma_semaphore, #tpu.memory_space<semaphore_mem>>, %arg16: memref<!tpu.dma_semaphore, #tpu.memory_space<semaphore_mem>>, %arg17: memref<!tpu.dma_semaphore, #tpu.memory_space<semaphore_mem>>, %arg18: memref<!tpu.dma_semaphore, #tpu.memory_space<semaphore_mem>>, %arg19: memref<10112x128xf32, #tpu.memory_space<vmem_shared>>) attributes {dimension_semantics = [#tpu.dimension_semantics<core_parallel>, #tpu.dimension_semantics<subcore_parallel>], iteration_bounds = array<i64: 2, 16>, scalar_prefetch = 0 : i64, scratch_operands = 13 : i64, tpu.core_type = #tpu.core_type<sc_vector_subcore>, window_params = [{transform_indices = #map}, {transform_indices = #map1}, {transform_indices = #map}, {transform_indices = #map}, {transform_indices = #map}]} {
    %mul3A = arith.constant 2 : i32
    %mul3A_0 = arith.muli %arg1, %mul3A : i32
    %add3A = arith.addi %mul3A_0, %arg0 : i32
    %lt3A = arith.constant 2 : i32
    %lt3A_1 = arith.cmpi slt, %add3A, %lt3A : i32
    %convert_element_type3A = arith.extui %lt3A_1 : i1 to i32
    %mul3A_2 = arith.constant 39 : i32
    %mul3A_3 = arith.muli %mul3A_2, %add3A : i32
    %min3A = arith.constant 2 : i32
    %min3A_4 = arith.minsi %add3A, %min3A : i32
    %add3A_5 = arith.addi %mul3A_3, %min3A_4 : i32
    %add3A_6 = arith.constant 39 : i32
    %add3A_7 = arith.addi %add3A_6, %convert_element_type3A : i32
    %mul3A_8 = arith.constant 632 : i32
    %mul3A_9 = arith.muli %arg1, %mul3A_8 : i32
    "tpu.region"() ({
      %run_scoped3A = tpu.sem_alloc : memref<!tpu.dma_semaphore, #tpu.memory_space<semaphore_mem>>
      %dma_start3A = arith.constant 0 : i32
      %dma_start3A_60 = tpu.memref_slice %arg19[%mul3A_9, %dma_start3A] : memref<10112x128xf32, #tpu.memory_space<vmem_shared>> -> memref<632x128xf32, #tpu.memory_space<vmem_shared>>
      tpu.enqueue_dma source(%arg4 : memref<632x128xf32, #tpu.memory_space<hbm>>) target(%dma_start3A_60 : memref<632x128xf32, #tpu.memory_space<vmem_shared>>) target_semaphore(%run_scoped3A : memref<!tpu.dma_semaphore, #tpu.memory_space<semaphore_mem>>)
      %dma_wait3A = arith.constant 0 : i32
      %dma_wait3A_61 = tpu.memref_slice %arg19[%mul3A_9, %dma_wait3A] : memref<10112x128xf32, #tpu.memory_space<vmem_shared>> -> memref<632x128xf32, #tpu.memory_space<vmem_shared>>
      tpu.wait_dma2 semaphore(%run_scoped3A : memref<!tpu.dma_semaphore, #tpu.memory_space<semaphore_mem>>) src(%arg4 : memref<632x128xf32, #tpu.memory_space<hbm>>) dst(%dma_wait3A_61 : memref<632x128xf32, #tpu.memory_space<vmem_shared>>)
      tpu.yield
    }) : () -> ()
    %barrier3A = arith.constant 0 : index
    tpu.barrier barrier_id(%barrier3A)
    %jit3A = arith.constant 3 : i32
    %div3A = arith.divsi %add3A_7, %jit3A : i32
    %sign3A = arith.constant 0 : i32
    %sign3A_10 = arith.cmpi sgt, %add3A_7, %sign3A : i32
    %sign3A_11 = arith.extui %sign3A_10 : i1 to i32
    %sign3A_12 = arith.constant 0 : i32
    %sign3A_13 = arith.cmpi slt, %add3A_7, %sign3A_12 : i32
    %sign3A_14 = arith.extui %sign3A_13 : i1 to i32
    %sign3A_15 = arith.subi %sign3A_11, %sign3A_14 : i32
    %sign3A_16 = arith.constant 0 : i32
    %sign3A_17 = arith.cmpi sgt, %jit3A, %sign3A_16 : i32
    %sign3A_18 = arith.extui %sign3A_17 : i1 to i32
    %sign3A_19 = arith.constant 0 : i32
    %sign3A_20 = arith.cmpi slt, %jit3A, %sign3A_19 : i32
    %sign3A_21 = arith.extui %sign3A_20 : i1 to i32
    %sign3A_22 = arith.subi %sign3A_18, %sign3A_21 : i32
    %ne3A = arith.cmpi ne, %sign3A_15, %sign3A_22 : i32
    %rem3A = arith.remsi %add3A_7, %jit3A : i32
    %ne3A_23 = arith.constant 0 : i32
    %ne3A_24 = arith.cmpi ne, %rem3A, %ne3A_23 : i32
    %and3A = arith.andi %ne3A, %ne3A_24 : i1
    %sub3A = arith.constant 1 : i32
    %sub3A_25 = arith.subi %div3A, %sub3A : i32
    %select_n3A = arith.select %and3A, %sub3A_25, %div3A : i32
    %while3A = arith.constant 0 : i32
    %while3A_26 = arith.constant 0 : i32
    %while3A_27 = arith.subi %select_n3A, %while3A_26 : i32
    %while3A_28 = arith.addi %while3A_26, %while3A_27 : i32
    %while3A_29 = arith.constant 1 : i32
    %while3A_30 = arith.divsi %while3A_27, %while3A_29 : i32
    %while3A_31 = arith.muli %while3A_30, %while3A_29 : i32
    %while3A_32 = arith.addi %while3A_26, %while3A_31 : i32
    %while3A_33 = arith.constant 1 : i32
    scf.for %while3A_60 = %while3A_26 to %while3A_32 step %while3A_33  : i32 {
      %mul3A_61 = arith.constant 3 : i32
      %mul3A_62 = arith.muli %mul3A_61, %while3A_60 : i32
      %add3A_63 = arith.addi %add3A_5, %mul3A_62 : i32
      %mul3A_64 = arith.constant 128 : i32
      %mul3A_65 = arith.muli %add3A_63, %mul3A_64 : i32
      %gt3A_66 = arith.constant 0 : i32
      %gt3A_67 = arith.cmpi sgt, %while3A_60, %gt3A_66 : i32
      %convert_element_type3A_68 = arith.extui %gt3A_67 : i1 to i32
      %cond3A_69 = arith.constant 0 : i32
      %cond3A_70 = arith.cmpi ne, %convert_element_type3A_68, %cond3A_69 : i32
      scf.if %cond3A_70 {
        %dma_wait3A_134 = arith.constant 0 : i32
        %dma_wait3A_135 = arith.constant 0 : i32
        %dma_wait3A_136 = tpu.memref_slice %arg19[%dma_wait3A_134, %dma_wait3A_135] : memref<10112x128xf32, #tpu.memory_space<vmem_shared>> -> memref<10112x128xf32, #tpu.memory_space<vmem_shared>>
        tpu.wait_indirect_dma semaphore(%arg16 : memref<!tpu.dma_semaphore, #tpu.memory_space<semaphore_mem>>) src(%arg10 : memref<128x128xf32, #tpu.memory_space<vmem>>) dst(%dma_wait3A_136 : memref<10112x128xf32, #tpu.memory_space<vmem_shared>>)
      } else {
      }
      %add3A_71 = arith.constant 0 : i32
      %add3A_72 = arith.addi %mul3A_65, %add3A_71 : i32
      %dma_start3A = tpu.memref_slice %arg3[%add3A_72] : memref<320000xi32, #tpu.memory_space<hbm>> -> memref<128xi32, #tpu.memory_space<hbm>>
      %dma_start3A_73 = tpu.memref_slice %arg3[%add3A_72] : memref<320000xi32, #tpu.memory_space<hbm>> -> memref<128xi32, #tpu.memory_space<hbm>>
      tpu.enqueue_dma source(%dma_start3A_73 : memref<128xi32, #tpu.memory_space<hbm>>) target(%arg7 : memref<128xi32, #tpu.memory_space<vmem>>) target_semaphore(%arg13 : memref<!tpu.dma_semaphore, #tpu.memory_space<semaphore_mem>>)
      %dma_start3A_74 = arith.constant 0 : i32
      %dma_start3A_75 = tpu.memref_slice %arg2[%mul3A_65, %dma_start3A_74] : memref<160000x128xf32, #tpu.memory_space<hbm>> -> memref<128x128xf32, #tpu.memory_space<hbm>>
      %dma_start3A_76 = arith.constant 0 : i32
      %dma_start3A_77 = tpu.memref_slice %arg2[%mul3A_65, %dma_start3A_76] : memref<160000x128xf32, #tpu.memory_space<hbm>> -> memref<128x128xf32, #tpu.memory_space<hbm>>
      tpu.enqueue_dma source(%dma_start3A_77 : memref<128x128xf32, #tpu.memory_space<hbm>>) target(%arg10 : memref<128x128xf32, #tpu.memory_space<vmem>>) target_semaphore(%arg13 : memref<!tpu.dma_semaphore, #tpu.memory_space<semaphore_mem>>)
      %gt3A_78 = arith.constant 0 : i32
      %gt3A_79 = arith.cmpi sgt, %while3A_60, %gt3A_78 : i32
      %convert_element_type3A_80 = arith.extui %gt3A_79 : i1 to i32
      %cond3A_81 = arith.constant 0 : i32
      %cond3A_82 = arith.cmpi ne, %convert_element_type3A_80, %cond3A_81 : i32
      scf.if %cond3A_82 {
        %dma_wait3A_134 = arith.constant 0 : i32
        %dma_wait3A_135 = arith.constant 0 : i32
        %dma_wait3A_136 = tpu.memref_slice %arg19[%dma_wait3A_134, %dma_wait3A_135] : memref<10112x128xf32, #tpu.memory_space<vmem_shared>> -> memref<10112x128xf32, #tpu.memory_space<vmem_shared>>
        tpu.wait_indirect_dma semaphore(%arg17 : memref<!tpu.dma_semaphore, #tpu.memory_space<semaphore_mem>>) src(%arg11 : memref<128x128xf32, #tpu.memory_space<vmem>>) dst(%dma_wait3A_136 : memref<10112x128xf32, #tpu.memory_space<vmem_shared>>)
      } else {
      }
      %add3A_83 = arith.constant 128 : i32
      %add3A_84 = arith.addi %mul3A_65, %add3A_83 : i32
      %add3A_85 = arith.constant 0 : i32
      %add3A_86 = arith.addi %add3A_84, %add3A_85 : i32
      %dma_start3A_87 = tpu.memref_slice %arg3[%add3A_86] : memref<320000xi32, #tpu.memory_space<hbm>> -> memref<128xi32, #tpu.memory_space<hbm>>
      %dma_start3A_88 = tpu.memref_slice %arg3[%add3A_86] : memref<320000xi32, #tpu.memory_space<hbm>> -> memref<128xi32, #tpu.memory_space<hbm>>
      tpu.enqueue_dma source(%dma_start3A_88 : memref<128xi32, #tpu.memory_space<hbm>>) target(%arg8 : memref<128xi32, #tpu.memory_space<vmem>>) target_semaphore(%arg14 : memref<!tpu.dma_semaphore, #tpu.memory_space<semaphore_mem>>)
      %dma_start3A_89 = arith.constant 0 : i32
      %dma_start3A_90 = tpu.memref_slice %arg2[%add3A_84, %dma_start3A_89] : memref<160000x128xf32, #tpu.memory_space<hbm>> -> memref<128x128xf32, #tpu.memory_space<hbm>>
      %dma_start3A_91 = arith.constant 0 : i32
      %dma_start3A_92 = tpu.memref_slice %arg2[%add3A_84, %dma_start3A_91] : memref<160000x128xf32, #tpu.memory_space<hbm>> -> memref<128x128xf32, #tpu.memory_space<hbm>>
      tpu.enqueue_dma source(%dma_start3A_92 : memref<128x128xf32, #tpu.memory_space<hbm>>) target(%arg11 : memref<128x128xf32, #tpu.memory_space<vmem>>) target_semaphore(%arg14 : memref<!tpu.dma_semaphore, #tpu.memory_space<semaphore_mem>>)
      %gt3A_93 = arith.constant 0 : i32
      %gt3A_94 = arith.cmpi sgt, %while3A_60, %gt3A_93 : i32
      %convert_element_type3A_95 = arith.extui %gt3A_94 : i1 to i32
      %cond3A_96 = arith.constant 0 : i32
      %cond3A_97 = arith.cmpi ne, %convert_element_type3A_95, %cond3A_96 : i32
      scf.if %cond3A_97 {
        %dma_wait3A_134 = arith.constant 0 : i32
        %dma_wait3A_135 = arith.constant 0 : i32
        %dma_wait3A_136 = tpu.memref_slice %arg19[%dma_wait3A_134, %dma_wait3A_135] : memref<10112x128xf32, #tpu.memory_space<vmem_shared>> -> memref<10112x128xf32, #tpu.memory_space<vmem_shared>>
        tpu.wait_indirect_dma semaphore(%arg18 : memref<!tpu.dma_semaphore, #tpu.memory_space<semaphore_mem>>) src(%arg12 : memref<128x128xf32, #tpu.memory_space<vmem>>) dst(%dma_wait3A_136 : memref<10112x128xf32, #tpu.memory_space<vmem_shared>>)
      } else {
      }
      %add3A_98 = arith.constant 256 : i32
      %add3A_99 = arith.addi %mul3A_65, %add3A_98 : i32
      %add3A_100 = arith.constant 0 : i32
      %add3A_101 = arith.addi %add3A_99, %add3A_100 : i32
      %dma_start3A_102 = tpu.memref_slice %arg3[%add3A_101] : memref<320000xi32, #tpu.memory_space<hbm>> -> memref<128xi32, #tpu.memory_space<hbm>>
      %dma_start3A_103 = tpu.memref_slice %arg3[%add3A_101] : memref<320000xi32, #tpu.memory_space<hbm>> -> memref<128xi32, #tpu.memory_space<hbm>>
      tpu.enqueue_dma source(%dma_start3A_103 : memref<128xi32, #tpu.memory_space<hbm>>) target(%arg9 : memref<128xi32, #tpu.memory_space<vmem>>) target_semaphore(%arg15 : memref<!tpu.dma_semaphore, #tpu.memory_space<semaphore_mem>>)
      %dma_start3A_104 = arith.constant 0 : i32
      %dma_start3A_105 = tpu.memref_slice %arg2[%add3A_99, %dma_start3A_104] : memref<160000x128xf32, #tpu.memory_space<hbm>> -> memref<128x128xf32, #tpu.memory_space<hbm>>
      %dma_start3A_106 = arith.constant 0 : i32
      %dma_start3A_107 = tpu.memref_slice %arg2[%add3A_99, %dma_start3A_106] : memref<160000x128xf32, #tpu.memory_space<hbm>> -> memref<128x128xf32, #tpu.memory_space<hbm>>
      tpu.enqueue_dma source(%dma_start3A_107 : memref<128x128xf32, #tpu.memory_space<hbm>>) target(%arg12 : memref<128x128xf32, #tpu.memory_space<vmem>>) target_semaphore(%arg15 : memref<!tpu.dma_semaphore, #tpu.memory_space<semaphore_mem>>)
      %dma_wait3A = tpu.memref_slice %arg3[%add3A_72] : memref<320000xi32, #tpu.memory_space<hbm>> -> memref<128xi32, #tpu.memory_space<hbm>>
      %dma_wait3A_108 = tpu.memref_slice %arg3[%add3A_72] : memref<320000xi32, #tpu.memory_space<hbm>> -> memref<128xi32, #tpu.memory_space<hbm>>
      tpu.wait_dma2 semaphore(%arg13 : memref<!tpu.dma_semaphore, #tpu.memory_space<semaphore_mem>>) src(%dma_wait3A_108 : memref<128xi32, #tpu.memory_space<hbm>>) dst(%arg7 : memref<128xi32, #tpu.memory_space<vmem>>)
      %dma_wait3A_109 = arith.constant 0 : i32
      %dma_wait3A_110 = tpu.memref_slice %arg2[%mul3A_65, %dma_wait3A_109] : memref<160000x128xf32, #tpu.memory_space<hbm>> -> memref<128x128xf32, #tpu.memory_space<hbm>>
      %dma_wait3A_111 = arith.constant 0 : i32
      %dma_wait3A_112 = tpu.memref_slice %arg2[%mul3A_65, %dma_wait3A_111] : memref<160000x128xf32, #tpu.memory_space<hbm>> -> memref<128x128xf32, #tpu.memory_space<hbm>>
      tpu.wait_dma2 semaphore(%arg13 : memref<!tpu.dma_semaphore, #tpu.memory_space<semaphore_mem>>) src(%dma_wait3A_112 : memref<128x128xf32, #tpu.memory_space<hbm>>) dst(%arg10 : memref<128x128xf32, #tpu.memory_space<vmem>>)
      %dma_start3A_113 = arith.constant 0 : i32
      %dma_start3A_114 = arith.constant 0 : i32
      %dma_start3A_115 = tpu.memref_slice %arg19[%dma_start3A_113, %dma_start3A_114] : memref<10112x128xf32, #tpu.memory_space<vmem_shared>> -> memref<10112x128xf32, #tpu.memory_space<vmem_shared>>
      tpu.enqueue_indirect_dma source(%arg10 : memref<128x128xf32, #tpu.memory_space<vmem>>) target(%dma_start3A_115 : memref<10112x128xf32, #tpu.memory_space<vmem_shared>>) offsets(%arg7 : memref<128xi32, #tpu.memory_space<vmem>>) semaphore(%arg16 : memref<!tpu.dma_semaphore, #tpu.memory_space<semaphore_mem>>) {add = true}
      %dma_wait3A_116 = tpu.memref_slice %arg3[%add3A_86] : memref<320000xi32, #tpu.memory_space<hbm>> -> memref<128xi32, #tpu.memory_space<hbm>>
      %dma_wait3A_117 = tpu.memref_slice %arg3[%add3A_86] : memref<320000xi32, #tpu.memory_space<hbm>> -> memref<128xi32, #tpu.memory_space<hbm>>
      tpu.wait_dma2 semaphore(%arg14 : memref<!tpu.dma_semaphore, #tpu.memory_space<semaphore_mem>>) src(%dma_wait3A_117 : memref<128xi32, #tpu.memory_space<hbm>>) dst(%arg8 : memref<128xi32, #tpu.memory_space<vmem>>)
      %dma_wait3A_118 = arith.constant 0 : i32
      %dma_wait3A_119 = tpu.memref_slice %arg2[%add3A_84, %dma_wait3A_118] : memref<160000x128xf32, #tpu.memory_space<hbm>> -> memref<128x128xf32, #tpu.memory_space<hbm>>
      %dma_wait3A_120 = arith.constant 0 : i32
      %dma_wait3A_121 = tpu.memref_slice %arg2[%add3A_84, %dma_wait3A_120] : memref<160000x128xf32, #tpu.memory_space<hbm>> -> memref<128x128xf32, #tpu.memory_space<hbm>>
      tpu.wait_dma2 semaphore(%arg14 : memref<!tpu.dma_semaphore, #tpu.memory_space<semaphore_mem>>) src(%dma_wait3A_121 : memref<128x128xf32, #tpu.memory_space<hbm>>) dst(%arg11 : memref<128x128xf32, #tpu.memory_space<vmem>>)
      %dma_start3A_122 = arith.constant 0 : i32
      %dma_start3A_123 = arith.constant 0 : i32
      %dma_start3A_124 = tpu.memref_slice %arg19[%dma_start3A_122, %dma_start3A_123] : memref<10112x128xf32, #tpu.memory_space<vmem_shared>> -> memref<10112x128xf32, #tpu.memory_space<vmem_shared>>
      tpu.enqueue_indirect_dma source(%arg11 : memref<128x128xf32, #tpu.memory_space<vmem>>) target(%dma_start3A_124 : memref<10112x128xf32, #tpu.memory_space<vmem_shared>>) offsets(%arg8 : memref<128xi32, #tpu.memory_space<vmem>>) semaphore(%arg17 : memref<!tpu.dma_semaphore, #tpu.memory_space<semaphore_mem>>) {add = true}
      %dma_wait3A_125 = tpu.memref_slice %arg3[%add3A_101] : memref<320000xi32, #tpu.memory_space<hbm>> -> memref<128xi32, #tpu.memory_space<hbm>>
      %dma_wait3A_126 = tpu.memref_slice %arg3[%add3A_101] : memref<320000xi32, #tpu.memory_space<hbm>> -> memref<128xi32, #tpu.memory_space<hbm>>
      tpu.wait_dma2 semaphore(%arg15 : memref<!tpu.dma_semaphore, #tpu.memory_space<semaphore_mem>>) src(%dma_wait3A_126 : memref<128xi32, #tpu.memory_space<hbm>>) dst(%arg9 : memref<128xi32, #tpu.memory_space<vmem>>)
      %dma_wait3A_127 = arith.constant 0 : i32
      %dma_wait3A_128 = tpu.memref_slice %arg2[%add3A_99, %dma_wait3A_127] : memref<160000x128xf32, #tpu.memory_space<hbm>> -> memref<128x128xf32, #tpu.memory_space<hbm>>
      %dma_wait3A_129 = arith.constant 0 : i32
      %dma_wait3A_130 = tpu.memref_slice %arg2[%add3A_99, %dma_wait3A_129] : memref<160000x128xf32, #tpu.memory_space<hbm>> -> memref<128x128xf32, #tpu.memory_space<hbm>>
      tpu.wait_dma2 semaphore(%arg15 : memref<!tpu.dma_semaphore, #tpu.memory_space<semaphore_mem>>) src(%dma_wait3A_130 : memref<128x128xf32, #tpu.memory_space<hbm>>) dst(%arg12 : memref<128x128xf32, #tpu.memory_space<vmem>>)
      %dma_start3A_131 = arith.constant 0 : i32
      %dma_start3A_132 = arith.constant 0 : i32
      %dma_start3A_133 = tpu.memref_slice %arg19[%dma_start3A_131, %dma_start3A_132] : memref<10112x128xf32, #tpu.memory_space<vmem_shared>> -> memref<10112x128xf32, #tpu.memory_space<vmem_shared>>
      tpu.enqueue_indirect_dma source(%arg12 : memref<128x128xf32, #tpu.memory_space<vmem>>) target(%dma_start3A_133 : memref<10112x128xf32, #tpu.memory_space<vmem_shared>>) offsets(%arg9 : memref<128xi32, #tpu.memory_space<vmem>>) semaphore(%arg18 : memref<!tpu.dma_semaphore, #tpu.memory_space<semaphore_mem>>) {add = true}
    }
    %while3A_34 = arith.constant 1 : i32
    scf.for %while3A_60 = %while3A_32 to %while3A_28 step %while3A_34  : i32 {
      %mul3A_61 = arith.constant 3 : i32
      %mul3A_62 = arith.muli %mul3A_61, %while3A_60 : i32
      %add3A_63 = arith.addi %add3A_5, %mul3A_62 : i32
      %mul3A_64 = arith.constant 128 : i32
      %mul3A_65 = arith.muli %add3A_63, %mul3A_64 : i32
      %gt3A_66 = arith.constant 0 : i32
      %gt3A_67 = arith.cmpi sgt, %while3A_60, %gt3A_66 : i32
      %convert_element_type3A_68 = arith.extui %gt3A_67 : i1 to i32
      %cond3A_69 = arith.constant 0 : i32
      %cond3A_70 = arith.cmpi ne, %convert_element_type3A_68, %cond3A_69 : i32
      scf.if %cond3A_70 {
        %dma_wait3A_134 = arith.constant 0 : i32
        %dma_wait3A_135 = arith.constant 0 : i32
        %dma_wait3A_136 = tpu.memref_slice %arg19[%dma_wait3A_134, %dma_wait3A_135] : memref<10112x128xf32, #tpu.memory_space<vmem_shared>> -> memref<10112x128xf32, #tpu.memory_space<vmem_shared>>
        tpu.wait_indirect_dma semaphore(%arg16 : memref<!tpu.dma_semaphore, #tpu.memory_space<semaphore_mem>>) src(%arg10 : memref<128x128xf32, #tpu.memory_space<vmem>>) dst(%dma_wait3A_136 : memref<10112x128xf32, #tpu.memory_space<vmem_shared>>)
      } else {
      }
      %add3A_71 = arith.constant 0 : i32
      %add3A_72 = arith.addi %mul3A_65, %add3A_71 : i32
      %dma_start3A = tpu.memref_slice %arg3[%add3A_72] : memref<320000xi32, #tpu.memory_space<hbm>> -> memref<128xi32, #tpu.memory_space<hbm>>
      %dma_start3A_73 = tpu.memref_slice %arg3[%add3A_72] : memref<320000xi32, #tpu.memory_space<hbm>> -> memref<128xi32, #tpu.memory_space<hbm>>
      tpu.enqueue_dma source(%dma_start3A_73 : memref<128xi32, #tpu.memory_space<hbm>>) target(%arg7 : memref<128xi32, #tpu.memory_space<vmem>>) target_semaphore(%arg13 : memref<!tpu.dma_semaphore, #tpu.memory_space<semaphore_mem>>)
      %dma_start3A_74 = arith.constant 0 : i32
      %dma_start3A_75 = tpu.memref_slice %arg2[%mul3A_65, %dma_start3A_74] : memref<160000x128xf32, #tpu.memory_space<hbm>> -> memref<128x128xf32, #tpu.memory_space<hbm>>
      %dma_start3A_76 = arith.constant 0 : i32
      %dma_start3A_77 = tpu.memref_slice %arg2[%mul3A_65, %dma_start3A_76] : memref<160000x128xf32, #tpu.memory_space<hbm>> -> memref<128x128xf32, #tpu.memory_space<hbm>>
      tpu.enqueue_dma source(%dma_start3A_77 : memref<128x128xf32, #tpu.memory_space<hbm>>) target(%arg10 : memref<128x128xf32, #tpu.memory_space<vmem>>) target_semaphore(%arg13 : memref<!tpu.dma_semaphore, #tpu.memory_space<semaphore_mem>>)
      %gt3A_78 = arith.constant 0 : i32
      %gt3A_79 = arith.cmpi sgt, %while3A_60, %gt3A_78 : i32
      %convert_element_type3A_80 = arith.extui %gt3A_79 : i1 to i32
      %cond3A_81 = arith.constant 0 : i32
      %cond3A_82 = arith.cmpi ne, %convert_element_type3A_80, %cond3A_81 : i32
      scf.if %cond3A_82 {
        %dma_wait3A_134 = arith.constant 0 : i32
        %dma_wait3A_135 = arith.constant 0 : i32
        %dma_wait3A_136 = tpu.memref_slice %arg19[%dma_wait3A_134, %dma_wait3A_135] : memref<10112x128xf32, #tpu.memory_space<vmem_shared>> -> memref<10112x128xf32, #tpu.memory_space<vmem_shared>>
        tpu.wait_indirect_dma semaphore(%arg17 : memref<!tpu.dma_semaphore, #tpu.memory_space<semaphore_mem>>) src(%arg11 : memref<128x128xf32, #tpu.memory_space<vmem>>) dst(%dma_wait3A_136 : memref<10112x128xf32, #tpu.memory_space<vmem_shared>>)
      } else {
      }
      %add3A_83 = arith.constant 128 : i32
      %add3A_84 = arith.addi %mul3A_65, %add3A_83 : i32
      %add3A_85 = arith.constant 0 : i32
      %add3A_86 = arith.addi %add3A_84, %add3A_85 : i32
      %dma_start3A_87 = tpu.memref_slice %arg3[%add3A_86] : memref<320000xi32, #tpu.memory_space<hbm>> -> memref<128xi32, #tpu.memory_space<hbm>>
      %dma_start3A_88 = tpu.memref_slice %arg3[%add3A_86] : memref<320000xi32, #tpu.memory_space<hbm>> -> memref<128xi32, #tpu.memory_space<hbm>>
      tpu.enqueue_dma source(%dma_start3A_88 : memref<128xi32, #tpu.memory_space<hbm>>) target(%arg8 : memref<128xi32, #tpu.memory_space<vmem>>) target_semaphore(%arg14 : memref<!tpu.dma_semaphore, #tpu.memory_space<semaphore_mem>>)
      %dma_start3A_89 = arith.constant 0 : i32
      %dma_start3A_90 = tpu.memref_slice %arg2[%add3A_84, %dma_start3A_89] : memref<160000x128xf32, #tpu.memory_space<hbm>> -> memref<128x128xf32, #tpu.memory_space<hbm>>
      %dma_start3A_91 = arith.constant 0 : i32
      %dma_start3A_92 = tpu.memref_slice %arg2[%add3A_84, %dma_start3A_91] : memref<160000x128xf32, #tpu.memory_space<hbm>> -> memref<128x128xf32, #tpu.memory_space<hbm>>
      tpu.enqueue_dma source(%dma_start3A_92 : memref<128x128xf32, #tpu.memory_space<hbm>>) target(%arg11 : memref<128x128xf32, #tpu.memory_space<vmem>>) target_semaphore(%arg14 : memref<!tpu.dma_semaphore, #tpu.memory_space<semaphore_mem>>)
      %gt3A_93 = arith.constant 0 : i32
      %gt3A_94 = arith.cmpi sgt, %while3A_60, %gt3A_93 : i32
      %convert_element_type3A_95 = arith.extui %gt3A_94 : i1 to i32
      %cond3A_96 = arith.constant 0 : i32
      %cond3A_97 = arith.cmpi ne, %convert_element_type3A_95, %cond3A_96 : i32
      scf.if %cond3A_97 {
        %dma_wait3A_134 = arith.constant 0 : i32
        %dma_wait3A_135 = arith.constant 0 : i32
        %dma_wait3A_136 = tpu.memref_slice %arg19[%dma_wait3A_134, %dma_wait3A_135] : memref<10112x128xf32, #tpu.memory_space<vmem_shared>> -> memref<10112x128xf32, #tpu.memory_space<vmem_shared>>
        tpu.wait_indirect_dma semaphore(%arg18 : memref<!tpu.dma_semaphore, #tpu.memory_space<semaphore_mem>>) src(%arg12 : memref<128x128xf32, #tpu.memory_space<vmem>>) dst(%dma_wait3A_136 : memref<10112x128xf32, #tpu.memory_space<vmem_shared>>)
      } else {
      }
      %add3A_98 = arith.constant 256 : i32
      %add3A_99 = arith.addi %mul3A_65, %add3A_98 : i32
      %add3A_100 = arith.constant 0 : i32
      %add3A_101 = arith.addi %add3A_99, %add3A_100 : i32
      %dma_start3A_102 = tpu.memref_slice %arg3[%add3A_101] : memref<320000xi32, #tpu.memory_space<hbm>> -> memref<128xi32, #tpu.memory_space<hbm>>
      %dma_start3A_103 = tpu.memref_slice %arg3[%add3A_101] : memref<320000xi32, #tpu.memory_space<hbm>> -> memref<128xi32, #tpu.memory_space<hbm>>
      tpu.enqueue_dma source(%dma_start3A_103 : memref<128xi32, #tpu.memory_space<hbm>>) target(%arg9 : memref<128xi32, #tpu.memory_space<vmem>>) target_semaphore(%arg15 : memref<!tpu.dma_semaphore, #tpu.memory_space<semaphore_mem>>)
      %dma_start3A_104 = arith.constant 0 : i32
      %dma_start3A_105 = tpu.memref_slice %arg2[%add3A_99, %dma_start3A_104] : memref<160000x128xf32, #tpu.memory_space<hbm>> -> memref<128x128xf32, #tpu.memory_space<hbm>>
      %dma_start3A_106 = arith.constant 0 : i32
      %dma_start3A_107 = tpu.memref_slice %arg2[%add3A_99, %dma_start3A_106] : memref<160000x128xf32, #tpu.memory_space<hbm>> -> memref<128x128xf32, #tpu.memory_space<hbm>>
      tpu.enqueue_dma source(%dma_start3A_107 : memref<128x128xf32, #tpu.memory_space<hbm>>) target(%arg12 : memref<128x128xf32, #tpu.memory_space<vmem>>) target_semaphore(%arg15 : memref<!tpu.dma_semaphore, #tpu.memory_space<semaphore_mem>>)
      %dma_wait3A = tpu.memref_slice %arg3[%add3A_72] : memref<320000xi32, #tpu.memory_space<hbm>> -> memref<128xi32, #tpu.memory_space<hbm>>
      %dma_wait3A_108 = tpu.memref_slice %arg3[%add3A_72] : memref<320000xi32, #tpu.memory_space<hbm>> -> memref<128xi32, #tpu.memory_space<hbm>>
      tpu.wait_dma2 semaphore(%arg13 : memref<!tpu.dma_semaphore, #tpu.memory_space<semaphore_mem>>) src(%dma_wait3A_108 : memref<128xi32, #tpu.memory_space<hbm>>) dst(%arg7 : memref<128xi32, #tpu.memory_space<vmem>>)
      %dma_wait3A_109 = arith.constant 0 : i32
      %dma_wait3A_110 = tpu.memref_slice %arg2[%mul3A_65, %dma_wait3A_109] : memref<160000x128xf32, #tpu.memory_space<hbm>> -> memref<128x128xf32, #tpu.memory_space<hbm>>
      %dma_wait3A_111 = arith.constant 0 : i32
      %dma_wait3A_112 = tpu.memref_slice %arg2[%mul3A_65, %dma_wait3A_111] : memref<160000x128xf32, #tpu.memory_space<hbm>> -> memref<128x128xf32, #tpu.memory_space<hbm>>
      tpu.wait_dma2 semaphore(%arg13 : memref<!tpu.dma_semaphore, #tpu.memory_space<semaphore_mem>>) src(%dma_wait3A_112 : memref<128x128xf32, #tpu.memory_space<hbm>>) dst(%arg10 : memref<128x128xf32, #tpu.memory_space<vmem>>)
      %dma_start3A_113 = arith.constant 0 : i32
      %dma_start3A_114 = arith.constant 0 : i32
      %dma_start3A_115 = tpu.memref_slice %arg19[%dma_start3A_113, %dma_start3A_114] : memref<10112x128xf32, #tpu.memory_space<vmem_shared>> -> memref<10112x128xf32, #tpu.memory_space<vmem_shared>>
      tpu.enqueue_indirect_dma source(%arg10 : memref<128x128xf32, #tpu.memory_space<vmem>>) target(%dma_start3A_115 : memref<10112x128xf32, #tpu.memory_space<vmem_shared>>) offsets(%arg7 : memref<128xi32, #tpu.memory_space<vmem>>) semaphore(%arg16 : memref<!tpu.dma_semaphore, #tpu.memory_space<semaphore_mem>>) {add = true}
      %dma_wait3A_116 = tpu.memref_slice %arg3[%add3A_86] : memref<320000xi32, #tpu.memory_space<hbm>> -> memref<128xi32, #tpu.memory_space<hbm>>
      %dma_wait3A_117 = tpu.memref_slice %arg3[%add3A_86] : memref<320000xi32, #tpu.memory_space<hbm>> -> memref<128xi32, #tpu.memory_space<hbm>>
      tpu.wait_dma2 semaphore(%arg14 : memref<!tpu.dma_semaphore, #tpu.memory_space<semaphore_mem>>) src(%dma_wait3A_117 : memref<128xi32, #tpu.memory_space<hbm>>) dst(%arg8 : memref<128xi32, #tpu.memory_space<vmem>>)
      %dma_wait3A_118 = arith.constant 0 : i32
      %dma_wait3A_119 = tpu.memref_slice %arg2[%add3A_84, %dma_wait3A_118] : memref<160000x128xf32, #tpu.memory_space<hbm>> -> memref<128x128xf32, #tpu.memory_space<hbm>>
      %dma_wait3A_120 = arith.constant 0 : i32
      %dma_wait3A_121 = tpu.memref_slice %arg2[%add3A_84, %dma_wait3A_120] : memref<160000x128xf32, #tpu.memory_space<hbm>> -> memref<128x128xf32, #tpu.memory_space<hbm>>
      tpu.wait_dma2 semaphore(%arg14 : memref<!tpu.dma_semaphore, #tpu.memory_space<semaphore_mem>>) src(%dma_wait3A_121 : memref<128x128xf32, #tpu.memory_space<hbm>>) dst(%arg11 : memref<128x128xf32, #tpu.memory_space<vmem>>)
      %dma_start3A_122 = arith.constant 0 : i32
      %dma_start3A_123 = arith.constant 0 : i32
      %dma_start3A_124 = tpu.memref_slice %arg19[%dma_start3A_122, %dma_start3A_123] : memref<10112x128xf32, #tpu.memory_space<vmem_shared>> -> memref<10112x128xf32, #tpu.memory_space<vmem_shared>>
      tpu.enqueue_indirect_dma source(%arg11 : memref<128x128xf32, #tpu.memory_space<vmem>>) target(%dma_start3A_124 : memref<10112x128xf32, #tpu.memory_space<vmem_shared>>) offsets(%arg8 : memref<128xi32, #tpu.memory_space<vmem>>) semaphore(%arg17 : memref<!tpu.dma_semaphore, #tpu.memory_space<semaphore_mem>>) {add = true}
      %dma_wait3A_125 = tpu.memref_slice %arg3[%add3A_101] : memref<320000xi32, #tpu.memory_space<hbm>> -> memref<128xi32, #tpu.memory_space<hbm>>
      %dma_wait3A_126 = tpu.memref_slice %arg3[%add3A_101] : memref<320000xi32, #tpu.memory_space<hbm>> -> memref<128xi32, #tpu.memory_space<hbm>>
      tpu.wait_dma2 semaphore(%arg15 : memref<!tpu.dma_semaphore, #tpu.memory_space<semaphore_mem>>) src(%dma_wait3A_126 : memref<128xi32, #tpu.memory_space<hbm>>) dst(%arg9 : memref<128xi32, #tpu.memory_space<vmem>>)
      %dma_wait3A_127 = arith.constant 0 : i32
      %dma_wait3A_128 = tpu.memref_slice %arg2[%add3A_99, %dma_wait3A_127] : memref<160000x128xf32, #tpu.memory_space<hbm>> -> memref<128x128xf32, #tpu.memory_space<hbm>>
      %dma_wait3A_129 = arith.constant 0 : i32
      %dma_wait3A_130 = tpu.memref_slice %arg2[%add3A_99, %dma_wait3A_129] : memref<160000x128xf32, #tpu.memory_space<hbm>> -> memref<128x128xf32, #tpu.memory_space<hbm>>
      tpu.wait_dma2 semaphore(%arg15 : memref<!tpu.dma_semaphore, #tpu.memory_space<semaphore_mem>>) src(%dma_wait3A_130 : memref<128x128xf32, #tpu.memory_space<hbm>>) dst(%arg12 : memref<128x128xf32, #tpu.memory_space<vmem>>)
      %dma_start3A_131 = arith.constant 0 : i32
      %dma_start3A_132 = arith.constant 0 : i32
      %dma_start3A_133 = tpu.memref_slice %arg19[%dma_start3A_131, %dma_start3A_132] : memref<10112x128xf32, #tpu.memory_space<vmem_shared>> -> memref<10112x128xf32, #tpu.memory_space<vmem_shared>>
      tpu.enqueue_indirect_dma source(%arg12 : memref<128x128xf32, #tpu.memory_space<vmem>>) target(%dma_start3A_133 : memref<10112x128xf32, #tpu.memory_space<vmem_shared>>) offsets(%arg9 : memref<128xi32, #tpu.memory_space<vmem>>) semaphore(%arg18 : memref<!tpu.dma_semaphore, #tpu.memory_space<semaphore_mem>>) {add = true}
    }
    %gt3A = arith.constant 0 : i32
    %gt3A_35 = arith.cmpi sgt, %select_n3A, %gt3A : i32
    %convert_element_type3A_36 = arith.extui %gt3A_35 : i1 to i32
    %cond3A = arith.constant 0 : i32
    %cond3A_37 = arith.cmpi ne, %convert_element_type3A_36, %cond3A : i32
    scf.if %cond3A_37 {
      %dma_wait3A = arith.constant 0 : i32
      %dma_wait3A_60 = arith.constant 0 : i32
      %dma_wait3A_61 = tpu.memref_slice %arg19[%dma_wait3A, %dma_wait3A_60] : memref<10112x128xf32, #tpu.memory_space<vmem_shared>> -> memref<10112x128xf32, #tpu.memory_space<vmem_shared>>
      tpu.wait_indirect_dma semaphore(%arg16 : memref<!tpu.dma_semaphore, #tpu.memory_space<semaphore_mem>>) src(%arg10 : memref<128x128xf32, #tpu.memory_space<vmem>>) dst(%dma_wait3A_61 : memref<10112x128xf32, #tpu.memory_space<vmem_shared>>)
      %dma_wait3A_62 = arith.constant 0 : i32
      %dma_wait3A_63 = arith.constant 0 : i32
      %dma_wait3A_64 = tpu.memref_slice %arg19[%dma_wait3A_62, %dma_wait3A_63] : memref<10112x128xf32, #tpu.memory_space<vmem_shared>> -> memref<10112x128xf32, #tpu.memory_space<vmem_shared>>
      tpu.wait_indirect_dma semaphore(%arg17 : memref<!tpu.dma_semaphore, #tpu.memory_space<semaphore_mem>>) src(%arg11 : memref<128x128xf32, #tpu.memory_space<vmem>>) dst(%dma_wait3A_64 : memref<10112x128xf32, #tpu.memory_space<vmem_shared>>)
      %dma_wait3A_65 = arith.constant 0 : i32
      %dma_wait3A_66 = arith.constant 0 : i32
      %dma_wait3A_67 = tpu.memref_slice %arg19[%dma_wait3A_65, %dma_wait3A_66] : memref<10112x128xf32, #tpu.memory_space<vmem_shared>> -> memref<10112x128xf32, #tpu.memory_space<vmem_shared>>
      tpu.wait_indirect_dma semaphore(%arg18 : memref<!tpu.dma_semaphore, #tpu.memory_space<semaphore_mem>>) src(%arg12 : memref<128x128xf32, #tpu.memory_space<vmem>>) dst(%dma_wait3A_67 : memref<10112x128xf32, #tpu.memory_space<vmem_shared>>)
    } else {
    }
    %mul3A_38 = arith.constant 3 : i32
    %mul3A_39 = arith.muli %select_n3A, %mul3A_38 : i32
    %sub3A_40 = arith.subi %add3A_7, %mul3A_39 : i32
    %ge3A = arith.constant 1 : i32
    %ge3A_41 = arith.cmpi sge, %sub3A_40, %ge3A : i32
    %convert_element_type3A_42 = arith.extui %ge3A_41 : i1 to i32
    %cond3A_43 = arith.constant 0 : i32
    %cond3A_44 = arith.cmpi ne, %convert_element_type3A_42, %cond3A_43 : i32
    scf.if %cond3A_44 {
      %add3A_60 = arith.addi %add3A_5, %add3A_7 : i32
      %sub3A_61 = arith.subi %add3A_60, %sub3A_40 : i32
      %mul3A_62 = arith.constant 128 : i32
      %mul3A_63 = arith.muli %sub3A_61, %mul3A_62 : i32
      %add3A_64 = arith.constant 0 : i32
      %add3A_65 = arith.addi %mul3A_63, %add3A_64 : i32
      %dma_start3A = tpu.memref_slice %arg3[%add3A_65] : memref<320000xi32, #tpu.memory_space<hbm>> -> memref<128xi32, #tpu.memory_space<hbm>>
      %dma_start3A_66 = tpu.memref_slice %arg3[%add3A_65] : memref<320000xi32, #tpu.memory_space<hbm>> -> memref<128xi32, #tpu.memory_space<hbm>>
      tpu.enqueue_dma source(%dma_start3A_66 : memref<128xi32, #tpu.memory_space<hbm>>) target(%arg7 : memref<128xi32, #tpu.memory_space<vmem>>) target_semaphore(%arg13 : memref<!tpu.dma_semaphore, #tpu.memory_space<semaphore_mem>>)
      %dma_start3A_67 = arith.constant 0 : i32
      %dma_start3A_68 = tpu.memref_slice %arg2[%mul3A_63, %dma_start3A_67] : memref<160000x128xf32, #tpu.memory_space<hbm>> -> memref<128x128xf32, #tpu.memory_space<hbm>>
      %dma_start3A_69 = arith.constant 0 : i32
      %dma_start3A_70 = tpu.memref_slice %arg2[%mul3A_63, %dma_start3A_69] : memref<160000x128xf32, #tpu.memory_space<hbm>> -> memref<128x128xf32, #tpu.memory_space<hbm>>
      tpu.enqueue_dma source(%dma_start3A_70 : memref<128x128xf32, #tpu.memory_space<hbm>>) target(%arg10 : memref<128x128xf32, #tpu.memory_space<vmem>>) target_semaphore(%arg13 : memref<!tpu.dma_semaphore, #tpu.memory_space<semaphore_mem>>)
      %dma_wait3A = tpu.memref_slice %arg3[%add3A_65] : memref<320000xi32, #tpu.memory_space<hbm>> -> memref<128xi32, #tpu.memory_space<hbm>>
      %dma_wait3A_71 = tpu.memref_slice %arg3[%add3A_65] : memref<320000xi32, #tpu.memory_space<hbm>> -> memref<128xi32, #tpu.memory_space<hbm>>
      tpu.wait_dma2 semaphore(%arg13 : memref<!tpu.dma_semaphore, #tpu.memory_space<semaphore_mem>>) src(%dma_wait3A_71 : memref<128xi32, #tpu.memory_space<hbm>>) dst(%arg7 : memref<128xi32, #tpu.memory_space<vmem>>)
      %dma_wait3A_72 = arith.constant 0 : i32
      %dma_wait3A_73 = tpu.memref_slice %arg2[%mul3A_63, %dma_wait3A_72] : memref<160000x128xf32, #tpu.memory_space<hbm>> -> memref<128x128xf32, #tpu.memory_space<hbm>>
      %dma_wait3A_74 = arith.constant 0 : i32
      %dma_wait3A_75 = tpu.memref_slice %arg2[%mul3A_63, %dma_wait3A_74] : memref<160000x128xf32, #tpu.memory_space<hbm>> -> memref<128x128xf32, #tpu.memory_space<hbm>>
      tpu.wait_dma2 semaphore(%arg13 : memref<!tpu.dma_semaphore, #tpu.memory_space<semaphore_mem>>) src(%dma_wait3A_75 : memref<128x128xf32, #tpu.memory_space<hbm>>) dst(%arg10 : memref<128x128xf32, #tpu.memory_space<vmem>>)
      %dma_start3A_76 = arith.constant 0 : i32
      %dma_start3A_77 = arith.constant 0 : i32
      %dma_start3A_78 = tpu.memref_slice %arg19[%dma_start3A_76, %dma_start3A_77] : memref<10112x128xf32, #tpu.memory_space<vmem_shared>> -> memref<10112x128xf32, #tpu.memory_space<vmem_shared>>
      tpu.enqueue_indirect_dma source(%arg10 : memref<128x128xf32, #tpu.memory_space<vmem>>) target(%dma_start3A_78 : memref<10112x128xf32, #tpu.memory_space<vmem_shared>>) offsets(%arg7 : memref<128xi32, #tpu.memory_space<vmem>>) semaphore(%arg16 : memref<!tpu.dma_semaphore, #tpu.memory_space<semaphore_mem>>) {add = true}
      %dma_wait3A_79 = arith.constant 0 : i32
      %dma_wait3A_80 = arith.constant 0 : i32
      %dma_wait3A_81 = tpu.memref_slice %arg19[%dma_wait3A_79, %dma_wait3A_80] : memref<10112x128xf32, #tpu.memory_space<vmem_shared>> -> memref<10112x128xf32, #tpu.memory_space<vmem_shared>>
      tpu.wait_indirect_dma semaphore(%arg16 : memref<!tpu.dma_semaphore, #tpu.memory_space<semaphore_mem>>) src(%arg10 : memref<128x128xf32, #tpu.memory_space<vmem>>) dst(%dma_wait3A_81 : memref<10112x128xf32, #tpu.memory_space<vmem_shared>>)
    } else {
    }
    %eq3A = arith.constant 2 : i32
    %eq3A_45 = arith.cmpi eq, %sub3A_40, %eq3A : i32
    %convert_element_type3A_46 = arith.extui %eq3A_45 : i1 to i32
    %cond3A_47 = arith.constant 0 : i32
    %cond3A_48 = arith.cmpi ne, %convert_element_type3A_46, %cond3A_47 : i32
    scf.if %cond3A_48 {
      %add3A_60 = arith.addi %add3A_5, %add3A_7 : i32
      %sub3A_61 = arith.constant 1 : i32
      %sub3A_62 = arith.subi %add3A_60, %sub3A_61 : i32
      %mul3A_63 = arith.constant 128 : i32
      %mul3A_64 = arith.muli %sub3A_62, %mul3A_63 : i32
      %add3A_65 = arith.constant 0 : i32
      %add3A_66 = arith.addi %mul3A_64, %add3A_65 : i32
      %dma_start3A = tpu.memref_slice %arg3[%add3A_66] : memref<320000xi32, #tpu.memory_space<hbm>> -> memref<128xi32, #tpu.memory_space<hbm>>
      %dma_start3A_67 = tpu.memref_slice %arg3[%add3A_66] : memref<320000xi32, #tpu.memory_space<hbm>> -> memref<128xi32, #tpu.memory_space<hbm>>
      tpu.enqueue_dma source(%dma_start3A_67 : memref<128xi32, #tpu.memory_space<hbm>>) target(%arg8 : memref<128xi32, #tpu.memory_space<vmem>>) target_semaphore(%arg14 : memref<!tpu.dma_semaphore, #tpu.memory_space<semaphore_mem>>)
      %dma_start3A_68 = arith.constant 0 : i32
      %dma_start3A_69 = tpu.memref_slice %arg2[%mul3A_64, %dma_start3A_68] : memref<160000x128xf32, #tpu.memory_space<hbm>> -> memref<128x128xf32, #tpu.memory_space<hbm>>
      %dma_start3A_70 = arith.constant 0 : i32
      %dma_start3A_71 = tpu.memref_slice %arg2[%mul3A_64, %dma_start3A_70] : memref<160000x128xf32, #tpu.memory_space<hbm>> -> memref<128x128xf32, #tpu.memory_space<hbm>>
      tpu.enqueue_dma source(%dma_start3A_71 : memref<128x128xf32, #tpu.memory_space<hbm>>) target(%arg11 : memref<128x128xf32, #tpu.memory_space<vmem>>) target_semaphore(%arg14 : memref<!tpu.dma_semaphore, #tpu.memory_space<semaphore_mem>>)
      %dma_wait3A = tpu.memref_slice %arg3[%add3A_66] : memref<320000xi32, #tpu.memory_space<hbm>> -> memref<128xi32, #tpu.memory_space<hbm>>
      %dma_wait3A_72 = tpu.memref_slice %arg3[%add3A_66] : memref<320000xi32, #tpu.memory_space<hbm>> -> memref<128xi32, #tpu.memory_space<hbm>>
      tpu.wait_dma2 semaphore(%arg14 : memref<!tpu.dma_semaphore, #tpu.memory_space<semaphore_mem>>) src(%dma_wait3A_72 : memref<128xi32, #tpu.memory_space<hbm>>) dst(%arg8 : memref<128xi32, #tpu.memory_space<vmem>>)
      %dma_wait3A_73 = arith.constant 0 : i32
      %dma_wait3A_74 = tpu.memref_slice %arg2[%mul3A_64, %dma_wait3A_73] : memref<160000x128xf32, #tpu.memory_space<hbm>> -> memref<128x128xf32, #tpu.memory_space<hbm>>
      %dma_wait3A_75 = arith.constant 0 : i32
      %dma_wait3A_76 = tpu.memref_slice %arg2[%mul3A_64, %dma_wait3A_75] : memref<160000x128xf32, #tpu.memory_space<hbm>> -> memref<128x128xf32, #tpu.memory_space<hbm>>
      tpu.wait_dma2 semaphore(%arg14 : memref<!tpu.dma_semaphore, #tpu.memory_space<semaphore_mem>>) src(%dma_wait3A_76 : memref<128x128xf32, #tpu.memory_space<hbm>>) dst(%arg11 : memref<128x128xf32, #tpu.memory_space<vmem>>)
      %dma_start3A_77 = arith.constant 0 : i32
      %dma_start3A_78 = arith.constant 0 : i32
      %dma_start3A_79 = tpu.memref_slice %arg19[%dma_start3A_77, %dma_start3A_78] : memref<10112x128xf32, #tpu.memory_space<vmem_shared>> -> memref<10112x128xf32, #tpu.memory_space<vmem_shared>>
      tpu.enqueue_indirect_dma source(%arg11 : memref<128x128xf32, #tpu.memory_space<vmem>>) target(%dma_start3A_79 : memref<10112x128xf32, #tpu.memory_space<vmem_shared>>) offsets(%arg8 : memref<128xi32, #tpu.memory_space<vmem>>) semaphore(%arg17 : memref<!tpu.dma_semaphore, #tpu.memory_space<semaphore_mem>>) {add = true}
      %dma_wait3A_80 = arith.constant 0 : i32
      %dma_wait3A_81 = arith.constant 0 : i32
      %dma_wait3A_82 = tpu.memref_slice %arg19[%dma_wait3A_80, %dma_wait3A_81] : memref<10112x128xf32, #tpu.memory_space<vmem_shared>> -> memref<10112x128xf32, #tpu.memory_space<vmem_shared>>
      tpu.wait_indirect_dma semaphore(%arg17 : memref<!tpu.dma_semaphore, #tpu.memory_space<semaphore_mem>>) src(%arg11 : memref<128x128xf32, #tpu.memory_space<vmem>>) dst(%dma_wait3A_82 : memref<10112x128xf32, #tpu.memory_space<vmem_shared>>)
    } else {
    }
    %barrier3A_49 = arith.constant 0 : index
    tpu.barrier barrier_id(%barrier3A_49)
    %eq3A_50 = arith.constant 0 : i32
    %eq3A_51 = arith.cmpi eq, %arg0, %eq3A_50 : i32
    %convert_element_type3A_52 = arith.extui %eq3A_51 : i1 to i32
    %cond3A_53 = arith.constant 0 : i32
    %cond3A_54 = arith.cmpi ne, %convert_element_type3A_52, %cond3A_53 : i32
    scf.if %cond3A_54 {
      %mul3A_60 = arith.constant 632 : i32
      %mul3A_61 = arith.muli %arg1, %mul3A_60 : i32
      %mul3A_62 = arith.constant 632 : i32
      %mul3A_63 = arith.muli %arg1, %mul3A_62 : i32
      "tpu.region"() ({
        %run_scoped3A = tpu.sem_alloc : memref<!tpu.dma_semaphore, #tpu.memory_space<semaphore_mem>>
        %dma_start3A = arith.constant 0 : i32
        %dma_start3A_64 = tpu.memref_slice %arg5[%mul3A_63, %dma_start3A] : memref<10112x128xf32, #tpu.memory_space<hbm>> -> memref<632x128xf32, #tpu.memory_space<hbm>>
        %dma_start3A_65 = arith.constant 0 : i32
        %dma_start3A_66 = tpu.memref_slice %arg19[%mul3A_61, %dma_start3A_65] : memref<10112x128xf32, #tpu.memory_space<vmem_shared>> -> memref<632x128xf32, #tpu.memory_space<vmem_shared>>
        tpu.enqueue_dma source(%dma_start3A_66 : memref<632x128xf32, #tpu.memory_space<vmem_shared>>) target(%dma_start3A_64 : memref<632x128xf32, #tpu.memory_space<hbm>>) target_semaphore(%run_scoped3A : memref<!tpu.dma_semaphore, #tpu.memory_space<semaphore_mem>>)
        %dma_wait3A = arith.constant 0 : i32
        %dma_wait3A_67 = tpu.memref_slice %arg5[%mul3A_63, %dma_wait3A] : memref<10112x128xf32, #tpu.memory_space<hbm>> -> memref<632x128xf32, #tpu.memory_space<hbm>>
        %dma_wait3A_68 = arith.constant 0 : i32
        %dma_wait3A_69 = tpu.memref_slice %arg19[%mul3A_61, %dma_wait3A_68] : memref<10112x128xf32, #tpu.memory_space<vmem_shared>> -> memref<632x128xf32, #tpu.memory_space<vmem_shared>>
        tpu.wait_dma2 semaphore(%run_scoped3A : memref<!tpu.dma_semaphore, #tpu.memory_space<semaphore_mem>>) src(%dma_wait3A_69 : memref<632x128xf32, #tpu.memory_space<vmem_shared>>) dst(%dma_wait3A_67 : memref<632x128xf32, #tpu.memory_space<hbm>>)
        tpu.yield
      }) : () -> ()
    } else {
    }
    %eq3A_55 = arith.constant 1 : i32
    %eq3A_56 = arith.cmpi eq, %arg0, %eq3A_55 : i32
    %convert_element_type3A_57 = arith.extui %eq3A_56 : i1 to i32
    %cond3A_58 = arith.constant 0 : i32
    %cond3A_59 = arith.cmpi ne, %convert_element_type3A_57, %cond3A_58 : i32
    scf.if %cond3A_59 {
      %mul3A_60 = arith.constant 632 : i32
      %mul3A_61 = arith.muli %arg1, %mul3A_60 : i32
      %mul3A_62 = arith.constant 632 : i32
      %mul3A_63 = arith.muli %arg1, %mul3A_62 : i32
      "tpu.region"() ({
        %run_scoped3A = tpu.sem_alloc : memref<!tpu.dma_semaphore, #tpu.memory_space<semaphore_mem>>
        %dma_start3A = arith.constant 0 : i32
        %dma_start3A_64 = tpu.memref_slice %arg6[%mul3A_63, %dma_start3A] : memref<10112x128xf32, #tpu.memory_space<hbm>> -> memref<632x128xf32, #tpu.memory_space<hbm>>
        %dma_start3A_65 = arith.constant 0 : i32
        %dma_start3A_66 = tpu.memref_slice %arg19[%mul3A_61, %dma_start3A_65] : memref<10112x128xf32, #tpu.memory_space<vmem_shared>> -> memref<632x128xf32, #tpu.memory_space<vmem_shared>>
        tpu.enqueue_dma source(%dma_start3A_66 : memref<632x128xf32, #tpu.memory_space<vmem_shared>>) target(%dma_start3A_64 : memref<632x128xf32, #tpu.memory_space<hbm>>) target_semaphore(%run_scoped3A : memref<!tpu.dma_semaphore, #tpu.memory_space<semaphore_mem>>)
        %dma_wait3A = arith.constant 0 : i32
        %dma_wait3A_67 = tpu.memref_slice %arg6[%mul3A_63, %dma_wait3A] : memref<10112x128xf32, #tpu.memory_space<hbm>> -> memref<632x128xf32, #tpu.memory_space<hbm>>
        %dma_wait3A_68 = arith.constant 0 : i32
        %dma_wait3A_69 = tpu.memref_slice %arg19[%mul3A_61, %dma_wait3A_68] : memref<10112x128xf32, #tpu.memory_space<vmem_shared>> -> memref<632x128xf32, #tpu.memory_space<vmem_shared>>
        tpu.wait_dma2 semaphore(%run_scoped3A : memref<!tpu.dma_semaphore, #tpu.memory_space<semaphore_mem>>) src(%dma_wait3A_69 : memref<632x128xf32, #tpu.memory_space<vmem_shared>>) dst(%dma_wait3A_67 : memref<632x128xf32, #tpu.memory_space<hbm>>)
        tpu.yield
      }) : () -> ()
    } else {
    }
    return
  }
}

#map = affine_map<(d0, d1) -> (0, 0)>
#map1 = affine_map<(d0, d1) -> (0)>
module attributes {stable_mosaic.version = 14 : i64} {
  func.func @gather_k(%arg0: i32, %arg1: i32, %arg2: memref<10000x128xf32, #tpu.memory_space<hbm>>, %arg3: memref<10000x128xf32, #tpu.memory_space<hbm>>, %arg4: memref<320000xi32, #tpu.memory_space<hbm>>, %arg5: memref<320000xi32, #tpu.memory_space<hbm>>, %arg6: memref<160000x128xf32, #tpu.memory_space<hbm>>, %arg7: memref<128xi32, #tpu.memory_space<vmem>>, %arg8: memref<128xi32, #tpu.memory_space<vmem>>, %arg9: memref<128xi32, #tpu.memory_space<vmem>>, %arg10: memref<128xi32, #tpu.memory_space<vmem>>, %arg11: memref<128xi32, #tpu.memory_space<vmem>>, %arg12: memref<128xi32, #tpu.memory_space<vmem>>, %arg13: memref<128x128xf32, #tpu.memory_space<vmem>>, %arg14: memref<128x128xf32, #tpu.memory_space<vmem>>, %arg15: memref<128x128xf32, #tpu.memory_space<vmem>>, %arg16: memref<128x128xf32, #tpu.memory_space<vmem>>, %arg17: memref<4096x128xf32, #tpu.memory_space<vmem_shared>>, %arg18: memref<!tpu.dma_semaphore, #tpu.memory_space<semaphore_mem>>, %arg19: memref<!tpu.dma_semaphore, #tpu.memory_space<semaphore_mem>>, %arg20: memref<!tpu.dma_semaphore, #tpu.memory_space<semaphore_mem>>, %arg21: memref<!tpu.dma_semaphore, #tpu.memory_space<semaphore_mem>>, %arg22: memref<!tpu.dma_semaphore, #tpu.memory_space<semaphore_mem>>, %arg23: memref<!tpu.dma_semaphore, #tpu.memory_space<semaphore_mem>>, %arg24: memref<!tpu.dma_semaphore, #tpu.memory_space<semaphore_mem>>, %arg25: memref<!tpu.dma_semaphore, #tpu.memory_space<semaphore_mem>>, %arg26: memref<!tpu.dma_semaphore, #tpu.memory_space<semaphore_mem>>, %arg27: memref<!tpu.dma_semaphore, #tpu.memory_space<semaphore_mem>>) attributes {dimension_semantics = [#tpu.dimension_semantics<core_parallel>, #tpu.dimension_semantics<subcore_parallel>], iteration_bounds = array<i64: 2, 16>, scalar_prefetch = 0 : i64, scratch_operands = 21 : i64, tpu.core_type = #tpu.core_type<sc_vector_subcore>, window_params = [{transform_indices = #map}, {transform_indices = #map}, {transform_indices = #map1}, {transform_indices = #map1}, {transform_indices = #map}]} {
    %mul3A = arith.constant 2 : i32
    %mul3A_0 = arith.muli %arg1, %mul3A : i32
    %add3A = arith.addi %mul3A_0, %arg0 : i32
    %lt3A = arith.constant 2 : i32
    %lt3A_1 = arith.cmpi slt, %add3A, %lt3A : i32
    %convert_element_type3A = arith.extui %lt3A_1 : i1 to i32
    %mul3A_2 = arith.constant 39 : i32
    %mul3A_3 = arith.muli %mul3A_2, %add3A : i32
    %min3A = arith.constant 2 : i32
    %min3A_4 = arith.minsi %add3A, %min3A : i32
    %add3A_5 = arith.addi %mul3A_3, %min3A_4 : i32
    %add3A_6 = arith.constant 39 : i32
    %add3A_7 = arith.addi %add3A_6, %convert_element_type3A : i32
    %mul3A_8 = arith.constant 2 : i32
    %mul3A_9 = arith.muli %arg1, %mul3A_8 : i32
    %mul3A_10 = arith.constant 128 : i32
    %mul3A_11 = arith.muli %mul3A_9, %mul3A_10 : i32
    %iota3A = tpu.iota {dimensions = array<i32: 0>} : vector<16xi32>
    %add3A_12 = arith.constant 0 : i32
    %add3A_13 = arith.addi %add3A_12, %mul3A_11 : i32
    %add3A_14 = vector.broadcast %add3A_13 : i32 to vector<16xi32>
    %add3A_15 = arith.addi %iota3A, %add3A_14 : vector<16xi32>
    %swap3A = arith.constant 0 : index
    %swap3A_16 = tpu.vector_load %arg7[%swap3A] {strides = array<i32>} : memref<128xi32, #tpu.memory_space<vmem>>, vector<16xi32>,
    %swap3A_17 = vector.shape_cast %swap3A_16 : vector<16xi32> to vector<16xi32>
    %swap3A_18 = vector.shape_cast %add3A_15 : vector<16xi32> to vector<16xi32>
    tpu.vector_store %arg7[%swap3A], %swap3A_18 {strides = array<i32>} : memref<128xi32, #tpu.memory_space<vmem>>, vector<16xi32>,
    %add3A_19 = arith.constant 128 : i32
    %add3A_20 = vector.broadcast %add3A_19 : i32 to vector<16xi32>
    %add3A_21 = arith.addi %add3A_15, %add3A_20 : vector<16xi32>
    %swap3A_22 = arith.constant 0 : index
    %swap3A_23 = tpu.vector_load %arg8[%swap3A_22] {strides = array<i32>} : memref<128xi32, #tpu.memory_space<vmem>>, vector<16xi32>,
    %swap3A_24 = vector.shape_cast %swap3A_23 : vector<16xi32> to vector<16xi32>
    %swap3A_25 = vector.shape_cast %add3A_21 : vector<16xi32> to vector<16xi32>
    tpu.vector_store %arg8[%swap3A_22], %swap3A_25 {strides = array<i32>} : memref<128xi32, #tpu.memory_space<vmem>>, vector<16xi32>,
    %iota3A_26 = tpu.iota {dimensions = array<i32: 0>} : vector<16xi32>
    %add3A_27 = arith.constant 16 : i32
    %add3A_28 = arith.addi %add3A_27, %mul3A_11 : i32
    %add3A_29 = vector.broadcast %add3A_28 : i32 to vector<16xi32>
    %add3A_30 = arith.addi %iota3A_26, %add3A_29 : vector<16xi32>
    %swap3A_31 = arith.constant 16 : index
    %swap3A_32 = tpu.vector_load %arg7[%swap3A_31] {strides = array<i32>} : memref<128xi32, #tpu.memory_space<vmem>>, vector<16xi32>,
    %swap3A_33 = vector.shape_cast %swap3A_32 : vector<16xi32> to vector<16xi32>
    %swap3A_34 = vector.shape_cast %add3A_30 : vector<16xi32> to vector<16xi32>
    tpu.vector_store %arg7[%swap3A_31], %swap3A_34 {strides = array<i32>} : memref<128xi32, #tpu.memory_space<vmem>>, vector<16xi32>,
    %add3A_35 = arith.constant 128 : i32
    %add3A_36 = vector.broadcast %add3A_35 : i32 to vector<16xi32>
    %add3A_37 = arith.addi %add3A_30, %add3A_36 : vector<16xi32>
    %swap3A_38 = arith.constant 16 : index
    %swap3A_39 = tpu.vector_load %arg8[%swap3A_38] {strides = array<i32>} : memref<128xi32, #tpu.memory_space<vmem>>, vector<16xi32>,
    %swap3A_40 = vector.shape_cast %swap3A_39 : vector<16xi32> to vector<16xi32>
    %swap3A_41 = vector.shape_cast %add3A_37 : vector<16xi32> to vector<16xi32>
    tpu.vector_store %arg8[%swap3A_38], %swap3A_41 {strides = array<i32>} : memref<128xi32, #tpu.memory_space<vmem>>, vector<16xi32>,
    %iota3A_42 = tpu.iota {dimensions = array<i32: 0>} : vector<16xi32>
    %add3A_43 = arith.constant 32 : i32
    %add3A_44 = arith.addi %add3A_43, %mul3A_11 : i32
    %add3A_45 = vector.broadcast %add3A_44 : i32 to vector<16xi32>
    %add3A_46 = arith.addi %iota3A_42, %add3A_45 : vector<16xi32>
    %swap3A_47 = arith.constant 32 : index
    %swap3A_48 = tpu.vector_load %arg7[%swap3A_47] {strides = array<i32>} : memref<128xi32, #tpu.memory_space<vmem>>, vector<16xi32>,
    %swap3A_49 = vector.shape_cast %swap3A_48 : vector<16xi32> to vector<16xi32>
    %swap3A_50 = vector.shape_cast %add3A_46 : vector<16xi32> to vector<16xi32>
    tpu.vector_store %arg7[%swap3A_47], %swap3A_50 {strides = array<i32>} : memref<128xi32, #tpu.memory_space<vmem>>, vector<16xi32>,
    %add3A_51 = arith.constant 128 : i32
    %add3A_52 = vector.broadcast %add3A_51 : i32 to vector<16xi32>
    %add3A_53 = arith.addi %add3A_46, %add3A_52 : vector<16xi32>
    %swap3A_54 = arith.constant 32 : index
    %swap3A_55 = tpu.vector_load %arg8[%swap3A_54] {strides = array<i32>} : memref<128xi32, #tpu.memory_space<vmem>>, vector<16xi32>,
    %swap3A_56 = vector.shape_cast %swap3A_55 : vector<16xi32> to vector<16xi32>
    %swap3A_57 = vector.shape_cast %add3A_53 : vector<16xi32> to vector<16xi32>
    tpu.vector_store %arg8[%swap3A_54], %swap3A_57 {strides = array<i32>} : memref<128xi32, #tpu.memory_space<vmem>>, vector<16xi32>,
    %iota3A_58 = tpu.iota {dimensions = array<i32: 0>} : vector<16xi32>
    %add3A_59 = arith.constant 48 : i32
    %add3A_60 = arith.addi %add3A_59, %mul3A_11 : i32
    %add3A_61 = vector.broadcast %add3A_60 : i32 to vector<16xi32>
    %add3A_62 = arith.addi %iota3A_58, %add3A_61 : vector<16xi32>
    %swap3A_63 = arith.constant 48 : index
    %swap3A_64 = tpu.vector_load %arg7[%swap3A_63] {strides = array<i32>} : memref<128xi32, #tpu.memory_space<vmem>>, vector<16xi32>,
    %swap3A_65 = vector.shape_cast %swap3A_64 : vector<16xi32> to vector<16xi32>
    %swap3A_66 = vector.shape_cast %add3A_62 : vector<16xi32> to vector<16xi32>
    tpu.vector_store %arg7[%swap3A_63], %swap3A_66 {strides = array<i32>} : memref<128xi32, #tpu.memory_space<vmem>>, vector<16xi32>,
    %add3A_67 = arith.constant 128 : i32
    %add3A_68 = vector.broadcast %add3A_67 : i32 to vector<16xi32>
    %add3A_69 = arith.addi %add3A_62, %add3A_68 : vector<16xi32>
    %swap3A_70 = arith.constant 48 : index
    %swap3A_71 = tpu.vector_load %arg8[%swap3A_70] {strides = array<i32>} : memref<128xi32, #tpu.memory_space<vmem>>, vector<16xi32>,
    %swap3A_72 = vector.shape_cast %swap3A_71 : vector<16xi32> to vector<16xi32>
    %swap3A_73 = vector.shape_cast %add3A_69 : vector<16xi32> to vector<16xi32>
    tpu.vector_store %arg8[%swap3A_70], %swap3A_73 {strides = array<i32>} : memref<128xi32, #tpu.memory_space<vmem>>, vector<16xi32>,
    %iota3A_74 = tpu.iota {dimensions = array<i32: 0>} : vector<16xi32>
    %add3A_75 = arith.constant 64 : i32
    %add3A_76 = arith.addi %add3A_75, %mul3A_11 : i32
    %add3A_77 = vector.broadcast %add3A_76 : i32 to vector<16xi32>
    %add3A_78 = arith.addi %iota3A_74, %add3A_77 : vector<16xi32>
    %swap3A_79 = arith.constant 64 : index
    %swap3A_80 = tpu.vector_load %arg7[%swap3A_79] {strides = array<i32>} : memref<128xi32, #tpu.memory_space<vmem>>, vector<16xi32>,
    %swap3A_81 = vector.shape_cast %swap3A_80 : vector<16xi32> to vector<16xi32>
    %swap3A_82 = vector.shape_cast %add3A_78 : vector<16xi32> to vector<16xi32>
    tpu.vector_store %arg7[%swap3A_79], %swap3A_82 {strides = array<i32>} : memref<128xi32, #tpu.memory_space<vmem>>, vector<16xi32>,
    %add3A_83 = arith.constant 128 : i32
    %add3A_84 = vector.broadcast %add3A_83 : i32 to vector<16xi32>
    %add3A_85 = arith.addi %add3A_78, %add3A_84 : vector<16xi32>
    %swap3A_86 = arith.constant 64 : index
    %swap3A_87 = tpu.vector_load %arg8[%swap3A_86] {strides = array<i32>} : memref<128xi32, #tpu.memory_space<vmem>>, vector<16xi32>,
    %swap3A_88 = vector.shape_cast %swap3A_87 : vector<16xi32> to vector<16xi32>
    %swap3A_89 = vector.shape_cast %add3A_85 : vector<16xi32> to vector<16xi32>
    tpu.vector_store %arg8[%swap3A_86], %swap3A_89 {strides = array<i32>} : memref<128xi32, #tpu.memory_space<vmem>>, vector<16xi32>,
    %iota3A_90 = tpu.iota {dimensions = array<i32: 0>} : vector<16xi32>
    %add3A_91 = arith.constant 80 : i32
    %add3A_92 = arith.addi %add3A_91, %mul3A_11 : i32
    %add3A_93 = vector.broadcast %add3A_92 : i32 to vector<16xi32>
    %add3A_94 = arith.addi %iota3A_90, %add3A_93 : vector<16xi32>
    %swap3A_95 = arith.constant 80 : index
    %swap3A_96 = tpu.vector_load %arg7[%swap3A_95] {strides = array<i32>} : memref<128xi32, #tpu.memory_space<vmem>>, vector<16xi32>,
    %swap3A_97 = vector.shape_cast %swap3A_96 : vector<16xi32> to vector<16xi32>
    %swap3A_98 = vector.shape_cast %add3A_94 : vector<16xi32> to vector<16xi32>
    tpu.vector_store %arg7[%swap3A_95], %swap3A_98 {strides = array<i32>} : memref<128xi32, #tpu.memory_space<vmem>>, vector<16xi32>,
    %add3A_99 = arith.constant 128 : i32
    %add3A_100 = vector.broadcast %add3A_99 : i32 to vector<16xi32>
    %add3A_101 = arith.addi %add3A_94, %add3A_100 : vector<16xi32>
    %swap3A_102 = arith.constant 80 : index
    %swap3A_103 = tpu.vector_load %arg8[%swap3A_102] {strides = array<i32>} : memref<128xi32, #tpu.memory_space<vmem>>, vector<16xi32>,
    %swap3A_104 = vector.shape_cast %swap3A_103 : vector<16xi32> to vector<16xi32>
    %swap3A_105 = vector.shape_cast %add3A_101 : vector<16xi32> to vector<16xi32>
    tpu.vector_store %arg8[%swap3A_102], %swap3A_105 {strides = array<i32>} : memref<128xi32, #tpu.memory_space<vmem>>, vector<16xi32>,
    %iota3A_106 = tpu.iota {dimensions = array<i32: 0>} : vector<16xi32>
    %add3A_107 = arith.constant 96 : i32
    %add3A_108 = arith.addi %add3A_107, %mul3A_11 : i32
    %add3A_109 = vector.broadcast %add3A_108 : i32 to vector<16xi32>
    %add3A_110 = arith.addi %iota3A_106, %add3A_109 : vector<16xi32>
    %swap3A_111 = arith.constant 96 : index
    %swap3A_112 = tpu.vector_load %arg7[%swap3A_111] {strides = array<i32>} : memref<128xi32, #tpu.memory_space<vmem>>, vector<16xi32>,
    %swap3A_113 = vector.shape_cast %swap3A_112 : vector<16xi32> to vector<16xi32>
    %swap3A_114 = vector.shape_cast %add3A_110 : vector<16xi32> to vector<16xi32>
    tpu.vector_store %arg7[%swap3A_111], %swap3A_114 {strides = array<i32>} : memref<128xi32, #tpu.memory_space<vmem>>, vector<16xi32>,
    %add3A_115 = arith.constant 128 : i32
    %add3A_116 = vector.broadcast %add3A_115 : i32 to vector<16xi32>
    %add3A_117 = arith.addi %add3A_110, %add3A_116 : vector<16xi32>
    %swap3A_118 = arith.constant 96 : index
    %swap3A_119 = tpu.vector_load %arg8[%swap3A_118] {strides = array<i32>} : memref<128xi32, #tpu.memory_space<vmem>>, vector<16xi32>,
    %swap3A_120 = vector.shape_cast %swap3A_119 : vector<16xi32> to vector<16xi32>
    %swap3A_121 = vector.shape_cast %add3A_117 : vector<16xi32> to vector<16xi32>
    tpu.vector_store %arg8[%swap3A_118], %swap3A_121 {strides = array<i32>} : memref<128xi32, #tpu.memory_space<vmem>>, vector<16xi32>,
    %iota3A_122 = tpu.iota {dimensions = array<i32: 0>} : vector<16xi32>
    %add3A_123 = arith.constant 112 : i32
    %add3A_124 = arith.addi %add3A_123, %mul3A_11 : i32
    %add3A_125 = vector.broadcast %add3A_124 : i32 to vector<16xi32>
    %add3A_126 = arith.addi %iota3A_122, %add3A_125 : vector<16xi32>
    %swap3A_127 = arith.constant 112 : index
    %swap3A_128 = tpu.vector_load %arg7[%swap3A_127] {strides = array<i32>} : memref<128xi32, #tpu.memory_space<vmem>>, vector<16xi32>,
    %swap3A_129 = vector.shape_cast %swap3A_128 : vector<16xi32> to vector<16xi32>
    %swap3A_130 = vector.shape_cast %add3A_126 : vector<16xi32> to vector<16xi32>
    tpu.vector_store %arg7[%swap3A_127], %swap3A_130 {strides = array<i32>} : memref<128xi32, #tpu.memory_space<vmem>>, vector<16xi32>,
    %add3A_131 = arith.constant 128 : i32
    %add3A_132 = vector.broadcast %add3A_131 : i32 to vector<16xi32>
    %add3A_133 = arith.addi %add3A_126, %add3A_132 : vector<16xi32>
    %swap3A_134 = arith.constant 112 : index
    %swap3A_135 = tpu.vector_load %arg8[%swap3A_134] {strides = array<i32>} : memref<128xi32, #tpu.memory_space<vmem>>, vector<16xi32>,
    %swap3A_136 = vector.shape_cast %swap3A_135 : vector<16xi32> to vector<16xi32>
    %swap3A_137 = vector.shape_cast %add3A_133 : vector<16xi32> to vector<16xi32>
    tpu.vector_store %arg8[%swap3A_134], %swap3A_137 {strides = array<i32>} : memref<128xi32, #tpu.memory_space<vmem>>, vector<16xi32>,
    %jit3A = arith.constant 2 : i32
    %div3A = arith.divsi %add3A_7, %jit3A : i32
    %sign3A = arith.constant 0 : i32
    %sign3A_138 = arith.cmpi sgt, %add3A_7, %sign3A : i32
    %sign3A_139 = arith.extui %sign3A_138 : i1 to i32
    %sign3A_140 = arith.constant 0 : i32
    %sign3A_141 = arith.cmpi slt, %add3A_7, %sign3A_140 : i32
    %sign3A_142 = arith.extui %sign3A_141 : i1 to i32
    %sign3A_143 = arith.subi %sign3A_139, %sign3A_142 : i32
    %sign3A_144 = arith.constant 0 : i32
    %sign3A_145 = arith.cmpi sgt, %jit3A, %sign3A_144 : i32
    %sign3A_146 = arith.extui %sign3A_145 : i1 to i32
    %sign3A_147 = arith.constant 0 : i32
    %sign3A_148 = arith.cmpi slt, %jit3A, %sign3A_147 : i32
    %sign3A_149 = arith.extui %sign3A_148 : i1 to i32
    %sign3A_150 = arith.subi %sign3A_146, %sign3A_149 : i32
    %ne3A = arith.cmpi ne, %sign3A_143, %sign3A_150 : i32
    %rem3A = arith.remsi %add3A_7, %jit3A : i32
    %ne3A_151 = arith.constant 0 : i32
    %ne3A_152 = arith.cmpi ne, %rem3A, %ne3A_151 : i32
    %and3A = arith.andi %ne3A, %ne3A_152 : i1
    %sub3A = arith.constant 1 : i32
    %sub3A_153 = arith.subi %div3A, %sub3A : i32
    %select_n3A = arith.select %and3A, %sub3A_153, %div3A : i32
    %while3A = arith.constant 0 : i32
    %while3A_154 = arith.constant 0 : i32
    %while3A_155 = arith.subi %select_n3A, %while3A_154 : i32
    %while3A_156 = arith.addi %while3A_154, %while3A_155 : i32
    %while3A_157 = arith.constant 1 : i32
    %while3A_158 = arith.divsi %while3A_155, %while3A_157 : i32
    %while3A_159 = arith.muli %while3A_158, %while3A_157 : i32
    %while3A_160 = arith.addi %while3A_154, %while3A_159 : i32
    %while3A_161 = arith.constant 1 : i32
    scf.for %while3A_182 = %while3A_154 to %while3A_160 step %while3A_161  : i32 {
      %mul3A_183 = arith.constant 2 : i32
      %mul3A_184 = arith.muli %mul3A_183, %while3A_182 : i32
      %add3A_185 = arith.addi %add3A_5, %mul3A_184 : i32
      %mul3A_186 = arith.constant 128 : i32
      %mul3A_187 = arith.muli %add3A_185, %mul3A_186 : i32
      %add3A_188 = arith.constant 128 : i32
      %add3A_189 = arith.addi %mul3A_187, %add3A_188 : i32
      %add3A_190 = arith.constant 0 : i32
      %add3A_191 = arith.addi %mul3A_187, %add3A_190 : i32
      %dma_start3A = tpu.memref_slice %arg4[%add3A_191] : memref<320000xi32, #tpu.memory_space<hbm>> -> memref<128xi32, #tpu.memory_space<hbm>>
      %dma_start3A_192 = tpu.memref_slice %arg4[%add3A_191] : memref<320000xi32, #tpu.memory_space<hbm>> -> memref<128xi32, #tpu.memory_space<hbm>>
      tpu.enqueue_dma source(%dma_start3A_192 : memref<128xi32, #tpu.memory_space<hbm>>) target(%arg9 : memref<128xi32, #tpu.memory_space<vmem>>) target_semaphore(%arg18 : memref<!tpu.dma_semaphore, #tpu.memory_space<semaphore_mem>>)
      %dma_start3A_193 = tpu.memref_slice %arg5[%add3A_191] : memref<320000xi32, #tpu.memory_space<hbm>> -> memref<128xi32, #tpu.memory_space<hbm>>
      %dma_start3A_194 = tpu.memref_slice %arg5[%add3A_191] : memref<320000xi32, #tpu.memory_space<hbm>> -> memref<128xi32, #tpu.memory_space<hbm>>
      tpu.enqueue_dma source(%dma_start3A_194 : memref<128xi32, #tpu.memory_space<hbm>>) target(%arg10 : memref<128xi32, #tpu.memory_space<vmem>>) target_semaphore(%arg18 : memref<!tpu.dma_semaphore, #tpu.memory_space<semaphore_mem>>)
      %add3A_195 = arith.constant 0 : i32
      %add3A_196 = arith.addi %add3A_189, %add3A_195 : i32
      %dma_start3A_197 = tpu.memref_slice %arg4[%add3A_196] : memref<320000xi32, #tpu.memory_space<hbm>> -> memref<128xi32, #tpu.memory_space<hbm>>
      %dma_start3A_198 = tpu.memref_slice %arg4[%add3A_196] : memref<320000xi32, #tpu.memory_space<hbm>> -> memref<128xi32, #tpu.memory_space<hbm>>
      tpu.enqueue_dma source(%dma_start3A_198 : memref<128xi32, #tpu.memory_space<hbm>>) target(%arg11 : memref<128xi32, #tpu.memory_space<vmem>>) target_semaphore(%arg18 : memref<!tpu.dma_semaphore, #tpu.memory_space<semaphore_mem>>)
      %dma_start3A_199 = tpu.memref_slice %arg5[%add3A_196] : memref<320000xi32, #tpu.memory_space<hbm>> -> memref<128xi32, #tpu.memory_space<hbm>>
      %dma_start3A_200 = tpu.memref_slice %arg5[%add3A_196] : memref<320000xi32, #tpu.memory_space<hbm>> -> memref<128xi32, #tpu.memory_space<hbm>>
      tpu.enqueue_dma source(%dma_start3A_200 : memref<128xi32, #tpu.memory_space<hbm>>) target(%arg12 : memref<128xi32, #tpu.memory_space<vmem>>) target_semaphore(%arg18 : memref<!tpu.dma_semaphore, #tpu.memory_space<semaphore_mem>>)
      %dma_wait3A = tpu.memref_slice %arg4[%add3A_191] : memref<320000xi32, #tpu.memory_space<hbm>> -> memref<128xi32, #tpu.memory_space<hbm>>
      %dma_wait3A_201 = tpu.memref_slice %arg4[%add3A_191] : memref<320000xi32, #tpu.memory_space<hbm>> -> memref<128xi32, #tpu.memory_space<hbm>>
      tpu.wait_dma2 semaphore(%arg18 : memref<!tpu.dma_semaphore, #tpu.memory_space<semaphore_mem>>) src(%dma_wait3A_201 : memref<128xi32, #tpu.memory_space<hbm>>) dst(%arg9 : memref<128xi32, #tpu.memory_space<vmem>>)
      %dma_wait3A_202 = tpu.memref_slice %arg5[%add3A_191] : memref<320000xi32, #tpu.memory_space<hbm>> -> memref<128xi32, #tpu.memory_space<hbm>>
      %dma_wait3A_203 = tpu.memref_slice %arg5[%add3A_191] : memref<320000xi32, #tpu.memory_space<hbm>> -> memref<128xi32, #tpu.memory_space<hbm>>
      tpu.wait_dma2 semaphore(%arg18 : memref<!tpu.dma_semaphore, #tpu.memory_space<semaphore_mem>>) src(%dma_wait3A_203 : memref<128xi32, #tpu.memory_space<hbm>>) dst(%arg10 : memref<128xi32, #tpu.memory_space<vmem>>)
      %dma_wait3A_204 = tpu.memref_slice %arg4[%add3A_196] : memref<320000xi32, #tpu.memory_space<hbm>> -> memref<128xi32, #tpu.memory_space<hbm>>
      %dma_wait3A_205 = tpu.memref_slice %arg4[%add3A_196] : memref<320000xi32, #tpu.memory_space<hbm>> -> memref<128xi32, #tpu.memory_space<hbm>>
      tpu.wait_dma2 semaphore(%arg18 : memref<!tpu.dma_semaphore, #tpu.memory_space<semaphore_mem>>) src(%dma_wait3A_205 : memref<128xi32, #tpu.memory_space<hbm>>) dst(%arg11 : memref<128xi32, #tpu.memory_space<vmem>>)
      %dma_wait3A_206 = tpu.memref_slice %arg5[%add3A_196] : memref<320000xi32, #tpu.memory_space<hbm>> -> memref<128xi32, #tpu.memory_space<hbm>>
      %dma_wait3A_207 = tpu.memref_slice %arg5[%add3A_196] : memref<320000xi32, #tpu.memory_space<hbm>> -> memref<128xi32, #tpu.memory_space<hbm>>
      tpu.wait_dma2 semaphore(%arg18 : memref<!tpu.dma_semaphore, #tpu.memory_space<semaphore_mem>>) src(%dma_wait3A_207 : memref<128xi32, #tpu.memory_space<hbm>>) dst(%arg12 : memref<128xi32, #tpu.memory_space<vmem>>)
      %dma_start3A_208 = arith.constant 0 : i32
      %dma_start3A_209 = arith.constant 0 : i32
      %dma_start3A_210 = tpu.memref_slice %arg2[%dma_start3A_208, %dma_start3A_209] : memref<10000x128xf32, #tpu.memory_space<hbm>> -> memref<10000x128xf32, #tpu.memory_space<hbm>>
      tpu.enqueue_indirect_dma source(%dma_start3A_210 : memref<10000x128xf32, #tpu.memory_space<hbm>>) target(%arg13 : memref<128x128xf32, #tpu.memory_space<vmem>>) offsets(%arg9 : memref<128xi32, #tpu.memory_space<vmem>>) semaphore(%arg19 : memref<!tpu.dma_semaphore, #tpu.memory_space<semaphore_mem>>)
      %dma_start3A_211 = arith.constant 0 : i32
      %dma_start3A_212 = arith.constant 0 : i32
      %dma_start3A_213 = tpu.memref_slice %arg3[%dma_start3A_211, %dma_start3A_212] : memref<10000x128xf32, #tpu.memory_space<hbm>> -> memref<10000x128xf32, #tpu.memory_space<hbm>>
      tpu.enqueue_indirect_dma source(%dma_start3A_213 : memref<10000x128xf32, #tpu.memory_space<hbm>>) target(%arg14 : memref<128x128xf32, #tpu.memory_space<vmem>>) offsets(%arg10 : memref<128xi32, #tpu.memory_space<vmem>>) semaphore(%arg20 : memref<!tpu.dma_semaphore, #tpu.memory_space<semaphore_mem>>)
      %dma_start3A_214 = arith.constant 0 : i32
      %dma_start3A_215 = arith.constant 0 : i32
      %dma_start3A_216 = tpu.memref_slice %arg2[%dma_start3A_214, %dma_start3A_215] : memref<10000x128xf32, #tpu.memory_space<hbm>> -> memref<10000x128xf32, #tpu.memory_space<hbm>>
      tpu.enqueue_indirect_dma source(%dma_start3A_216 : memref<10000x128xf32, #tpu.memory_space<hbm>>) target(%arg15 : memref<128x128xf32, #tpu.memory_space<vmem>>) offsets(%arg11 : memref<128xi32, #tpu.memory_space<vmem>>) semaphore(%arg21 : memref<!tpu.dma_semaphore, #tpu.memory_space<semaphore_mem>>)
      %dma_start3A_217 = arith.constant 0 : i32
      %dma_start3A_218 = arith.constant 0 : i32
      %dma_start3A_219 = tpu.memref_slice %arg3[%dma_start3A_217, %dma_start3A_218] : memref<10000x128xf32, #tpu.memory_space<hbm>> -> memref<10000x128xf32, #tpu.memory_space<hbm>>
      tpu.enqueue_indirect_dma source(%dma_start3A_219 : memref<10000x128xf32, #tpu.memory_space<hbm>>) target(%arg16 : memref<128x128xf32, #tpu.memory_space<vmem>>) offsets(%arg12 : memref<128xi32, #tpu.memory_space<vmem>>) semaphore(%arg22 : memref<!tpu.dma_semaphore, #tpu.memory_space<semaphore_mem>>)
      %dma_wait3A_220 = arith.constant 0 : i32
      %dma_wait3A_221 = arith.constant 0 : i32
      %dma_wait3A_222 = tpu.memref_slice %arg2[%dma_wait3A_220, %dma_wait3A_221] : memref<10000x128xf32, #tpu.memory_space<hbm>> -> memref<10000x128xf32, #tpu.memory_space<hbm>>
      tpu.wait_indirect_dma semaphore(%arg19 : memref<!tpu.dma_semaphore, #tpu.memory_space<semaphore_mem>>) src(%dma_wait3A_222 : memref<10000x128xf32, #tpu.memory_space<hbm>>) dst(%arg13 : memref<128x128xf32, #tpu.memory_space<vmem>>)
      %add3A_223 = arith.constant 0 : i32
      %add3A_224 = arith.addi %mul3A_11, %add3A_223 : i32
      %dma_start3A_225 = arith.constant 0 : i32
      %dma_start3A_226 = tpu.memref_slice %arg17[%add3A_224, %dma_start3A_225] : memref<4096x128xf32, #tpu.memory_space<vmem_shared>> -> memref<128x128xf32, #tpu.memory_space<vmem_shared>>
      %dma_start3A_227 = arith.constant 0 : i32
      %dma_start3A_228 = tpu.memref_slice %arg17[%add3A_224, %dma_start3A_227] : memref<4096x128xf32, #tpu.memory_space<vmem_shared>> -> memref<128x128xf32, #tpu.memory_space<vmem_shared>>
      tpu.enqueue_dma source(%arg13 : memref<128x128xf32, #tpu.memory_space<vmem>>) target(%dma_start3A_228 : memref<128x128xf32, #tpu.memory_space<vmem_shared>>) target_semaphore(%arg23 : memref<!tpu.dma_semaphore, #tpu.memory_space<semaphore_mem>>)
      %dma_wait3A_229 = arith.constant 0 : i32
      %dma_wait3A_230 = arith.constant 0 : i32
      %dma_wait3A_231 = tpu.memref_slice %arg2[%dma_wait3A_229, %dma_wait3A_230] : memref<10000x128xf32, #tpu.memory_space<hbm>> -> memref<10000x128xf32, #tpu.memory_space<hbm>>
      tpu.wait_indirect_dma semaphore(%arg21 : memref<!tpu.dma_semaphore, #tpu.memory_space<semaphore_mem>>) src(%dma_wait3A_231 : memref<10000x128xf32, #tpu.memory_space<hbm>>) dst(%arg15 : memref<128x128xf32, #tpu.memory_space<vmem>>)
      %add3A_232 = arith.constant 128 : i32
      %add3A_233 = arith.addi %mul3A_11, %add3A_232 : i32
      %dma_start3A_234 = arith.constant 0 : i32
      %dma_start3A_235 = tpu.memref_slice %arg17[%add3A_233, %dma_start3A_234] : memref<4096x128xf32, #tpu.memory_space<vmem_shared>> -> memref<128x128xf32, #tpu.memory_space<vmem_shared>>
      %dma_start3A_236 = arith.constant 0 : i32
      %dma_start3A_237 = tpu.memref_slice %arg17[%add3A_233, %dma_start3A_236] : memref<4096x128xf32, #tpu.memory_space<vmem_shared>> -> memref<128x128xf32, #tpu.memory_space<vmem_shared>>
      tpu.enqueue_dma source(%arg15 : memref<128x128xf32, #tpu.memory_space<vmem>>) target(%dma_start3A_237 : memref<128x128xf32, #tpu.memory_space<vmem_shared>>) target_semaphore(%arg24 : memref<!tpu.dma_semaphore, #tpu.memory_space<semaphore_mem>>)
      %dma_wait3A_238 = arith.constant 0 : i32
      %dma_wait3A_239 = tpu.memref_slice %arg17[%add3A_224, %dma_wait3A_238] : memref<4096x128xf32, #tpu.memory_space<vmem_shared>> -> memref<128x128xf32, #tpu.memory_space<vmem_shared>>
      %dma_wait3A_240 = arith.constant 0 : i32
      %dma_wait3A_241 = tpu.memref_slice %arg17[%add3A_224, %dma_wait3A_240] : memref<4096x128xf32, #tpu.memory_space<vmem_shared>> -> memref<128x128xf32, #tpu.memory_space<vmem_shared>>
      tpu.wait_dma2 semaphore(%arg23 : memref<!tpu.dma_semaphore, #tpu.memory_space<semaphore_mem>>) src(%arg13 : memref<128x128xf32, #tpu.memory_space<vmem>>) dst(%dma_wait3A_241 : memref<128x128xf32, #tpu.memory_space<vmem_shared>>)
      %dma_wait3A_242 = arith.constant 0 : i32
      %dma_wait3A_243 = arith.constant 0 : i32
      %dma_wait3A_244 = tpu.memref_slice %arg3[%dma_wait3A_242, %dma_wait3A_243] : memref<10000x128xf32, #tpu.memory_space<hbm>> -> memref<10000x128xf32, #tpu.memory_space<hbm>>
      tpu.wait_indirect_dma semaphore(%arg20 : memref<!tpu.dma_semaphore, #tpu.memory_space<semaphore_mem>>) src(%dma_wait3A_244 : memref<10000x128xf32, #tpu.memory_space<hbm>>) dst(%arg14 : memref<128x128xf32, #tpu.memory_space<vmem>>)
      %dma_start3A_245 = arith.constant 0 : i32
      %dma_start3A_246 = arith.constant 0 : i32
      %dma_start3A_247 = tpu.memref_slice %arg17[%dma_start3A_245, %dma_start3A_246] : memref<4096x128xf32, #tpu.memory_space<vmem_shared>> -> memref<4096x128xf32, #tpu.memory_space<vmem_shared>>
      tpu.enqueue_indirect_dma source(%arg14 : memref<128x128xf32, #tpu.memory_space<vmem>>) target(%dma_start3A_247 : memref<4096x128xf32, #tpu.memory_space<vmem_shared>>) offsets(%arg7 : memref<128xi32, #tpu.memory_space<vmem>>) semaphore(%arg25 : memref<!tpu.dma_semaphore, #tpu.memory_space<semaphore_mem>>) {add = true}
      %dma_wait3A_248 = arith.constant 0 : i32
      %dma_wait3A_249 = tpu.memref_slice %arg17[%add3A_233, %dma_wait3A_248] : memref<4096x128xf32, #tpu.memory_space<vmem_shared>> -> memref<128x128xf32, #tpu.memory_space<vmem_shared>>
      %dma_wait3A_250 = arith.constant 0 : i32
      %dma_wait3A_251 = tpu.memref_slice %arg17[%add3A_233, %dma_wait3A_250] : memref<4096x128xf32, #tpu.memory_space<vmem_shared>> -> memref<128x128xf32, #tpu.memory_space<vmem_shared>>
      tpu.wait_dma2 semaphore(%arg24 : memref<!tpu.dma_semaphore, #tpu.memory_space<semaphore_mem>>) src(%arg15 : memref<128x128xf32, #tpu.memory_space<vmem>>) dst(%dma_wait3A_251 : memref<128x128xf32, #tpu.memory_space<vmem_shared>>)
      %dma_wait3A_252 = arith.constant 0 : i32
      %dma_wait3A_253 = arith.constant 0 : i32
      %dma_wait3A_254 = tpu.memref_slice %arg3[%dma_wait3A_252, %dma_wait3A_253] : memref<10000x128xf32, #tpu.memory_space<hbm>> -> memref<10000x128xf32, #tpu.memory_space<hbm>>
      tpu.wait_indirect_dma semaphore(%arg22 : memref<!tpu.dma_semaphore, #tpu.memory_space<semaphore_mem>>) src(%dma_wait3A_254 : memref<10000x128xf32, #tpu.memory_space<hbm>>) dst(%arg16 : memref<128x128xf32, #tpu.memory_space<vmem>>)
      %dma_start3A_255 = arith.constant 0 : i32
      %dma_start3A_256 = arith.constant 0 : i32
      %dma_start3A_257 = tpu.memref_slice %arg17[%dma_start3A_255, %dma_start3A_256] : memref<4096x128xf32, #tpu.memory_space<vmem_shared>> -> memref<4096x128xf32, #tpu.memory_space<vmem_shared>>
      tpu.enqueue_indirect_dma source(%arg16 : memref<128x128xf32, #tpu.memory_space<vmem>>) target(%dma_start3A_257 : memref<4096x128xf32, #tpu.memory_space<vmem_shared>>) offsets(%arg8 : memref<128xi32, #tpu.memory_space<vmem>>) semaphore(%arg26 : memref<!tpu.dma_semaphore, #tpu.memory_space<semaphore_mem>>) {add = true}
      %dma_wait3A_258 = arith.constant 0 : i32
      %dma_wait3A_259 = arith.constant 0 : i32
      %dma_wait3A_260 = tpu.memref_slice %arg17[%dma_wait3A_258, %dma_wait3A_259] : memref<4096x128xf32, #tpu.memory_space<vmem_shared>> -> memref<4096x128xf32, #tpu.memory_space<vmem_shared>>
      tpu.wait_indirect_dma semaphore(%arg25 : memref<!tpu.dma_semaphore, #tpu.memory_space<semaphore_mem>>) src(%arg14 : memref<128x128xf32, #tpu.memory_space<vmem>>) dst(%dma_wait3A_260 : memref<4096x128xf32, #tpu.memory_space<vmem_shared>>)
      %add3A_261 = arith.constant 0 : i32
      %add3A_262 = arith.addi %mul3A_11, %add3A_261 : i32
      %dma_start3A_263 = arith.constant 0 : i32
      %dma_start3A_264 = tpu.memref_slice %arg6[%mul3A_187, %dma_start3A_263] : memref<160000x128xf32, #tpu.memory_space<hbm>> -> memref<128x128xf32, #tpu.memory_space<hbm>>
      %dma_start3A_265 = arith.constant 0 : i32
      %dma_start3A_266 = tpu.memref_slice %arg17[%add3A_262, %dma_start3A_265] : memref<4096x128xf32, #tpu.memory_space<vmem_shared>> -> memref<128x128xf32, #tpu.memory_space<vmem_shared>>
      tpu.enqueue_dma source(%dma_start3A_266 : memref<128x128xf32, #tpu.memory_space<vmem_shared>>) target(%dma_start3A_264 : memref<128x128xf32, #tpu.memory_space<hbm>>) target_semaphore(%arg27 : memref<!tpu.dma_semaphore, #tpu.memory_space<semaphore_mem>>)
      %dma_wait3A_267 = arith.constant 0 : i32
      %dma_wait3A_268 = arith.constant 0 : i32
      %dma_wait3A_269 = tpu.memref_slice %arg17[%dma_wait3A_267, %dma_wait3A_268] : memref<4096x128xf32, #tpu.memory_space<vmem_shared>> -> memref<4096x128xf32, #tpu.memory_space<vmem_shared>>
      tpu.wait_indirect_dma semaphore(%arg26 : memref<!tpu.dma_semaphore, #tpu.memory_space<semaphore_mem>>) src(%arg16 : memref<128x128xf32, #tpu.memory_space<vmem>>) dst(%dma_wait3A_269 : memref<4096x128xf32, #tpu.memory_space<vmem_shared>>)
      %add3A_270 = arith.constant 128 : i32
      %add3A_271 = arith.addi %mul3A_11, %add3A_270 : i32
      %dma_start3A_272 = arith.constant 0 : i32
      %dma_start3A_273 = tpu.memref_slice %arg6[%add3A_189, %dma_start3A_272] : memref<160000x128xf32, #tpu.memory_space<hbm>> -> memref<128x128xf32, #tpu.memory_space<hbm>>
      %dma_start3A_274 = arith.constant 0 : i32
      %dma_start3A_275 = tpu.memref_slice %arg17[%add3A_271, %dma_start3A_274] : memref<4096x128xf32, #tpu.memory_space<vmem_shared>> -> memref<128x128xf32, #tpu.memory_space<vmem_shared>>
      tpu.enqueue_dma source(%dma_start3A_275 : memref<128x128xf32, #tpu.memory_space<vmem_shared>>) target(%dma_start3A_273 : memref<128x128xf32, #tpu.memory_space<hbm>>) target_semaphore(%arg27 : memref<!tpu.dma_semaphore, #tpu.memory_space<semaphore_mem>>)
      %dma_wait3A_276 = arith.constant 0 : i32
      %dma_wait3A_277 = tpu.memref_slice %arg6[%mul3A_187, %dma_wait3A_276] : memref<160000x128xf32, #tpu.memory_space<hbm>> -> memref<128x128xf32, #tpu.memory_space<hbm>>
      %dma_wait3A_278 = arith.constant 0 : i32
      %dma_wait3A_279 = tpu.memref_slice %arg17[%add3A_262, %dma_wait3A_278] : memref<4096x128xf32, #tpu.memory_space<vmem_shared>> -> memref<128x128xf32, #tpu.memory_space<vmem_shared>>
      tpu.wait_dma2 semaphore(%arg27 : memref<!tpu.dma_semaphore, #tpu.memory_space<semaphore_mem>>) src(%dma_wait3A_279 : memref<128x128xf32, #tpu.memory_space<vmem_shared>>) dst(%dma_wait3A_277 : memref<128x128xf32, #tpu.memory_space<hbm>>)
      %dma_wait3A_280 = arith.constant 0 : i32
      %dma_wait3A_281 = tpu.memref_slice %arg6[%add3A_189, %dma_wait3A_280] : memref<160000x128xf32, #tpu.memory_space<hbm>> -> memref<128x128xf32, #tpu.memory_space<hbm>>
      %dma_wait3A_282 = arith.constant 0 : i32
      %dma_wait3A_283 = tpu.memref_slice %arg17[%add3A_271, %dma_wait3A_282] : memref<4096x128xf32, #tpu.memory_space<vmem_shared>> -> memref<128x128xf32, #tpu.memory_space<vmem_shared>>
      tpu.wait_dma2 semaphore(%arg27 : memref<!tpu.dma_semaphore, #tpu.memory_space<semaphore_mem>>) src(%dma_wait3A_283 : memref<128x128xf32, #tpu.memory_space<vmem_shared>>) dst(%dma_wait3A_281 : memref<128x128xf32, #tpu.memory_space<hbm>>)
    }
    %while3A_162 = arith.constant 1 : i32
    scf.for %while3A_182 = %while3A_160 to %while3A_156 step %while3A_162  : i32 {
      %mul3A_183 = arith.constant 2 : i32
      %mul3A_184 = arith.muli %mul3A_183, %while3A_182 : i32
      %add3A_185 = arith.addi %add3A_5, %mul3A_184 : i32
      %mul3A_186 = arith.constant 128 : i32
      %mul3A_187 = arith.muli %add3A_185, %mul3A_186 : i32
      %add3A_188 = arith.constant 128 : i32
      %add3A_189 = arith.addi %mul3A_187, %add3A_188 : i32
      %add3A_190 = arith.constant 0 : i32
      %add3A_191 = arith.addi %mul3A_187, %add3A_190 : i32
      %dma_start3A = tpu.memref_slice %arg4[%add3A_191] : memref<320000xi32, #tpu.memory_space<hbm>> -> memref<128xi32, #tpu.memory_space<hbm>>
      %dma_start3A_192 = tpu.memref_slice %arg4[%add3A_191] : memref<320000xi32, #tpu.memory_space<hbm>> -> memref<128xi32, #tpu.memory_space<hbm>>
      tpu.enqueue_dma source(%dma_start3A_192 : memref<128xi32, #tpu.memory_space<hbm>>) target(%arg9 : memref<128xi32, #tpu.memory_space<vmem>>) target_semaphore(%arg18 : memref<!tpu.dma_semaphore, #tpu.memory_space<semaphore_mem>>)
      %dma_start3A_193 = tpu.memref_slice %arg5[%add3A_191] : memref<320000xi32, #tpu.memory_space<hbm>> -> memref<128xi32, #tpu.memory_space<hbm>>
      %dma_start3A_194 = tpu.memref_slice %arg5[%add3A_191] : memref<320000xi32, #tpu.memory_space<hbm>> -> memref<128xi32, #tpu.memory_space<hbm>>
      tpu.enqueue_dma source(%dma_start3A_194 : memref<128xi32, #tpu.memory_space<hbm>>) target(%arg10 : memref<128xi32, #tpu.memory_space<vmem>>) target_semaphore(%arg18 : memref<!tpu.dma_semaphore, #tpu.memory_space<semaphore_mem>>)
      %add3A_195 = arith.constant 0 : i32
      %add3A_196 = arith.addi %add3A_189, %add3A_195 : i32
      %dma_start3A_197 = tpu.memref_slice %arg4[%add3A_196] : memref<320000xi32, #tpu.memory_space<hbm>> -> memref<128xi32, #tpu.memory_space<hbm>>
      %dma_start3A_198 = tpu.memref_slice %arg4[%add3A_196] : memref<320000xi32, #tpu.memory_space<hbm>> -> memref<128xi32, #tpu.memory_space<hbm>>
      tpu.enqueue_dma source(%dma_start3A_198 : memref<128xi32, #tpu.memory_space<hbm>>) target(%arg11 : memref<128xi32, #tpu.memory_space<vmem>>) target_semaphore(%arg18 : memref<!tpu.dma_semaphore, #tpu.memory_space<semaphore_mem>>)
      %dma_start3A_199 = tpu.memref_slice %arg5[%add3A_196] : memref<320000xi32, #tpu.memory_space<hbm>> -> memref<128xi32, #tpu.memory_space<hbm>>
      %dma_start3A_200 = tpu.memref_slice %arg5[%add3A_196] : memref<320000xi32, #tpu.memory_space<hbm>> -> memref<128xi32, #tpu.memory_space<hbm>>
      tpu.enqueue_dma source(%dma_start3A_200 : memref<128xi32, #tpu.memory_space<hbm>>) target(%arg12 : memref<128xi32, #tpu.memory_space<vmem>>) target_semaphore(%arg18 : memref<!tpu.dma_semaphore, #tpu.memory_space<semaphore_mem>>)
      %dma_wait3A = tpu.memref_slice %arg4[%add3A_191] : memref<320000xi32, #tpu.memory_space<hbm>> -> memref<128xi32, #tpu.memory_space<hbm>>
      %dma_wait3A_201 = tpu.memref_slice %arg4[%add3A_191] : memref<320000xi32, #tpu.memory_space<hbm>> -> memref<128xi32, #tpu.memory_space<hbm>>
      tpu.wait_dma2 semaphore(%arg18 : memref<!tpu.dma_semaphore, #tpu.memory_space<semaphore_mem>>) src(%dma_wait3A_201 : memref<128xi32, #tpu.memory_space<hbm>>) dst(%arg9 : memref<128xi32, #tpu.memory_space<vmem>>)
      %dma_wait3A_202 = tpu.memref_slice %arg5[%add3A_191] : memref<320000xi32, #tpu.memory_space<hbm>> -> memref<128xi32, #tpu.memory_space<hbm>>
      %dma_wait3A_203 = tpu.memref_slice %arg5[%add3A_191] : memref<320000xi32, #tpu.memory_space<hbm>> -> memref<128xi32, #tpu.memory_space<hbm>>
      tpu.wait_dma2 semaphore(%arg18 : memref<!tpu.dma_semaphore, #tpu.memory_space<semaphore_mem>>) src(%dma_wait3A_203 : memref<128xi32, #tpu.memory_space<hbm>>) dst(%arg10 : memref<128xi32, #tpu.memory_space<vmem>>)
      %dma_wait3A_204 = tpu.memref_slice %arg4[%add3A_196] : memref<320000xi32, #tpu.memory_space<hbm>> -> memref<128xi32, #tpu.memory_space<hbm>>
      %dma_wait3A_205 = tpu.memref_slice %arg4[%add3A_196] : memref<320000xi32, #tpu.memory_space<hbm>> -> memref<128xi32, #tpu.memory_space<hbm>>
      tpu.wait_dma2 semaphore(%arg18 : memref<!tpu.dma_semaphore, #tpu.memory_space<semaphore_mem>>) src(%dma_wait3A_205 : memref<128xi32, #tpu.memory_space<hbm>>) dst(%arg11 : memref<128xi32, #tpu.memory_space<vmem>>)
      %dma_wait3A_206 = tpu.memref_slice %arg5[%add3A_196] : memref<320000xi32, #tpu.memory_space<hbm>> -> memref<128xi32, #tpu.memory_space<hbm>>
      %dma_wait3A_207 = tpu.memref_slice %arg5[%add3A_196] : memref<320000xi32, #tpu.memory_space<hbm>> -> memref<128xi32, #tpu.memory_space<hbm>>
      tpu.wait_dma2 semaphore(%arg18 : memref<!tpu.dma_semaphore, #tpu.memory_space<semaphore_mem>>) src(%dma_wait3A_207 : memref<128xi32, #tpu.memory_space<hbm>>) dst(%arg12 : memref<128xi32, #tpu.memory_space<vmem>>)
      %dma_start3A_208 = arith.constant 0 : i32
      %dma_start3A_209 = arith.constant 0 : i32
      %dma_start3A_210 = tpu.memref_slice %arg2[%dma_start3A_208, %dma_start3A_209] : memref<10000x128xf32, #tpu.memory_space<hbm>> -> memref<10000x128xf32, #tpu.memory_space<hbm>>
      tpu.enqueue_indirect_dma source(%dma_start3A_210 : memref<10000x128xf32, #tpu.memory_space<hbm>>) target(%arg13 : memref<128x128xf32, #tpu.memory_space<vmem>>) offsets(%arg9 : memref<128xi32, #tpu.memory_space<vmem>>) semaphore(%arg19 : memref<!tpu.dma_semaphore, #tpu.memory_space<semaphore_mem>>)
      %dma_start3A_211 = arith.constant 0 : i32
      %dma_start3A_212 = arith.constant 0 : i32
      %dma_start3A_213 = tpu.memref_slice %arg3[%dma_start3A_211, %dma_start3A_212] : memref<10000x128xf32, #tpu.memory_space<hbm>> -> memref<10000x128xf32, #tpu.memory_space<hbm>>
      tpu.enqueue_indirect_dma source(%dma_start3A_213 : memref<10000x128xf32, #tpu.memory_space<hbm>>) target(%arg14 : memref<128x128xf32, #tpu.memory_space<vmem>>) offsets(%arg10 : memref<128xi32, #tpu.memory_space<vmem>>) semaphore(%arg20 : memref<!tpu.dma_semaphore, #tpu.memory_space<semaphore_mem>>)
      %dma_start3A_214 = arith.constant 0 : i32
      %dma_start3A_215 = arith.constant 0 : i32
      %dma_start3A_216 = tpu.memref_slice %arg2[%dma_start3A_214, %dma_start3A_215] : memref<10000x128xf32, #tpu.memory_space<hbm>> -> memref<10000x128xf32, #tpu.memory_space<hbm>>
      tpu.enqueue_indirect_dma source(%dma_start3A_216 : memref<10000x128xf32, #tpu.memory_space<hbm>>) target(%arg15 : memref<128x128xf32, #tpu.memory_space<vmem>>) offsets(%arg11 : memref<128xi32, #tpu.memory_space<vmem>>) semaphore(%arg21 : memref<!tpu.dma_semaphore, #tpu.memory_space<semaphore_mem>>)
      %dma_start3A_217 = arith.constant 0 : i32
      %dma_start3A_218 = arith.constant 0 : i32
      %dma_start3A_219 = tpu.memref_slice %arg3[%dma_start3A_217, %dma_start3A_218] : memref<10000x128xf32, #tpu.memory_space<hbm>> -> memref<10000x128xf32, #tpu.memory_space<hbm>>
      tpu.enqueue_indirect_dma source(%dma_start3A_219 : memref<10000x128xf32, #tpu.memory_space<hbm>>) target(%arg16 : memref<128x128xf32, #tpu.memory_space<vmem>>) offsets(%arg12 : memref<128xi32, #tpu.memory_space<vmem>>) semaphore(%arg22 : memref<!tpu.dma_semaphore, #tpu.memory_space<semaphore_mem>>)
      %dma_wait3A_220 = arith.constant 0 : i32
      %dma_wait3A_221 = arith.constant 0 : i32
      %dma_wait3A_222 = tpu.memref_slice %arg2[%dma_wait3A_220, %dma_wait3A_221] : memref<10000x128xf32, #tpu.memory_space<hbm>> -> memref<10000x128xf32, #tpu.memory_space<hbm>>
      tpu.wait_indirect_dma semaphore(%arg19 : memref<!tpu.dma_semaphore, #tpu.memory_space<semaphore_mem>>) src(%dma_wait3A_222 : memref<10000x128xf32, #tpu.memory_space<hbm>>) dst(%arg13 : memref<128x128xf32, #tpu.memory_space<vmem>>)
      %add3A_223 = arith.constant 0 : i32
      %add3A_224 = arith.addi %mul3A_11, %add3A_223 : i32
      %dma_start3A_225 = arith.constant 0 : i32
      %dma_start3A_226 = tpu.memref_slice %arg17[%add3A_224, %dma_start3A_225] : memref<4096x128xf32, #tpu.memory_space<vmem_shared>> -> memref<128x128xf32, #tpu.memory_space<vmem_shared>>
      %dma_start3A_227 = arith.constant 0 : i32
      %dma_start3A_228 = tpu.memref_slice %arg17[%add3A_224, %dma_start3A_227] : memref<4096x128xf32, #tpu.memory_space<vmem_shared>> -> memref<128x128xf32, #tpu.memory_space<vmem_shared>>
      tpu.enqueue_dma source(%arg13 : memref<128x128xf32, #tpu.memory_space<vmem>>) target(%dma_start3A_228 : memref<128x128xf32, #tpu.memory_space<vmem_shared>>) target_semaphore(%arg23 : memref<!tpu.dma_semaphore, #tpu.memory_space<semaphore_mem>>)
      %dma_wait3A_229 = arith.constant 0 : i32
      %dma_wait3A_230 = arith.constant 0 : i32
      %dma_wait3A_231 = tpu.memref_slice %arg2[%dma_wait3A_229, %dma_wait3A_230] : memref<10000x128xf32, #tpu.memory_space<hbm>> -> memref<10000x128xf32, #tpu.memory_space<hbm>>
      tpu.wait_indirect_dma semaphore(%arg21 : memref<!tpu.dma_semaphore, #tpu.memory_space<semaphore_mem>>) src(%dma_wait3A_231 : memref<10000x128xf32, #tpu.memory_space<hbm>>) dst(%arg15 : memref<128x128xf32, #tpu.memory_space<vmem>>)
      %add3A_232 = arith.constant 128 : i32
      %add3A_233 = arith.addi %mul3A_11, %add3A_232 : i32
      %dma_start3A_234 = arith.constant 0 : i32
      %dma_start3A_235 = tpu.memref_slice %arg17[%add3A_233, %dma_start3A_234] : memref<4096x128xf32, #tpu.memory_space<vmem_shared>> -> memref<128x128xf32, #tpu.memory_space<vmem_shared>>
      %dma_start3A_236 = arith.constant 0 : i32
      %dma_start3A_237 = tpu.memref_slice %arg17[%add3A_233, %dma_start3A_236] : memref<4096x128xf32, #tpu.memory_space<vmem_shared>> -> memref<128x128xf32, #tpu.memory_space<vmem_shared>>
      tpu.enqueue_dma source(%arg15 : memref<128x128xf32, #tpu.memory_space<vmem>>) target(%dma_start3A_237 : memref<128x128xf32, #tpu.memory_space<vmem_shared>>) target_semaphore(%arg24 : memref<!tpu.dma_semaphore, #tpu.memory_space<semaphore_mem>>)
      %dma_wait3A_238 = arith.constant 0 : i32
      %dma_wait3A_239 = tpu.memref_slice %arg17[%add3A_224, %dma_wait3A_238] : memref<4096x128xf32, #tpu.memory_space<vmem_shared>> -> memref<128x128xf32, #tpu.memory_space<vmem_shared>>
      %dma_wait3A_240 = arith.constant 0 : i32
      %dma_wait3A_241 = tpu.memref_slice %arg17[%add3A_224, %dma_wait3A_240] : memref<4096x128xf32, #tpu.memory_space<vmem_shared>> -> memref<128x128xf32, #tpu.memory_space<vmem_shared>>
      tpu.wait_dma2 semaphore(%arg23 : memref<!tpu.dma_semaphore, #tpu.memory_space<semaphore_mem>>) src(%arg13 : memref<128x128xf32, #tpu.memory_space<vmem>>) dst(%dma_wait3A_241 : memref<128x128xf32, #tpu.memory_space<vmem_shared>>)
      %dma_wait3A_242 = arith.constant 0 : i32
      %dma_wait3A_243 = arith.constant 0 : i32
      %dma_wait3A_244 = tpu.memref_slice %arg3[%dma_wait3A_242, %dma_wait3A_243] : memref<10000x128xf32, #tpu.memory_space<hbm>> -> memref<10000x128xf32, #tpu.memory_space<hbm>>
      tpu.wait_indirect_dma semaphore(%arg20 : memref<!tpu.dma_semaphore, #tpu.memory_space<semaphore_mem>>) src(%dma_wait3A_244 : memref<10000x128xf32, #tpu.memory_space<hbm>>) dst(%arg14 : memref<128x128xf32, #tpu.memory_space<vmem>>)
      %dma_start3A_245 = arith.constant 0 : i32
      %dma_start3A_246 = arith.constant 0 : i32
      %dma_start3A_247 = tpu.memref_slice %arg17[%dma_start3A_245, %dma_start3A_246] : memref<4096x128xf32, #tpu.memory_space<vmem_shared>> -> memref<4096x128xf32, #tpu.memory_space<vmem_shared>>
      tpu.enqueue_indirect_dma source(%arg14 : memref<128x128xf32, #tpu.memory_space<vmem>>) target(%dma_start3A_247 : memref<4096x128xf32, #tpu.memory_space<vmem_shared>>) offsets(%arg7 : memref<128xi32, #tpu.memory_space<vmem>>) semaphore(%arg25 : memref<!tpu.dma_semaphore, #tpu.memory_space<semaphore_mem>>) {add = true}
      %dma_wait3A_248 = arith.constant 0 : i32
      %dma_wait3A_249 = tpu.memref_slice %arg17[%add3A_233, %dma_wait3A_248] : memref<4096x128xf32, #tpu.memory_space<vmem_shared>> -> memref<128x128xf32, #tpu.memory_space<vmem_shared>>
      %dma_wait3A_250 = arith.constant 0 : i32
      %dma_wait3A_251 = tpu.memref_slice %arg17[%add3A_233, %dma_wait3A_250] : memref<4096x128xf32, #tpu.memory_space<vmem_shared>> -> memref<128x128xf32, #tpu.memory_space<vmem_shared>>
      tpu.wait_dma2 semaphore(%arg24 : memref<!tpu.dma_semaphore, #tpu.memory_space<semaphore_mem>>) src(%arg15 : memref<128x128xf32, #tpu.memory_space<vmem>>) dst(%dma_wait3A_251 : memref<128x128xf32, #tpu.memory_space<vmem_shared>>)
      %dma_wait3A_252 = arith.constant 0 : i32
      %dma_wait3A_253 = arith.constant 0 : i32
      %dma_wait3A_254 = tpu.memref_slice %arg3[%dma_wait3A_252, %dma_wait3A_253] : memref<10000x128xf32, #tpu.memory_space<hbm>> -> memref<10000x128xf32, #tpu.memory_space<hbm>>
      tpu.wait_indirect_dma semaphore(%arg22 : memref<!tpu.dma_semaphore, #tpu.memory_space<semaphore_mem>>) src(%dma_wait3A_254 : memref<10000x128xf32, #tpu.memory_space<hbm>>) dst(%arg16 : memref<128x128xf32, #tpu.memory_space<vmem>>)
      %dma_start3A_255 = arith.constant 0 : i32
      %dma_start3A_256 = arith.constant 0 : i32
      %dma_start3A_257 = tpu.memref_slice %arg17[%dma_start3A_255, %dma_start3A_256] : memref<4096x128xf32, #tpu.memory_space<vmem_shared>> -> memref<4096x128xf32, #tpu.memory_space<vmem_shared>>
      tpu.enqueue_indirect_dma source(%arg16 : memref<128x128xf32, #tpu.memory_space<vmem>>) target(%dma_start3A_257 : memref<4096x128xf32, #tpu.memory_space<vmem_shared>>) offsets(%arg8 : memref<128xi32, #tpu.memory_space<vmem>>) semaphore(%arg26 : memref<!tpu.dma_semaphore, #tpu.memory_space<semaphore_mem>>) {add = true}
      %dma_wait3A_258 = arith.constant 0 : i32
      %dma_wait3A_259 = arith.constant 0 : i32
      %dma_wait3A_260 = tpu.memref_slice %arg17[%dma_wait3A_258, %dma_wait3A_259] : memref<4096x128xf32, #tpu.memory_space<vmem_shared>> -> memref<4096x128xf32, #tpu.memory_space<vmem_shared>>
      tpu.wait_indirect_dma semaphore(%arg25 : memref<!tpu.dma_semaphore, #tpu.memory_space<semaphore_mem>>) src(%arg14 : memref<128x128xf32, #tpu.memory_space<vmem>>) dst(%dma_wait3A_260 : memref<4096x128xf32, #tpu.memory_space<vmem_shared>>)
      %add3A_261 = arith.constant 0 : i32
      %add3A_262 = arith.addi %mul3A_11, %add3A_261 : i32
      %dma_start3A_263 = arith.constant 0 : i32
      %dma_start3A_264 = tpu.memref_slice %arg6[%mul3A_187, %dma_start3A_263] : memref<160000x128xf32, #tpu.memory_space<hbm>> -> memref<128x128xf32, #tpu.memory_space<hbm>>
      %dma_start3A_265 = arith.constant 0 : i32
      %dma_start3A_266 = tpu.memref_slice %arg17[%add3A_262, %dma_start3A_265] : memref<4096x128xf32, #tpu.memory_space<vmem_shared>> -> memref<128x128xf32, #tpu.memory_space<vmem_shared>>
      tpu.enqueue_dma source(%dma_start3A_266 : memref<128x128xf32, #tpu.memory_space<vmem_shared>>) target(%dma_start3A_264 : memref<128x128xf32, #tpu.memory_space<hbm>>) target_semaphore(%arg27 : memref<!tpu.dma_semaphore, #tpu.memory_space<semaphore_mem>>)
      %dma_wait3A_267 = arith.constant 0 : i32
      %dma_wait3A_268 = arith.constant 0 : i32
      %dma_wait3A_269 = tpu.memref_slice %arg17[%dma_wait3A_267, %dma_wait3A_268] : memref<4096x128xf32, #tpu.memory_space<vmem_shared>> -> memref<4096x128xf32, #tpu.memory_space<vmem_shared>>
      tpu.wait_indirect_dma semaphore(%arg26 : memref<!tpu.dma_semaphore, #tpu.memory_space<semaphore_mem>>) src(%arg16 : memref<128x128xf32, #tpu.memory_space<vmem>>) dst(%dma_wait3A_269 : memref<4096x128xf32, #tpu.memory_space<vmem_shared>>)
      %add3A_270 = arith.constant 128 : i32
      %add3A_271 = arith.addi %mul3A_11, %add3A_270 : i32
      %dma_start3A_272 = arith.constant 0 : i32
      %dma_start3A_273 = tpu.memref_slice %arg6[%add3A_189, %dma_start3A_272] : memref<160000x128xf32, #tpu.memory_space<hbm>> -> memref<128x128xf32, #tpu.memory_space<hbm>>
      %dma_start3A_274 = arith.constant 0 : i32
      %dma_start3A_275 = tpu.memref_slice %arg17[%add3A_271, %dma_start3A_274] : memref<4096x128xf32, #tpu.memory_space<vmem_shared>> -> memref<128x128xf32, #tpu.memory_space<vmem_shared>>
      tpu.enqueue_dma source(%dma_start3A_275 : memref<128x128xf32, #tpu.memory_space<vmem_shared>>) target(%dma_start3A_273 : memref<128x128xf32, #tpu.memory_space<hbm>>) target_semaphore(%arg27 : memref<!tpu.dma_semaphore, #tpu.memory_space<semaphore_mem>>)
      %dma_wait3A_276 = arith.constant 0 : i32
      %dma_wait3A_277 = tpu.memref_slice %arg6[%mul3A_187, %dma_wait3A_276] : memref<160000x128xf32, #tpu.memory_space<hbm>> -> memref<128x128xf32, #tpu.memory_space<hbm>>
      %dma_wait3A_278 = arith.constant 0 : i32
      %dma_wait3A_279 = tpu.memref_slice %arg17[%add3A_262, %dma_wait3A_278] : memref<4096x128xf32, #tpu.memory_space<vmem_shared>> -> memref<128x128xf32, #tpu.memory_space<vmem_shared>>
      tpu.wait_dma2 semaphore(%arg27 : memref<!tpu.dma_semaphore, #tpu.memory_space<semaphore_mem>>) src(%dma_wait3A_279 : memref<128x128xf32, #tpu.memory_space<vmem_shared>>) dst(%dma_wait3A_277 : memref<128x128xf32, #tpu.memory_space<hbm>>)
      %dma_wait3A_280 = arith.constant 0 : i32
      %dma_wait3A_281 = tpu.memref_slice %arg6[%add3A_189, %dma_wait3A_280] : memref<160000x128xf32, #tpu.memory_space<hbm>> -> memref<128x128xf32, #tpu.memory_space<hbm>>
      %dma_wait3A_282 = arith.constant 0 : i32
      %dma_wait3A_283 = tpu.memref_slice %arg17[%add3A_271, %dma_wait3A_282] : memref<4096x128xf32, #tpu.memory_space<vmem_shared>> -> memref<128x128xf32, #tpu.memory_space<vmem_shared>>
      tpu.wait_dma2 semaphore(%arg27 : memref<!tpu.dma_semaphore, #tpu.memory_space<semaphore_mem>>) src(%dma_wait3A_283 : memref<128x128xf32, #tpu.memory_space<vmem_shared>>) dst(%dma_wait3A_281 : memref<128x128xf32, #tpu.memory_space<hbm>>)
    }
    %jit3A_163 = arith.constant 2 : i32
    %eq3A = arith.constant 0 : i32
    %eq3A_164 = arith.cmpi eq, %jit3A_163, %eq3A : i32
    %jit3A_165 = arith.constant 1 : i32
    %select_n3A_166 = arith.select %eq3A_164, %jit3A_165, %jit3A_163 : i32
    %rem3A_167 = arith.remsi %add3A_7, %select_n3A_166 : i32
    %ne3A_168 = arith.constant 0 : i32
    %ne3A_169 = arith.cmpi ne, %rem3A_167, %ne3A_168 : i32
    %lt3A_170 = arith.constant 0 : i32
    %lt3A_171 = arith.cmpi slt, %rem3A_167, %lt3A_170 : i32
    %lt3A_172 = arith.constant 0 : i32
    %lt3A_173 = arith.cmpi slt, %select_n3A_166, %lt3A_172 : i32
    %ne3A_174 = arith.xori %lt3A_171, %lt3A_173 : i1
    %and3A_175 = arith.andi %ne3A_174, %ne3A_169 : i1
    %add3A_176 = arith.addi %rem3A_167, %select_n3A_166 : i32
    %select_n3A_177 = arith.select %and3A_175, %add3A_176, %rem3A_167 : i32
    %eq3A_178 = arith.constant 1 : i32
    %eq3A_179 = arith.cmpi eq, %select_n3A_177, %eq3A_178 : i32
    %convert_element_type3A_180 = arith.extui %eq3A_179 : i1 to i32
    %cond3A = arith.constant 0 : i32
    %cond3A_181 = arith.cmpi ne, %convert_element_type3A_180, %cond3A : i32
    scf.if %cond3A_181 {
      %add3A_182 = arith.addi %add3A_5, %add3A_7 : i32
      %sub3A_183 = arith.constant 1 : i32
      %sub3A_184 = arith.subi %add3A_182, %sub3A_183 : i32
      %mul3A_185 = arith.constant 128 : i32
      %mul3A_186 = arith.muli %sub3A_184, %mul3A_185 : i32
      %add3A_187 = arith.constant 0 : i32
      %add3A_188 = arith.addi %mul3A_186, %add3A_187 : i32
      %dma_start3A = tpu.memref_slice %arg4[%add3A_188] : memref<320000xi32, #tpu.memory_space<hbm>> -> memref<128xi32, #tpu.memory_space<hbm>>
      %dma_start3A_189 = tpu.memref_slice %arg4[%add3A_188] : memref<320000xi32, #tpu.memory_space<hbm>> -> memref<128xi32, #tpu.memory_space<hbm>>
      tpu.enqueue_dma source(%dma_start3A_189 : memref<128xi32, #tpu.memory_space<hbm>>) target(%arg9 : memref<128xi32, #tpu.memory_space<vmem>>) target_semaphore(%arg18 : memref<!tpu.dma_semaphore, #tpu.memory_space<semaphore_mem>>)
      %dma_start3A_190 = tpu.memref_slice %arg5[%add3A_188] : memref<320000xi32, #tpu.memory_space<hbm>> -> memref<128xi32, #tpu.memory_space<hbm>>
      %dma_start3A_191 = tpu.memref_slice %arg5[%add3A_188] : memref<320000xi32, #tpu.memory_space<hbm>> -> memref<128xi32, #tpu.memory_space<hbm>>
      tpu.enqueue_dma source(%dma_start3A_191 : memref<128xi32, #tpu.memory_space<hbm>>) target(%arg10 : memref<128xi32, #tpu.memory_space<vmem>>) target_semaphore(%arg18 : memref<!tpu.dma_semaphore, #tpu.memory_space<semaphore_mem>>)
      %dma_wait3A = tpu.memref_slice %arg4[%add3A_188] : memref<320000xi32, #tpu.memory_space<hbm>> -> memref<128xi32, #tpu.memory_space<hbm>>
      %dma_wait3A_192 = tpu.memref_slice %arg4[%add3A_188] : memref<320000xi32, #tpu.memory_space<hbm>> -> memref<128xi32, #tpu.memory_space<hbm>>
      tpu.wait_dma2 semaphore(%arg18 : memref<!tpu.dma_semaphore, #tpu.memory_space<semaphore_mem>>) src(%dma_wait3A_192 : memref<128xi32, #tpu.memory_space<hbm>>) dst(%arg9 : memref<128xi32, #tpu.memory_space<vmem>>)
      %dma_wait3A_193 = tpu.memref_slice %arg5[%add3A_188] : memref<320000xi32, #tpu.memory_space<hbm>> -> memref<128xi32, #tpu.memory_space<hbm>>
      %dma_wait3A_194 = tpu.memref_slice %arg5[%add3A_188] : memref<320000xi32, #tpu.memory_space<hbm>> -> memref<128xi32, #tpu.memory_space<hbm>>
      tpu.wait_dma2 semaphore(%arg18 : memref<!tpu.dma_semaphore, #tpu.memory_space<semaphore_mem>>) src(%dma_wait3A_194 : memref<128xi32, #tpu.memory_space<hbm>>) dst(%arg10 : memref<128xi32, #tpu.memory_space<vmem>>)
      %dma_start3A_195 = arith.constant 0 : i32
      %dma_start3A_196 = arith.constant 0 : i32
      %dma_start3A_197 = tpu.memref_slice %arg2[%dma_start3A_195, %dma_start3A_196] : memref<10000x128xf32, #tpu.memory_space<hbm>> -> memref<10000x128xf32, #tpu.memory_space<hbm>>
      tpu.enqueue_indirect_dma source(%dma_start3A_197 : memref<10000x128xf32, #tpu.memory_space<hbm>>) target(%arg13 : memref<128x128xf32, #tpu.memory_space<vmem>>) offsets(%arg9 : memref<128xi32, #tpu.memory_space<vmem>>) semaphore(%arg19 : memref<!tpu.dma_semaphore, #tpu.memory_space<semaphore_mem>>)
      %dma_start3A_198 = arith.constant 0 : i32
      %dma_start3A_199 = arith.constant 0 : i32
      %dma_start3A_200 = tpu.memref_slice %arg3[%dma_start3A_198, %dma_start3A_199] : memref<10000x128xf32, #tpu.memory_space<hbm>> -> memref<10000x128xf32, #tpu.memory_space<hbm>>
      tpu.enqueue_indirect_dma source(%dma_start3A_200 : memref<10000x128xf32, #tpu.memory_space<hbm>>) target(%arg14 : memref<128x128xf32, #tpu.memory_space<vmem>>) offsets(%arg10 : memref<128xi32, #tpu.memory_space<vmem>>) semaphore(%arg20 : memref<!tpu.dma_semaphore, #tpu.memory_space<semaphore_mem>>)
      %dma_wait3A_201 = arith.constant 0 : i32
      %dma_wait3A_202 = arith.constant 0 : i32
      %dma_wait3A_203 = tpu.memref_slice %arg2[%dma_wait3A_201, %dma_wait3A_202] : memref<10000x128xf32, #tpu.memory_space<hbm>> -> memref<10000x128xf32, #tpu.memory_space<hbm>>
      tpu.wait_indirect_dma semaphore(%arg19 : memref<!tpu.dma_semaphore, #tpu.memory_space<semaphore_mem>>) src(%dma_wait3A_203 : memref<10000x128xf32, #tpu.memory_space<hbm>>) dst(%arg13 : memref<128x128xf32, #tpu.memory_space<vmem>>)
      %dma_wait3A_204 = arith.constant 0 : i32
      %dma_wait3A_205 = arith.constant 0 : i32
      %dma_wait3A_206 = tpu.memref_slice %arg3[%dma_wait3A_204, %dma_wait3A_205] : memref<10000x128xf32, #tpu.memory_space<hbm>> -> memref<10000x128xf32, #tpu.memory_space<hbm>>
      tpu.wait_indirect_dma semaphore(%arg20 : memref<!tpu.dma_semaphore, #tpu.memory_space<semaphore_mem>>) src(%dma_wait3A_206 : memref<10000x128xf32, #tpu.memory_space<hbm>>) dst(%arg14 : memref<128x128xf32, #tpu.memory_space<vmem>>)
      %add3A_207 = arith.constant 0 : i32
      %add3A_208 = arith.addi %mul3A_11, %add3A_207 : i32
      %dma_start3A_209 = arith.constant 0 : i32
      %dma_start3A_210 = tpu.memref_slice %arg17[%add3A_208, %dma_start3A_209] : memref<4096x128xf32, #tpu.memory_space<vmem_shared>> -> memref<128x128xf32, #tpu.memory_space<vmem_shared>>
      %dma_start3A_211 = arith.constant 0 : i32
      %dma_start3A_212 = tpu.memref_slice %arg17[%add3A_208, %dma_start3A_211] : memref<4096x128xf32, #tpu.memory_space<vmem_shared>> -> memref<128x128xf32, #tpu.memory_space<vmem_shared>>
      tpu.enqueue_dma source(%arg13 : memref<128x128xf32, #tpu.memory_space<vmem>>) target(%dma_start3A_212 : memref<128x128xf32, #tpu.memory_space<vmem_shared>>) target_semaphore(%arg23 : memref<!tpu.dma_semaphore, #tpu.memory_space<semaphore_mem>>)
      %dma_wait3A_213 = arith.constant 0 : i32
      %dma_wait3A_214 = tpu.memref_slice %arg17[%add3A_208, %dma_wait3A_213] : memref<4096x128xf32, #tpu.memory_space<vmem_shared>> -> memref<128x128xf32, #tpu.memory_space<vmem_shared>>
      %dma_wait3A_215 = arith.constant 0 : i32
      %dma_wait3A_216 = tpu.memref_slice %arg17[%add3A_208, %dma_wait3A_215] : memref<4096x128xf32, #tpu.memory_space<vmem_shared>> -> memref<128x128xf32, #tpu.memory_space<vmem_shared>>
      tpu.wait_dma2 semaphore(%arg23 : memref<!tpu.dma_semaphore, #tpu.memory_space<semaphore_mem>>) src(%arg13 : memref<128x128xf32, #tpu.memory_space<vmem>>) dst(%dma_wait3A_216 : memref<128x128xf32, #tpu.memory_space<vmem_shared>>)
      %dma_start3A_217 = arith.constant 0 : i32
      %dma_start3A_218 = arith.constant 0 : i32
      %dma_start3A_219 = tpu.memref_slice %arg17[%dma_start3A_217, %dma_start3A_218] : memref<4096x128xf32, #tpu.memory_space<vmem_shared>> -> memref<4096x128xf32, #tpu.memory_space<vmem_shared>>
      tpu.enqueue_indirect_dma source(%arg14 : memref<128x128xf32, #tpu.memory_space<vmem>>) target(%dma_start3A_219 : memref<4096x128xf32, #tpu.memory_space<vmem_shared>>) offsets(%arg7 : memref<128xi32, #tpu.memory_space<vmem>>) semaphore(%arg25 : memref<!tpu.dma_semaphore, #tpu.memory_space<semaphore_mem>>) {add = true}
      %dma_wait3A_220 = arith.constant 0 : i32
      %dma_wait3A_221 = arith.constant 0 : i32
      %dma_wait3A_222 = tpu.memref_slice %arg17[%dma_wait3A_220, %dma_wait3A_221] : memref<4096x128xf32, #tpu.memory_space<vmem_shared>> -> memref<4096x128xf32, #tpu.memory_space<vmem_shared>>
      tpu.wait_indirect_dma semaphore(%arg25 : memref<!tpu.dma_semaphore, #tpu.memory_space<semaphore_mem>>) src(%arg14 : memref<128x128xf32, #tpu.memory_space<vmem>>) dst(%dma_wait3A_222 : memref<4096x128xf32, #tpu.memory_space<vmem_shared>>)
      %add3A_223 = arith.constant 0 : i32
      %add3A_224 = arith.addi %mul3A_11, %add3A_223 : i32
      %dma_start3A_225 = arith.constant 0 : i32
      %dma_start3A_226 = tpu.memref_slice %arg6[%mul3A_186, %dma_start3A_225] : memref<160000x128xf32, #tpu.memory_space<hbm>> -> memref<128x128xf32, #tpu.memory_space<hbm>>
      %dma_start3A_227 = arith.constant 0 : i32
      %dma_start3A_228 = tpu.memref_slice %arg17[%add3A_224, %dma_start3A_227] : memref<4096x128xf32, #tpu.memory_space<vmem_shared>> -> memref<128x128xf32, #tpu.memory_space<vmem_shared>>
      tpu.enqueue_dma source(%dma_start3A_228 : memref<128x128xf32, #tpu.memory_space<vmem_shared>>) target(%dma_start3A_226 : memref<128x128xf32, #tpu.memory_space<hbm>>) target_semaphore(%arg27 : memref<!tpu.dma_semaphore, #tpu.memory_space<semaphore_mem>>)
      %dma_wait3A_229 = arith.constant 0 : i32
      %dma_wait3A_230 = tpu.memref_slice %arg6[%mul3A_186, %dma_wait3A_229] : memref<160000x128xf32, #tpu.memory_space<hbm>> -> memref<128x128xf32, #tpu.memory_space<hbm>>
      %dma_wait3A_231 = arith.constant 0 : i32
      %dma_wait3A_232 = tpu.memref_slice %arg17[%add3A_224, %dma_wait3A_231] : memref<4096x128xf32, #tpu.memory_space<vmem_shared>> -> memref<128x128xf32, #tpu.memory_space<vmem_shared>>
      tpu.wait_dma2 semaphore(%arg27 : memref<!tpu.dma_semaphore, #tpu.memory_space<semaphore_mem>>) src(%dma_wait3A_232 : memref<128x128xf32, #tpu.memory_space<vmem_shared>>) dst(%dma_wait3A_230 : memref<128x128xf32, #tpu.memory_space<hbm>>)
    } else {
    }
    return
  }
}

module attributes {stable_mosaic.version = 14 : i64} {
  func.func @_edge_mlp_body(%arg0: i32, %arg1: memref<2000x128xf32, #tpu.memory_space<vmem>>, %arg2: memref<2000x128xf32, #tpu.memory_space<vmem>>, %arg3: memref<128x128xf32, #tpu.memory_space<vmem>>, %arg4: memref<128x128xf32, #tpu.memory_space<vmem>>, %arg5: memref<1x128xf32, #tpu.memory_space<vmem>>, %arg6: memref<2000x128xf32, #tpu.memory_space<vmem>>) attributes {dimension_semantics = [#tpu.dimension_semantics<arbitrary>], iteration_bounds = array<i64: 80>, scalar_prefetch = 0 : i64, scratch_operands = 0 : i64, tpu.core_type = #tpu.core_type<tc>, window_params = [{transform_indices = @transform_0, window_bounds = array<i64: 2000, 128>}, {transform_indices = @transform_1, window_bounds = array<i64: 2000, 128>}, {pipeline_mode = #tpu.pipeline_mode<synchronous>, transform_indices = @transform_2, window_bounds = array<i64: 128, 128>}, {pipeline_mode = #tpu.pipeline_mode<synchronous>, transform_indices = @transform_3, window_bounds = array<i64: 128, 128>}, {pipeline_mode = #tpu.pipeline_mode<synchronous>, transform_indices = @transform_4, window_bounds = array<i64: 1, 128>}, {transform_indices = @transform_5, window_bounds = array<i64: 2000, 128>}]} {
    %get3A = arith.constant 0 : index
    %get3A_0 = arith.constant 0 : index
    %get3A_1 = vector.load %arg1[%get3A, %get3A_0] : memref<2000x128xf32, #tpu.memory_space<vmem>>, vector<2000x128xf32>
    %get3A_2 = arith.constant 0 : index
    %get3A_3 = arith.constant 0 : index
    %get3A_4 = vector.load %arg2[%get3A_2, %get3A_3] : memref<2000x128xf32, #tpu.memory_space<vmem>>, vector<2000x128xf32>
    %get3A_5 = arith.constant 0 : index
    %get3A_6 = arith.constant 0 : index
    %get3A_7 = vector.load %arg3[%get3A_5, %get3A_6] : memref<128x128xf32, #tpu.memory_space<vmem>>, vector<128x128xf32>
    %dot_general3A = arith.constant dense<0.000000e+00> : vector<2000x128xf32>
    %dot_general3A_8 = tpu.matmul %get3A_4, %get3A_7, %dot_general3A {dimension_numbers = #tpu.dot_dimension_numbers<[1], [1], [0], [0], [0, 0, 1, 0], [], []>, transpose_lhs_hint = false} : vector<2000x128xf32>, vector<128x128xf32>, vector<2000x128xf32> -> vector<2000x128xf32>
    %add3A = arith.addf %get3A_1, %dot_general3A_8 : vector<2000x128xf32>
    %max3A = arith.constant 0.000000e+00 : f32
    %max3A_9 = vector.broadcast %max3A : f32 to vector<2000x128xf32>
    %max3A_10 = arith.maximumf %add3A, %max3A_9 : vector<2000x128xf32>
    %get3A_11 = arith.constant 0 : index
    %get3A_12 = arith.constant 0 : index
    %get3A_13 = vector.load %arg4[%get3A_11, %get3A_12] : memref<128x128xf32, #tpu.memory_space<vmem>>, vector<128x128xf32>
    %dot_general3A_14 = arith.constant dense<0.000000e+00> : vector<2000x128xf32>
    %dot_general3A_15 = tpu.matmul %max3A_10, %get3A_13, %dot_general3A_14 {dimension_numbers = #tpu.dot_dimension_numbers<[1], [1], [0], [0], [0, 0, 1, 0], [], []>, transpose_lhs_hint = false} : vector<2000x128xf32>, vector<128x128xf32>, vector<2000x128xf32> -> vector<2000x128xf32>
    %get3A_16 = arith.constant 0 : index
    %get3A_17 = arith.constant 0 : index
    %get3A_18 = vector.load %arg5[%get3A_16, %get3A_17] : memref<1x128xf32, #tpu.memory_space<vmem>>, vector<1x128xf32>
    %add3A_19 = vector.broadcast %get3A_18 : vector<1x128xf32> to vector<2000x128xf32>
    %add3A_20 = arith.addf %dot_general3A_15, %add3A_19 : vector<2000x128xf32>
    %swap3A = arith.constant 0 : index
    %swap3A_21 = arith.constant 0 : index
    %swap3A_22 = vector.load %arg6[%swap3A, %swap3A_21] : memref<2000x128xf32, #tpu.memory_space<vmem>>, vector<2000x128xf32>
    tpu.vector_store %arg6[%swap3A, %swap3A_21], %add3A_20 {strides = array<i32>} : memref<2000x128xf32, #tpu.memory_space<vmem>>, vector<2000x128xf32>,
    return
  }
  func.func @transform_0(%arg0: i32) -> (i32, i32) {
    %c0_i32 = arith.constant 0 : i32
    %c0_i32_0 = arith.constant 0 : i32
    return %arg0, %c0_i32 : i32, i32
  }
  func.func @transform_1(%arg0: i32) -> (i32, i32) {
    %add3A = arith.constant 80 : i32
    %add3A_0 = arith.addi %arg0, %add3A : i32
    %c0_i32 = arith.constant 0 : i32
    %c0_i32_1 = arith.constant 0 : i32
    return %add3A_0, %c0_i32 : i32, i32
  }
  func.func @transform_2(%arg0: i32) -> (i32, i32) {
    %c0_i32 = arith.constant 0 : i32
    %c0_i32_0 = arith.constant 0 : i32
    %c0_i32_1 = arith.constant 0 : i32
    return %c0_i32, %c0_i32_0 : i32, i32
  }
  func.func @transform_3(%arg0: i32) -> (i32, i32) {
    %c0_i32 = arith.constant 0 : i32
    %c0_i32_0 = arith.constant 0 : i32
    %c0_i32_1 = arith.constant 0 : i32
    return %c0_i32, %c0_i32_0 : i32, i32
  }
  func.func @transform_4(%arg0: i32) -> (i32, i32) {
    %c0_i32 = arith.constant 0 : i32
    %c0_i32_0 = arith.constant 0 : i32
    %c0_i32_1 = arith.constant 0 : i32
    return %c0_i32, %c0_i32_0 : i32, i32
  }
  func.func @transform_5(%arg0: i32) -> (i32, i32) {
    %c0_i32 = arith.constant 0 : i32
    %c0_i32_0 = arith.constant 0 : i32
    return %arg0, %c0_i32 : i32, i32
  }
}

module attributes {stable_mosaic.version = 14 : i64} {
  func.func @_node_pre_body(%arg0: i32, %arg1: memref<2000x128xf32, #tpu.memory_space<vmem>>, %arg2: memref<128x384xf32, #tpu.memory_space<vmem>>, %arg3: memref<1x128xf32, #tpu.memory_space<vmem>>, %arg4: memref<2000x128xf32, #tpu.memory_space<vmem>>, %arg5: memref<2000x128xf32, #tpu.memory_space<vmem>>) attributes {dimension_semantics = [#tpu.dimension_semantics<arbitrary>], iteration_bounds = array<i64: 5>, scalar_prefetch = 0 : i64, scratch_operands = 0 : i64, tpu.core_type = #tpu.core_type<tc>, window_params = [{transform_indices = @transform_0, window_bounds = array<i64: 2000, 128>}, {pipeline_mode = #tpu.pipeline_mode<synchronous>, transform_indices = @transform_1, window_bounds = array<i64: 128, 384>}, {pipeline_mode = #tpu.pipeline_mode<synchronous>, transform_indices = @transform_2, window_bounds = array<i64: 1, 128>}, {transform_indices = @transform_3, window_bounds = array<i64: 2000, 128>}, {transform_indices = @transform_4, window_bounds = array<i64: 2000, 128>}]} {
    %get3A = arith.constant 0 : index
    %get3A_0 = arith.constant 0 : index
    %get3A_1 = vector.load %arg1[%get3A, %get3A_0] : memref<2000x128xf32, #tpu.memory_space<vmem>>, vector<2000x128xf32>
    %get3A_2 = arith.constant 0 : index
    %get3A_3 = arith.constant 0 : index
    %get3A_4 = vector.load %arg2[%get3A_2, %get3A_3] : memref<128x384xf32, #tpu.memory_space<vmem>>, vector<128x384xf32>
    %slice3A = vector.extract_strided_slice %get3A_4 {offsets = [0, 0], sizes = [128, 128], strides = [1, 1]} : vector<128x384xf32> to vector<128x128xf32>
    %dot_general3A = arith.constant dense<0.000000e+00> : vector<2000x128xf32>
    %dot_general3A_5 = tpu.matmul %get3A_1, %slice3A, %dot_general3A {dimension_numbers = #tpu.dot_dimension_numbers<[1], [1], [0], [0], [0, 0, 1, 0], [], []>, transpose_lhs_hint = false} : vector<2000x128xf32>, vector<128x128xf32>, vector<2000x128xf32> -> vector<2000x128xf32>
    %get3A_6 = arith.constant 0 : index
    %get3A_7 = arith.constant 0 : index
    %get3A_8 = vector.load %arg3[%get3A_6, %get3A_7] : memref<1x128xf32, #tpu.memory_space<vmem>>, vector<1x128xf32>
    %add3A = vector.broadcast %get3A_8 : vector<1x128xf32> to vector<2000x128xf32>
    %add3A_9 = arith.addf %dot_general3A_5, %add3A : vector<2000x128xf32>
    %swap3A = arith.constant 0 : index
    %swap3A_10 = arith.constant 0 : index
    %swap3A_11 = vector.load %arg4[%swap3A, %swap3A_10] : memref<2000x128xf32, #tpu.memory_space<vmem>>, vector<2000x128xf32>
    tpu.vector_store %arg4[%swap3A, %swap3A_10], %add3A_9 {strides = array<i32>} : memref<2000x128xf32, #tpu.memory_space<vmem>>, vector<2000x128xf32>,
    %slice3A_12 = vector.extract_strided_slice %get3A_4 {offsets = [0, 128], sizes = [128, 128], strides = [1, 1]} : vector<128x384xf32> to vector<128x128xf32>
    %dot_general3A_13 = arith.constant dense<0.000000e+00> : vector<2000x128xf32>
    %dot_general3A_14 = tpu.matmul %get3A_1, %slice3A_12, %dot_general3A_13 {dimension_numbers = #tpu.dot_dimension_numbers<[1], [1], [0], [0], [0, 0, 1, 0], [], []>, transpose_lhs_hint = false} : vector<2000x128xf32>, vector<128x128xf32>, vector<2000x128xf32> -> vector<2000x128xf32>
    %swap3A_15 = arith.constant 0 : index
    %swap3A_16 = arith.constant 0 : index
    %swap3A_17 = vector.load %arg5[%swap3A_15, %swap3A_16] : memref<2000x128xf32, #tpu.memory_space<vmem>>, vector<2000x128xf32>
    tpu.vector_store %arg5[%swap3A_15, %swap3A_16], %dot_general3A_14 {strides = array<i32>} : memref<2000x128xf32, #tpu.memory_space<vmem>>, vector<2000x128xf32>,
    return
  }
  func.func @transform_0(%arg0: i32) -> (i32, i32) {
    %c0_i32 = arith.constant 0 : i32
    %c0_i32_0 = arith.constant 0 : i32
    return %arg0, %c0_i32 : i32, i32
  }
  func.func @transform_1(%arg0: i32) -> (i32, i32) {
    %c0_i32 = arith.constant 0 : i32
    %c0_i32_0 = arith.constant 0 : i32
    %c0_i32_1 = arith.constant 0 : i32
    return %c0_i32, %c0_i32_0 : i32, i32
  }
  func.func @transform_2(%arg0: i32) -> (i32, i32) {
    %c0_i32 = arith.constant 0 : i32
    %c0_i32_0 = arith.constant 0 : i32
    %c0_i32_1 = arith.constant 0 : i32
    return %c0_i32, %c0_i32_0 : i32, i32
  }
  func.func @transform_3(%arg0: i32) -> (i32, i32) {
    %c0_i32 = arith.constant 0 : i32
    %c0_i32_0 = arith.constant 0 : i32
    return %arg0, %c0_i32 : i32, i32
  }
  func.func @transform_4(%arg0: i32) -> (i32, i32) {
    %c0_i32 = arith.constant 0 : i32
    %c0_i32_0 = arith.constant 0 : i32
    return %arg0, %c0_i32 : i32, i32
  }
}

module attributes {stable_mosaic.version = 14 : i64} {
  func.func @_edge_mlp_body(%arg0: i32, %arg1: memref<2000x128xf32, #tpu.memory_space<vmem>>, %arg2: memref<2000x128xf32, #tpu.memory_space<vmem>>, %arg3: memref<128x128xf32, #tpu.memory_space<vmem>>, %arg4: memref<128x128xf32, #tpu.memory_space<vmem>>, %arg5: memref<1x128xf32, #tpu.memory_space<vmem>>, %arg6: memref<2000x128xf32, #tpu.memory_space<vmem>>) attributes {dimension_semantics = [#tpu.dimension_semantics<arbitrary>], iteration_bounds = array<i64: 80>, scalar_prefetch = 0 : i64, scratch_operands = 0 : i64, tpu.core_type = #tpu.core_type<tc>, window_params = [{transform_indices = @transform_0, window_bounds = array<i64: 2000, 128>}, {transform_indices = @transform_1, window_bounds = array<i64: 2000, 128>}, {pipeline_mode = #tpu.pipeline_mode<synchronous>, transform_indices = @transform_2, window_bounds = array<i64: 128, 128>}, {pipeline_mode = #tpu.pipeline_mode<synchronous>, transform_indices = @transform_3, window_bounds = array<i64: 128, 128>}, {pipeline_mode = #tpu.pipeline_mode<synchronous>, transform_indices = @transform_4, window_bounds = array<i64: 1, 128>}, {transform_indices = @transform_5, window_bounds = array<i64: 2000, 128>}]} {
    %get3A = arith.constant 0 : index
    %get3A_0 = arith.constant 0 : index
    %get3A_1 = vector.load %arg1[%get3A, %get3A_0] : memref<2000x128xf32, #tpu.memory_space<vmem>>, vector<2000x128xf32>
    %get3A_2 = arith.constant 0 : index
    %get3A_3 = arith.constant 0 : index
    %get3A_4 = vector.load %arg2[%get3A_2, %get3A_3] : memref<2000x128xf32, #tpu.memory_space<vmem>>, vector<2000x128xf32>
    %get3A_5 = arith.constant 0 : index
    %get3A_6 = arith.constant 0 : index
    %get3A_7 = vector.load %arg3[%get3A_5, %get3A_6] : memref<128x128xf32, #tpu.memory_space<vmem>>, vector<128x128xf32>
    %dot_general3A = arith.constant dense<0.000000e+00> : vector<2000x128xf32>
    %dot_general3A_8 = tpu.matmul %get3A_4, %get3A_7, %dot_general3A {dimension_numbers = #tpu.dot_dimension_numbers<[1], [1], [0], [0], [0, 0, 1, 0], [], []>, transpose_lhs_hint = false} : vector<2000x128xf32>, vector<128x128xf32>, vector<2000x128xf32> -> vector<2000x128xf32>
    %add3A = arith.addf %get3A_1, %dot_general3A_8 : vector<2000x128xf32>
    %max3A = arith.constant 0.000000e+00 : f32
    %max3A_9 = vector.broadcast %max3A : f32 to vector<2000x128xf32>
    %max3A_10 = arith.maximumf %add3A, %max3A_9 : vector<2000x128xf32>
    %get3A_11 = arith.constant 0 : index
    %get3A_12 = arith.constant 0 : index
    %get3A_13 = vector.load %arg4[%get3A_11, %get3A_12] : memref<128x128xf32, #tpu.memory_space<vmem>>, vector<128x128xf32>
    %dot_general3A_14 = arith.constant dense<0.000000e+00> : vector<2000x128xf32>
    %dot_general3A_15 = tpu.matmul %max3A_10, %get3A_13, %dot_general3A_14 {dimension_numbers = #tpu.dot_dimension_numbers<[1], [1], [0], [0], [0, 0, 1, 0], [], []>, transpose_lhs_hint = false} : vector<2000x128xf32>, vector<128x128xf32>, vector<2000x128xf32> -> vector<2000x128xf32>
    %get3A_16 = arith.constant 0 : index
    %get3A_17 = arith.constant 0 : index
    %get3A_18 = vector.load %arg5[%get3A_16, %get3A_17] : memref<1x128xf32, #tpu.memory_space<vmem>>, vector<1x128xf32>
    %add3A_19 = vector.broadcast %get3A_18 : vector<1x128xf32> to vector<2000x128xf32>
    %add3A_20 = arith.addf %dot_general3A_15, %add3A_19 : vector<2000x128xf32>
    %swap3A = arith.constant 0 : index
    %swap3A_21 = arith.constant 0 : index
    %swap3A_22 = vector.load %arg6[%swap3A, %swap3A_21] : memref<2000x128xf32, #tpu.memory_space<vmem>>, vector<2000x128xf32>
    tpu.vector_store %arg6[%swap3A, %swap3A_21], %add3A_20 {strides = array<i32>} : memref<2000x128xf32, #tpu.memory_space<vmem>>, vector<2000x128xf32>,
    return
  }
  func.func @transform_0(%arg0: i32) -> (i32, i32) {
    %c0_i32 = arith.constant 0 : i32
    %c0_i32_0 = arith.constant 0 : i32
    return %arg0, %c0_i32 : i32, i32
  }
  func.func @transform_1(%arg0: i32) -> (i32, i32) {
    %add3A = arith.constant 0 : i32
    %add3A_0 = arith.addi %arg0, %add3A : i32
    %c0_i32 = arith.constant 0 : i32
    %c0_i32_1 = arith.constant 0 : i32
    return %add3A_0, %c0_i32 : i32, i32
  }
  func.func @transform_2(%arg0: i32) -> (i32, i32) {
    %c0_i32 = arith.constant 0 : i32
    %c0_i32_0 = arith.constant 0 : i32
    %c0_i32_1 = arith.constant 0 : i32
    return %c0_i32, %c0_i32_0 : i32, i32
  }
  func.func @transform_3(%arg0: i32) -> (i32, i32) {
    %c0_i32 = arith.constant 0 : i32
    %c0_i32_0 = arith.constant 0 : i32
    %c0_i32_1 = arith.constant 0 : i32
    return %c0_i32, %c0_i32_0 : i32, i32
  }
  func.func @transform_4(%arg0: i32) -> (i32, i32) {
    %c0_i32 = arith.constant 0 : i32
    %c0_i32_0 = arith.constant 0 : i32
    %c0_i32_1 = arith.constant 0 : i32
    return %c0_i32, %c0_i32_0 : i32, i32
  }
  func.func @transform_5(%arg0: i32) -> (i32, i32) {
    %c0_i32 = arith.constant 0 : i32
    %c0_i32_0 = arith.constant 0 : i32
    return %arg0, %c0_i32 : i32, i32
  }
}

module attributes {stable_mosaic.version = 14 : i64} {
  func.func @_gru_body(%arg0: i32, %arg1: memref<2000x128xf32, #tpu.memory_space<vmem>>, %arg2: memref<2000x128xf32, #tpu.memory_space<vmem>>, %arg3: memref<2000x128xf32, #tpu.memory_space<vmem>>, %arg4: memref<2000x128xf32, #tpu.memory_space<vmem>>, %arg5: memref<2000x128xf32, #tpu.memory_space<vmem>>, %arg6: memref<384x128xf32, #tpu.memory_space<vmem>>, %arg7: memref<384x128xf32, #tpu.memory_space<vmem>>, %arg8: memref<1x384xf32, #tpu.memory_space<vmem>>, %arg9: memref<1x384xf32, #tpu.memory_space<vmem>>, %arg10: memref<2000x128xf32, #tpu.memory_space<vmem>>) attributes {dimension_semantics = [#tpu.dimension_semantics<arbitrary>], iteration_bounds = array<i64: 5>, scalar_prefetch = 0 : i64, scratch_operands = 0 : i64, tpu.core_type = #tpu.core_type<tc>, window_params = [{transform_indices = @transform_0, window_bounds = array<i64: 2000, 128>}, {transform_indices = @transform_1, window_bounds = array<i64: 2000, 128>}, {transform_indices = @transform_2, window_bounds = array<i64: 2000, 128>}, {transform_indices = @transform_3, window_bounds = array<i64: 2000, 128>}, {transform_indices = @transform_4, window_bounds = array<i64: 2000, 128>}, {pipeline_mode = #tpu.pipeline_mode<synchronous>, transform_indices = @transform_5, window_bounds = array<i64: 384, 128>}, {pipeline_mode = #tpu.pipeline_mode<synchronous>, transform_indices = @transform_6, window_bounds = array<i64: 384, 128>}, {pipeline_mode = #tpu.pipeline_mode<synchronous>, transform_indices = @transform_7, window_bounds = array<i64: 1, 384>}, {pipeline_mode = #tpu.pipeline_mode<synchronous>, transform_indices = @transform_8, window_bounds = array<i64: 1, 384>}, {transform_indices = @transform_9, window_bounds = array<i64: 2000, 128>}]} {
    %get3A = arith.constant 0 : index
    %get3A_0 = arith.constant 0 : index
    %get3A_1 = vector.load %arg1[%get3A, %get3A_0] : memref<2000x128xf32, #tpu.memory_space<vmem>>, vector<2000x128xf32>
    %get3A_2 = arith.constant 0 : index
    %get3A_3 = arith.constant 0 : index
    %get3A_4 = vector.load %arg2[%get3A_2, %get3A_3] : memref<2000x128xf32, #tpu.memory_space<vmem>>, vector<2000x128xf32>
    %add3A = arith.addf %get3A_1, %get3A_4 : vector<2000x128xf32>
    %get3A_5 = arith.constant 0 : index
    %get3A_6 = arith.constant 0 : index
    %get3A_7 = vector.load %arg3[%get3A_5, %get3A_6] : memref<2000x128xf32, #tpu.memory_space<vmem>>, vector<2000x128xf32>
    %add3A_8 = arith.addf %add3A, %get3A_7 : vector<2000x128xf32>
    %get3A_9 = arith.constant 0 : index
    %get3A_10 = arith.constant 0 : index
    %get3A_11 = vector.load %arg4[%get3A_9, %get3A_10] : memref<2000x128xf32, #tpu.memory_space<vmem>>, vector<2000x128xf32>
    %add3A_12 = arith.addf %add3A_8, %get3A_11 : vector<2000x128xf32>
    %get3A_13 = arith.constant 0 : index
    %get3A_14 = arith.constant 0 : index
    %get3A_15 = vector.load %arg5[%get3A_13, %get3A_14] : memref<2000x128xf32, #tpu.memory_space<vmem>>, vector<2000x128xf32>
    %get3A_16 = arith.constant 0 : index
    %get3A_17 = arith.constant 0 : index
    %get3A_18 = vector.load %arg6[%get3A_16, %get3A_17] : memref<384x128xf32, #tpu.memory_space<vmem>>, vector<384x128xf32>
    %dot_general3A = arith.constant dense<0.000000e+00> : vector<2000x384xf32>
    %dot_general3A_19 = tpu.matmul %add3A_12, %get3A_18, %dot_general3A {dimension_numbers = #tpu.dot_dimension_numbers<[1], [1], [0], [0], [0, 0, 1, 0], [], []>, transpose_lhs_hint = false} : vector<2000x128xf32>, vector<384x128xf32>, vector<2000x384xf32> -> vector<2000x384xf32>
    %get3A_20 = arith.constant 0 : index
    %get3A_21 = arith.constant 0 : index
    %get3A_22 = vector.load %arg8[%get3A_20, %get3A_21] : memref<1x384xf32, #tpu.memory_space<vmem>>, vector<1x384xf32>
    %add3A_23 = vector.broadcast %get3A_22 : vector<1x384xf32> to vector<2000x384xf32>
    %add3A_24 = arith.addf %dot_general3A_19, %add3A_23 : vector<2000x384xf32>
    %get3A_25 = arith.constant 0 : index
    %get3A_26 = arith.constant 0 : index
    %get3A_27 = vector.load %arg7[%get3A_25, %get3A_26] : memref<384x128xf32, #tpu.memory_space<vmem>>, vector<384x128xf32>
    %dot_general3A_28 = arith.constant dense<0.000000e+00> : vector<2000x384xf32>
    %dot_general3A_29 = tpu.matmul %get3A_15, %get3A_27, %dot_general3A_28 {dimension_numbers = #tpu.dot_dimension_numbers<[1], [1], [0], [0], [0, 0, 1, 0], [], []>, transpose_lhs_hint = false} : vector<2000x128xf32>, vector<384x128xf32>, vector<2000x384xf32> -> vector<2000x384xf32>
    %get3A_30 = arith.constant 0 : index
    %get3A_31 = arith.constant 0 : index
    %get3A_32 = vector.load %arg9[%get3A_30, %get3A_31] : memref<1x384xf32, #tpu.memory_space<vmem>>, vector<1x384xf32>
    %add3A_33 = vector.broadcast %get3A_32 : vector<1x384xf32> to vector<2000x384xf32>
    %add3A_34 = arith.addf %dot_general3A_29, %add3A_33 : vector<2000x384xf32>
    %slice3A = vector.extract_strided_slice %add3A_24 {offsets = [0, 0], sizes = [2000, 128], strides = [1, 1]} : vector<2000x384xf32> to vector<2000x128xf32>
    %slice3A_35 = vector.extract_strided_slice %add3A_34 {offsets = [0, 0], sizes = [2000, 128], strides = [1, 1]} : vector<2000x384xf32> to vector<2000x128xf32>
    %add3A_36 = arith.addf %slice3A, %slice3A_35 : vector<2000x128xf32>
    %logistic3A = arith.negf %add3A_36 : vector<2000x128xf32>
    %logistic3A_37 = math.exp %logistic3A : vector<2000x128xf32>
    %logistic3A_38 = arith.constant 1.000000e+00 : f32
    %logistic3A_39 = vector.broadcast %logistic3A_38 : f32 to vector<2000x128xf32>
    %logistic3A_40 = arith.addf %logistic3A_39, %logistic3A_37 : vector<2000x128xf32>
    %logistic3A_41 = arith.divf %logistic3A_39, %logistic3A_40 : vector<2000x128xf32>
    %slice3A_42 = vector.extract_strided_slice %add3A_24 {offsets = [0, 128], sizes = [2000, 128], strides = [1, 1]} : vector<2000x384xf32> to vector<2000x128xf32>
    %slice3A_43 = vector.extract_strided_slice %add3A_34 {offsets = [0, 128], sizes = [2000, 128], strides = [1, 1]} : vector<2000x384xf32> to vector<2000x128xf32>
    %add3A_44 = arith.addf %slice3A_42, %slice3A_43 : vector<2000x128xf32>
    %logistic3A_45 = arith.negf %add3A_44 : vector<2000x128xf32>
    %logistic3A_46 = math.exp %logistic3A_45 : vector<2000x128xf32>
    %logistic3A_47 = arith.constant 1.000000e+00 : f32
    %logistic3A_48 = vector.broadcast %logistic3A_47 : f32 to vector<2000x128xf32>
    %logistic3A_49 = arith.addf %logistic3A_48, %logistic3A_46 : vector<2000x128xf32>
    %logistic3A_50 = arith.divf %logistic3A_48, %logistic3A_49 : vector<2000x128xf32>
    %slice3A_51 = vector.extract_strided_slice %add3A_24 {offsets = [0, 256], sizes = [2000, 128], strides = [1, 1]} : vector<2000x384xf32> to vector<2000x128xf32>
    %slice3A_52 = vector.extract_strided_slice %add3A_34 {offsets = [0, 256], sizes = [2000, 128], strides = [1, 1]} : vector<2000x384xf32> to vector<2000x128xf32>
    %mul3A = arith.mulf %logistic3A_41, %slice3A_52 : vector<2000x128xf32>
    %add3A_53 = arith.addf %slice3A_51, %mul3A : vector<2000x128xf32>
    %tanh3A = math.tanh %add3A_53 : vector<2000x128xf32>
    %sub3A = arith.constant 1.000000e+00 : f32
    %sub3A_54 = vector.broadcast %sub3A : f32 to vector<2000x128xf32>
    %sub3A_55 = arith.subf %sub3A_54, %logistic3A_50 : vector<2000x128xf32>
    %mul3A_56 = arith.mulf %sub3A_55, %tanh3A : vector<2000x128xf32>
    %mul3A_57 = arith.mulf %logistic3A_50, %get3A_15 : vector<2000x128xf32>
    %add3A_58 = arith.addf %mul3A_56, %mul3A_57 : vector<2000x128xf32>
    %swap3A = arith.constant 0 : index
    %swap3A_59 = arith.constant 0 : index
    %swap3A_60 = vector.load %arg10[%swap3A, %swap3A_59] : memref<2000x128xf32, #tpu.memory_space<vmem>>, vector<2000x128xf32>
    tpu.vector_store %arg10[%swap3A, %swap3A_59], %add3A_58 {strides = array<i32>} : memref<2000x128xf32, #tpu.memory_space<vmem>>, vector<2000x128xf32>,
    return
  }
  func.func @transform_0(%arg0: i32) -> (i32, i32) {
    %c0_i32 = arith.constant 0 : i32
    %c0_i32_0 = arith.constant 0 : i32
    return %arg0, %c0_i32 : i32, i32
  }
  func.func @transform_1(%arg0: i32) -> (i32, i32) {
    %c0_i32 = arith.constant 0 : i32
    %c0_i32_0 = arith.constant 0 : i32
    return %arg0, %c0_i32 : i32, i32
  }
  func.func @transform_2(%arg0: i32) -> (i32, i32) {
    %c0_i32 = arith.constant 0 : i32
    %c0_i32_0 = arith.constant 0 : i32
    return %arg0, %c0_i32 : i32, i32
  }
  func.func @transform_3(%arg0: i32) -> (i32, i32) {
    %c0_i32 = arith.constant 0 : i32
    %c0_i32_0 = arith.constant 0 : i32
    return %arg0, %c0_i32 : i32, i32
  }
  func.func @transform_4(%arg0: i32) -> (i32, i32) {
    %c0_i32 = arith.constant 0 : i32
    %c0_i32_0 = arith.constant 0 : i32
    return %arg0, %c0_i32 : i32, i32
  }
  func.func @transform_5(%arg0: i32) -> (i32, i32) {
    %c0_i32 = arith.constant 0 : i32
    %c0_i32_0 = arith.constant 0 : i32
    %c0_i32_1 = arith.constant 0 : i32
    return %c0_i32, %c0_i32_0 : i32, i32
  }
  func.func @transform_6(%arg0: i32) -> (i32, i32) {
    %c0_i32 = arith.constant 0 : i32
    %c0_i32_0 = arith.constant 0 : i32
    %c0_i32_1 = arith.constant 0 : i32
    return %c0_i32, %c0_i32_0 : i32, i32
  }
  func.func @transform_7(%arg0: i32) -> (i32, i32) {
    %c0_i32 = arith.constant 0 : i32
    %c0_i32_0 = arith.constant 0 : i32
    %c0_i32_1 = arith.constant 0 : i32
    return %c0_i32, %c0_i32_0 : i32, i32
  }
  func.func @transform_8(%arg0: i32) -> (i32, i32) {
    %c0_i32 = arith.constant 0 : i32
    %c0_i32_0 = arith.constant 0 : i32
    %c0_i32_1 = arith.constant 0 : i32
    return %c0_i32, %c0_i32_0 : i32, i32
  }
  func.func @transform_9(%arg0: i32) -> (i32, i32) {
    %c0_i32 = arith.constant 0 : i32
    %c0_i32_0 = arith.constant 0 : i32
    return %arg0, %c0_i32 : i32, i32
  }
}

</mosaic_0001>

<sc_bundles>
// kernel: kernel.10.cloned.1.call-start
scs
__scs_entry_jumppad:
0x0: {  	(pc) =	sbr.rel $0x88, $3  }
0x1: {  	(tag) =	ssettag $0x0;
	lr =	simm.s32 $0x1  }
0x2: {  	[smem:$0x3F96] =	sst lr;
	_ =	strace $0xD0000000  }
0x3: {  	_ = 	snop  }
0x4: {  	_ = 	snop  }
0x5: {  	_ = 	snop  }
0x6: {  	_ = 	snop  }
0x7: {  	_ = 	snop  }
__scs_overlays_trampoline_lowered:
0x8: {  	[smem:$0x3FA5] =	sst s0  }
0x9: {  	[smem:$0x3FA6] =	sst s1  }
0xa: {  	[smem:$0x3FA7] =	sst s2  }
0xb: {  	[smem:$0x3FA8] =	sst s3  }
0xc: {  	[smem:$0x3FA9] =	sst s4  }
0xd: {  	[smem:$0x3FAA] =	sst s5  }
0xe: {  	[smem:$0x3FAB] =	sst s6  }
0xf: {  	[smem:$0x3FAC] =	sst s7  }
0x10: {  	[smem:$0x3FAD] =	sst s8  }
0x11: {  	[smem:$0x3FAE] =	sst s9;
	s0 =	simm.s32 @!p0 $0x0  }
0x12: {  	s1 =	sld [smem:$0x3F94];
	s0 =	simm.s32 @p0 $0x1  }
0x13: {  	[smem:$0x3FAF] =	sst s0;
	s0 =	simm.s32 @!p1 $0x0  }
0x14: {  	s2 =	sld [smem:$0x3F93];
	s0 =	simm.s32 @p1 $0x1  }
0x15: {  	[smem:$0x3FB0] =	sst s0;
	s0 =	simm.s32 @!p2 $0x0  }
0x16: {  	s3 =	sld [smem:$0x3FDB];
	s0 =	simm.s32 @p2 $0x1  }
0x17: {  	s4 =	simm.s32 $0x1BF5;
	[smem:$0x3FB2] =	sst s0  }
0x18: {  	s0 =	sld [smem:$0x3F95];
	_ =	swait.ge [sflag:s4], $0x0  }
0x19: {  	s7 =	sld [smem:$0x3F96]  }
0x1a: {  	s8 =	sadd.s32 $0xFFFFE003, lr  }
0x1b: {  	s9 =	sadd.s32 $0xFFFFFEF7, lr;
	s5 =	simm.s32 $0xFFFFFFFF;
	p2 =	slt.u32 s8, $0xFFFFF086  }
0x1c: {  	p1 =	slt.u32 s9, $0xF7A;
	s5 =	simm.s32 @!p2 $0x0  }
0x1d: {  	s5 =	simm.s32 @p1 $0x1;
	p0 =	seq.s32 s7, s2  }
0x1e: {  	s7 =	smul.u32 @!p0 $0xF7A, s2;
	p2 =	seq.s32 @!p0 s5, $0x0  }
0x1f: {  	s9 =	smul.u32 $0xF7A, s1;
	s8 =	simm.s32 @!p0 $0x1BF5;
	p2 =	por !p2, p0  }
0x20: {  	[sflag:s8] =	ssyncset.s32 @!p0 $0xFFFFF086;
	s6 =	sadd.s32 @!p0 s3, s7;
	s7 =	simm.s32 @!p0 $0x108  }
0x21: {  	s3 =	sadd.s32 s3, s9;
	s6 =	sadd.s32 @!p0 $0x88, s6;
	s7 =	simm.s32 @p2 $0x1082  }
0x22: {  	[simem:s7], [sflag:s8] =	dma.local @!p0 [hbm:s6], $0xF7A  }
0x23: {  	s9 =	sor.u32 $0xD0000000, s2;
	s6 =	simm.s32 $0x108;
	_ =	swait.ge @!p0 [sflag:s8], $0x0  }
0x24: {  	s3 =	sadd.s32 $0x88, s3;
	s6 =	simm.s32 @!p1 $0x1082;
	[sflag:s4] =	ssyncset.s32 $0xFFFFF086  }
0x25: {  	[simem:s6], [sflag:s4] =	dma.local [hbm:s3], $0xF7A  }
0x26: {  	[smem:$0x3F96] =	sst s1;
	(tag) =	ssettag s2;
	_ =	strace s9  }
0x27: {  	s1 =	sld [smem:$0x3FA6]  }
0x28: {  	s2 =	sld [smem:$0x3FA7]  }
0x29: {  	s4 =	sld [smem:$0x3FA9]  }
0x2a: {  	p0 =	seq.s32 s5, $0x0;
	s5 =	sld [smem:$0x3FAA]  }
0x2b: {  	s6 =	sld [smem:$0x3FAB]  }
0x2c: {  	s7 =	sld [smem:$0x3FAC]  }
0x2d: {  	s3 =	simm.s32 $0x108;
	s8 =	sld [smem:$0x3FAD]  }
0x2e: {  	s3 =	simm.s32 @!p0 $0x1082;
	s9 =	sld [smem:$0x3FAE]  }
0x2f: {  	lr =	sadd.s32 s0, s3;
	s0 =	sld [smem:$0x3FA5]  }
0x30: {  	s3 =	sld [smem:$0x3FA8]  }
0x31: {  	[smem:$0x3FB1] =	sst s10  }
0x32: {  	s10 =	sld [smem:$0x3FAF];
	_ =	sdelay $0x3  }
0x33: {  	p0 =	seq.s32 s10, $0x1;
	s10 =	sld [smem:$0x3FB1];
	_ =	sdelay $0x3  }
0x34: {  	[smem:$0x3FB1] =	sst s10  }
0x35: {  	s10 =	sld [smem:$0x3FB0];
	_ =	sdelay $0x3  }
0x36: {  	p1 =	seq.s32 s10, $0x1;
	s10 =	sld [smem:$0x3FB1];
	_ =	sdelay $0x3  }
0x37: {  	[smem:$0x3FB1] =	sst s10  }
0x38: {  	s10 =	sld [smem:$0x3FB2]  }
0x39: {  	_ = 	snop;
	(pc) =	sbr.ind lr, $3  }
0x3a: {  	_ = 	snop  }
0x3b: {  	_ = 	snop  }
0x3c: {  	p2 =	seq.s32 s10, $0x1;
	s10 =	sld [smem:$0x3FB1]  }
0x3d: {  	_ =	shalt  }
0x3e: {  	_ =	shalt  }
0x3f: {  	_ =	shalt  }
0x40: {  	_ =	shalt  }
0x41: {  	_ =	shalt  }
0x42: {  	_ =	shalt  }
0x43: {  	_ =	shalt  }
0x44: {  	_ =	shalt  }
0x45: {  	_ =	shalt  }
0x46: {  	_ =	shalt  }
0x47: {  	_ =	shalt  }
0x48: {  	_ =	shalt  }
0x49: {  	_ =	shalt  }
0x4a: {  	_ =	shalt  }
0x4b: {  	_ =	shalt  }
0x4c: {  	_ =	shalt  }
0x4d: {  	_ =	shalt  }
0x4e: {  	_ =	shalt  }
0x4f: {  	_ =	shalt  }
0x50: {  	_ =	shalt  }
0x51: {  	_ =	shalt  }
0x52: {  	_ =	shalt  }
0x53: {  	_ =	shalt  }
0x54: {  	_ =	shalt  }
0x55: {  	_ =	shalt  }
0x56: {  	_ =	shalt  }
0x57: {  	_ =	shalt  }
0x58: {  	_ =	shalt  }
0x59: {  	_ =	shalt  }
0x5a: {  	_ =	shalt  }
0x5b: {  	_ =	shalt  }
0x5c: {  	_ =	shalt  }
0x5d: {  	_ =	shalt  }
0x5e: {  	_ =	shalt  }
0x5f: {  	_ =	shalt  }
0x60: {  	_ =	shalt  }
0x61: {  	_ =	shalt  }
0x62: {  	_ =	shalt  }
0x63: {  	_ =	shalt  }
0x64: {  	_ =	shalt  }
0x65: {  	_ =	shalt  }
0x66: {  	_ =	shalt  }
0x67: {  	_ =	shalt  }
0x68: {  	_ =	shalt  }
0x69: {  	_ =	shalt  }
0x6a: {  	_ =	shalt  }
0x6b: {  	_ =	shalt  }
0x6c: {  	_ =	shalt  }
0x6d: {  	_ =	shalt  }
0x6e: {  	_ =	shalt  }
0x6f: {  	_ =	shalt  }
0x70: {  	_ =	shalt  }
0x71: {  	_ =	shalt  }
0x72: {  	_ =	shalt  }
0x73: {  	_ =	shalt  }
0x74: {  	_ =	shalt  }
0x75: {  	_ =	shalt  }
0x76: {  	_ =	shalt  }
0x77: {  	_ =	shalt  }
0x78: {  	_ =	shalt  }
0x79: {  	_ =	shalt  }
0x7a: {  	_ =	shalt  }
0x7b: {  	_ =	shalt  }
0x7c: {  	_ =	shalt  }
0x7d: {  	_ =	shalt  }
0x7e: {  	_ =	shalt  }
0x7f: {  	_ =	shalt  }
0x80: {  	_ =	shalt  }
0x81: {  	_ =	shalt  }
0x82: {  	_ =	shalt  }
0x83: {  	_ =	shalt  }
0x84: {  	_ =	shalt  }
0x85: {  	_ =	shalt  }
0x86: {  	_ =	shalt  }
0x87: {  	_ =	shalt  }
.Lfunc_end0:
.L_simem_size_0:
called_computation_lowered:
.L_overlay_start_0:
0x88: {  	s2 =	sld [smem:$0x3FD9]  }
0x89: {  	s3 =	sld [smem:$0x3FFE];
	_ =	sdelay $0x1  }
0x8a: {  	s1 =	srdreg.scid  }
0x8b: {  	s0 =	sand.u32 $0x1, s1  }
0x8c: {  	s17 =	sshll.u32 s0, $0xA;
	s2 =	sadd.s32 s3, s2  }
0x8d: {  	s2 =	sadd.s32 s2, s17  }
0x8e: {  	[smem:$0x3FBD] =	sst s2  }
0x8f: {  	_ = 	snop  }
0x90: {  	s18 =	sld [smem:$0x3FD0];
	(tm) =	ssettm $0x1  }
0x91: {  	s19 =	sld [smem:$0x3FFB];
	_ =	sdelay $0x3  }
0x92: {  	_ =	strace s19  }
0x93: {  	s2 =	sld [smem:$0x3FFC];
	_ =	sdelay $0x3  }
0x94: {  	_ =	strace s2  }
0x95: {  	s2 =	sld [smem:$0x3FFD];
	_ =	sdelay $0x3  }
0x96: {  	_ =	strace s2  }
0x97: {  	_ =	strace $0x8FFFFFFF  }
0x98: {  	s20 =	sld [smem:$0x3FDB];
	_ =	sdelay $0x1  }
0x99: {  	s4 =	simm.s32 $_scs_section_size  }
0x9a: {  	s5 =	simm.s32 $_size__tile_overlayer_lowered;
	s6 =	simm.s32 $_tile_overlayer_lowered  }
0x9b: {  	s7 =	simm.s32 $0x1BFF;
	s21 =	sshll.u32 s6, $0x1;
	s4 =	sadd.s32 s4, s20  }
0x9c: {  	s22 =	simm.s32 $0x0;
	s5 =	sshll.u32 s5, $0x1;
	s6 =	sadd.s32 s21, s4  }
0x9d: {  	[timem:s22], [sflag:s7] =	dma.local [hbm:s6], s5  }
0x9e: {  	_ =	swait.ge [sflag:s7], s5  }
0x9f: {  	s5 =	ssub.s32 $0x0, s5;
	[sflag:s7] =	ssyncset.done $0x0  }
0xa0: {  	[sflag:s7] =	ssyncadd.s32 s5;
	_ =	sdelay $0x1  }
0xa1: {  	s23 =	simm.s32 $0x1B8B  }
0xa2: {  	_ =	swait.ge [sflag:s23], $0x1  }
0xa3: {  	[sflag:s23] =	ssyncset.done $0x0  }
0xa4: {  	[sflag:s23] =	ssyncadd.s32 $0xFFFFFFFF  }
0xa5: {  	s5 =	sld [smem:$0x0]  }
0xa6: {  	s6 =	sand.u32 $0xFFFFFFFE, s1  }
0xa7: {  	p0 =	sne.s32 s1, s6  }
0xa8: {  	s6 =	sshll.u32 @p0 s6, $0xE  }
0xa9: {  	s6 =	sadd.s32 @p0 $0x11B8D, s6;
	s7 =	sshll.u32 @p0 s5, $0x11  }
0xaa: {  	s6 =	sor.u32 @p0 s7, s6  }
0xab: {  	[sflag:s6] =	ssyncadd.remote.s32 @p0 $0x1;
	_ =	sdelay $0x1  }
0xac: {  	s6 =	simm.s32 @p0 $0x1B8D  }
0xad: {  	_ =	swait.eq @p0 [sflag:s6], $0x1  }
0xae: {  	[sflag:s6] =	ssyncadd.s32 @p0 $0xFFFFFFFF  }
0xaf: {  	s7 =	sshll.u32 @!p0 s1, $0xE  }
0xb0: {  	s7 =	sor.u32 @!p0 $0x4000, s7;
	s6 =	simm.s32 @!p0 $0x1B8D  }
0xb1: {  	s5 =	sshll.u32 @!p0 s5, $0x11;
	s7 =	sadd.s32 @!p0 $0x11B8D, s7;
	_ =	swait.eq @!p0 [sflag:s6], $0x1  }
0xb2: {  	s5 =	sor.u32 @!p0 s5, s7;
	[sflag:s6] =	ssyncadd.s32 @!p0 $0xFFFFFFFF  }
0xb3: {  	s25 =	simm.s32 $0x1B8E;
	s24 =	sld [smem:$0x3FFE];
	[sflag:s5] =	ssyncadd.remote.s32 @!p0 $0x1  }
0xb4: {  	s26 =	simm.s32 $execute0_lowered;
	[smem:$0x3FD2] =	sst s25  }
0xb5: {  	s6 =	sshll.u32 s26, $0x1;
	_ =	strace $0x80000049;
	[dreg:$0x1] =	wrdreg $0xFFFFFFFF  }
0xb6: {  	s28 =	simm.s32 $_size_execute0_lowered;
	s4 =	sadd.s32 s4, s6;
	[dreg:$0x0] =	wrdreg $0x0  }
0xb7: {  	s6 =	sshll.u32 s28, $0x1;
	[dreg:$0x2] =	wrdreg s4  }
0xb8: {  	[dreg:$0x3] =	wrdreg s6  }
0xb9: {  	[dreg:$0x4] =	wrdreg $0xC0  }
0xba: {  	_ =	task [dreg:s22], $0x5FFFF  }
0xbb: {  	[dreg:$0x1] =	wrdreg $0xFFFFFFFF  }
0xbc: {  	[dreg:$0x0] =	wrdreg $0x60  }
0xbd: {  	[dreg:$0x2] =	wrdreg s18  }
0xbe: {  	[dreg:$0x3] =	wrdreg s24  }
0xbf: {  	[dreg:$0x4] =	wrdreg $0x103000  }
0xc0: {  	[dreg:$0x5] =	wrdreg $0x9  }
0xc1: {  	_ =	task.clear_ibuf [dreg:s22], $0x6FFFF;
	_ =	strace $0x90000049  }
0xc2: {  	s29 =	simm.s32 $0x9;
	_ =	strace $0x8000004B  }
0xc3: {  	_ =	swait.ge [sflag:s29], $0x1  }
0xc4: {  	[sflag:s29] =	ssyncadd.s32 $0xFFFFFFFF  }
0xc5: {  	_ =	strace $0x9000004B  }
0xc6: {  	_ =	sfence  }
0xc7: {  	s30 =	sld [smem:$0x0];
	_ =	sdelay $0x2  }
0xc8: {  	s31 =	sshll.u32 s1, $0xD;
	s1 =	sshrl.u32 s1, $0x2  }
0xc9: {  	s4 =	sand.u32 $0x4000, s31;
	s1 =	sadd.s32 s1, s30  }
0xca: {  	s0 =	sor.u32 s4, s0;
	s1 =	sshll.u32 s1, $0x11  }
0xcb: {  	s0 =	sor.u32 s1, s0  }
0xcc: {  	s0 =	sadd.s32 $0x8F2B, s0  }
0xcd: {  	[sflag:s0] =	ssyncadd.remote.s32 $0x1  }
0xce: {  	_ =	sfence.sel $0xFFFF  }
0xcf: {  	[dreg:$0x0] =	wrdreg $0xFFFFFFFF;
	(pc) =	sbr.abs _section_cstart, $3  }
0xd0: {  	[dreg:$0x1] =	wrdreg $0xFFFFFFFF  }
0xd1: {  	_ =	task.clear_ibuf [dreg:s22], $0x2FFFF;
	_ =	strace $0x9FFFFFFF  }
0xd2: {  	(tm) =	ssettm $0x7FFFFFFF  }
0xd3: {  	_ =	shalt  }
tec
execute0_lowered:
.L_overlay_start_1:
0x0: {  	(tag) =	ssettag $0x1  }
0x1: {  	s1 =	rddreg [dreg:$0x0]  }
0x2: {  	s0 =	rddreg [dreg:$0x1]  }
0x3: {  	s2 =	rddreg [dreg:$0x2];
	s3 =	simm.s32 $0x0  }
0x4: {  	s6 =	srdreg.scid;
	s4 =	stileid.u32;
	s14 =	simm.s32 $0x28  }
0x5: {  	s28 =	simm.s32 $0x7;
	s29 =	simm.s32 $0x5;
	s30 =	simm.s32 $0x8  }
0x6: {  	s31 =	simm.s32 $0x9;
	[smem:$0x7FF] =	sst s3;
	s5 =	sadd.s32 $0x16C00, s0  }
0x7: {  	s7 =	sadd.s32 $0x3000, s0;
	s8 =	sand.u32 $0x1, s6;
	s9 =	sadd.s32 $0xCE00, s0  }
0x8: {  	s10 =	sshll.u32 s4, $0x1;
	s11 =	sadd.s32 $0x2AEE00, s0;
	p0 =	seq.s32 s4, $0x0  }
0x9: {  	s19 =	sshll.u32 s4, $0x8;
	s16 =	smul.u32 $0x4E, s4;
	_ =	strace $0x8000004A  }
0xa: {  	s6 =	ssub.s32 $0x2, s8;
	s10 =	sor.u32 s8, s10;
	s14 =	simm.s32 @!p0 $0x27  }
0xb: {  	v14 =	vlaneseq.u32;
	s20 =	sor.u32 $0x10, s19;
	s24 =	sor.u32 $0x30, s19;
	s25 =	sor.u32 $0x40, s19  }
0xc: {  	v15 =	vor.u32 $0x80, v14;
	s0 =	sor.u32 $0x60, s19;
	s18 =	smul.u32 $0x27, s8;
	s21 =	sshrl.u32 s6, $0x1  }
0xd: {  	s22 =	smul.u32 $0x27, s10;
	s13 =	smin.u32 s10, $0x2;
	s10 =	sor.u32 $0x50, s19;
	v2 =	vor.u32 s20, v14;
	v3 =	vor.u32 s20, v15  }
0xe: {  	s17 =	sshll.u32 s14, $0x4;
	s20 =	simm.s32 $0x4300;
	v6 =	vor.u32 s24, v14;
	v7 =	vor.u32 s24, v15;
	v8 =	vor.u32 s25, v14;
	s24 =	simm.s32 $0x4  }
0xf: {  	v9 =	vor.u32 s25, v15;
	s25 =	simm.s32 $0x6;
	v12 =	vor.u32 s0, v14;
	v13 =	vor.u32 s0, v15;
	s0 =	simm.s32 $0xA;
	s12 =	ssub.s32 s6, s21  }
0x10: {  	s21 =	sor.u32 $0x20, s19;
	s6 =	sor.u32 $0x70, s19;
	s23 =	sadd.s32 s13, s22  }
0x11: {  	v0 =	vor.u32 s19, v14;
	s17 =	sand.u32 $0x2E0, s17;
	s16 =	sadd.s32 s16, s13;
	s15 =	sadd.s32 s14, s23  }
0x12: {  	v1 =	vor.u32 s19, v15;
	s19 =	simm.s32 $0x300;
	v10 =	vor.u32 s10, v14;
	v11 =	vor.u32 s10, v15;
	s10 =	simm.s32 $0x0;
	s15 =	sshll.u32 s15, $0x7  }
0x13: {  	s22 =	smul.u32 $0x4E0, s4;
	[dreg:$0x4] =	wrdreg s17;
	s15 =	sadd.s32 $0xFFFFFF80, s15  }
0x14: {  	s16 =	sadd.s32 s18, s16;
	s18 =	smul.u32 $0x270, s8;
	s26 =	sshrl.u32 s15, $0x3  }
0x15: {  	s13 =	sshll.u32 s13, $0x4;
	v4 =	vor.u32 s21, v14;
	v5 =	vor.u32 s21, v15;
	s21 =	simm.s32 $0x8300;
	s23 =	sadd.s32 s7, s26  }
0x16: {  	s17 =	sadd.s32 s9, s26;
	s9 =	sadd.s32 s22, s9;
	s7 =	sadd.s32 s22, s7  }
0x17: {  	s26 =	sshll.u32 s4, $0xF;
	s22 =	sand.u32 $0x1, s14;
	[dreg:$0x7] =	wrdreg s23  }
0x18: {  	[dreg:$0x8] =	wrdreg s17;
	s8 =	sadd.s32 s26, s2;
	s23 =	sshll.u32 s15, $0x4  }
0x19: {  	s26 =	sadd.s32 s18, s9;
	s7 =	sadd.s32 s18, s7;
	s18 =	sshll.u32 s16, $0xB  }
0x1a: {  	s15 =	simm.s32 $0x200;
	s16 =	simm.s32 $0x280;
	s14 =	sadd.s32 s11, s23  }
0x1b: {  	p0 =	seq.s32 s22, $0x0;
	s17 =	sadd.s32 s13, s26;
	[dreg:$0x9] =	wrdreg s14  }
0x1c: {  	s22 =	simm.s32 $0xC300;
	s23 =	smax.u32 s12, $0x1;
	[dreg:$0x5] =	wrdreg s17  }
0x1d: {  	s9 =	sadd.s32 $0x4000, s8;
	s26 =	sadd.s32 s18, s11;
	[dreg:$0xa] =	wrdreg s23  }
0x1e: {  	s13 =	sadd.s32 s13, s7;
	s18 =	simm.s32 $0x80;
	[dreg:$0xb] =	wrdreg s26  }
0x1f: {  	[dreg:$0x6] =	wrdreg s13;
	s13 =	simm.s32 $0x100;
	s14 =	simm.s32 $0x180  }
0x20: {  	v14 =	vor.u32 s6, v14;
	v15 =	vor.u32 s6, v15;
	s17 =	simm.s32 $0x1;
	s23 =	simm.s32 $0x2;
	s26 =	simm.s32 $0x3  }
.LBB2_1:
0x21: {  	[tilespmem:$0x0] =	vst v0  }
0x22: {  	[tilespmem:$0x80] =	vst v1  }
0x23: {  	[tilespmem:$0x10] =	vst v2  }
0x24: {  	[tilespmem:$0x90] =	vst v3  }
0x25: {  	[tilespmem:$0x20] =	vst v4  }
0x26: {  	[tilespmem:$0xA0] =	vst v5  }
0x27: {  	[tilespmem:$0x30] =	vst v6  }
0x28: {  	[tilespmem:$0xB0] =	vst v7  }
0x29: {  	[tilespmem:$0x40] =	vst v8  }
0x2a: {  	[tilespmem:$0xC0] =	vst v9  }
0x2b: {  	[tilespmem:$0x50] =	vst v10  }
0x2c: {  	[tilespmem:$0xD0] =	vst v11  }
0x2d: {  	[tilespmem:$0x60] =	vst v12  }
0x2e: {  	[tilespmem:$0xE0] =	vst v13  }
0x2f: {  	[dreg:$0xc] =	wrdreg s10;
	[tilespmem:$0x70] =	vst v14  }
0x30: {  	[tilespmem:$0xF0] =	vst v15;
	s12 =	rddreg [dreg:$0xb];
	s10 =	simm.s32 $0x0  }
.LBB2_2:
0x31: {  	s11 =	rddreg [dreg:$0x6]  }
0x32: {  	s7 =	rddreg [dreg:$0x5];
	s11 =	sadd.s32 s10, s11  }
0x33: {  	[tilespmem:s13], [sflag:$0x1] =	stream.linear.gather [hbm4b:s11+s3], $0x80, $0x38;
	[tilespmem:$0x18300] =	vst v63  }
0x34: {  	s7 =	sadd.s32 s10, s7  }
0x35: {  	[tilespmem:s14], [sflag:$0x1] =	stream.linear.gather [hbm4b:s7+s3], $0x80, $0x38;
	[tilespmem:$0x18300] =	vst v63  }
0x36: {  	s11 =	sadd.s32 $0x10, s11  }
0x37: {  	[tilespmem:s15], [sflag:$0x1] =	stream.linear.gather [hbm4b:s11+s3], $0x80, $0x38;
	[tilespmem:$0x18300] =	vst v63  }
0x38: {  	s7 =	sadd.s32 $0x10, s7  }
0x39: {  	[tilespmem:s16], [sflag:$0x1] =	stream.linear.gather [hbm4b:s7+s3], $0x80, $0x38;
	[tilespmem:$0x18300] =	vst v63  }
0x3a: {  	_ =	swait.ge [sflag:s17], $0x80  }
0x3b: {  	[sflag:s17] =	ssyncset.done $0x0  }
0x3c: {  	[sflag:s17] =	ssyncadd.s32 $0xFFFFFF80  }
0x3d: {  	_ =	swait.ge [sflag:s17], $0x80  }
0x3e: {  	[sflag:s17] =	ssyncset.done $0x0  }
0x3f: {  	[sflag:s17] =	ssyncadd.s32 $0xFFFFFF80  }
0x40: {  	_ =	swait.ge [sflag:s17], $0x80  }
0x41: {  	[sflag:s17] =	ssyncset.done $0x0  }
0x42: {  	[sflag:s17] =	ssyncadd.s32 $0xFFFFFF80  }
0x43: {  	_ =	swait.ge [sflag:s17], $0x80  }
0x44: {  	[sflag:s17] =	ssyncset.done $0x0  }
0x45: {  	[sflag:s17] =	ssyncadd.s32 $0xFFFFFF80  }
0x46: {  	[tilespmem:s19], [sflag:$0x2] =	stream.indirect.gather [hbm4b:s1+s18], $0x80, s13, s18, $0xb8;
	[tilespmem:$0x18300] =	vst v63  }
0x47: {  	_ = 	snop  }
0x48: {  	[tilespmem:s20], [sflag:$0x3] =	stream.indirect.gather [hbm4b:s5+s18], $0x80, s14, s18, $0xb8;
	[tilespmem:$0x18300] =	vst v63  }
0x49: {  	_ = 	snop  }
0x4a: {  	[tilespmem:s21], [sflag:$0x4] =	stream.indirect.gather [hbm4b:s1+s18], $0x80, s15, s18, $0xb8;
	[tilespmem:$0x18300] =	vst v63  }
0x4b: {  	_ = 	snop  }
0x4c: {  	[tilespmem:s22], [sflag:$0x5] =	stream.indirect.gather [hbm4b:s5+s18], $0x80, s16, s18, $0xb8;
	[tilespmem:$0x18300] =	vst v63  }
0x4d: {  	_ =	swait.ge [sflag:s23], $0x4000  }
0x4e: {  	[sflag:s23] =	ssyncset.done $0x0  }
0x4f: {  	[sflag:s23] =	ssyncadd.s32 $0xFFFFC000  }
0x50: {  	[spmem:s8] =	stream.linear.scatter [tilespmem:s19], [sflag:$0x6], $0x4000, $0x38;
	[tilespmem:$0x18300] =	vst v63  }
0x51: {  	_ =	swait.ge [sflag:s24], $0x4000  }
0x52: {  	[sflag:s24] =	ssyncset.done $0x0  }
0x53: {  	[sflag:s24] =	ssyncadd.s32 $0xFFFFC000  }
0x54: {  	[spmem:s9] =	stream.linear.scatter [tilespmem:s21], [sflag:$0x7], $0x4000, $0x38;
	[tilespmem:$0x18300] =	vst v63  }
0x55: {  	_ =	swait.ge [sflag:s25], $0x4000  }
0x56: {  	[sflag:s25] =	ssyncset.done $0x0  }
0x57: {  	[sflag:s25] =	ssyncadd.s32 $0xFFFFC000  }
0x58: {  	_ =	swait.ge [sflag:s26], $0x4000  }
0x59: {  	[sflag:s26] =	ssyncset.done $0x0  }
0x5a: {  	[sflag:s26] =	ssyncadd.s32 $0xFFFFC000  }
0x5b: {  	[spmem:s2] =	stream.indirect.scatter.add.f32 [tilespmem:s20], [sflag:$0x8], $0x80, s3, s18, $0xb8;
	[tilespmem:$0x18300] =	vst v63  }
0x5c: {  	_ =	swait.ge [sflag:s28], $0x4000  }
0x5d: {  	[sflag:s28] =	ssyncset.done $0x0  }
0x5e: {  	[sflag:s28] =	ssyncadd.s32 $0xFFFFC000  }
0x5f: {  	_ =	swait.ge [sflag:s29], $0x4000  }
0x60: {  	[sflag:s29] =	ssyncset.done $0x0  }
0x61: {  	[sflag:s29] =	ssyncadd.s32 $0xFFFFC000  }
0x62: {  	[spmem:s2] =	stream.indirect.scatter.add.f32 [tilespmem:s22], [sflag:$0x9], $0x80, s18, s18, $0xb8;
	[tilespmem:$0x18300] =	vst v63  }
0x63: {  	_ =	swait.ge [sflag:s30], $0x4000  }
0x64: {  	s11 =	sshll.u32 s4, $0x6;
	[sflag:s30] =	ssyncset.done $0x0  }
0x65: {  	s6 =	sshrl.u32 s8, $0x3;
	s11 =	sor.u32 $0x1C0A, s11;
	[sflag:s30] =	ssyncadd.s32 $0xFFFFC000  }
0x66: {  	[hbm:s12], [sflag:s11] =	dma.local [spmem:s6], $0x800  }
0x67: {  	_ =	swait.ge [sflag:s31], $0x4000  }
0x68: {  	[sflag:s31] =	ssyncset.done $0x0  }
0x69: {  	s7 =	sadd.s32 $0x800, s12;
	s6 =	sshrl.u32 s9, $0x3;
	[sflag:s31] =	ssyncadd.s32 $0xFFFFC000  }
0x6a: {  	[hbm:s7], [sflag:s11] =	dma.local [spmem:s6], $0x800  }
0x6b: {  	_ =	swait.ge [sflag:s0], $0x800  }
0x6c: {  	[sflag:s0] =	ssyncset.done $0x0  }
0x6d: {  	[sflag:s0] =	ssyncadd.s32 $0xFFFFF800  }
0x6e: {  	_ =	swait.ge [sflag:s0], $0x800  }
0x6f: {  	s10 =	sadd.s32 $0x20, s10;
	s7 =	rddreg [dreg:$0x4]  }
0x70: {  	p1 =	sne.s32 s7, s10  }
.Ltmp0:
0x71: {  	_ = 	snop;
	(pc) =	sbr.rel @p1 .LBB2_2-.Ltmp0, $3  }
0x72: {  	_ =	sdelay $0x1  }
0x73: {  	[sflag:s0] =	ssyncset.done $0x0  }
0x74: {  	s12 =	sadd.s32 $0x1000, s12;
	[sflag:s0] =	ssyncadd.s32 $0xFFFFF800  }
0x75: {  	s12 =	simm.s32 @!p0 $0x0;
	s7 =	simm.s32 @!p0 $0x100;
	s6 =	rddreg [dreg:$0x7]  }
0x76: {  	[tilespmem:s7], [sflag:$0x1] =	stream.linear.gather @!p0 [hbm4b:s6+s12], $0x80, $0x38;
	[tilespmem:$0x18300] =	vst v63  }
0x77: {  	s10 =	simm.s32 @!p0 $0x180;
	s6 =	rddreg [dreg:$0x8]  }
0x78: {  	[tilespmem:s10], [sflag:$0x1] =	stream.linear.gather @!p0 [hbm4b:s6+s12], $0x80, $0x38;
	[tilespmem:$0x18300] =	vst v63  }
0x79: {  	s12 =	simm.s32 @!p0 $0x1  }
0x7a: {  	_ =	swait.ge @!p0 [sflag:s12], $0x80  }
0x7b: {  	[sflag:s12] =	ssyncset.done @!p0 $0x0  }
0x7c: {  	[sflag:s12] =	ssyncadd.s32 @!p0 $0xFFFFFF80  }
0x7d: {  	_ =	swait.ge @!p0 [sflag:s12], $0x80  }
0x7e: {  	[sflag:s12] =	ssyncset.done @!p0 $0x0  }
0x7f: {  	s6 =	simm.s32 @!p0 $0x300;
	[sflag:s12] =	ssyncadd.s32 @!p0 $0xFFFFFF80;
	s12 =	simm.s32 @!p0 $0x80  }
0x80: {  	[tilespmem:s6], [sflag:$0x2] =	stream.indirect.gather @!p0 [hbm4b:s1+s12], $0x80, s7, s12, $0xb8;
	[tilespmem:$0x18300] =	vst v63  }
0x81: {  	s7 =	simm.s32 @!p0 $0x4300  }
0x82: {  	[tilespmem:s7], [sflag:$0x3] =	stream.indirect.gather @!p0 [hbm4b:s5+s12], $0x80, s10, s12, $0xb8;
	[tilespmem:$0x18300] =	vst v63  }
0x83: {  	s10 =	simm.s32 @!p0 $0x2  }
0x84: {  	_ =	swait.ge @!p0 [sflag:s10], $0x4000  }
0x85: {  	[sflag:s10] =	ssyncset.done @!p0 $0x0  }
0x86: {  	[sflag:s10] =	ssyncadd.s32 @!p0 $0xFFFFC000;
	s10 =	simm.s32 @!p0 $0x3  }
0x87: {  	_ =	swait.ge @!p0 [sflag:s10], $0x4000  }
0x88: {  	[sflag:s10] =	ssyncset.done @!p0 $0x0  }
0x89: {  	[sflag:s10] =	ssyncadd.s32 @!p0 $0xFFFFC000  }
0x8a: {  	[spmem:s8] =	stream.linear.scatter @!p0 [tilespmem:s6], [sflag:$0x6], $0x4000, $0x38;
	[tilespmem:$0x18300] =	vst v63  }
0x8b: {  	s6 =	simm.s32 @!p0 $0x6  }
0x8c: {  	_ =	swait.ge @!p0 [sflag:s6], $0x4000  }
0x8d: {  	[sflag:s6] =	ssyncset.done @!p0 $0x0  }
0x8e: {  	[sflag:s6] =	ssyncadd.s32 @!p0 $0xFFFFC000;
	s6 =	simm.s32 @!p0 $0x0  }
0x8f: {  	[spmem:s2] =	stream.indirect.scatter.add.f32 @!p0 [tilespmem:s7], [sflag:$0x8], $0x80, s6, s12, $0xb8;
	[tilespmem:$0x18300] =	vst v63  }
0x90: {  	s6 =	simm.s32 @!p0 $0x8  }
0x91: {  	_ =	swait.ge @!p0 [sflag:s6], $0x4000  }
0x92: {  	[sflag:s6] =	ssyncset.done @!p0 $0x0  }
0x93: {  	s7 =	rddreg [dreg:$0x9];
	[sflag:s6] =	ssyncadd.s32 @!p0 $0xFFFFC000;
	s6 =	sshrl.u32 @!p0 s8, $0x3  }
0x94: {  	[hbm:s7], [sflag:s11] =	dma.local @!p0 [spmem:s6], $0x800  }
0x95: {  	s6 =	simm.s32 @!p0 $0xA  }
0x96: {  	_ =	swait.ge @!p0 [sflag:s6], $0x800  }
0x97: {  	s11 =	rddreg [dreg:$0xc]  }
0x98: {  	s12 =	rddreg [dreg:$0xa];
	s10 =	sadd.s32 $0x1, s11  }
0x99: {  	p1 =	sne.s32 s10, s12  }
.Ltmp1:
0x9a: {  	_ = 	snop;
	(pc) =	sbr.rel @p1 .LBB2_1-.Ltmp1, $3  }
0x9b: {  	_ =	sdelay $0x1  }
0x9c: {  	[sflag:s6] =	ssyncset.done @!p0 $0x0  }
0x9d: {  	[sflag:s6] =	ssyncadd.s32 @!p0 $0xFFFFF800  }
0x9e: {  	_ =	sfence.sel $0x180000  }
0x9f: {  	[bflag:$0x0] =	sbarrier.arrive $0xFFFF  }
0xa0: {  	_ =	strace $0x9000004A  }
0xa1: {  	[bflag:$0x2] =	sbarrier.arrive $0xFFFF  }
0xa2: {  	p0 =	sne.s32 s4, $0x0;
	s0 =	rddreg [dreg:$0x3]  }
0xa3: {  	s0 =	sadd.s32 @!p0 $0x100000, s0  }
0xa4: {  	[sflag:s0] =	ssyncadd.tile.s32 @!p0 $0x1;
	_ =	shalt  }
.Lfunc_end2:
_tile_overlayer_lowered:
.L_overlay_start_2:
0xa5: {  	(tag) =	ssettag $0x2  }
0xa6: {  	s0 =	rddreg [dreg:$0x0];
	s2 =	stileid.u32  }
0xa7: {  	s1 =	rddreg [dreg:$0x1];
	p0 =	sne.s32 s2, $0x0  }
0xa8: {  	s3 =	rddreg [dreg:$0x2];
	[bflag:$0x3] =	sbarrier.arrive $0xFFFF;
	s2 =	simm.s32 @!p0 $0x1C0B  }
0xa9: {  	[timem:s3], [sflag:s2] =	dma.local @!p0 [hbm:s0], s1  }
0xaa: {  	s0 =	simm.s32 @!p0 $0xB  }
0xab: {  	_ =	swait.ge @!p0 [sflag:s0], s1  }
0xac: {  	s1 =	ssub.s32 @!p0 $0x0, s1;
	[sflag:s0] =	ssyncset.done @!p0 $0x0  }
0xad: {  	[sflag:s0] =	ssyncadd.s32 @!p0 s1  }
0xae: {  	[bflag:$0x3] =	sbarrier.arrive $0xFFFF  }
0xaf: {  	_ =	shalt  }

// kernel: kernel.13.cloned.1.call-start
scs
__scs_entry_jumppad:
0x0: {  	(pc) =	sbr.rel $0x88, $3  }
0x1: {  	(tag) =	ssettag $0x0;
	lr =	simm.s32 $0x1  }
0x2: {  	[smem:$0x3F96] =	sst lr;
	_ =	strace $0xD0000000  }
0x3: {  	_ = 	snop  }
0x4: {  	_ = 	snop  }
0x5: {  	_ = 	snop  }
0x6: {  	_ = 	snop  }
0x7: {  	_ = 	snop  }
__scs_overlays_trampoline_lowered:
0x8: {  	[smem:$0x3FA5] =	sst s0  }
0x9: {  	[smem:$0x3FA6] =	sst s1  }
0xa: {  	[smem:$0x3FA7] =	sst s2  }
0xb: {  	[smem:$0x3FA8] =	sst s3  }
0xc: {  	[smem:$0x3FA9] =	sst s4  }
0xd: {  	[smem:$0x3FAA] =	sst s5  }
0xe: {  	[smem:$0x3FAB] =	sst s6  }
0xf: {  	[smem:$0x3FAC] =	sst s7  }
0x10: {  	[smem:$0x3FAD] =	sst s8  }
0x11: {  	[smem:$0x3FAE] =	sst s9;
	s0 =	simm.s32 @!p0 $0x0  }
0x12: {  	s1 =	sld [smem:$0x3F94];
	s0 =	simm.s32 @p0 $0x1  }
0x13: {  	[smem:$0x3FAF] =	sst s0;
	s0 =	simm.s32 @!p1 $0x0  }
0x14: {  	s2 =	sld [smem:$0x3F93];
	s0 =	simm.s32 @p1 $0x1  }
0x15: {  	[smem:$0x3FB0] =	sst s0;
	s0 =	simm.s32 @!p2 $0x0  }
0x16: {  	s3 =	sld [smem:$0x3FDB];
	s0 =	simm.s32 @p2 $0x1  }
0x17: {  	s4 =	simm.s32 $0x1BF5;
	[smem:$0x3FB2] =	sst s0  }
0x18: {  	s0 =	sld [smem:$0x3F95];
	_ =	swait.ge [sflag:s4], $0x0  }
0x19: {  	s7 =	sld [smem:$0x3F96]  }
0x1a: {  	s8 =	sadd.s32 $0xFFFFE003, lr  }
0x1b: {  	s9 =	sadd.s32 $0xFFFFFEF7, lr;
	s5 =	simm.s32 $0xFFFFFFFF;
	p2 =	slt.u32 s8, $0xFFFFF086  }
0x1c: {  	p1 =	slt.u32 s9, $0xF7A;
	s5 =	simm.s32 @!p2 $0x0  }
0x1d: {  	s5 =	simm.s32 @p1 $0x1;
	p0 =	seq.s32 s7, s2  }
0x1e: {  	s7 =	smul.u32 @!p0 $0xF7A, s2;
	p2 =	seq.s32 @!p0 s5, $0x0  }
0x1f: {  	s9 =	smul.u32 $0xF7A, s1;
	s8 =	simm.s32 @!p0 $0x1BF5;
	p2 =	por !p2, p0  }
0x20: {  	[sflag:s8] =	ssyncset.s32 @!p0 $0xFFFFF086;
	s6 =	sadd.s32 @!p0 s3, s7;
	s7 =	simm.s32 @!p0 $0x108  }
0x21: {  	s3 =	sadd.s32 s3, s9;
	s6 =	sadd.s32 @!p0 $0x88, s6;
	s7 =	simm.s32 @p2 $0x1082  }
0x22: {  	[simem:s7], [sflag:s8] =	dma.local @!p0 [hbm:s6], $0xF7A  }
0x23: {  	s9 =	sor.u32 $0xD0000000, s2;
	s6 =	simm.s32 $0x108;
	_ =	swait.ge @!p0 [sflag:s8], $0x0  }
0x24: {  	s3 =	sadd.s32 $0x88, s3;
	s6 =	simm.s32 @!p1 $0x1082;
	[sflag:s4] =	ssyncset.s32 $0xFFFFF086  }
0x25: {  	[simem:s6], [sflag:s4] =	dma.local [hbm:s3], $0xF7A  }
0x26: {  	[smem:$0x3F96] =	sst s1;
	(tag) =	ssettag s2;
	_ =	strace s9  }
0x27: {  	s1 =	sld [smem:$0x3FA6]  }
0x28: {  	s2 =	sld [smem:$0x3FA7]  }
0x29: {  	s4 =	sld [smem:$0x3FA9]  }
0x2a: {  	p0 =	seq.s32 s5, $0x0;
	s5 =	sld [smem:$0x3FAA]  }
0x2b: {  	s6 =	sld [smem:$0x3FAB]  }
0x2c: {  	s7 =	sld [smem:$0x3FAC]  }
0x2d: {  	s3 =	simm.s32 $0x108;
	s8 =	sld [smem:$0x3FAD]  }
0x2e: {  	s3 =	simm.s32 @!p0 $0x1082;
	s9 =	sld [smem:$0x3FAE]  }
0x2f: {  	lr =	sadd.s32 s0, s3;
	s0 =	sld [smem:$0x3FA5]  }
0x30: {  	s3 =	sld [smem:$0x3FA8]  }
0x31: {  	[smem:$0x3FB1] =	sst s10  }
0x32: {  	s10 =	sld [smem:$0x3FAF];
	_ =	sdelay $0x3  }
0x33: {  	p0 =	seq.s32 s10, $0x1;
	s10 =	sld [smem:$0x3FB1];
	_ =	sdelay $0x3  }
0x34: {  	[smem:$0x3FB1] =	sst s10  }
0x35: {  	s10 =	sld [smem:$0x3FB0];
	_ =	sdelay $0x3  }
0x36: {  	p1 =	seq.s32 s10, $0x1;
	s10 =	sld [smem:$0x3FB1];
	_ =	sdelay $0x3  }
0x37: {  	[smem:$0x3FB1] =	sst s10  }
0x38: {  	s10 =	sld [smem:$0x3FB2]  }
0x39: {  	_ = 	snop;
	(pc) =	sbr.ind lr, $3  }
0x3a: {  	_ = 	snop  }
0x3b: {  	_ = 	snop  }
0x3c: {  	p2 =	seq.s32 s10, $0x1;
	s10 =	sld [smem:$0x3FB1]  }
0x3d: {  	_ =	shalt  }
0x3e: {  	_ =	shalt  }
0x3f: {  	_ =	shalt  }
0x40: {  	_ =	shalt  }
0x41: {  	_ =	shalt  }
0x42: {  	_ =	shalt  }
0x43: {  	_ =	shalt  }
0x44: {  	_ =	shalt  }
0x45: {  	_ =	shalt  }
0x46: {  	_ =	shalt  }
0x47: {  	_ =	shalt  }
0x48: {  	_ =	shalt  }
0x49: {  	_ =	shalt  }
0x4a: {  	_ =	shalt  }
0x4b: {  	_ =	shalt  }
0x4c: {  	_ =	shalt  }
0x4d: {  	_ =	shalt  }
0x4e: {  	_ =	shalt  }
0x4f: {  	_ =	shalt  }
0x50: {  	_ =	shalt  }
0x51: {  	_ =	shalt  }
0x52: {  	_ =	shalt  }
0x53: {  	_ =	shalt  }
0x54: {  	_ =	shalt  }
0x55: {  	_ =	shalt  }
0x56: {  	_ =	shalt  }
0x57: {  	_ =	shalt  }
0x58: {  	_ =	shalt  }
0x59: {  	_ =	shalt  }
0x5a: {  	_ =	shalt  }
0x5b: {  	_ =	shalt  }
0x5c: {  	_ =	shalt  }
0x5d: {  	_ =	shalt  }
0x5e: {  	_ =	shalt  }
0x5f: {  	_ =	shalt  }
0x60: {  	_ =	shalt  }
0x61: {  	_ =	shalt  }
0x62: {  	_ =	shalt  }
0x63: {  	_ =	shalt  }
0x64: {  	_ =	shalt  }
0x65: {  	_ =	shalt  }
0x66: {  	_ =	shalt  }
0x67: {  	_ =	shalt  }
0x68: {  	_ =	shalt  }
0x69: {  	_ =	shalt  }
0x6a: {  	_ =	shalt  }
0x6b: {  	_ =	shalt  }
0x6c: {  	_ =	shalt  }
0x6d: {  	_ =	shalt  }
0x6e: {  	_ =	shalt  }
0x6f: {  	_ =	shalt  }
0x70: {  	_ =	shalt  }
0x71: {  	_ =	shalt  }
0x72: {  	_ =	shalt  }
0x73: {  	_ =	shalt  }
0x74: {  	_ =	shalt  }
0x75: {  	_ =	shalt  }
0x76: {  	_ =	shalt  }
0x77: {  	_ =	shalt  }
0x78: {  	_ =	shalt  }
0x79: {  	_ =	shalt  }
0x7a: {  	_ =	shalt  }
0x7b: {  	_ =	shalt  }
0x7c: {  	_ =	shalt  }
0x7d: {  	_ =	shalt  }
0x7e: {  	_ =	shalt  }
0x7f: {  	_ =	shalt  }
0x80: {  	_ =	shalt  }
0x81: {  	_ =	shalt  }
0x82: {  	_ =	shalt  }
0x83: {  	_ =	shalt  }
0x84: {  	_ =	shalt  }
0x85: {  	_ =	shalt  }
0x86: {  	_ =	shalt  }
0x87: {  	_ =	shalt  }
.Lfunc_end0:
.L_simem_size_0:
called_computation.1_lowered:
.L_overlay_start_0:
0x88: {  	s2 =	sld [smem:$0x3FD9]  }
0x89: {  	s3 =	sld [smem:$0x3FFE];
	_ =	sdelay $0x1  }
0x8a: {  	s1 =	srdreg.scid  }
0x8b: {  	s0 =	sand.u32 $0x1, s1  }
0x8c: {  	s17 =	sshll.u32 s0, $0xA;
	s2 =	sadd.s32 s3, s2  }
0x8d: {  	s2 =	sadd.s32 s2, s17  }
0x8e: {  	[smem:$0x3FBD] =	sst s2  }
0x8f: {  	_ = 	snop  }
0x90: {  	(tm) =	ssettm $0x1  }
0x91: {  	s18 =	sld [smem:$0x3FFB];
	_ =	sdelay $0x3  }
0x92: {  	_ =	strace s18  }
0x93: {  	s2 =	sld [smem:$0x3FFC];
	_ =	sdelay $0x3  }
0x94: {  	_ =	strace s2  }
0x95: {  	s2 =	sld [smem:$0x3FFD];
	_ =	sdelay $0x3  }
0x96: {  	_ =	strace s2  }
0x97: {  	_ =	strace $0x8FFFFFFF  }
0x98: {  	s19 =	sld [smem:$0x3FDB];
	_ =	sdelay $0x1  }
0x99: {  	s20 =	simm.s32 $_scs_section_size  }
0x9a: {  	s4 =	simm.s32 $_size__tile_overlayer_lowered;
	s5 =	simm.s32 $_tile_overlayer_lowered  }
0x9b: {  	s6 =	simm.s32 $0x1BFF;
	s21 =	sshll.u32 s5, $0x1;
	s3 =	sadd.s32 s20, s19  }
0x9c: {  	s22 =	simm.s32 $0x0;
	s4 =	sshll.u32 s4, $0x1;
	s5 =	sadd.s32 s21, s3  }
0x9d: {  	[timem:s22], [sflag:s6] =	dma.local [hbm:s5], s4  }
0x9e: {  	_ =	swait.ge [sflag:s6], s4  }
0x9f: {  	s4 =	ssub.s32 $0x0, s4;
	[sflag:s6] =	ssyncset.done $0x0  }
0xa0: {  	[sflag:s6] =	ssyncadd.s32 s4;
	_ =	sdelay $0x1  }
0xa1: {  	s23 =	simm.s32 $0x1B8B  }
0xa2: {  	_ =	swait.ge [sflag:s23], $0x1  }
0xa3: {  	[sflag:s23] =	ssyncset.done $0x0  }
0xa4: {  	[sflag:s23] =	ssyncadd.s32 $0xFFFFFFFF  }
0xa5: {  	s4 =	sld [smem:$0x0]  }
0xa6: {  	s5 =	sand.u32 $0xFFFFFFFE, s1  }
0xa7: {  	p0 =	sne.s32 s1, s5  }
0xa8: {  	s5 =	sshll.u32 @p0 s5, $0xE  }
0xa9: {  	s5 =	sadd.s32 @p0 $0x11B8D, s5;
	s6 =	sshll.u32 @p0 s4, $0x11  }
0xaa: {  	s5 =	sor.u32 @p0 s6, s5  }
0xab: {  	[sflag:s5] =	ssyncadd.remote.s32 @p0 $0x1;
	_ =	sdelay $0x1  }
0xac: {  	s5 =	simm.s32 @p0 $0x1B8D  }
0xad: {  	_ =	swait.eq @p0 [sflag:s5], $0x1  }
0xae: {  	[sflag:s5] =	ssyncadd.s32 @p0 $0xFFFFFFFF  }
0xaf: {  	s6 =	sshll.u32 @!p0 s1, $0xE  }
0xb0: {  	s6 =	sor.u32 @!p0 $0x4000, s6;
	s5 =	simm.s32 @!p0 $0x1B8D  }
0xb1: {  	s4 =	sshll.u32 @!p0 s4, $0x11;
	s6 =	sadd.s32 @!p0 $0x11B8D, s6;
	_ =	swait.eq @!p0 [sflag:s5], $0x1  }
0xb2: {  	s4 =	sor.u32 @!p0 s4, s6;
	[sflag:s5] =	ssyncadd.s32 @!p0 $0xFFFFFFFF  }
0xb3: {  	s25 =	simm.s32 $0x1B8E;
	s24 =	sld [smem:$0x3FFE];
	[sflag:s4] =	ssyncadd.remote.s32 @!p0 $0x1  }
0xb4: {  	s26 =	simm.s32 $execute0_lowered;
	[smem:$0x3FD2] =	sst s25  }
0xb5: {  	s5 =	sshll.u32 s26, $0x1;
	_ =	strace $0x8000004F;
	[dreg:$0x1] =	wrdreg $0xFFFFFFFF  }
0xb6: {  	s28 =	simm.s32 $_size_execute0_lowered;
	s3 =	sadd.s32 s3, s5;
	[dreg:$0x0] =	wrdreg $0x0  }
0xb7: {  	s5 =	sshll.u32 s28, $0x1;
	[dreg:$0x2] =	wrdreg s3  }
0xb8: {  	[dreg:$0x3] =	wrdreg s5  }
0xb9: {  	[dreg:$0x4] =	wrdreg $0xC0  }
0xba: {  	_ =	task [dreg:s22], $0x5FFFF  }
0xbb: {  	[dreg:$0x1] =	wrdreg $0xFFFFFFFF  }
0xbc: {  	[dreg:$0x0] =	wrdreg $0x60  }
0xbd: {  	[dreg:$0x2] =	wrdreg s24  }
0xbe: {  	[dreg:$0x3] =	wrdreg $0xC1800  }
0xbf: {  	[dreg:$0x4] =	wrdreg $0x9  }
0xc0: {  	_ =	task.clear_ibuf [dreg:s22], $0x5FFFF;
	_ =	strace $0x9000004F  }
0xc1: {  	s29 =	simm.s32 $0x9;
	_ =	strace $0x80000051  }
0xc2: {  	_ =	swait.ge [sflag:s29], $0x1  }
0xc3: {  	[sflag:s29] =	ssyncadd.s32 $0xFFFFFFFF  }
0xc4: {  	_ =	strace $0x90000051  }
0xc5: {  	_ =	sfence  }
0xc6: {  	s30 =	sld [smem:$0x0];
	_ =	sdelay $0x2  }
0xc7: {  	s31 =	sshll.u32 s1, $0xD;
	s1 =	sshrl.u32 s1, $0x2  }
0xc8: {  	s4 =	sand.u32 $0x4000, s31;
	s1 =	sadd.s32 s1, s30  }
0xc9: {  	s0 =	sor.u32 s4, s0;
	s1 =	sshll.u32 s1, $0x11  }
0xca: {  	s0 =	sor.u32 s1, s0  }
0xcb: {  	s0 =	sadd.s32 $0x8F2B, s0  }
0xcc: {  	[sflag:s0] =	ssyncadd.remote.s32 $0x1  }
0xcd: {  	_ =	sfence.sel $0xFFFF  }
0xce: {  	[dreg:$0x0] =	wrdreg $0xFFFFFFFF;
	(pc) =	sbr.abs _section_cstart, $3  }
0xcf: {  	[dreg:$0x1] =	wrdreg $0xFFFFFFFF  }
0xd0: {  	_ =	task.clear_ibuf [dreg:s22], $0x2FFFF;
	_ =	strace $0x9FFFFFFF  }
0xd1: {  	(tm) =	ssettm $0x7FFFFFFF  }
tec
execute0_lowered:
.L_overlay_start_1:
0x0: {  	(tag) =	ssettag $0x1  }
0x1: {  	s8 =	rddreg [dreg:$0x0]  }
0x2: {  	s1 =	rddreg [dreg:$0x1];
	s2 =	simm.s32 $0x0  }
0x3: {  	s3 =	srdreg.scid;
	s23 =	stileid.u32;
	s18 =	simm.s32 $0x100  }
0x4: {  	s19 =	simm.s32 $0x8180;
	s20 =	simm.s32 $0x1;
	[smem:$0x7FF] =	sst s2  }
0x5: {  	s7 =	sand.u32 $0x1, s3;
	s21 =	sshll.u32 s23, $0x1;
	s6 =	smul.u32 $0x4F000, s23  }
0x6: {  	s11 =	sadd.s32 $0x790E00, s8;
	s10 =	sadd.s32 $0xCE00, s8;
	s14 =	smul.u32 $0x4E, s23  }
0x7: {  	s0 =	sadd.s32 $0x3DE00, s8;
	s24 =	sshll.u32 s23, $0x6;
	s16 =	smul.u32 $0x2780, s23  }
0x8: {  	_ =	strace $0x80000050;
	s3 =	sor.u32 s7, s21;
	s5 =	ssub.s32 $0x2, s7  }
0x9: {  	[dreg:$0x3] =	wrdreg s0;
	s15 =	smul.u32 $0x27, s7;
	p0 =	seq.s32 s7, $0x1  }
0xa: {  	s21 =	simm.s32 $0x2;
	s4 =	smul.u32 $0x27, s3;
	s12 =	sshrl.u32 s5, $0x1  }
0xb: {  	s9 =	smin.u32 s3, $0x2;
	s22 =	sshrl.u32 s6, $0x2;
	s12 =	ssub.s32 s5, s12  }
0xc: {  	s13 =	sadd.s32 s22, s1;
	s17 =	sadd.s32 s15, s14;
	s22 =	simm.s32 $0x3  }
0xd: {  	s4 =	sadd.s32 s9, s4;
	s7 =	smax.u32 s12, $0x1;
	s12 =	simm.s32 $0xB6E00  }
0xe: {  	s17 =	sadd.s32 s9, s17;
	s9 =	sadd.s32 s14, s9;
	s13 =	sshrl.u32 s13, $0x3  }
0xf: {  	s4 =	sshll.u32 s4, $0x7;
	s12 =	simm.s32 @!p0 $0x8F600;
	s29 =	sshll.u32 s17, $0xB  }
0x10: {  	s14 =	sadd.s32 s15, s9;
	s31 =	sshll.u32 s17, $0x4;
	s15 =	simm.s32 $0x180  }
0x11: {  	s17 =	simm.s32 $0x4180;
	p0 =	sne.s32 s23, $0x0;
	s23 =	simm.s32 $0x4  }
0x12: {  	s25 =	sadd.s32 $0x1380, s4;
	s4 =	sor.u32 $0x1C07, s24;
	s8 =	sadd.s32 s12, s8  }
0x13: {  	s9 =	sadd.s32 s29, s11;
	s30 =	sshll.u32 s14, $0x4;
	s14 =	sshll.u32 s14, $0xB  }
0x14: {  	s24 =	simm.s32 $0x5;
	s26 =	sshrl.u32 s25, $0x3;
	s6 =	sshll.u32 s25, $0x4  }
0x15: {  	s8 =	sadd.s32 s8, s16;
	s12 =	sadd.s32 s30, s10;
	s16 =	simm.s32 $0x80  }
0x16: {  	s25 =	simm.s32 $0x6;
	s28 =	sadd.s32 s10, s26;
	s6 =	sadd.s32 s11, s6  }
0x17: {  	s10 =	sadd.s32 s31, s10;
	s11 =	sadd.s32 s14, s11;
	s12 =	sadd.s32 $0x10, s12  }
0x18: {  	s14 =	simm.s32 $0x7;
	s26 =	simm.s32 $0x0;
	[dreg:$0x4] =	wrdreg s28  }
.LBB2_1:
0x19: {  	s0 =	rddreg [dreg:$0x3]  }
0x1a: {  	[spmem:s13], [sflag:s4] =	dma.local [hbm:s0], $0x2780  }
0x1b: {  	_ =	swait.ge [sflag:s14], $0x2780  }
0x1c: {  	[sflag:s14] =	ssyncset.done $0x0  }
0x1d: {  	p1 =	por $0x1, $0x1;
	[sflag:s14] =	ssyncadd.s32 $0xFFFFD880  }
0x1e: {  	s28 =	simm.s32 @!p1 $0x4;
	[bflag:$0x0] =	sbarrier.arrive $0xFFFF  }
0x1f: {  	_ =	swait.ge @!p1 [sflag:s28], $0x4000  }
0x20: {  	[sflag:s28] =	ssyncset.done @!p1 $0x0  }
0x21: {  	[sflag:s28] =	ssyncadd.s32 @!p1 $0xFFFFC000  }
0x22: {  	[tilespmem:s2], [sflag:$0x1] =	stream.linear.gather [hbm4b:s10+s2], $0x80, $0x38;
	[tilespmem:$0x1FD80] =	vst v63  }
0x23: {  	s29 =	simm.s32 @!p1 $0x5;
	s28 =	sadd.s32 $0x0, s9  }
0x24: {  	[tilespmem:s15], [sflag:$0x1] =	stream.linear.gather [hbm4b:s28+s2], $0x4000, $0x38;
	[tilespmem:$0x1FD80] =	vst v63  }
0x25: {  	_ =	swait.ge @!p1 [sflag:s29], $0x4000  }
0x26: {  	[sflag:s29] =	ssyncset.done @!p1 $0x0  }
0x27: {  	s28 =	sadd.s32 $0x0, s11;
	[sflag:s29] =	ssyncadd.s32 @!p1 $0xFFFFC000  }
0x28: {  	[tilespmem:s16], [sflag:$0x2] =	stream.linear.gather [hbm4b:s12+s2], $0x80, $0x38;
	[tilespmem:$0x1FD80] =	vst v63  }
0x29: {  	s30 =	simm.s32 @!p1 $0x6;
	s29 =	sadd.s32 $0x800, s28  }
0x2a: {  	[tilespmem:s17], [sflag:$0x2] =	stream.linear.gather [hbm4b:s29+s2], $0x4000, $0x38;
	[tilespmem:$0x1FD80] =	vst v63  }
0x2b: {  	_ =	swait.ge @!p1 [sflag:s30], $0x4000  }
0x2c: {  	[sflag:s30] =	ssyncset.done @!p1 $0x0  }
0x2d: {  	s29 =	sadd.s32 $0x10, s12;
	[sflag:s30] =	ssyncadd.s32 @!p1 $0xFFFFC000  }
0x2e: {  	[tilespmem:s18], [sflag:$0x3] =	stream.linear.gather [hbm4b:s29+s2], $0x80, $0x38;
	[tilespmem:$0x1FD80] =	vst v63  }
0x2f: {  	s28 =	sadd.s32 $0x1000, s28  }
0x30: {  	[tilespmem:s19], [sflag:$0x3] =	stream.linear.gather [hbm4b:s28+s2], $0x4000, $0x38;
	[tilespmem:$0x1FD80] =	vst v63  }
0x31: {  	_ =	swait.ge [sflag:s20], $0x80  }
0x32: {  	[sflag:s20] =	ssyncset.done $0x0  }
0x33: {  	[sflag:s20] =	ssyncadd.s32 $0xFFFFFF80  }
0x34: {  	_ =	swait.ge [sflag:s20], $0x4000  }
0x35: {  	[sflag:s20] =	ssyncset.done $0x0  }
0x36: {  	[sflag:s20] =	ssyncadd.s32 $0xFFFFC000  }
0x37: {  	[spmem:s1] =	stream.indirect.scatter.add.f32 [tilespmem:s15], [sflag:$0x4], $0x80, s2, s16, $0xb8;
	[tilespmem:$0x1FD80] =	vst v63  }
0x38: {  	_ =	swait.ge [sflag:s21], $0x80  }
0x39: {  	[sflag:s21] =	ssyncset.done $0x0  }
0x3a: {  	[sflag:s21] =	ssyncadd.s32 $0xFFFFFF80  }
0x3b: {  	_ =	swait.ge [sflag:s21], $0x4000  }
0x3c: {  	[sflag:s21] =	ssyncset.done $0x0  }
0x3d: {  	[sflag:s21] =	ssyncadd.s32 $0xFFFFC000  }
0x3e: {  	[spmem:s1] =	stream.indirect.scatter.add.f32 [tilespmem:s17], [sflag:$0x5], $0x80, s16, s16, $0xb8;
	[tilespmem:$0x1FD80] =	vst v63  }
0x3f: {  	_ =	swait.ge [sflag:s22], $0x80  }
0x40: {  	[sflag:s22] =	ssyncset.done $0x0  }
0x41: {  	s31 =	simm.s32 $0x3000;
	[sflag:s22] =	ssyncadd.s32 $0xFFFFFF80  }
0x42: {  	p2 =	por $0x0, $0x0;
	s30 =	sadd.s32 $0x30, s10;
	_ =	swait.ge [sflag:s22], $0x4000  }
0x43: {  	s29 =	simm.s32 $0x1800;
	s28 =	sadd.s32 $0x30, s12;
	[sflag:s22] =	ssyncset.done $0x0  }
.LBB2_2:
0x44: {  	s0 =	simm.s32 @!p2 $0x4  }
0x45: {  	[sflag:s22] =	ssyncadd.s32 $0xFFFFC000;
	s3 =	smov.u32 s31;
	s31 =	sadd.s32 $0x1800, s31  }
0x46: {  	[spmem:s1] =	stream.indirect.scatter.add.f32 [tilespmem:s19], [sflag:$0x6], $0x80, s18, s16, $0xb8;
	[tilespmem:$0x1FD80] =	vst v63  }
0x47: {  	p1 =	sne.s32 s31, $0x13800;
	_ =	swait.ge @!p2 [sflag:s0], $0x4000  }
0x48: {  	[sflag:s0] =	ssyncset.done @!p2 $0x0  }
0x49: {  	[sflag:s0] =	ssyncadd.s32 @!p2 $0xFFFFC000  }
0x4a: {  	[tilespmem:s2], [sflag:$0x1] =	stream.linear.gather [hbm4b:s30+s2], $0x80, $0x38;
	[tilespmem:$0x1FD80] =	vst v63  }
0x4b: {  	s5 =	simm.s32 @!p2 $0x5;
	s0 =	sadd.s32 s29, s9  }
0x4c: {  	[tilespmem:s15], [sflag:$0x1] =	stream.linear.gather [hbm4b:s0+s2], $0x4000, $0x38;
	[tilespmem:$0x1FD80] =	vst v63  }
0x4d: {  	_ =	swait.ge @!p2 [sflag:s5], $0x4000  }
0x4e: {  	[sflag:s5] =	ssyncset.done @!p2 $0x0  }
0x4f: {  	s0 =	sadd.s32 s29, s11;
	s29 =	smov.u32 s3;
	[sflag:s5] =	ssyncadd.s32 @!p2 $0xFFFFC000  }
0x50: {  	[tilespmem:s16], [sflag:$0x2] =	stream.linear.gather [hbm4b:s28+s2], $0x80, $0x38;
	[tilespmem:$0x1FD80] =	vst v63  }
0x51: {  	s3 =	sadd.s32 $0x800, s0;
	s5 =	simm.s32 @!p2 $0x6  }
0x52: {  	[tilespmem:s17], [sflag:$0x2] =	stream.linear.gather [hbm4b:s3+s2], $0x4000, $0x38;
	[tilespmem:$0x1FD80] =	vst v63  }
0x53: {  	_ =	swait.ge @!p2 [sflag:s5], $0x4000  }
0x54: {  	[sflag:s5] =	ssyncset.done @!p2 $0x0  }
0x55: {  	s3 =	sadd.s32 $0x10, s28;
	[sflag:s5] =	ssyncadd.s32 @!p2 $0xFFFFC000  }
0x56: {  	[tilespmem:s18], [sflag:$0x3] =	stream.linear.gather [hbm4b:s3+s2], $0x80, $0x38;
	[tilespmem:$0x1FD80] =	vst v63  }
0x57: {  	s0 =	sadd.s32 $0x1000, s0  }
0x58: {  	[tilespmem:s19], [sflag:$0x3] =	stream.linear.gather [hbm4b:s0+s2], $0x4000, $0x38;
	[tilespmem:$0x1FD80] =	vst v63  }
0x59: {  	_ =	swait.ge [sflag:s20], $0x80  }
0x5a: {  	[sflag:s20] =	ssyncset.done $0x0  }
0x5b: {  	[sflag:s20] =	ssyncadd.s32 $0xFFFFFF80  }
0x5c: {  	_ =	swait.ge [sflag:s20], $0x4000  }
0x5d: {  	[sflag:s20] =	ssyncset.done $0x0  }
0x5e: {  	[sflag:s20] =	ssyncadd.s32 $0xFFFFC000  }
0x5f: {  	[spmem:s1] =	stream.indirect.scatter.add.f32 [tilespmem:s15], [sflag:$0x4], $0x80, s2, s16, $0xb8;
	[tilespmem:$0x1FD80] =	vst v63  }
0x60: {  	_ =	swait.ge [sflag:s21], $0x80  }
0x61: {  	[sflag:s21] =	ssyncset.done $0x0  }
0x62: {  	[sflag:s21] =	ssyncadd.s32 $0xFFFFFF80  }
0x63: {  	_ =	swait.ge [sflag:s21], $0x4000  }
0x64: {  	[sflag:s21] =	ssyncset.done $0x0  }
0x65: {  	[sflag:s21] =	ssyncadd.s32 $0xFFFFC000  }
0x66: {  	[spmem:s1] =	stream.indirect.scatter.add.f32 [tilespmem:s17], [sflag:$0x5], $0x80, s16, s16, $0xb8;
	[tilespmem:$0x1FD80] =	vst v63  }
.Ltmp0:
0x67: {  	_ =	swait.ge [sflag:s22], $0x80;
	(pc) =	sbr.rel @p1 .LBB2_2-.Ltmp0, $4  }
0x68: {  	[sflag:s22] =	ssyncset.done $0x0  }
0x69: {  	[sflag:s22] =	ssyncadd.s32 $0xFFFFFF80  }
0x6a: {  	s28 =	sadd.s32 $0x30, s28;
	_ =	swait.ge [sflag:s22], $0x4000  }
0x6b: {  	s30 =	sadd.s32 $0x30, s30;
	p2 =	seq.s32 s29, $0x0;
	[sflag:s22] =	ssyncset.done $0x0  }
0x6c: {  	s0 =	simm.s32 @!p2 $0x4;
	[sflag:s22] =	ssyncadd.s32 $0xFFFFC000  }
0x6d: {  	[spmem:s1] =	stream.indirect.scatter.add.f32 [tilespmem:s19], [sflag:$0x6], $0x80, s18, s16, $0xb8;
	[tilespmem:$0x1FD80] =	vst v63  }
0x6e: {  	_ =	swait.ge @!p2 [sflag:s0], $0x4000  }
0x6f: {  	[sflag:s0] =	ssyncset.done @!p2 $0x0  }
0x70: {  	[sflag:s0] =	ssyncadd.s32 @!p2 $0xFFFFC000  }
0x71: {  	[tilespmem:s2], [sflag:$0x1] =	stream.linear.gather [hbm4b:s30+s2], $0x80, $0x38;
	[tilespmem:$0x1FD80] =	vst v63  }
0x72: {  	s5 =	sadd.s32 s29, s9;
	s0 =	simm.s32 @!p2 $0x5  }
0x73: {  	[tilespmem:s15], [sflag:$0x1] =	stream.linear.gather [hbm4b:s5+s2], $0x4000, $0x38;
	[tilespmem:$0x1FD80] =	vst v63  }
0x74: {  	_ =	swait.ge @!p2 [sflag:s0], $0x4000  }
0x75: {  	[sflag:s0] =	ssyncset.done @!p2 $0x0  }
0x76: {  	s30 =	sadd.s32 s29, s11;
	[sflag:s0] =	ssyncadd.s32 @!p2 $0xFFFFC000  }
0x77: {  	[tilespmem:s16], [sflag:$0x2] =	stream.linear.gather [hbm4b:s28+s2], $0x80, $0x38;
	[tilespmem:$0x1FD80] =	vst v63  }
0x78: {  	s3 =	sadd.s32 $0x800, s30  }
0x79: {  	[tilespmem:s17], [sflag:$0x2] =	stream.linear.gather [hbm4b:s3+s2], $0x4000, $0x38;
	[tilespmem:$0x1FD80] =	vst v63  }
0x7a: {  	s3 =	simm.s32 @!p2 $0x6  }
0x7b: {  	_ =	swait.ge @!p2 [sflag:s3], $0x4000  }
0x7c: {  	[sflag:s3] =	ssyncset.done @!p2 $0x0  }
0x7d: {  	s31 =	sadd.s32 $0x10, s28;
	[sflag:s3] =	ssyncadd.s32 @!p2 $0xFFFFC000  }
0x7e: {  	[tilespmem:s18], [sflag:$0x3] =	stream.linear.gather [hbm4b:s31+s2], $0x80, $0x38;
	[tilespmem:$0x1FD80] =	vst v63  }
0x7f: {  	s0 =	sadd.s32 $0x1000, s30  }
0x80: {  	[tilespmem:s19], [sflag:$0x3] =	stream.linear.gather [hbm4b:s0+s2], $0x4000, $0x38;
	[tilespmem:$0x1FD80] =	vst v63  }
0x81: {  	_ =	swait.ge [sflag:s20], $0x80  }
0x82: {  	[sflag:s20] =	ssyncset.done $0x0  }
0x83: {  	[sflag:s20] =	ssyncadd.s32 $0xFFFFFF80  }
0x84: {  	_ =	swait.ge [sflag:s20], $0x4000  }
0x85: {  	[sflag:s20] =	ssyncset.done $0x0  }
0x86: {  	[sflag:s20] =	ssyncadd.s32 $0xFFFFC000  }
0x87: {  	[spmem:s1] =	stream.indirect.scatter.add.f32 [tilespmem:s15], [sflag:$0x4], $0x80, s2, s16, $0xb8;
	[tilespmem:$0x1FD80] =	vst v63  }
0x88: {  	_ =	swait.ge [sflag:s21], $0x80  }
0x89: {  	[sflag:s21] =	ssyncset.done $0x0  }
0x8a: {  	[sflag:s21] =	ssyncadd.s32 $0xFFFFFF80  }
0x8b: {  	_ =	swait.ge [sflag:s21], $0x4000  }
0x8c: {  	[sflag:s21] =	ssyncset.done $0x0  }
0x8d: {  	[sflag:s21] =	ssyncadd.s32 $0xFFFFC000  }
0x8e: {  	[spmem:s1] =	stream.indirect.scatter.add.f32 [tilespmem:s17], [sflag:$0x5], $0x80, s16, s16, $0xb8;
	[tilespmem:$0x1FD80] =	vst v63  }
0x8f: {  	_ =	swait.ge [sflag:s22], $0x80  }
0x90: {  	[sflag:s22] =	ssyncset.done $0x0  }
0x91: {  	[sflag:s22] =	ssyncadd.s32 $0xFFFFFF80  }
0x92: {  	_ =	swait.ge [sflag:s22], $0x4000  }
0x93: {  	[sflag:s22] =	ssyncset.done $0x0  }
0x94: {  	[sflag:s22] =	ssyncadd.s32 $0xFFFFC000  }
0x95: {  	[spmem:s1] =	stream.indirect.scatter.add.f32 [tilespmem:s19], [sflag:$0x6], $0x80, s18, s16, $0xb8;
	[tilespmem:$0x1FD80] =	vst v63  }
0x96: {  	_ =	swait.ge [sflag:s23], $0x4000  }
0x97: {  	[sflag:s23] =	ssyncset.done $0x0  }
0x98: {  	[sflag:s23] =	ssyncadd.s32 $0xFFFFC000  }
0x99: {  	_ =	swait.ge [sflag:s24], $0x4000  }
0x9a: {  	[sflag:s24] =	ssyncset.done $0x0  }
0x9b: {  	[sflag:s24] =	ssyncadd.s32 $0xFFFFC000  }
0x9c: {  	_ =	swait.ge [sflag:s25], $0x4000  }
0x9d: {  	[sflag:s25] =	ssyncset.done $0x0  }
0x9e: {  	s0 =	simm.s32 @!p0 $0x0;
	s3 =	rddreg [dreg:$0x4];
	[sflag:s25] =	ssyncadd.s32 $0xFFFFC000  }
0x9f: {  	[tilespmem:s0], [sflag:$0x1] =	stream.linear.gather @!p0 [hbm4b:s3+s0], $0x80, $0x38;
	[tilespmem:$0x1FD80] =	vst v63  }
0xa0: {  	s5 =	simm.s32 @!p0 $0x1;
	s3 =	simm.s32 @!p0 $0x180  }
0xa1: {  	[tilespmem:s3], [sflag:$0x1] =	stream.linear.gather @!p0 [hbm4b:s6+s0], $0x4000, $0x38;
	[tilespmem:$0x1FD80] =	vst v63  }
0xa2: {  	_ =	swait.ge @!p0 [sflag:s5], $0x80  }
0xa3: {  	[sflag:s5] =	ssyncset.done @!p0 $0x0  }
0xa4: {  	[sflag:s5] =	ssyncadd.s32 @!p0 $0xFFFFFF80  }
0xa5: {  	_ =	swait.ge @!p0 [sflag:s5], $0x4000  }
0xa6: {  	[sflag:s5] =	ssyncset.done @!p0 $0x0  }
0xa7: {  	[sflag:s5] =	ssyncadd.s32 @!p0 $0xFFFFC000;
	s5 =	simm.s32 @!p0 $0x80  }
0xa8: {  	[spmem:s1] =	stream.indirect.scatter.add.f32 @!p0 [tilespmem:s3], [sflag:$0x4], $0x80, s0, s5, $0xb8;
	[tilespmem:$0x1FD80] =	vst v63  }
0xa9: {  	s0 =	simm.s32 @!p0 $0x4  }
0xaa: {  	_ =	swait.ge @!p0 [sflag:s0], $0x4000  }
0xab: {  	s26 =	sadd.s32 $0x1, s26;
	[sflag:s0] =	ssyncset.done @!p0 $0x0  }
0xac: {  	p1 =	sne.s32 s26, s7;
	[sflag:s0] =	ssyncadd.s32 @!p0 $0xFFFFC000  }
.Ltmp1:
0xad: {  	[bflag:$0x0] =	sbarrier.arrive $0xFFFF;
	(pc) =	sbr.rel @p1 .LBB2_1-.Ltmp1, $4  }
0xae: {  	[hbm:s8], [sflag:s4] =	dma.local [spmem:s13], $0x2780  }
0xaf: {  	_ =	swait.ge [sflag:s14], $0x2780  }
0xb0: {  	[sflag:s14] =	ssyncset.done $0x0  }
0xb1: {  	[sflag:s14] =	ssyncadd.s32 $0xFFFFD880  }
0xb2: {  	_ =	sfence.sel $0x180000  }
0xb3: {  	[bflag:$0x0] =	sbarrier.arrive $0xFFFF  }
0xb4: {  	_ =	strace $0x90000050  }
0xb5: {  	[bflag:$0x2] =	sbarrier.arrive $0xFFFF  }
0xb6: {  	s0 =	rddreg [dreg:$0x2]  }
0xb7: {  	s0 =	sadd.s32 @!p0 $0x100000, s0  }
0xb8: {  	[sflag:s0] =	ssyncadd.tile.s32 @!p0 $0x1;
	_ =	shalt  }
.Lfunc_end2:
_tile_overlayer_lowered:
.L_overlay_start_2:
0xb9: {  	(tag) =	ssettag $0x2  }
0xba: {  	s0 =	rddreg [dreg:$0x0];
	s2 =	stileid.u32  }
0xbb: {  	s1 =	rddreg [dreg:$0x1];
	p0 =	sne.s32 s2, $0x0  }
0xbc: {  	s3 =	rddreg [dreg:$0x2];
	[bflag:$0x3] =	sbarrier.arrive $0xFFFF;
	s2 =	simm.s32 @!p0 $0x1C07  }
0xbd: {  	[timem:s3], [sflag:s2] =	dma.local @!p0 [hbm:s0], s1  }
0xbe: {  	s0 =	simm.s32 @!p0 $0x7  }
0xbf: {  	_ =	swait.ge @!p0 [sflag:s0], s1  }
0xc0: {  	s1 =	ssub.s32 @!p0 $0x0, s1;
	[sflag:s0] =	ssyncset.done @!p0 $0x0  }
0xc1: {  	[sflag:s0] =	ssyncadd.s32 @!p0 s1  }
0xc2: {  	[bflag:$0x3] =	sbarrier.arrive $0xFFFF  }
0xc3: {  	_ =	shalt  }

// kernel: kernel.16.cloned.1.call-start
scs
__scs_entry_jumppad:
0x0: {  	(pc) =	sbr.rel $0x88, $3  }
0x1: {  	(tag) =	ssettag $0x0;
	lr =	simm.s32 $0x1  }
0x2: {  	[smem:$0x3F96] =	sst lr;
	_ =	strace $0xD0000000  }
0x3: {  	_ = 	snop  }
0x4: {  	_ = 	snop  }
0x5: {  	_ = 	snop  }
0x6: {  	_ = 	snop  }
0x7: {  	_ = 	snop  }
__scs_overlays_trampoline_lowered:
0x8: {  	[smem:$0x3FA5] =	sst s0  }
0x9: {  	[smem:$0x3FA6] =	sst s1  }
0xa: {  	[smem:$0x3FA7] =	sst s2  }
0xb: {  	[smem:$0x3FA8] =	sst s3  }
0xc: {  	[smem:$0x3FA9] =	sst s4  }
0xd: {  	[smem:$0x3FAA] =	sst s5  }
0xe: {  	[smem:$0x3FAB] =	sst s6  }
0xf: {  	[smem:$0x3FAC] =	sst s7  }
0x10: {  	[smem:$0x3FAD] =	sst s8  }
0x11: {  	[smem:$0x3FAE] =	sst s9;
	s0 =	simm.s32 @!p0 $0x0  }
0x12: {  	s1 =	sld [smem:$0x3F94];
	s0 =	simm.s32 @p0 $0x1  }
0x13: {  	[smem:$0x3FAF] =	sst s0;
	s0 =	simm.s32 @!p1 $0x0  }
0x14: {  	s2 =	sld [smem:$0x3F93];
	s0 =	simm.s32 @p1 $0x1  }
0x15: {  	[smem:$0x3FB0] =	sst s0;
	s0 =	simm.s32 @!p2 $0x0  }
0x16: {  	s3 =	sld [smem:$0x3FDB];
	s0 =	simm.s32 @p2 $0x1  }
0x17: {  	s4 =	simm.s32 $0x1BF5;
	[smem:$0x3FB2] =	sst s0  }
0x18: {  	s0 =	sld [smem:$0x3F95];
	_ =	swait.ge [sflag:s4], $0x0  }
0x19: {  	s7 =	sld [smem:$0x3F96]  }
0x1a: {  	s8 =	sadd.s32 $0xFFFFE003, lr  }
0x1b: {  	s9 =	sadd.s32 $0xFFFFFEF7, lr;
	s5 =	simm.s32 $0xFFFFFFFF;
	p2 =	slt.u32 s8, $0xFFFFF086  }
0x1c: {  	p1 =	slt.u32 s9, $0xF7A;
	s5 =	simm.s32 @!p2 $0x0  }
0x1d: {  	s5 =	simm.s32 @p1 $0x1;
	p0 =	seq.s32 s7, s2  }
0x1e: {  	s7 =	smul.u32 @!p0 $0xF7A, s2;
	p2 =	seq.s32 @!p0 s5, $0x0  }
0x1f: {  	s9 =	smul.u32 $0xF7A, s1;
	s8 =	simm.s32 @!p0 $0x1BF5;
	p2 =	por !p2, p0  }
0x20: {  	[sflag:s8] =	ssyncset.s32 @!p0 $0xFFFFF086;
	s6 =	sadd.s32 @!p0 s3, s7;
	s7 =	simm.s32 @!p0 $0x108  }
0x21: {  	s3 =	sadd.s32 s3, s9;
	s6 =	sadd.s32 @!p0 $0x88, s6;
	s7 =	simm.s32 @p2 $0x1082  }
0x22: {  	[simem:s7], [sflag:s8] =	dma.local @!p0 [hbm:s6], $0xF7A  }
0x23: {  	s9 =	sor.u32 $0xD0000000, s2;
	s6 =	simm.s32 $0x108;
	_ =	swait.ge @!p0 [sflag:s8], $0x0  }
0x24: {  	s3 =	sadd.s32 $0x88, s3;
	s6 =	simm.s32 @!p1 $0x1082;
	[sflag:s4] =	ssyncset.s32 $0xFFFFF086  }
0x25: {  	[simem:s6], [sflag:s4] =	dma.local [hbm:s3], $0xF7A  }
0x26: {  	[smem:$0x3F96] =	sst s1;
	(tag) =	ssettag s2;
	_ =	strace s9  }
0x27: {  	s1 =	sld [smem:$0x3FA6]  }
0x28: {  	s2 =	sld [smem:$0x3FA7]  }
0x29: {  	s4 =	sld [smem:$0x3FA9]  }
0x2a: {  	p0 =	seq.s32 s5, $0x0;
	s5 =	sld [smem:$0x3FAA]  }
0x2b: {  	s6 =	sld [smem:$0x3FAB]  }
0x2c: {  	s7 =	sld [smem:$0x3FAC]  }
0x2d: {  	s3 =	simm.s32 $0x108;
	s8 =	sld [smem:$0x3FAD]  }
0x2e: {  	s3 =	simm.s32 @!p0 $0x1082;
	s9 =	sld [smem:$0x3FAE]  }
0x2f: {  	lr =	sadd.s32 s0, s3;
	s0 =	sld [smem:$0x3FA5]  }
0x30: {  	s3 =	sld [smem:$0x3FA8]  }
0x31: {  	[smem:$0x3FB1] =	sst s10  }
0x32: {  	s10 =	sld [smem:$0x3FAF];
	_ =	sdelay $0x3  }
0x33: {  	p0 =	seq.s32 s10, $0x1;
	s10 =	sld [smem:$0x3FB1];
	_ =	sdelay $0x3  }
0x34: {  	[smem:$0x3FB1] =	sst s10  }
0x35: {  	s10 =	sld [smem:$0x3FB0];
	_ =	sdelay $0x3  }
0x36: {  	p1 =	seq.s32 s10, $0x1;
	s10 =	sld [smem:$0x3FB1];
	_ =	sdelay $0x3  }
0x37: {  	[smem:$0x3FB1] =	sst s10  }
0x38: {  	s10 =	sld [smem:$0x3FB2]  }
0x39: {  	_ = 	snop;
	(pc) =	sbr.ind lr, $3  }
0x3a: {  	_ = 	snop  }
0x3b: {  	_ = 	snop  }
0x3c: {  	p2 =	seq.s32 s10, $0x1;
	s10 =	sld [smem:$0x3FB1]  }
0x3d: {  	_ =	shalt  }
0x3e: {  	_ =	shalt  }
0x3f: {  	_ =	shalt  }
0x40: {  	_ =	shalt  }
0x41: {  	_ =	shalt  }
0x42: {  	_ =	shalt  }
0x43: {  	_ =	shalt  }
0x44: {  	_ =	shalt  }
0x45: {  	_ =	shalt  }
0x46: {  	_ =	shalt  }
0x47: {  	_ =	shalt  }
0x48: {  	_ =	shalt  }
0x49: {  	_ =	shalt  }
0x4a: {  	_ =	shalt  }
0x4b: {  	_ =	shalt  }
0x4c: {  	_ =	shalt  }
0x4d: {  	_ =	shalt  }
0x4e: {  	_ =	shalt  }
0x4f: {  	_ =	shalt  }
0x50: {  	_ =	shalt  }
0x51: {  	_ =	shalt  }
0x52: {  	_ =	shalt  }
0x53: {  	_ =	shalt  }
0x54: {  	_ =	shalt  }
0x55: {  	_ =	shalt  }
0x56: {  	_ =	shalt  }
0x57: {  	_ =	shalt  }
0x58: {  	_ =	shalt  }
0x59: {  	_ =	shalt  }
0x5a: {  	_ =	shalt  }
0x5b: {  	_ =	shalt  }
0x5c: {  	_ =	shalt  }
0x5d: {  	_ =	shalt  }
0x5e: {  	_ =	shalt  }
0x5f: {  	_ =	shalt  }
0x60: {  	_ =	shalt  }
0x61: {  	_ =	shalt  }
0x62: {  	_ =	shalt  }
0x63: {  	_ =	shalt  }
0x64: {  	_ =	shalt  }
0x65: {  	_ =	shalt  }
0x66: {  	_ =	shalt  }
0x67: {  	_ =	shalt  }
0x68: {  	_ =	shalt  }
0x69: {  	_ =	shalt  }
0x6a: {  	_ =	shalt  }
0x6b: {  	_ =	shalt  }
0x6c: {  	_ =	shalt  }
0x6d: {  	_ =	shalt  }
0x6e: {  	_ =	shalt  }
0x6f: {  	_ =	shalt  }
0x70: {  	_ =	shalt  }
0x71: {  	_ =	shalt  }
0x72: {  	_ =	shalt  }
0x73: {  	_ =	shalt  }
0x74: {  	_ =	shalt  }
0x75: {  	_ =	shalt  }
0x76: {  	_ =	shalt  }
0x77: {  	_ =	shalt  }
0x78: {  	_ =	shalt  }
0x79: {  	_ =	shalt  }
0x7a: {  	_ =	shalt  }
0x7b: {  	_ =	shalt  }
0x7c: {  	_ =	shalt  }
0x7d: {  	_ =	shalt  }
0x7e: {  	_ =	shalt  }
0x7f: {  	_ =	shalt  }
0x80: {  	_ =	shalt  }
0x81: {  	_ =	shalt  }
0x82: {  	_ =	shalt  }
0x83: {  	_ =	shalt  }
0x84: {  	_ =	shalt  }
0x85: {  	_ =	shalt  }
0x86: {  	_ =	shalt  }
0x87: {  	_ =	shalt  }
.Lfunc_end0:
.L_simem_size_0:
called_computation.2_lowered:
.L_overlay_start_0:
0x88: {  	s2 =	sld [smem:$0x3FD9]  }
0x89: {  	s3 =	sld [smem:$0x3FFE];
	_ =	sdelay $0x1  }
0x8a: {  	s1 =	srdreg.scid  }
0x8b: {  	s0 =	sand.u32 $0x1, s1  }
0x8c: {  	s17 =	sshll.u32 s0, $0xA;
	s2 =	sadd.s32 s3, s2  }
0x8d: {  	s2 =	sadd.s32 s2, s17  }
0x8e: {  	[smem:$0x3FBD] =	sst s2  }
0x8f: {  	_ = 	snop  }
0x90: {  	s2 =	sld [smem:$0x3FD0];
	(tm) =	ssettm $0x1  }
0x91: {  	s18 =	sld [smem:$0x3FFB];
	_ =	sdelay $0x3  }
0x92: {  	_ =	strace s18  }
0x93: {  	s3 =	sld [smem:$0x3FFC];
	_ =	sdelay $0x3  }
0x94: {  	_ =	strace s3  }
0x95: {  	s3 =	sld [smem:$0x3FFD];
	_ =	sdelay $0x3  }
0x96: {  	_ =	strace s3  }
0x97: {  	_ =	strace $0x8FFFFFFF  }
0x98: {  	s19 =	sld [smem:$0x3FDB];
	_ =	sdelay $0x1  }
0x99: {  	s4 =	simm.s32 $_scs_section_size  }
0x9a: {  	s5 =	simm.s32 $_size__tile_overlayer_lowered;
	s6 =	simm.s32 $_tile_overlayer_lowered  }
0x9b: {  	s22 =	simm.s32 $0x1BFF;
	s21 =	sshll.u32 s6, $0x1;
	s3 =	sadd.s32 s4, s19  }
0x9c: {  	s7 =	simm.s32 $0x0;
	s20 =	sshll.u32 s5, $0x1;
	s5 =	sadd.s32 s21, s3  }
0x9d: {  	[timem:s7], [sflag:s22] =	dma.local [hbm:s5], s20  }
0x9e: {  	_ =	swait.ge [sflag:s22], s20  }
0x9f: {  	s4 =	ssub.s32 $0x0, s20;
	[sflag:s22] =	ssyncset.done $0x0  }
0xa0: {  	[sflag:s22] =	ssyncadd.s32 s4;
	_ =	sdelay $0x1  }
0xa1: {  	s23 =	simm.s32 $0x1B8B  }
0xa2: {  	_ =	swait.ge [sflag:s23], $0x1  }
0xa3: {  	[sflag:s23] =	ssyncset.done $0x0  }
0xa4: {  	s25 =	simm.s32 $0x1B8E;
	s24 =	sld [smem:$0x3FFE];
	[sflag:s23] =	ssyncadd.s32 $0xFFFFFFFF  }
0xa5: {  	s26 =	simm.s32 $execute0_lowered;
	[smem:$0x3FD2] =	sst s25  }
0xa6: {  	s5 =	sshll.u32 s26, $0x1;
	_ =	strace $0x80000046;
	[dreg:$0x1] =	wrdreg $0xFFFFFFFF  }
0xa7: {  	s28 =	simm.s32 $_size_execute0_lowered;
	s3 =	sadd.s32 s3, s5;
	[dreg:$0x0] =	wrdreg $0x0  }
0xa8: {  	s5 =	sshll.u32 s28, $0x1;
	[dreg:$0x2] =	wrdreg s3  }
0xa9: {  	[dreg:$0x3] =	wrdreg s5  }
0xaa: {  	[dreg:$0x4] =	wrdreg $0xC0  }
0xab: {  	_ =	task [dreg:s7], $0x5FFFF  }
0xac: {  	[dreg:$0x1] =	wrdreg $0xFFFFFFFF  }
0xad: {  	[dreg:$0x0] =	wrdreg $0x60  }
0xae: {  	[dreg:$0x2] =	wrdreg s2  }
0xaf: {  	[dreg:$0x3] =	wrdreg s24  }
0xb0: {  	[dreg:$0x4] =	wrdreg $0x103000  }
0xb1: {  	[dreg:$0x5] =	wrdreg $0xA  }
0xb2: {  	_ =	task.clear_ibuf [dreg:s7], $0x6FFFF;
	_ =	strace $0x90000046  }
0xb3: {  	s29 =	simm.s32 $0xA;
	_ =	strace $0x80000048  }
0xb4: {  	_ =	swait.ge [sflag:s29], $0x1  }
0xb5: {  	[sflag:s29] =	ssyncadd.s32 $0xFFFFFFFF  }
0xb6: {  	_ =	strace $0x90000048  }
0xb7: {  	_ =	sfence  }
0xb8: {  	s30 =	sld [smem:$0x0];
	_ =	sdelay $0x2  }
0xb9: {  	s31 =	sshll.u32 s1, $0xD;
	s1 =	sshrl.u32 s1, $0x2  }
0xba: {  	s3 =	sand.u32 $0x4000, s31;
	s1 =	sadd.s32 s1, s30  }
0xbb: {  	s0 =	sor.u32 s3, s0;
	s1 =	sshll.u32 s1, $0x11  }
0xbc: {  	s0 =	sor.u32 s1, s0  }
0xbd: {  	s0 =	sadd.s32 $0x8F2B, s0  }
0xbe: {  	[sflag:s0] =	ssyncadd.remote.s32 $0x1  }
0xbf: {  	_ =	sfence.sel $0xFFFF  }
0xc0: {  	[dreg:$0x0] =	wrdreg $0xFFFFFFFF;
	(pc) =	sbr.abs _section_cstart, $3  }
0xc1: {  	[dreg:$0x1] =	wrdreg $0xFFFFFFFF  }
0xc2: {  	_ =	task.clear_ibuf [dreg:s7], $0x2FFFF;
	_ =	strace $0x9FFFFFFF  }
0xc3: {  	(tm) =	ssettm $0x7FFFFFFF  }
tec
execute0_lowered:
.L_overlay_start_1:
0x0: {  	(tag) =	ssettag $0x1  }
0x1: {  	s1 =	rddreg [dreg:$0x0]  }
0x2: {  	s0 =	rddreg [dreg:$0x1]  }
0x3: {  	s2 =	rddreg [dreg:$0x2]  }
0x4: {  	s3 =	simm.s32 $0x0;
	s6 =	srdreg.scid;
	s4 =	stileid.u32  }
0x5: {  	s28 =	simm.s32 $0x7;
	s29 =	simm.s32 $0x5;
	s30 =	simm.s32 $0x8  }
0x6: {  	[smem:$0x7FF] =	sst s3;
	s5 =	sadd.s32 $0x16C00, s0;
	s7 =	sand.u32 $0x1, s6  }
0x7: {  	s8 =	sadd.s32 $0x3000, s0;
	s9 =	sshll.u32 s4, $0x1;
	s10 =	sadd.s32 $0xCE00, s0  }
0x8: {  	s12 =	sadd.s32 $0x3DE00, s0;
	p0 =	seq.s32 s4, $0x0;
	s16 =	smul.u32 $0x4E, s4  }
0x9: {  	s19 =	sshll.u32 s4, $0x8;
	s22 =	smul.u32 $0x4E0, s4;
	s26 =	sshll.u32 s4, $0xF  }
0xa: {  	_ =	strace $0x80000047;
	s6 =	ssub.s32 $0x2, s7;
	s9 =	sor.u32 s7, s9  }
0xb: {  	s20 =	sor.u32 $0x10, s19;
	s21 =	sor.u32 $0x20, s19;
	s24 =	sor.u32 $0x30, s19  }
0xc: {  	v14 =	vlaneseq.u32;
	s25 =	sor.u32 $0x40, s19;
	s0 =	sor.u32 $0x60, s19;
	s18 =	smul.u32 $0x27, s7  }
0xd: {  	v15 =	vor.u32 $0x80, v14;
	s31 =	sor.u32 $0x70, s19;
	s7 =	smul.u32 $0x270, s7;
	s11 =	sshrl.u32 s6, $0x1;
	v2 =	vor.u32 s20, v14  }
0xe: {  	s15 =	smul.u32 $0x27, s9;
	s13 =	smin.u32 s9, $0x2;
	s9 =	simm.s32 $0x28;
	v3 =	vor.u32 s20, v15;
	v4 =	vor.u32 s21, v14;
	v5 =	vor.u32 s21, v15  }
0xf: {  	s20 =	simm.s32 $0x4300;
	v6 =	vor.u32 s24, v14;
	s21 =	simm.s32 $0x8300;
	v7 =	vor.u32 s24, v15;
	v8 =	vor.u32 s25, v14;
	s24 =	simm.s32 $0x4  }
0x10: {  	v9 =	vor.u32 s25, v15;
	s25 =	simm.s32 $0x6;
	v12 =	vor.u32 s0, v14;
	v13 =	vor.u32 s0, v15;
	s0 =	simm.s32 $0xA;
	s11 =	ssub.s32 s6, s11  }
0x11: {  	s9 =	simm.s32 @!p0 $0x27;
	s6 =	sor.u32 $0x50, s19;
	s16 =	sadd.s32 s16, s13  }
0x12: {  	v0 =	vor.u32 s19, v14;
	v1 =	vor.u32 s19, v15;
	s19 =	simm.s32 $0x300;
	s14 =	sadd.s32 s13, s15;
	s15 =	sshll.u32 s9, $0x4  }
0x13: {  	s13 =	sshll.u32 s13, $0x4;
	v10 =	vor.u32 s6, v14;
	s14 =	sadd.s32 s9, s14;
	s15 =	sand.u32 $0x2E0, s15  }
0x14: {  	v11 =	vor.u32 s6, v15;
	v14 =	vor.u32 s31, v14;
	v15 =	vor.u32 s31, v15;
	s31 =	simm.s32 $0x9;
	s17 =	sshll.u32 s14, $0x4;
	[dreg:$0x4] =	wrdreg s15  }
0x15: {  	s15 =	sadd.s32 s18, s16;
	s14 =	sshll.u32 s14, $0xE;
	s17 =	sadd.s32 $0x4E10, s17  }
0x16: {  	s16 =	sadd.s32 s22, s8;
	s14 =	sadd.s32 $0xFFFFC000, s14;
	s23 =	sadd.s32 s8, s17  }
0x17: {  	s17 =	sadd.s32 s10, s17;
	s10 =	sadd.s32 s22, s10;
	s22 =	sand.u32 $0x1, s9  }
0x18: {  	s8 =	sadd.s32 s26, s2;
	s14 =	sshrl.u32 s14, $0x3;
	[dreg:$0x7] =	wrdreg s23  }
0x19: {  	[dreg:$0x8] =	wrdreg s17;
	s10 =	sadd.s32 s7, s10;
	s7 =	sadd.s32 s7, s16  }
0x1a: {  	s9 =	sadd.s32 $0x4000, s8;
	s14 =	sadd.s32 s12, s14;
	s17 =	sshll.u32 s15, $0xB  }
0x1b: {  	s23 =	smax.u32 s11, $0x1;
	s15 =	simm.s32 $0x200;
	s16 =	simm.s32 $0x280  }
0x1c: {  	p0 =	seq.s32 s22, $0x0;
	s22 =	simm.s32 $0xC300;
	[dreg:$0x9] =	wrdreg s14  }
0x1d: {  	s10 =	sadd.s32 s13, s10;
	s12 =	sadd.s32 s17, s12;
	s18 =	sadd.s32 s13, s7  }
0x1e: {  	[dreg:$0xa] =	wrdreg s23;
	s13 =	simm.s32 $0x100;
	s14 =	simm.s32 $0x180  }
0x1f: {  	s17 =	simm.s32 $0x1;
	s23 =	simm.s32 $0x2;
	[dreg:$0x5] =	wrdreg s10  }
0x20: {  	s26 =	sadd.s32 $0x800, s12;
	[dreg:$0x6] =	wrdreg s18;
	s18 =	simm.s32 $0x80  }
0x21: {  	s10 =	simm.s32 $0x0;
	[dreg:$0xb] =	wrdreg s26;
	s26 =	simm.s32 $0x3  }
.LBB2_1:
0x22: {  	[tilespmem:$0x0] =	vst v0  }
0x23: {  	[tilespmem:$0x80] =	vst v1  }
0x24: {  	[tilespmem:$0x10] =	vst v2  }
0x25: {  	[tilespmem:$0x90] =	vst v3  }
0x26: {  	[tilespmem:$0x20] =	vst v4  }
0x27: {  	[tilespmem:$0xA0] =	vst v5  }
0x28: {  	[tilespmem:$0x30] =	vst v6  }
0x29: {  	[tilespmem:$0xB0] =	vst v7  }
0x2a: {  	[tilespmem:$0x40] =	vst v8  }
0x2b: {  	[tilespmem:$0xC0] =	vst v9  }
0x2c: {  	[tilespmem:$0x50] =	vst v10  }
0x2d: {  	[tilespmem:$0xD0] =	vst v11  }
0x2e: {  	[tilespmem:$0x60] =	vst v12  }
0x2f: {  	[tilespmem:$0xE0] =	vst v13  }
0x30: {  	[dreg:$0xc] =	wrdreg s10;
	[tilespmem:$0x70] =	vst v14  }
0x31: {  	[tilespmem:$0xF0] =	vst v15;
	s12 =	rddreg [dreg:$0xb];
	s10 =	simm.s32 $0x0  }
.LBB2_2:
0x32: {  	s11 =	rddreg [dreg:$0x6]  }
0x33: {  	s11 =	sadd.s32 s10, s11  }
0x34: {  	s7 =	rddreg [dreg:$0x5];
	s6 =	sadd.s32 $0x4E20, s11  }
0x35: {  	[tilespmem:s13], [sflag:$0x1] =	stream.linear.gather [hbm4b:s6+s3], $0x80, $0x38;
	[tilespmem:$0x18300] =	vst v63  }
0x36: {  	s6 =	sadd.s32 s10, s7  }
0x37: {  	s7 =	sadd.s32 $0x4E20, s6  }
0x38: {  	[tilespmem:s14], [sflag:$0x1] =	stream.linear.gather [hbm4b:s7+s3], $0x80, $0x38;
	[tilespmem:$0x18300] =	vst v63  }
0x39: {  	s11 =	sadd.s32 $0x4E30, s11  }
0x3a: {  	[tilespmem:s15], [sflag:$0x1] =	stream.linear.gather [hbm4b:s11+s3], $0x80, $0x38;
	[tilespmem:$0x18300] =	vst v63  }
0x3b: {  	s6 =	sadd.s32 $0x4E30, s6  }
0x3c: {  	[tilespmem:s16], [sflag:$0x1] =	stream.linear.gather [hbm4b:s6+s3], $0x80, $0x38;
	[tilespmem:$0x18300] =	vst v63  }
0x3d: {  	_ =	swait.ge [sflag:s17], $0x80  }
0x3e: {  	[sflag:s17] =	ssyncset.done $0x0  }
0x3f: {  	[sflag:s17] =	ssyncadd.s32 $0xFFFFFF80  }
0x40: {  	_ =	swait.ge [sflag:s17], $0x80  }
0x41: {  	[sflag:s17] =	ssyncset.done $0x0  }
0x42: {  	[sflag:s17] =	ssyncadd.s32 $0xFFFFFF80  }
0x43: {  	_ =	swait.ge [sflag:s17], $0x80  }
0x44: {  	[sflag:s17] =	ssyncset.done $0x0  }
0x45: {  	[sflag:s17] =	ssyncadd.s32 $0xFFFFFF80  }
0x46: {  	_ =	swait.ge [sflag:s17], $0x80  }
0x47: {  	[sflag:s17] =	ssyncset.done $0x0  }
0x48: {  	[sflag:s17] =	ssyncadd.s32 $0xFFFFFF80  }
0x49: {  	[tilespmem:s19], [sflag:$0x2] =	stream.indirect.gather [hbm4b:s1+s18], $0x80, s13, s18, $0xb8;
	[tilespmem:$0x18300] =	vst v63  }
0x4a: {  	_ = 	snop  }
0x4b: {  	[tilespmem:s20], [sflag:$0x3] =	stream.indirect.gather [hbm4b:s5+s18], $0x80, s14, s18, $0xb8;
	[tilespmem:$0x18300] =	vst v63  }
0x4c: {  	_ = 	snop  }
0x4d: {  	[tilespmem:s21], [sflag:$0x4] =	stream.indirect.gather [hbm4b:s1+s18], $0x80, s15, s18, $0xb8;
	[tilespmem:$0x18300] =	vst v63  }
0x4e: {  	_ = 	snop  }
0x4f: {  	[tilespmem:s22], [sflag:$0x5] =	stream.indirect.gather [hbm4b:s5+s18], $0x80, s16, s18, $0xb8;
	[tilespmem:$0x18300] =	vst v63  }
0x50: {  	_ =	swait.ge [sflag:s23], $0x4000  }
0x51: {  	[sflag:s23] =	ssyncset.done $0x0  }
0x52: {  	[sflag:s23] =	ssyncadd.s32 $0xFFFFC000  }
0x53: {  	[spmem:s8] =	stream.linear.scatter [tilespmem:s19], [sflag:$0x6], $0x4000, $0x38;
	[tilespmem:$0x18300] =	vst v63  }
0x54: {  	_ =	swait.ge [sflag:s24], $0x4000  }
0x55: {  	[sflag:s24] =	ssyncset.done $0x0  }
0x56: {  	[sflag:s24] =	ssyncadd.s32 $0xFFFFC000  }
0x57: {  	[spmem:s9] =	stream.linear.scatter [tilespmem:s21], [sflag:$0x7], $0x4000, $0x38;
	[tilespmem:$0x18300] =	vst v63  }
0x58: {  	_ =	swait.ge [sflag:s25], $0x4000  }
0x59: {  	[sflag:s25] =	ssyncset.done $0x0  }
0x5a: {  	[sflag:s25] =	ssyncadd.s32 $0xFFFFC000  }
0x5b: {  	_ =	swait.ge [sflag:s26], $0x4000  }
0x5c: {  	[sflag:s26] =	ssyncset.done $0x0  }
0x5d: {  	[sflag:s26] =	ssyncadd.s32 $0xFFFFC000  }
0x5e: {  	[spmem:s2] =	stream.indirect.scatter.add.f32 [tilespmem:s20], [sflag:$0x8], $0x80, s3, s18, $0xb8;
	[tilespmem:$0x18300] =	vst v63  }
0x5f: {  	_ =	swait.ge [sflag:s28], $0x4000  }
0x60: {  	[sflag:s28] =	ssyncset.done $0x0  }
0x61: {  	[sflag:s28] =	ssyncadd.s32 $0xFFFFC000  }
0x62: {  	_ =	swait.ge [sflag:s29], $0x4000  }
0x63: {  	[sflag:s29] =	ssyncset.done $0x0  }
0x64: {  	[sflag:s29] =	ssyncadd.s32 $0xFFFFC000  }
0x65: {  	[spmem:s2] =	stream.indirect.scatter.add.f32 [tilespmem:s22], [sflag:$0x9], $0x80, s18, s18, $0xb8;
	[tilespmem:$0x18300] =	vst v63  }
0x66: {  	_ =	swait.ge [sflag:s30], $0x4000  }
0x67: {  	s7 =	sadd.s32 $0xFFFFF800, s12;
	s11 =	sshll.u32 s4, $0x6;
	[sflag:s30] =	ssyncset.done $0x0  }
0x68: {  	s11 =	sor.u32 $0x1C0A, s11;
	s6 =	sshrl.u32 s8, $0x3;
	[sflag:s30] =	ssyncadd.s32 $0xFFFFC000  }
0x69: {  	[hbm:s7], [sflag:s11] =	dma.local [spmem:s6], $0x800  }
0x6a: {  	_ =	swait.ge [sflag:s31], $0x4000  }
0x6b: {  	[sflag:s31] =	ssyncset.done $0x0  }
0x6c: {  	s7 =	sshrl.u32 s9, $0x3;
	[sflag:s31] =	ssyncadd.s32 $0xFFFFC000  }
0x6d: {  	[hbm:s12], [sflag:s11] =	dma.local [spmem:s7], $0x800  }
0x6e: {  	_ =	swait.ge [sflag:s0], $0x800  }
0x6f: {  	[sflag:s0] =	ssyncset.done $0x0  }
0x70: {  	[sflag:s0] =	ssyncadd.s32 $0xFFFFF800  }
0x71: {  	_ =	swait.ge [sflag:s0], $0x800  }
0x72: {  	s10 =	sadd.s32 $0x20, s10;
	s7 =	rddreg [dreg:$0x4]  }
0x73: {  	p1 =	sne.s32 s7, s10  }
.Ltmp0:
0x74: {  	_ = 	snop;
	(pc) =	sbr.rel @p1 .LBB2_2-.Ltmp0, $3  }
0x75: {  	_ =	sdelay $0x1  }
0x76: {  	[sflag:s0] =	ssyncset.done $0x0  }
0x77: {  	s12 =	sadd.s32 $0x1000, s12;
	[sflag:s0] =	ssyncadd.s32 $0xFFFFF800  }
0x78: {  	s12 =	simm.s32 @!p0 $0x0;
	s7 =	simm.s32 @!p0 $0x100;
	s6 =	rddreg [dreg:$0x7]  }
0x79: {  	[tilespmem:s7], [sflag:$0x1] =	stream.linear.gather @!p0 [hbm4b:s6+s12], $0x80, $0x38;
	[tilespmem:$0x18300] =	vst v63  }
0x7a: {  	s10 =	simm.s32 @!p0 $0x180;
	s6 =	rddreg [dreg:$0x8]  }
0x7b: {  	[tilespmem:s10], [sflag:$0x1] =	stream.linear.gather @!p0 [hbm4b:s6+s12], $0x80, $0x38;
	[tilespmem:$0x18300] =	vst v63  }
0x7c: {  	s12 =	simm.s32 @!p0 $0x1  }
0x7d: {  	_ =	swait.ge @!p0 [sflag:s12], $0x80  }
0x7e: {  	[sflag:s12] =	ssyncset.done @!p0 $0x0  }
0x7f: {  	[sflag:s12] =	ssyncadd.s32 @!p0 $0xFFFFFF80  }
0x80: {  	_ =	swait.ge @!p0 [sflag:s12], $0x80  }
0x81: {  	[sflag:s12] =	ssyncset.done @!p0 $0x0  }
0x82: {  	s6 =	simm.s32 @!p0 $0x300;
	[sflag:s12] =	ssyncadd.s32 @!p0 $0xFFFFFF80;
	s12 =	simm.s32 @!p0 $0x80  }
0x83: {  	[tilespmem:s6], [sflag:$0x2] =	stream.indirect.gather @!p0 [hbm4b:s1+s12], $0x80, s7, s12, $0xb8;
	[tilespmem:$0x18300] =	vst v63  }
0x84: {  	s7 =	simm.s32 @!p0 $0x4300  }
0x85: {  	[tilespmem:s7], [sflag:$0x3] =	stream.indirect.gather @!p0 [hbm4b:s5+s12], $0x80, s10, s12, $0xb8;
	[tilespmem:$0x18300] =	vst v63  }
0x86: {  	s10 =	simm.s32 @!p0 $0x2  }
0x87: {  	_ =	swait.ge @!p0 [sflag:s10], $0x4000  }
0x88: {  	[sflag:s10] =	ssyncset.done @!p0 $0x0  }
0x89: {  	[sflag:s10] =	ssyncadd.s32 @!p0 $0xFFFFC000;
	s10 =	simm.s32 @!p0 $0x3  }
0x8a: {  	_ =	swait.ge @!p0 [sflag:s10], $0x4000  }
0x8b: {  	[sflag:s10] =	ssyncset.done @!p0 $0x0  }
0x8c: {  	[sflag:s10] =	ssyncadd.s32 @!p0 $0xFFFFC000  }
0x8d: {  	[spmem:s8] =	stream.linear.scatter @!p0 [tilespmem:s6], [sflag:$0x6], $0x4000, $0x38;
	[tilespmem:$0x18300] =	vst v63  }
0x8e: {  	s6 =	simm.s32 @!p0 $0x6  }
0x8f: {  	_ =	swait.ge @!p0 [sflag:s6], $0x4000  }
0x90: {  	[sflag:s6] =	ssyncset.done @!p0 $0x0  }
0x91: {  	[sflag:s6] =	ssyncadd.s32 @!p0 $0xFFFFC000;
	s6 =	simm.s32 @!p0 $0x0  }
0x92: {  	[spmem:s2] =	stream.indirect.scatter.add.f32 @!p0 [tilespmem:s7], [sflag:$0x8], $0x80, s6, s12, $0xb8;
	[tilespmem:$0x18300] =	vst v63  }
0x93: {  	s6 =	simm.s32 @!p0 $0x8  }
0x94: {  	_ =	swait.ge @!p0 [sflag:s6], $0x4000  }
0x95: {  	[sflag:s6] =	ssyncset.done @!p0 $0x0  }
0x96: {  	s7 =	rddreg [dreg:$0x9];
	[sflag:s6] =	ssyncadd.s32 @!p0 $0xFFFFC000;
	s6 =	sshrl.u32 @!p0 s8, $0x3  }
0x97: {  	[hbm:s7], [sflag:s11] =	dma.local @!p0 [spmem:s6], $0x800  }
0x98: {  	s6 =	simm.s32 @!p0 $0xA  }
0x99: {  	_ =	swait.ge @!p0 [sflag:s6], $0x800  }
0x9a: {  	s11 =	rddreg [dreg:$0xc]  }
0x9b: {  	s12 =	rddreg [dreg:$0xa];
	s10 =	sadd.s32 $0x1, s11  }
0x9c: {  	p1 =	sne.s32 s10, s12  }
.Ltmp1:
0x9d: {  	_ = 	snop;
	(pc) =	sbr.rel @p1 .LBB2_1-.Ltmp1, $3  }
0x9e: {  	_ =	sdelay $0x1  }
0x9f: {  	[sflag:s6] =	ssyncset.done @!p0 $0x0  }
0xa0: {  	[sflag:s6] =	ssyncadd.s32 @!p0 $0xFFFFF800  }
0xa1: {  	_ =	sfence.sel $0x180000  }
0xa2: {  	[bflag:$0x0] =	sbarrier.arrive $0xFFFF  }
0xa3: {  	_ =	strace $0x90000047  }
0xa4: {  	[bflag:$0x2] =	sbarrier.arrive $0xFFFF  }
0xa5: {  	p0 =	sne.s32 s4, $0x0;
	s0 =	rddreg [dreg:$0x3]  }
0xa6: {  	s0 =	sadd.s32 @!p0 $0x100000, s0  }
0xa7: {  	[sflag:s0] =	ssyncadd.tile.s32 @!p0 $0x1;
	_ =	shalt  }
.Lfunc_end2:
_tile_overlayer_lowered:
.L_overlay_start_2:
0xa8: {  	(tag) =	ssettag $0x2  }
0xa9: {  	s0 =	rddreg [dreg:$0x0];
	s2 =	stileid.u32  }
0xaa: {  	s1 =	rddreg [dreg:$0x1];
	p0 =	sne.s32 s2, $0x0  }
0xab: {  	s3 =	rddreg [dreg:$0x2];
	[bflag:$0x3] =	sbarrier.arrive $0xFFFF;
	s2 =	simm.s32 @!p0 $0x1C0B  }
0xac: {  	[timem:s3], [sflag:s2] =	dma.local @!p0 [hbm:s0], s1  }
0xad: {  	s0 =	simm.s32 @!p0 $0xB  }
0xae: {  	_ =	swait.ge @!p0 [sflag:s0], s1  }
0xaf: {  	s1 =	ssub.s32 @!p0 $0x0, s1;
	[sflag:s0] =	ssyncset.done @!p0 $0x0  }
0xb0: {  	[sflag:s0] =	ssyncadd.s32 @!p0 s1  }
0xb1: {  	[bflag:$0x3] =	sbarrier.arrive $0xFFFF  }
0xb2: {  	_ =	shalt  }

// kernel: kernel.19.cloned.1.call-start
scs
__scs_entry_jumppad:
0x0: {  	(pc) =	sbr.rel $0x88, $3  }
0x1: {  	(tag) =	ssettag $0x0;
	lr =	simm.s32 $0x1  }
0x2: {  	[smem:$0x3F96] =	sst lr;
	_ =	strace $0xD0000000  }
0x3: {  	_ = 	snop  }
0x4: {  	_ = 	snop  }
0x5: {  	_ = 	snop  }
0x6: {  	_ = 	snop  }
0x7: {  	_ = 	snop  }
__scs_overlays_trampoline_lowered:
0x8: {  	[smem:$0x3FA5] =	sst s0  }
0x9: {  	[smem:$0x3FA6] =	sst s1  }
0xa: {  	[smem:$0x3FA7] =	sst s2  }
0xb: {  	[smem:$0x3FA8] =	sst s3  }
0xc: {  	[smem:$0x3FA9] =	sst s4  }
0xd: {  	[smem:$0x3FAA] =	sst s5  }
0xe: {  	[smem:$0x3FAB] =	sst s6  }
0xf: {  	[smem:$0x3FAC] =	sst s7  }
0x10: {  	[smem:$0x3FAD] =	sst s8  }
0x11: {  	[smem:$0x3FAE] =	sst s9;
	s0 =	simm.s32 @!p0 $0x0  }
0x12: {  	s1 =	sld [smem:$0x3F94];
	s0 =	simm.s32 @p0 $0x1  }
0x13: {  	[smem:$0x3FAF] =	sst s0;
	s0 =	simm.s32 @!p1 $0x0  }
0x14: {  	s2 =	sld [smem:$0x3F93];
	s0 =	simm.s32 @p1 $0x1  }
0x15: {  	[smem:$0x3FB0] =	sst s0;
	s0 =	simm.s32 @!p2 $0x0  }
0x16: {  	s3 =	sld [smem:$0x3FDB];
	s0 =	simm.s32 @p2 $0x1  }
0x17: {  	s4 =	simm.s32 $0x1BF5;
	[smem:$0x3FB2] =	sst s0  }
0x18: {  	s0 =	sld [smem:$0x3F95];
	_ =	swait.ge [sflag:s4], $0x0  }
0x19: {  	s7 =	sld [smem:$0x3F96]  }
0x1a: {  	s8 =	sadd.s32 $0xFFFFE003, lr  }
0x1b: {  	s9 =	sadd.s32 $0xFFFFFEF7, lr;
	s5 =	simm.s32 $0xFFFFFFFF;
	p2 =	slt.u32 s8, $0xFFFFF086  }
0x1c: {  	p1 =	slt.u32 s9, $0xF7A;
	s5 =	simm.s32 @!p2 $0x0  }
0x1d: {  	s5 =	simm.s32 @p1 $0x1;
	p0 =	seq.s32 s7, s2  }
0x1e: {  	s7 =	smul.u32 @!p0 $0xF7A, s2;
	p2 =	seq.s32 @!p0 s5, $0x0  }
0x1f: {  	s9 =	smul.u32 $0xF7A, s1;
	s8 =	simm.s32 @!p0 $0x1BF5;
	p2 =	por !p2, p0  }
0x20: {  	[sflag:s8] =	ssyncset.s32 @!p0 $0xFFFFF086;
	s6 =	sadd.s32 @!p0 s3, s7;
	s7 =	simm.s32 @!p0 $0x108  }
0x21: {  	s3 =	sadd.s32 s3, s9;
	s6 =	sadd.s32 @!p0 $0x88, s6;
	s7 =	simm.s32 @p2 $0x1082  }
0x22: {  	[simem:s7], [sflag:s8] =	dma.local @!p0 [hbm:s6], $0xF7A  }
0x23: {  	s9 =	sor.u32 $0xD0000000, s2;
	s6 =	simm.s32 $0x108;
	_ =	swait.ge @!p0 [sflag:s8], $0x0  }
0x24: {  	s3 =	sadd.s32 $0x88, s3;
	s6 =	simm.s32 @!p1 $0x1082;
	[sflag:s4] =	ssyncset.s32 $0xFFFFF086  }
0x25: {  	[simem:s6], [sflag:s4] =	dma.local [hbm:s3], $0xF7A  }
0x26: {  	[smem:$0x3F96] =	sst s1;
	(tag) =	ssettag s2;
	_ =	strace s9  }
0x27: {  	s1 =	sld [smem:$0x3FA6]  }
0x28: {  	s2 =	sld [smem:$0x3FA7]  }
0x29: {  	s4 =	sld [smem:$0x3FA9]  }
0x2a: {  	p0 =	seq.s32 s5, $0x0;
	s5 =	sld [smem:$0x3FAA]  }
0x2b: {  	s6 =	sld [smem:$0x3FAB]  }
0x2c: {  	s7 =	sld [smem:$0x3FAC]  }
0x2d: {  	s3 =	simm.s32 $0x108;
	s8 =	sld [smem:$0x3FAD]  }
0x2e: {  	s3 =	simm.s32 @!p0 $0x1082;
	s9 =	sld [smem:$0x3FAE]  }
0x2f: {  	lr =	sadd.s32 s0, s3;
	s0 =	sld [smem:$0x3FA5]  }
0x30: {  	s3 =	sld [smem:$0x3FA8]  }
0x31: {  	[smem:$0x3FB1] =	sst s10  }
0x32: {  	s10 =	sld [smem:$0x3FAF];
	_ =	sdelay $0x3  }
0x33: {  	p0 =	seq.s32 s10, $0x1;
	s10 =	sld [smem:$0x3FB1];
	_ =	sdelay $0x3  }
0x34: {  	[smem:$0x3FB1] =	sst s10  }
0x35: {  	s10 =	sld [smem:$0x3FB0];
	_ =	sdelay $0x3  }
0x36: {  	p1 =	seq.s32 s10, $0x1;
	s10 =	sld [smem:$0x3FB1];
	_ =	sdelay $0x3  }
0x37: {  	[smem:$0x3FB1] =	sst s10  }
0x38: {  	s10 =	sld [smem:$0x3FB2]  }
0x39: {  	_ = 	snop;
	(pc) =	sbr.ind lr, $3  }
0x3a: {  	_ = 	snop  }
0x3b: {  	_ = 	snop  }
0x3c: {  	p2 =	seq.s32 s10, $0x1;
	s10 =	sld [smem:$0x3FB1]  }
0x3d: {  	_ =	shalt  }
0x3e: {  	_ =	shalt  }
0x3f: {  	_ =	shalt  }
0x40: {  	_ =	shalt  }
0x41: {  	_ =	shalt  }
0x42: {  	_ =	shalt  }
0x43: {  	_ =	shalt  }
0x44: {  	_ =	shalt  }
0x45: {  	_ =	shalt  }
0x46: {  	_ =	shalt  }
0x47: {  	_ =	shalt  }
0x48: {  	_ =	shalt  }
0x49: {  	_ =	shalt  }
0x4a: {  	_ =	shalt  }
0x4b: {  	_ =	shalt  }
0x4c: {  	_ =	shalt  }
0x4d: {  	_ =	shalt  }
0x4e: {  	_ =	shalt  }
0x4f: {  	_ =	shalt  }
0x50: {  	_ =	shalt  }
0x51: {  	_ =	shalt  }
0x52: {  	_ =	shalt  }
0x53: {  	_ =	shalt  }
0x54: {  	_ =	shalt  }
0x55: {  	_ =	shalt  }
0x56: {  	_ =	shalt  }
0x57: {  	_ =	shalt  }
0x58: {  	_ =	shalt  }
0x59: {  	_ =	shalt  }
0x5a: {  	_ =	shalt  }
0x5b: {  	_ =	shalt  }
0x5c: {  	_ =	shalt  }
0x5d: {  	_ =	shalt  }
0x5e: {  	_ =	shalt  }
0x5f: {  	_ =	shalt  }
0x60: {  	_ =	shalt  }
0x61: {  	_ =	shalt  }
0x62: {  	_ =	shalt  }
0x63: {  	_ =	shalt  }
0x64: {  	_ =	shalt  }
0x65: {  	_ =	shalt  }
0x66: {  	_ =	shalt  }
0x67: {  	_ =	shalt  }
0x68: {  	_ =	shalt  }
0x69: {  	_ =	shalt  }
0x6a: {  	_ =	shalt  }
0x6b: {  	_ =	shalt  }
0x6c: {  	_ =	shalt  }
0x6d: {  	_ =	shalt  }
0x6e: {  	_ =	shalt  }
0x6f: {  	_ =	shalt  }
0x70: {  	_ =	shalt  }
0x71: {  	_ =	shalt  }
0x72: {  	_ =	shalt  }
0x73: {  	_ =	shalt  }
0x74: {  	_ =	shalt  }
0x75: {  	_ =	shalt  }
0x76: {  	_ =	shalt  }
0x77: {  	_ =	shalt  }
0x78: {  	_ =	shalt  }
0x79: {  	_ =	shalt  }
0x7a: {  	_ =	shalt  }
0x7b: {  	_ =	shalt  }
0x7c: {  	_ =	shalt  }
0x7d: {  	_ =	shalt  }
0x7e: {  	_ =	shalt  }
0x7f: {  	_ =	shalt  }
0x80: {  	_ =	shalt  }
0x81: {  	_ =	shalt  }
0x82: {  	_ =	shalt  }
0x83: {  	_ =	shalt  }
0x84: {  	_ =	shalt  }
0x85: {  	_ =	shalt  }
0x86: {  	_ =	shalt  }
0x87: {  	_ =	shalt  }
.Lfunc_end0:
.L_simem_size_0:
called_computation.3_lowered:
.L_overlay_start_0:
0x88: {  	s2 =	sld [smem:$0x3FD9]  }
0x89: {  	s3 =	sld [smem:$0x3FFE];
	_ =	sdelay $0x1  }
0x8a: {  	s1 =	srdreg.scid  }
0x8b: {  	s0 =	sand.u32 $0x1, s1  }
0x8c: {  	s17 =	sshll.u32 s0, $0xA;
	s2 =	sadd.s32 s3, s2  }
0x8d: {  	s2 =	sadd.s32 s2, s17  }
0x8e: {  	[smem:$0x3FBD] =	sst s2  }
0x8f: {  	_ = 	snop  }
0x90: {  	(tm) =	ssettm $0x1  }
0x91: {  	s18 =	sld [smem:$0x3FFB];
	_ =	sdelay $0x3  }
0x92: {  	_ =	strace s18  }
0x93: {  	s2 =	sld [smem:$0x3FFC];
	_ =	sdelay $0x3  }
0x94: {  	_ =	strace s2  }
0x95: {  	s2 =	sld [smem:$0x3FFD];
	_ =	sdelay $0x3  }
0x96: {  	_ =	strace s2  }
0x97: {  	_ =	strace $0x8FFFFFFF  }
0x98: {  	s19 =	sld [smem:$0x3FDB];
	_ =	sdelay $0x1  }
0x99: {  	s20 =	simm.s32 $_scs_section_size  }
0x9a: {  	s4 =	simm.s32 $_size__tile_overlayer_lowered;
	s5 =	simm.s32 $_tile_overlayer_lowered  }
0x9b: {  	s6 =	simm.s32 $0x1BFF;
	s21 =	sshll.u32 s5, $0x1;
	s3 =	sadd.s32 s20, s19  }
0x9c: {  	s22 =	simm.s32 $0x0;
	s4 =	sshll.u32 s4, $0x1;
	s5 =	sadd.s32 s21, s3  }
0x9d: {  	[timem:s22], [sflag:s6] =	dma.local [hbm:s5], s4  }
0x9e: {  	_ =	swait.ge [sflag:s6], s4  }
0x9f: {  	s4 =	ssub.s32 $0x0, s4;
	[sflag:s6] =	ssyncset.done $0x0  }
0xa0: {  	[sflag:s6] =	ssyncadd.s32 s4;
	_ =	sdelay $0x1  }
0xa1: {  	s23 =	simm.s32 $0x1B8B  }
0xa2: {  	_ =	swait.ge [sflag:s23], $0x1  }
0xa3: {  	[sflag:s23] =	ssyncset.done $0x0  }
0xa4: {  	[sflag:s23] =	ssyncadd.s32 $0xFFFFFFFF  }
0xa5: {  	s4 =	sld [smem:$0x0]  }
0xa6: {  	s5 =	sand.u32 $0xFFFFFFFE, s1  }
0xa7: {  	p0 =	sne.s32 s1, s5  }
0xa8: {  	s5 =	sshll.u32 @p0 s5, $0xE  }
0xa9: {  	s5 =	sadd.s32 @p0 $0x11B8D, s5;
	s6 =	sshll.u32 @p0 s4, $0x11  }
0xaa: {  	s5 =	sor.u32 @p0 s6, s5  }
0xab: {  	[sflag:s5] =	ssyncadd.remote.s32 @p0 $0x1;
	_ =	sdelay $0x1  }
0xac: {  	s5 =	simm.s32 @p0 $0x1B8D  }
0xad: {  	_ =	swait.eq @p0 [sflag:s5], $0x1  }
0xae: {  	[sflag:s5] =	ssyncadd.s32 @p0 $0xFFFFFFFF  }
0xaf: {  	s6 =	sshll.u32 @!p0 s1, $0xE  }
0xb0: {  	s6 =	sor.u32 @!p0 $0x4000, s6;
	s5 =	simm.s32 @!p0 $0x1B8D  }
0xb1: {  	s4 =	sshll.u32 @!p0 s4, $0x11;
	s6 =	sadd.s32 @!p0 $0x11B8D, s6;
	_ =	swait.eq @!p0 [sflag:s5], $0x1  }
0xb2: {  	s4 =	sor.u32 @!p0 s4, s6;
	[sflag:s5] =	ssyncadd.s32 @!p0 $0xFFFFFFFF  }
0xb3: {  	s25 =	simm.s32 $0x1B8E;
	s24 =	sld [smem:$0x3FFE];
	[sflag:s4] =	ssyncadd.remote.s32 @!p0 $0x1  }
0xb4: {  	s26 =	simm.s32 $execute0_lowered;
	[smem:$0x3FD2] =	sst s25  }
0xb5: {  	s5 =	sshll.u32 s26, $0x1;
	_ =	strace $0x8000004C;
	[dreg:$0x1] =	wrdreg $0xFFFFFFFF  }
0xb6: {  	s28 =	simm.s32 $_size_execute0_lowered;
	s3 =	sadd.s32 s3, s5;
	[dreg:$0x0] =	wrdreg $0x0  }
0xb7: {  	s5 =	sshll.u32 s28, $0x1;
	[dreg:$0x2] =	wrdreg s3  }
0xb8: {  	[dreg:$0x3] =	wrdreg s5  }
0xb9: {  	[dreg:$0x4] =	wrdreg $0xC0  }
0xba: {  	_ =	task [dreg:s22], $0x5FFFF  }
0xbb: {  	[dreg:$0x1] =	wrdreg $0xFFFFFFFF  }
0xbc: {  	[dreg:$0x0] =	wrdreg $0x60  }
0xbd: {  	[dreg:$0x2] =	wrdreg s24  }
0xbe: {  	[dreg:$0x3] =	wrdreg $0xC1800  }
0xbf: {  	[dreg:$0x4] =	wrdreg $0xA  }
0xc0: {  	_ =	task.clear_ibuf [dreg:s22], $0x5FFFF;
	_ =	strace $0x9000004C  }
0xc1: {  	s29 =	simm.s32 $0xA;
	_ =	strace $0x8000004E  }
0xc2: {  	_ =	swait.ge [sflag:s29], $0x1  }
0xc3: {  	[sflag:s29] =	ssyncadd.s32 $0xFFFFFFFF  }
0xc4: {  	_ =	strace $0x9000004E  }
0xc5: {  	_ =	sfence  }
0xc6: {  	s30 =	sld [smem:$0x0];
	_ =	sdelay $0x2  }
0xc7: {  	s31 =	sshll.u32 s1, $0xD;
	s1 =	sshrl.u32 s1, $0x2  }
0xc8: {  	s4 =	sand.u32 $0x4000, s31;
	s1 =	sadd.s32 s1, s30  }
0xc9: {  	s0 =	sor.u32 s4, s0;
	s1 =	sshll.u32 s1, $0x11  }
0xca: {  	s0 =	sor.u32 s1, s0  }
0xcb: {  	s0 =	sadd.s32 $0x8F2B, s0  }
0xcc: {  	[sflag:s0] =	ssyncadd.remote.s32 $0x1  }
0xcd: {  	_ =	sfence.sel $0xFFFF  }
0xce: {  	[dreg:$0x0] =	wrdreg $0xFFFFFFFF;
	(pc) =	sbr.abs _section_cstart, $3  }
0xcf: {  	[dreg:$0x1] =	wrdreg $0xFFFFFFFF  }
0xd0: {  	_ =	task.clear_ibuf [dreg:s22], $0x2FFFF;
	_ =	strace $0x9FFFFFFF  }
0xd1: {  	(tm) =	ssettm $0x7FFFFFFF  }
tec
execute0_lowered:
.L_overlay_start_1:
0x0: {  	(tag) =	ssettag $0x1  }
0x1: {  	s8 =	rddreg [dreg:$0x0]  }
0x2: {  	s1 =	rddreg [dreg:$0x1];
	s2 =	simm.s32 $0x0  }
0x3: {  	s3 =	srdreg.scid;
	s22 =	stileid.u32;
	s16 =	simm.s32 $0x67E00  }
0x4: {  	s18 =	simm.s32 $0x8180;
	s19 =	simm.s32 $0x1;
	s20 =	simm.s32 $0x2  }
0x5: {  	s21 =	simm.s32 $0x3;
	[smem:$0x7FF] =	sst s2;
	s10 =	sadd.s32 $0x51FE00, s8  }
0x6: {  	s9 =	sadd.s32 $0xCE00, s8;
	s7 =	sand.u32 $0x1, s3;
	s6 =	smul.u32 $0x4F000, s22  }
0x7: {  	s23 =	sshll.u32 s22, $0x1;
	s0 =	sadd.s32 $0x3DE00, s8;
	s15 =	smul.u32 $0x2780, s22  }
0x8: {  	s26 =	sshll.u32 s22, $0x6;
	s29 =	smul.u32 $0x4E, s22;
	_ =	strace $0x8000004D  }
0x9: {  	s4 =	ssub.s32 $0x2, s7;
	s5 =	sor.u32 s7, s23;
	[dreg:$0x3] =	wrdreg s0  }
0xa: {  	p0 =	seq.s32 s7, $0x1;
	s17 =	smul.u32 $0x27, s7;
	s23 =	simm.s32 $0x5  }
0xb: {  	s11 =	sshrl.u32 s4, $0x1;
	s12 =	smul.u32 $0x27, s5;
	s13 =	smin.u32 s5, $0x2  }
0xc: {  	s24 =	sshrl.u32 s6, $0x2;
	s16 =	simm.s32 @!p0 $0x40600;
	p0 =	sne.s32 s22, $0x0  }
0xd: {  	s22 =	simm.s32 $0x4;
	s11 =	ssub.s32 s4, s11;
	s25 =	sadd.s32 s24, s1  }
0xe: {  	s4 =	sor.u32 $0x1C07, s26;
	s30 =	sadd.s32 s29, s13;
	s8 =	sadd.s32 s16, s8  }
0xf: {  	s16 =	simm.s32 $0x4180;
	s24 =	simm.s32 $0x6;
	s5 =	sadd.s32 s13, s12  }
0x10: {  	s7 =	smax.u32 s11, $0x1;
	s11 =	sadd.s32 s17, s30;
	s8 =	sadd.s32 s8, s15  }
0x11: {  	s12 =	sshrl.u32 s25, $0x3;
	s15 =	simm.s32 $0x80;
	s25 =	simm.s32 $0x0  }
0x12: {  	s28 =	sshll.u32 s5, $0x4;
	s5 =	sshll.u32 s5, $0xB;
	s31 =	sshll.u32 s11, $0x4  }
0x13: {  	s11 =	sshll.u32 s11, $0xB;
	s6 =	sadd.s32 s28, s9;
	s14 =	sadd.s32 s5, s10  }
0x14: {  	s5 =	sadd.s32 $0x5090, s6;
	s6 =	sadd.s32 $0x13800, s14;
	s14 =	sadd.s32 s17, s29  }
0x15: {  	s17 =	simm.s32 $0x100;
	s13 =	sadd.s32 s13, s14;
	s14 =	sadd.s32 s31, s9  }
0x16: {  	s9 =	sadd.s32 s11, s10;
	s13 =	sshll.u32 s13, $0xB;
	s11 =	sadd.s32 $0x4E20, s14  }
0x17: {  	s14 =	simm.s32 $0x180;
	s10 =	sadd.s32 s13, s10;
	s13 =	simm.s32 $0x7  }
.LBB2_1:
0x18: {  	s0 =	rddreg [dreg:$0x3]  }
0x19: {  	[spmem:s12], [sflag:s4] =	dma.local [hbm:s0], $0x2780  }
0x1a: {  	_ =	swait.ge [sflag:s13], $0x2780  }
0x1b: {  	[sflag:s13] =	ssyncset.done $0x0  }
0x1c: {  	p1 =	por $0x1, $0x1;
	[sflag:s13] =	ssyncadd.s32 $0xFFFFD880  }
0x1d: {  	s26 =	simm.s32 @!p1 $0x4;
	[bflag:$0x0] =	sbarrier.arrive $0xFFFF  }
0x1e: {  	_ =	swait.ge @!p1 [sflag:s26], $0x4000  }
0x1f: {  	[sflag:s26] =	ssyncset.done @!p1 $0x0  }
0x20: {  	[sflag:s26] =	ssyncadd.s32 @!p1 $0xFFFFC000  }
0x21: {  	[tilespmem:s2], [sflag:$0x1] =	stream.linear.gather [hbm4b:s11+s2], $0x80, $0x38;
	[tilespmem:$0x1FD80] =	vst v63  }
0x22: {  	s31 =	sadd.s32 $0x0, s10;
	s28 =	simm.s32 @!p1 $0x5  }
0x23: {  	[tilespmem:s14], [sflag:$0x1] =	stream.linear.gather [hbm4b:s31+s2], $0x4000, $0x38;
	[tilespmem:$0x1FD80] =	vst v63  }
0x24: {  	_ =	swait.ge @!p1 [sflag:s28], $0x4000  }
0x25: {  	[sflag:s28] =	ssyncset.done @!p1 $0x0  }
0x26: {  	s0 =	sadd.s32 $0x10, s11;
	[sflag:s28] =	ssyncadd.s32 @!p1 $0xFFFFC000;
	s28 =	sadd.s32 $0x0, s9  }
0x27: {  	[tilespmem:s15], [sflag:$0x2] =	stream.linear.gather [hbm4b:s0+s2], $0x80, $0x38;
	[tilespmem:$0x1FD80] =	vst v63  }
0x28: {  	s29 =	simm.s32 @!p1 $0x6;
	s3 =	sadd.s32 $0x800, s28  }
0x29: {  	[tilespmem:s16], [sflag:$0x2] =	stream.linear.gather [hbm4b:s3+s2], $0x4000, $0x38;
	[tilespmem:$0x1FD80] =	vst v63  }
0x2a: {  	_ =	swait.ge @!p1 [sflag:s29], $0x4000  }
0x2b: {  	[sflag:s29] =	ssyncset.done @!p1 $0x0  }
0x2c: {  	s30 =	sadd.s32 $0x20, s11;
	[sflag:s29] =	ssyncadd.s32 @!p1 $0xFFFFC000  }
0x2d: {  	[tilespmem:s17], [sflag:$0x3] =	stream.linear.gather [hbm4b:s30+s2], $0x80, $0x38;
	[tilespmem:$0x1FD80] =	vst v63  }
0x2e: {  	s31 =	sadd.s32 $0x1000, s28  }
0x2f: {  	[tilespmem:s18], [sflag:$0x3] =	stream.linear.gather [hbm4b:s31+s2], $0x4000, $0x38;
	[tilespmem:$0x1FD80] =	vst v63  }
0x30: {  	_ =	swait.ge [sflag:s19], $0x80  }
0x31: {  	[sflag:s19] =	ssyncset.done $0x0  }
0x32: {  	[sflag:s19] =	ssyncadd.s32 $0xFFFFFF80  }
0x33: {  	_ =	swait.ge [sflag:s19], $0x4000  }
0x34: {  	[sflag:s19] =	ssyncset.done $0x0  }
0x35: {  	[sflag:s19] =	ssyncadd.s32 $0xFFFFC000  }
0x36: {  	[spmem:s1] =	stream.indirect.scatter.add.f32 [tilespmem:s14], [sflag:$0x4], $0x80, s2, s15, $0xb8;
	[tilespmem:$0x1FD80] =	vst v63  }
0x37: {  	_ =	swait.ge [sflag:s20], $0x80  }
0x38: {  	[sflag:s20] =	ssyncset.done $0x0  }
0x39: {  	[sflag:s20] =	ssyncadd.s32 $0xFFFFFF80  }
0x3a: {  	_ =	swait.ge [sflag:s20], $0x4000  }
0x3b: {  	[sflag:s20] =	ssyncset.done $0x0  }
0x3c: {  	[sflag:s20] =	ssyncadd.s32 $0xFFFFC000  }
0x3d: {  	[spmem:s1] =	stream.indirect.scatter.add.f32 [tilespmem:s16], [sflag:$0x5], $0x80, s15, s15, $0xb8;
	[tilespmem:$0x1FD80] =	vst v63  }
0x3e: {  	_ =	swait.ge [sflag:s21], $0x80  }
0x3f: {  	[sflag:s21] =	ssyncset.done $0x0  }
0x40: {  	[sflag:s21] =	ssyncadd.s32 $0xFFFFFF80  }
0x41: {  	p2 =	por $0x0, $0x0;
	s26 =	sadd.s32 $0x30, s11;
	_ =	swait.ge [sflag:s21], $0x4000  }
0x42: {  	s28 =	simm.s32 $0x1800;
	s29 =	simm.s32 $0x3000;
	[sflag:s21] =	ssyncset.done $0x0  }
.LBB2_2:
0x43: {  	s30 =	simm.s32 @!p2 $0x4  }
0x44: {  	[sflag:s21] =	ssyncadd.s32 $0xFFFFC000;
	s31 =	smov.u32 s29;
	s29 =	sadd.s32 $0x1800, s29  }
0x45: {  	[spmem:s1] =	stream.indirect.scatter.add.f32 [tilespmem:s18], [sflag:$0x6], $0x80, s17, s15, $0xb8;
	[tilespmem:$0x1FD80] =	vst v63  }
0x46: {  	p1 =	sne.s32 s29, $0x13800;
	_ =	swait.ge @!p2 [sflag:s30], $0x4000  }
0x47: {  	[sflag:s30] =	ssyncset.done @!p2 $0x0  }
0x48: {  	[sflag:s30] =	ssyncadd.s32 @!p2 $0xFFFFC000  }
0x49: {  	[tilespmem:s2], [sflag:$0x1] =	stream.linear.gather [hbm4b:s26+s2], $0x80, $0x38;
	[tilespmem:$0x1FD80] =	vst v63  }
0x4a: {  	s0 =	simm.s32 @!p2 $0x5;
	s30 =	sadd.s32 s28, s10  }
0x4b: {  	[tilespmem:s14], [sflag:$0x1] =	stream.linear.gather [hbm4b:s30+s2], $0x4000, $0x38;
	[tilespmem:$0x1FD80] =	vst v63  }
0x4c: {  	_ =	swait.ge @!p2 [sflag:s0], $0x4000  }
0x4d: {  	[sflag:s0] =	ssyncset.done @!p2 $0x0  }
0x4e: {  	s30 =	sadd.s32 s28, s9;
	[sflag:s0] =	ssyncadd.s32 @!p2 $0xFFFFC000;
	s0 =	sadd.s32 $0x10, s26  }
0x4f: {  	[tilespmem:s15], [sflag:$0x2] =	stream.linear.gather [hbm4b:s0+s2], $0x80, $0x38;
	[tilespmem:$0x1FD80] =	vst v63  }
0x50: {  	s3 =	simm.s32 @!p2 $0x6;
	s28 =	smov.u32 s31;
	s0 =	sadd.s32 $0x800, s30  }
0x51: {  	[tilespmem:s16], [sflag:$0x2] =	stream.linear.gather [hbm4b:s0+s2], $0x4000, $0x38;
	[tilespmem:$0x1FD80] =	vst v63  }
0x52: {  	_ =	swait.ge @!p2 [sflag:s3], $0x4000  }
0x53: {  	[sflag:s3] =	ssyncset.done @!p2 $0x0  }
0x54: {  	s0 =	sadd.s32 $0x20, s26;
	[sflag:s3] =	ssyncadd.s32 @!p2 $0xFFFFC000  }
0x55: {  	[tilespmem:s17], [sflag:$0x3] =	stream.linear.gather [hbm4b:s0+s2], $0x80, $0x38;
	[tilespmem:$0x1FD80] =	vst v63  }
0x56: {  	s0 =	sadd.s32 $0x1000, s30  }
0x57: {  	[tilespmem:s18], [sflag:$0x3] =	stream.linear.gather [hbm4b:s0+s2], $0x4000, $0x38;
	[tilespmem:$0x1FD80] =	vst v63  }
0x58: {  	_ =	swait.ge [sflag:s19], $0x80  }
0x59: {  	[sflag:s19] =	ssyncset.done $0x0  }
0x5a: {  	[sflag:s19] =	ssyncadd.s32 $0xFFFFFF80  }
0x5b: {  	_ =	swait.ge [sflag:s19], $0x4000  }
0x5c: {  	[sflag:s19] =	ssyncset.done $0x0  }
0x5d: {  	[sflag:s19] =	ssyncadd.s32 $0xFFFFC000  }
0x5e: {  	[spmem:s1] =	stream.indirect.scatter.add.f32 [tilespmem:s14], [sflag:$0x4], $0x80, s2, s15, $0xb8;
	[tilespmem:$0x1FD80] =	vst v63  }
0x5f: {  	_ =	swait.ge [sflag:s20], $0x80  }
0x60: {  	[sflag:s20] =	ssyncset.done $0x0  }
0x61: {  	[sflag:s20] =	ssyncadd.s32 $0xFFFFFF80  }
0x62: {  	_ =	swait.ge [sflag:s20], $0x4000  }
0x63: {  	[sflag:s20] =	ssyncset.done $0x0  }
0x64: {  	[sflag:s20] =	ssyncadd.s32 $0xFFFFC000  }
0x65: {  	[spmem:s1] =	stream.indirect.scatter.add.f32 [tilespmem:s16], [sflag:$0x5], $0x80, s15, s15, $0xb8;
	[tilespmem:$0x1FD80] =	vst v63  }
.Ltmp0:
0x66: {  	_ =	swait.ge [sflag:s21], $0x80;
	(pc) =	sbr.rel @p1 .LBB2_2-.Ltmp0, $4  }
0x67: {  	[sflag:s21] =	ssyncset.done $0x0  }
0x68: {  	[sflag:s21] =	ssyncadd.s32 $0xFFFFFF80  }
0x69: {  	_ =	swait.ge [sflag:s21], $0x4000  }
0x6a: {  	s26 =	sadd.s32 $0x30, s26;
	p2 =	seq.s32 s28, $0x0;
	[sflag:s21] =	ssyncset.done $0x0  }
0x6b: {  	s0 =	simm.s32 @!p2 $0x4;
	[sflag:s21] =	ssyncadd.s32 $0xFFFFC000  }
0x6c: {  	[spmem:s1] =	stream.indirect.scatter.add.f32 [tilespmem:s18], [sflag:$0x6], $0x80, s17, s15, $0xb8;
	[tilespmem:$0x1FD80] =	vst v63  }
0x6d: {  	_ =	swait.ge @!p2 [sflag:s0], $0x4000  }
0x6e: {  	[sflag:s0] =	ssyncset.done @!p2 $0x0  }
0x6f: {  	[sflag:s0] =	ssyncadd.s32 @!p2 $0xFFFFC000  }
0x70: {  	[tilespmem:s2], [sflag:$0x1] =	stream.linear.gather [hbm4b:s26+s2], $0x80, $0x38;
	[tilespmem:$0x1FD80] =	vst v63  }
0x71: {  	s30 =	sadd.s32 s28, s10;
	s0 =	simm.s32 @!p2 $0x5  }
0x72: {  	[tilespmem:s14], [sflag:$0x1] =	stream.linear.gather [hbm4b:s30+s2], $0x4000, $0x38;
	[tilespmem:$0x1FD80] =	vst v63  }
0x73: {  	_ =	swait.ge @!p2 [sflag:s0], $0x4000  }
0x74: {  	[sflag:s0] =	ssyncset.done @!p2 $0x0  }
0x75: {  	s31 =	sadd.s32 $0x10, s26;
	s3 =	sadd.s32 s28, s9;
	[sflag:s0] =	ssyncadd.s32 @!p2 $0xFFFFC000  }
0x76: {  	[tilespmem:s15], [sflag:$0x2] =	stream.linear.gather [hbm4b:s31+s2], $0x80, $0x38;
	[tilespmem:$0x1FD80] =	vst v63  }
0x77: {  	s29 =	sadd.s32 $0x800, s3;
	s0 =	simm.s32 @!p2 $0x6  }
0x78: {  	[tilespmem:s16], [sflag:$0x2] =	stream.linear.gather [hbm4b:s29+s2], $0x4000, $0x38;
	[tilespmem:$0x1FD80] =	vst v63  }
0x79: {  	_ =	swait.ge @!p2 [sflag:s0], $0x4000  }
0x7a: {  	[sflag:s0] =	ssyncset.done @!p2 $0x0  }
0x7b: {  	s30 =	sadd.s32 $0x20, s26;
	[sflag:s0] =	ssyncadd.s32 @!p2 $0xFFFFC000  }
0x7c: {  	[tilespmem:s17], [sflag:$0x3] =	stream.linear.gather [hbm4b:s30+s2], $0x80, $0x38;
	[tilespmem:$0x1FD80] =	vst v63  }
0x7d: {  	s31 =	sadd.s32 $0x1000, s3  }
0x7e: {  	[tilespmem:s18], [sflag:$0x3] =	stream.linear.gather [hbm4b:s31+s2], $0x4000, $0x38;
	[tilespmem:$0x1FD80] =	vst v63  }
0x7f: {  	_ =	swait.ge [sflag:s19], $0x80  }
0x80: {  	[sflag:s19] =	ssyncset.done $0x0  }
0x81: {  	[sflag:s19] =	ssyncadd.s32 $0xFFFFFF80  }
0x82: {  	_ =	swait.ge [sflag:s19], $0x4000  }
0x83: {  	[sflag:s19] =	ssyncset.done $0x0  }
0x84: {  	[sflag:s19] =	ssyncadd.s32 $0xFFFFC000  }
0x85: {  	[spmem:s1] =	stream.indirect.scatter.add.f32 [tilespmem:s14], [sflag:$0x4], $0x80, s2, s15, $0xb8;
	[tilespmem:$0x1FD80] =	vst v63  }
0x86: {  	_ =	swait.ge [sflag:s20], $0x80  }
0x87: {  	[sflag:s20] =	ssyncset.done $0x0  }
0x88: {  	[sflag:s20] =	ssyncadd.s32 $0xFFFFFF80  }
0x89: {  	_ =	swait.ge [sflag:s20], $0x4000  }
0x8a: {  	[sflag:s20] =	ssyncset.done $0x0  }
0x8b: {  	[sflag:s20] =	ssyncadd.s32 $0xFFFFC000  }
0x8c: {  	[spmem:s1] =	stream.indirect.scatter.add.f32 [tilespmem:s16], [sflag:$0x5], $0x80, s15, s15, $0xb8;
	[tilespmem:$0x1FD80] =	vst v63  }
0x8d: {  	_ =	swait.ge [sflag:s21], $0x80  }
0x8e: {  	[sflag:s21] =	ssyncset.done $0x0  }
0x8f: {  	[sflag:s21] =	ssyncadd.s32 $0xFFFFFF80  }
0x90: {  	_ =	swait.ge [sflag:s21], $0x4000  }
0x91: {  	[sflag:s21] =	ssyncset.done $0x0  }
0x92: {  	[sflag:s21] =	ssyncadd.s32 $0xFFFFC000  }
0x93: {  	[spmem:s1] =	stream.indirect.scatter.add.f32 [tilespmem:s18], [sflag:$0x6], $0x80, s17, s15, $0xb8;
	[tilespmem:$0x1FD80] =	vst v63  }
0x94: {  	_ =	swait.ge [sflag:s22], $0x4000  }
0x95: {  	[sflag:s22] =	ssyncset.done $0x0  }
0x96: {  	[sflag:s22] =	ssyncadd.s32 $0xFFFFC000  }
0x97: {  	_ =	swait.ge [sflag:s23], $0x4000  }
0x98: {  	[sflag:s23] =	ssyncset.done $0x0  }
0x99: {  	[sflag:s23] =	ssyncadd.s32 $0xFFFFC000  }
0x9a: {  	_ =	swait.ge [sflag:s24], $0x4000  }
0x9b: {  	[sflag:s24] =	ssyncset.done $0x0  }
0x9c: {  	s0 =	simm.s32 @!p0 $0x0;
	[sflag:s24] =	ssyncadd.s32 $0xFFFFC000  }
0x9d: {  	[tilespmem:s0], [sflag:$0x1] =	stream.linear.gather @!p0 [hbm4b:s5+s0], $0x80, $0x38;
	[tilespmem:$0x1FD80] =	vst v63  }
0x9e: {  	s26 =	simm.s32 @!p0 $0x1;
	s3 =	simm.s32 @!p0 $0x180  }
0x9f: {  	[tilespmem:s3], [sflag:$0x1] =	stream.linear.gather @!p0 [hbm4b:s6+s0], $0x4000, $0x38;
	[tilespmem:$0x1FD80] =	vst v63  }
0xa0: {  	_ =	swait.ge @!p0 [sflag:s26], $0x80  }
0xa1: {  	[sflag:s26] =	ssyncset.done @!p0 $0x0  }
0xa2: {  	[sflag:s26] =	ssyncadd.s32 @!p0 $0xFFFFFF80  }
0xa3: {  	_ =	swait.ge @!p0 [sflag:s26], $0x4000  }
0xa4: {  	[sflag:s26] =	ssyncset.done @!p0 $0x0  }
0xa5: {  	[sflag:s26] =	ssyncadd.s32 @!p0 $0xFFFFC000;
	s26 =	simm.s32 @!p0 $0x80  }
0xa6: {  	[spmem:s1] =	stream.indirect.scatter.add.f32 @!p0 [tilespmem:s3], [sflag:$0x4], $0x80, s0, s26, $0xb8;
	[tilespmem:$0x1FD80] =	vst v63  }
0xa7: {  	s0 =	simm.s32 @!p0 $0x4  }
0xa8: {  	_ =	swait.ge @!p0 [sflag:s0], $0x4000  }
0xa9: {  	s25 =	sadd.s32 $0x1, s25;
	[sflag:s0] =	ssyncset.done @!p0 $0x0  }
0xaa: {  	p1 =	sne.s32 s25, s7;
	[sflag:s0] =	ssyncadd.s32 @!p0 $0xFFFFC000  }
.Ltmp1:
0xab: {  	[bflag:$0x0] =	sbarrier.arrive $0xFFFF;
	(pc) =	sbr.rel @p1 .LBB2_1-.Ltmp1, $4  }
0xac: {  	[hbm:s8], [sflag:s4] =	dma.local [spmem:s12], $0x2780  }
0xad: {  	_ =	swait.ge [sflag:s13], $0x2780  }
0xae: {  	[sflag:s13] =	ssyncset.done $0x0  }
0xaf: {  	[sflag:s13] =	ssyncadd.s32 $0xFFFFD880  }
0xb0: {  	_ =	sfence.sel $0x180000  }
0xb1: {  	[bflag:$0x0] =	sbarrier.arrive $0xFFFF  }
0xb2: {  	_ =	strace $0x9000004D  }
0xb3: {  	[bflag:$0x2] =	sbarrier.arrive $0xFFFF  }
0xb4: {  	s0 =	rddreg [dreg:$0x2]  }
0xb5: {  	s0 =	sadd.s32 @!p0 $0x100000, s0  }
0xb6: {  	[sflag:s0] =	ssyncadd.tile.s32 @!p0 $0x1;
	_ =	shalt  }
.Lfunc_end2:
_tile_overlayer_lowered:
.L_overlay_start_2:
0xb7: {  	(tag) =	ssettag $0x2  }
0xb8: {  	s0 =	rddreg [dreg:$0x0];
	s2 =	stileid.u32  }
0xb9: {  	s1 =	rddreg [dreg:$0x1];
	p0 =	sne.s32 s2, $0x0  }
0xba: {  	s3 =	rddreg [dreg:$0x2];
	[bflag:$0x3] =	sbarrier.arrive $0xFFFF;
	s2 =	simm.s32 @!p0 $0x1C07  }
0xbb: {  	[timem:s3], [sflag:s2] =	dma.local @!p0 [hbm:s0], s1  }
0xbc: {  	s0 =	simm.s32 @!p0 $0x7  }
0xbd: {  	_ =	swait.ge @!p0 [sflag:s0], s1  }
0xbe: {  	s1 =	ssub.s32 @!p0 $0x0, s1;
	[sflag:s0] =	ssyncset.done @!p0 $0x0  }
0xbf: {  	[sflag:s0] =	ssyncadd.s32 @!p0 s1  }
0xc0: {  	[bflag:$0x3] =	sbarrier.arrive $0xFFFF  }
0xc1: {  	_ =	shalt  }

</sc_bundles>
